<compile_context>
chip_gen: v7x
topology: tpu7x:2x2x1
jax: 0.10.2.dev20260603
libtpu: 0.0.44.dev20260713+nightly
codegen_flags: <defaults>
</compile_context>

<pallas_src>
import jax
import jax.numpy as jnp
from jax import lax
from jax.experimental import pallas as pl
from jax.experimental.pallas import tpu as pltpu
from jax.experimental.pallas import tpu_sc as plsc

_N = 10000
_E = 160000
_B = 125
_PB = 40
_NPH = 2
_NP = 10112
_RPT = 632
_BM = 1000



def _mm_body(x_ref, w_ref, o_ref):
    o_ref[...] = jnp.dot(x_ref[...], w_ref[...],
                         preferred_element_type=jnp.float32)


def _mm(x, w):
    m, k = x.shape
    n = w.shape[1]
    return pl.pallas_call(
        _mm_body,
        grid=(m // _BM,),
        in_specs=[pl.BlockSpec((_BM, k), lambda i: (i, 0)),
                  pl.BlockSpec((k, n), lambda i: (0, 0))],
        out_specs=pl.BlockSpec((_BM, n), lambda i: (i, 0)),
        out_shape=jax.ShapeDtypeStruct((m, n), jnp.float32),
    )(x, w)


def _mm_bias_relu_body(x_ref, b_ref, w_ref, o_ref):
    h = jnp.maximum(x_ref[...] + b_ref[...], 0.0)
    o_ref[...] = jnp.dot(h, w_ref[...], preferred_element_type=jnp.float32)


def _mm_bias_relu(x, b, w):
    m, k = x.shape
    n = w.shape[1]
    return pl.pallas_call(
        _mm_bias_relu_body,
        grid=(m // _BM,),
        in_specs=[pl.BlockSpec((_BM, k), lambda i: (i, 0)),
                  pl.BlockSpec((1, k), lambda i: (0, 0)),
                  pl.BlockSpec((k, n), lambda i: (0, 0))],
        out_specs=pl.BlockSpec((_BM, n), lambda i: (i, 0)),
        out_shape=jax.ShapeDtypeStruct((m, n), jnp.float32),
    )(x, b.reshape(1, k), w)


def _logsoftmax_bias_body(x_ref, b_ref, o_ref):
    h = x_ref[...] + b_ref[...]
    m = jnp.max(h, axis=1, keepdims=True)
    e = jnp.exp(h - m)
    s = jnp.sum(e, axis=1, keepdims=True)
    o_ref[...] = h - m - jnp.log(s)


def _logsoftmax_bias(x, b):
    m, n = x.shape
    return pl.pallas_call(
        _logsoftmax_bias_body,
        grid=(m // _BM,),
        in_specs=[pl.BlockSpec((_BM, n), lambda i: (i, 0)),
                  pl.BlockSpec((1, n), lambda i: (0, 0))],
        out_specs=pl.BlockSpec((_BM, n), lambda i: (i, 0)),
        out_shape=jax.ShapeDtypeStruct((m, n), jnp.float32),
    )(x, b.reshape(1, n))



_sc_mesh = plsc.VectorSubcoreMesh(core_axis_name="c", subcore_axis_name="s",
                                  num_cores=2)

_sc_scratch = [
    pltpu.VMEM_SHARED((_NP, 128), jnp.float32),
    pltpu.VMEM((_PB, _B), jnp.int32),
    pltpu.VMEM((_PB, _B), jnp.int32),
    pltpu.VMEM((_B, 128), jnp.float32),
    pltpu.VMEM((_B, 128), jnp.float32),
    pltpu.SemaphoreType.DMA,
    pltpu.SemaphoreType.DMA,
]


def _make_sc_spmm(npair):

    def body(sup4, col4, row3, zrows, out4,
             acc, colbuf, rowbuf, b0, b1, semg, sems):
        cid = lax.axis_index("c")
        sid = lax.axis_index("s")
        base = sid * _RPT

        def gather(j, buf):
            return pltpu.async_copy(sup4.at[colbuf.at[j]], buf, semg)

        def gwait(j, buf):
            pltpu.make_async_copy(sup4.at[colbuf.at[j]], buf, semg).wait()

        def scat(j, buf):
            return pltpu.async_copy(buf, acc.at[rowbuf.at[j]], sems,
                                    add=True)

        def swait(j, buf):
            pltpu.make_async_copy(buf, acc.at[rowbuf.at[j]], sems).wait()

        for pair in range(npair):
            pltpu.sync_copy(zrows, acc.at[pl.ds(base, _RPT)])
            plsc.subcore_barrier()
            for p in range(_NPH):
                pltpu.sync_copy(col4.at[cid, pair, sid, p], colbuf)
                pltpu.sync_copy(row3.at[sid, p], rowbuf)
                gather(0, b0)
                gwait(0, b0)
                scat(0, b0)
                gather(1, b1)
                gwait(1, b1)
                scat(1, b1)

                def lbody(j2, carry):
                    j = 2 * j2
                    swait(j - 2, b0)
                    gather(j, b0)
                    gwait(j, b0)
                    scat(j, b0)
                    swait(j - 1, b1)
                    gather(j + 1, b1)
                    gwait(j + 1, b1)
                    scat(j + 1, b1)
                    return carry

                lax.fori_loop(1, _PB // 2, lbody, 0)
                swait(_PB - 2, b0)
                swait(_PB - 1, b1)
            plsc.subcore_barrier()
            pltpu.sync_copy(acc.at[pl.ds(base, _RPT)],
                            out4.at[2 * pair + cid, pl.ds(base, _RPT)])
            if pair + 1 < npair:
                plsc.subcore_barrier()

    return pl.kernel(
        body,
        out_type=jax.ShapeDtypeStruct((2 * npair, _NP, 128), jnp.float32),
        mesh=_sc_mesh,
        scratch_types=_sc_scratch,
    )


_sc_spmm_2 = _make_sc_spmm(2)
_sc_spmm_1 = _make_sc_spmm(1)


def _spmm(sup, col4, row3, zrows):
    d = sup.shape[1]
    nchunk = d // 128
    sup4 = jnp.concatenate(
        [sup[:, k * 128:(k + 1) * 128] for k in range(nchunk)], axis=0)
    fn = _sc_spmm_2 if nchunk == 4 else _sc_spmm_1
    out4 = fn(sup4, col4[:, :nchunk // 2], row3, zrows)
    return jnp.concatenate([out4[k, :_N] for k in range(nchunk)], axis=1)



def kernel(edges, features, W1, b1, W2, b2, W3, b3):
    row = edges[0].astype(jnp.int32)
    col = edges[1].astype(jnp.int32)
    col4 = jnp.stack([jnp.stack([col + (2 * pair + c) * _N
                                 for pair in range(2)])
                      for c in range(2)])
    col4 = col4.reshape(2, 2, 16, _NPH, _PB, _B)
    row3 = row.reshape(16, _NPH, _PB, _B)
    zrows = jnp.zeros((_RPT, 128), jnp.float32)

    sup = _mm(features, W1)
    agg = _spmm(sup, col4, row3, zrows)
    sup = _mm_bias_relu(agg, b1, W2)
    agg = _spmm(sup, col4, row3, zrows)
    sup = _mm_bias_relu(agg, b2, W3)
    agg = _spmm(sup, col4, row3, zrows)
    return _logsoftmax_bias(agg, b3)

# --- scband reference (transcript-rebuilt; emitter-appended) ---
"""Pipeline reference for scband-stacked-gcn-17626545782874 (READ-ONLY COPY).

The authoritative reference and input builder live on the scoring server;
editing this copy changes nothing except your own understanding.
"""

import jax, jax.numpy as jnp
import numpy as np

N_NODES = 10000
N_EDGES = 160000
D_IN = 256
D_HID = 512
D_OUT = 256


def _glorot(key, fan_in, fan_out):
    stdv = np.sqrt(6.0 / (fan_in + fan_out))
    return jax.random.uniform(key, (fan_in, fan_out), dtype=jnp.float32, minval=-stdv, maxval=stdv)


def setup_inputs(seed: int = 0) -> dict:
    key = jax.random.key(seed)
    k1, k2, k3, k4, k5 = jax.random.split(key, 5)
    features = jax.random.normal(k1, (N_NODES, D_IN), dtype=jnp.float32)
    edges = jax.random.randint(k2, (2, N_EDGES), 0, N_NODES, dtype=jnp.int64)
    W1 = _glorot(k3, D_IN, D_HID)
    b1 = jnp.zeros((D_HID,), dtype=jnp.float32)
    W2 = _glorot(k4, D_HID, D_HID)
    b2 = jnp.zeros((D_HID,), dtype=jnp.float32)
    W3 = _glorot(k5, D_HID, D_OUT)
    b3 = jnp.zeros((D_OUT,), dtype=jnp.float32)
    return {"edges": edges, "features": features, "W1": W1, "b1": b1, "W2": W2, "b2": b2, "W3": W3, "b3": b3}


def _gcn_layer(x, W, b, row, col, n_nodes):
    # support = X @ W ; output = A @ support where A[row, col] = 1 (diag_lambda = 0)
    support = jnp.dot(x, W)
    gathered = jnp.take(support, col, axis=0)
    out = jax.ops.segment_sum(gathered, row, num_segments=n_nodes)
    return out + b


def reference(edges, features, W1, b1, W2, b2, W3, b3):
    row = edges[0]
    col = edges[1]
    h = jax.nn.relu(_gcn_layer(features, W1, b1, row, col, N_NODES))
    h = jax.nn.relu(_gcn_layer(h, W2, b2, row, col, N_NODES))
    h = _gcn_layer(h, W3, b3, row, col, N_NODES)
    return jax.nn.log_softmax(h, axis=1)

if __name__ == "__main__":
    import jax
    _d = setup_inputs()
    print(jax.jit(kernel)(*tuple(_d.values())))

</pallas_src>

<mosaic_0001>
#map = affine_map<(d0, d1) -> (0, 0)>
#map1 = affine_map<(d0, d1) -> (0, 0, 0, 0, 0, 0)>
#map2 = affine_map<(d0, d1) -> (0, 0, 0, 0)>
#map3 = affine_map<(d0, d1) -> (0, 0, 0)>
module attributes {stable_mosaic.version = 14 : i64} {
  func.func @body(%arg0: i32, %arg1: i32, %arg2: memref<40000x128xf32, #tpu.memory_space<hbm>>, %arg3: memref<2x2x16x2x40x125xi32, #tpu.memory_space<hbm>>, %arg4: memref<16x2x40x125xi32, #tpu.memory_space<hbm>>, %arg5: memref<632x128xf32, #tpu.memory_space<hbm>>, %arg6: memref<4x10112x128xf32, #tpu.memory_space<hbm>>, %arg7: memref<10112x128xf32, #tpu.memory_space<vmem_shared>>, %arg8: memref<40x125xi32, #tpu.memory_space<vmem>>, %arg9: memref<40x125xi32, #tpu.memory_space<vmem>>, %arg10: memref<125x128xf32, #tpu.memory_space<vmem>>, %arg11: memref<125x128xf32, #tpu.memory_space<vmem>>, %arg12: memref<!tpu.dma_semaphore, #tpu.memory_space<semaphore_mem>>, %arg13: memref<!tpu.dma_semaphore, #tpu.memory_space<semaphore_mem>>) attributes {dimension_semantics = [#tpu.dimension_semantics<core_parallel>, #tpu.dimension_semantics<subcore_parallel>], iteration_bounds = array<i64: 2, 16>, scalar_prefetch = 0 : i64, scratch_operands = 7 : i64, tpu.core_type = #tpu.core_type<sc_vector_subcore>, window_params = [{transform_indices = #map}, {transform_indices = #map1}, {transform_indices = #map2}, {transform_indices = #map}, {transform_indices = #map3}]} {
    %mul3A = arith.constant 632 : i32
    %mul3A_0 = arith.muli %arg1, %mul3A : i32
    "tpu.region"() ({
      %run_scoped3A_264 = tpu.sem_alloc : memref<!tpu.dma_semaphore, #tpu.memory_space<semaphore_mem>>
      %dma_start3A_265 = arith.constant 0 : i32
      %dma_start3A_266 = tpu.memref_slice %arg7[%mul3A_0, %dma_start3A_265] : memref<10112x128xf32, #tpu.memory_space<vmem_shared>> -> memref<632x128xf32, #tpu.memory_space<vmem_shared>>
      tpu.enqueue_dma source(%arg5 : memref<632x128xf32, #tpu.memory_space<hbm>>) target(%dma_start3A_266 : memref<632x128xf32, #tpu.memory_space<vmem_shared>>) target_semaphore(%run_scoped3A_264 : memref<!tpu.dma_semaphore, #tpu.memory_space<semaphore_mem>>)
      %dma_wait3A_267 = arith.constant 0 : i32
      %dma_wait3A_268 = tpu.memref_slice %arg7[%mul3A_0, %dma_wait3A_267] : memref<10112x128xf32, #tpu.memory_space<vmem_shared>> -> memref<632x128xf32, #tpu.memory_space<vmem_shared>>
      tpu.wait_dma2 semaphore(%run_scoped3A_264 : memref<!tpu.dma_semaphore, #tpu.memory_space<semaphore_mem>>) src(%arg5 : memref<632x128xf32, #tpu.memory_space<hbm>>) dst(%dma_wait3A_268 : memref<632x128xf32, #tpu.memory_space<vmem_shared>>)
      tpu.yield
    }) : () -> ()
    %barrier3A = arith.constant 0 : index
    tpu.barrier barrier_id(%barrier3A)
    %run_scoped3A = arith.constant 0 : i32
    %run_scoped3A_1 = arith.constant 0 : i32
    "tpu.region"() ({
      %run_scoped3A_264 = tpu.sem_alloc : memref<!tpu.dma_semaphore, #tpu.memory_space<semaphore_mem>>
      %dma_start3A_265 = arith.constant 0 : i32
      %dma_start3A_266 = arith.constant 0 : i32
      %dma_start3A_267 = tpu.memref_slice %arg3[%arg0, %run_scoped3A, %arg1, %run_scoped3A_1, %dma_start3A_265, %dma_start3A_266] : memref<2x2x16x2x40x125xi32, #tpu.memory_space<hbm>> -> memref<1x1x1x1x40x125xi32, #tpu.memory_space<hbm>>
      %dma_start3A_268 = tpu.memref_squeeze %dma_start3A_267 : memref<1x1x1x1x40x125xi32, #tpu.memory_space<hbm>> -> memref<40x125xi32, #tpu.memory_space<hbm>>
      %dma_start3A_269 = arith.constant 0 : i32
      %dma_start3A_270 = arith.constant 0 : i32
      %dma_start3A_271 = tpu.memref_slice %arg3[%arg0, %run_scoped3A, %arg1, %run_scoped3A_1, %dma_start3A_269, %dma_start3A_270] : memref<2x2x16x2x40x125xi32, #tpu.memory_space<hbm>> -> memref<1x1x1x1x40x125xi32, #tpu.memory_space<hbm>>
      %dma_start3A_272 = tpu.memref_squeeze %dma_start3A_271 : memref<1x1x1x1x40x125xi32, #tpu.memory_space<hbm>> -> memref<40x125xi32, #tpu.memory_space<hbm>>
      tpu.enqueue_dma source(%dma_start3A_272 : memref<40x125xi32, #tpu.memory_space<hbm>>) target(%arg8 : memref<40x125xi32, #tpu.memory_space<vmem>>) target_semaphore(%run_scoped3A_264 : memref<!tpu.dma_semaphore, #tpu.memory_space<semaphore_mem>>)
      %dma_wait3A_273 = arith.constant 0 : i32
      %dma_wait3A_274 = arith.constant 0 : i32
      %dma_wait3A_275 = tpu.memref_slice %arg3[%arg0, %run_scoped3A, %arg1, %run_scoped3A_1, %dma_wait3A_273, %dma_wait3A_274] : memref<2x2x16x2x40x125xi32, #tpu.memory_space<hbm>> -> memref<1x1x1x1x40x125xi32, #tpu.memory_space<hbm>>
      %dma_wait3A_276 = tpu.memref_squeeze %dma_wait3A_275 : memref<1x1x1x1x40x125xi32, #tpu.memory_space<hbm>> -> memref<40x125xi32, #tpu.memory_space<hbm>>
      %dma_wait3A_277 = arith.constant 0 : i32
      %dma_wait3A_278 = arith.constant 0 : i32
      %dma_wait3A_279 = tpu.memref_slice %arg3[%arg0, %run_scoped3A, %arg1, %run_scoped3A_1, %dma_wait3A_277, %dma_wait3A_278] : memref<2x2x16x2x40x125xi32, #tpu.memory_space<hbm>> -> memref<1x1x1x1x40x125xi32, #tpu.memory_space<hbm>>
      %dma_wait3A_280 = tpu.memref_squeeze %dma_wait3A_279 : memref<1x1x1x1x40x125xi32, #tpu.memory_space<hbm>> -> memref<40x125xi32, #tpu.memory_space<hbm>>
      tpu.wait_dma2 semaphore(%run_scoped3A_264 : memref<!tpu.dma_semaphore, #tpu.memory_space<semaphore_mem>>) src(%dma_wait3A_280 : memref<40x125xi32, #tpu.memory_space<hbm>>) dst(%arg8 : memref<40x125xi32, #tpu.memory_space<vmem>>)
      tpu.yield
    }) : () -> ()
    %run_scoped3A_2 = arith.constant 0 : i32
    "tpu.region"() ({
      %run_scoped3A_264 = tpu.sem_alloc : memref<!tpu.dma_semaphore, #tpu.memory_space<semaphore_mem>>
      %dma_start3A_265 = arith.constant 0 : i32
      %dma_start3A_266 = arith.constant 0 : i32
      %dma_start3A_267 = tpu.memref_slice %arg4[%arg1, %run_scoped3A_2, %dma_start3A_265, %dma_start3A_266] : memref<16x2x40x125xi32, #tpu.memory_space<hbm>> -> memref<1x1x40x125xi32, #tpu.memory_space<hbm>>
      %dma_start3A_268 = tpu.memref_squeeze %dma_start3A_267 : memref<1x1x40x125xi32, #tpu.memory_space<hbm>> -> memref<40x125xi32, #tpu.memory_space<hbm>>
      %dma_start3A_269 = arith.constant 0 : i32
      %dma_start3A_270 = arith.constant 0 : i32
      %dma_start3A_271 = tpu.memref_slice %arg4[%arg1, %run_scoped3A_2, %dma_start3A_269, %dma_start3A_270] : memref<16x2x40x125xi32, #tpu.memory_space<hbm>> -> memref<1x1x40x125xi32, #tpu.memory_space<hbm>>
      %dma_start3A_272 = tpu.memref_squeeze %dma_start3A_271 : memref<1x1x40x125xi32, #tpu.memory_space<hbm>> -> memref<40x125xi32, #tpu.memory_space<hbm>>
      tpu.enqueue_dma source(%dma_start3A_272 : memref<40x125xi32, #tpu.memory_space<hbm>>) target(%arg9 : memref<40x125xi32, #tpu.memory_space<vmem>>) target_semaphore(%run_scoped3A_264 : memref<!tpu.dma_semaphore, #tpu.memory_space<semaphore_mem>>)
      %dma_wait3A_273 = arith.constant 0 : i32
      %dma_wait3A_274 = arith.constant 0 : i32
      %dma_wait3A_275 = tpu.memref_slice %arg4[%arg1, %run_scoped3A_2, %dma_wait3A_273, %dma_wait3A_274] : memref<16x2x40x125xi32, #tpu.memory_space<hbm>> -> memref<1x1x40x125xi32, #tpu.memory_space<hbm>>
      %dma_wait3A_276 = tpu.memref_squeeze %dma_wait3A_275 : memref<1x1x40x125xi32, #tpu.memory_space<hbm>> -> memref<40x125xi32, #tpu.memory_space<hbm>>
      %dma_wait3A_277 = arith.constant 0 : i32
      %dma_wait3A_278 = arith.constant 0 : i32
      %dma_wait3A_279 = tpu.memref_slice %arg4[%arg1, %run_scoped3A_2, %dma_wait3A_277, %dma_wait3A_278] : memref<16x2x40x125xi32, #tpu.memory_space<hbm>> -> memref<1x1x40x125xi32, #tpu.memory_space<hbm>>
      %dma_wait3A_280 = tpu.memref_squeeze %dma_wait3A_279 : memref<1x1x40x125xi32, #tpu.memory_space<hbm>> -> memref<40x125xi32, #tpu.memory_space<hbm>>
      tpu.wait_dma2 semaphore(%run_scoped3A_264 : memref<!tpu.dma_semaphore, #tpu.memory_space<semaphore_mem>>) src(%dma_wait3A_280 : memref<40x125xi32, #tpu.memory_space<hbm>>) dst(%arg9 : memref<40x125xi32, #tpu.memory_space<vmem>>)
      tpu.yield
    }) : () -> ()
    %dma_start3A = arith.constant 0 : i32
    %dma_start3A_3 = arith.constant 0 : i32
    %dma_start3A_4 = tpu.memref_slice %arg8[%dma_start3A, %dma_start3A_3] : memref<40x125xi32, #tpu.memory_space<vmem>> -> memref<1x125xi32, #tpu.memory_space<vmem>>
    %dma_start3A_5 = tpu.memref_squeeze %dma_start3A_4 : memref<1x125xi32, #tpu.memory_space<vmem>> -> memref<125xi32, #tpu.memory_space<vmem>>
    %dma_start3A_6 = arith.constant 0 : i32
    %dma_start3A_7 = arith.constant 0 : i32
    %dma_start3A_8 = tpu.memref_slice %arg2[%dma_start3A_6, %dma_start3A_7] : memref<40000x128xf32, #tpu.memory_space<hbm>> -> memref<40000x128xf32, #tpu.memory_space<hbm>>
    tpu.enqueue_indirect_dma source(%dma_start3A_8 : memref<40000x128xf32, #tpu.memory_space<hbm>>) target(%arg10 : memref<125x128xf32, #tpu.memory_space<vmem>>) offsets(%dma_start3A_5 : memref<125xi32, #tpu.memory_space<vmem>>) semaphore(%arg12 : memref<!tpu.dma_semaphore, #tpu.memory_space<semaphore_mem>>)
    %dma_wait3A = arith.constant 0 : i32
    %dma_wait3A_9 = arith.constant 0 : i32
    %dma_wait3A_10 = tpu.memref_slice %arg8[%dma_wait3A, %dma_wait3A_9] : memref<40x125xi32, #tpu.memory_space<vmem>> -> memref<1x125xi32, #tpu.memory_space<vmem>>
    %dma_wait3A_11 = tpu.memref_squeeze %dma_wait3A_10 : memref<1x125xi32, #tpu.memory_space<vmem>> -> memref<125xi32, #tpu.memory_space<vmem>>
    %dma_wait3A_12 = arith.constant 0 : i32
    %dma_wait3A_13 = arith.constant 0 : i32
    %dma_wait3A_14 = tpu.memref_slice %arg2[%dma_wait3A_12, %dma_wait3A_13] : memref<40000x128xf32, #tpu.memory_space<hbm>> -> memref<40000x128xf32, #tpu.memory_space<hbm>>
    tpu.wait_indirect_dma semaphore(%arg12 : memref<!tpu.dma_semaphore, #tpu.memory_space<semaphore_mem>>) src(%dma_wait3A_14 : memref<40000x128xf32, #tpu.memory_space<hbm>>) dst(%arg10 : memref<125x128xf32, #tpu.memory_space<vmem>>)
    %dma_start3A_15 = arith.constant 0 : i32
    %dma_start3A_16 = arith.constant 0 : i32
    %dma_start3A_17 = tpu.memref_slice %arg9[%dma_start3A_15, %dma_start3A_16] : memref<40x125xi32, #tpu.memory_space<vmem>> -> memref<1x125xi32, #tpu.memory_space<vmem>>
    %dma_start3A_18 = tpu.memref_squeeze %dma_start3A_17 : memref<1x125xi32, #tpu.memory_space<vmem>> -> memref<125xi32, #tpu.memory_space<vmem>>
    %dma_start3A_19 = arith.constant 0 : i32
    %dma_start3A_20 = arith.constant 0 : i32
    %dma_start3A_21 = tpu.memref_slice %arg7[%dma_start3A_19, %dma_start3A_20] : memref<10112x128xf32, #tpu.memory_space<vmem_shared>> -> memref<10112x128xf32, #tpu.memory_space<vmem_shared>>
    tpu.enqueue_indirect_dma source(%arg10 : memref<125x128xf32, #tpu.memory_space<vmem>>) target(%dma_start3A_21 : memref<10112x128xf32, #tpu.memory_space<vmem_shared>>) offsets(%dma_start3A_18 : memref<125xi32, #tpu.memory_space<vmem>>) semaphore(%arg13 : memref<!tpu.dma_semaphore, #tpu.memory_space<semaphore_mem>>) {add = true}
    %dma_start3A_22 = arith.constant 1 : i32
    %dma_start3A_23 = arith.constant 0 : i32
    %dma_start3A_24 = tpu.memref_slice %arg8[%dma_start3A_22, %dma_start3A_23] : memref<40x125xi32, #tpu.memory_space<vmem>> -> memref<1x125xi32, #tpu.memory_space<vmem>>
    %dma_start3A_25 = tpu.memref_squeeze %dma_start3A_24 : memref<1x125xi32, #tpu.memory_space<vmem>> -> memref<125xi32, #tpu.memory_space<vmem>>
    %dma_start3A_26 = arith.constant 0 : i32
    %dma_start3A_27 = arith.constant 0 : i32
    %dma_start3A_28 = tpu.memref_slice %arg2[%dma_start3A_26, %dma_start3A_27] : memref<40000x128xf32, #tpu.memory_space<hbm>> -> memref<40000x128xf32, #tpu.memory_space<hbm>>
    tpu.enqueue_indirect_dma source(%dma_start3A_28 : memref<40000x128xf32, #tpu.memory_space<hbm>>) target(%arg11 : memref<125x128xf32, #tpu.memory_space<vmem>>) offsets(%dma_start3A_25 : memref<125xi32, #tpu.memory_space<vmem>>) semaphore(%arg12 : memref<!tpu.dma_semaphore, #tpu.memory_space<semaphore_mem>>)
    %dma_wait3A_29 = arith.constant 1 : i32
    %dma_wait3A_30 = arith.constant 0 : i32
    %dma_wait3A_31 = tpu.memref_slice %arg8[%dma_wait3A_29, %dma_wait3A_30] : memref<40x125xi32, #tpu.memory_space<vmem>> -> memref<1x125xi32, #tpu.memory_space<vmem>>
    %dma_wait3A_32 = tpu.memref_squeeze %dma_wait3A_31 : memref<1x125xi32, #tpu.memory_space<vmem>> -> memref<125xi32, #tpu.memory_space<vmem>>
    %dma_wait3A_33 = arith.constant 0 : i32
    %dma_wait3A_34 = arith.constant 0 : i32
    %dma_wait3A_35 = tpu.memref_slice %arg2[%dma_wait3A_33, %dma_wait3A_34] : memref<40000x128xf32, #tpu.memory_space<hbm>> -> memref<40000x128xf32, #tpu.memory_space<hbm>>
    tpu.wait_indirect_dma semaphore(%arg12 : memref<!tpu.dma_semaphore, #tpu.memory_space<semaphore_mem>>) src(%dma_wait3A_35 : memref<40000x128xf32, #tpu.memory_space<hbm>>) dst(%arg11 : memref<125x128xf32, #tpu.memory_space<vmem>>)
    %dma_start3A_36 = arith.constant 1 : i32
    %dma_start3A_37 = arith.constant 0 : i32
    %dma_start3A_38 = tpu.memref_slice %arg9[%dma_start3A_36, %dma_start3A_37] : memref<40x125xi32, #tpu.memory_space<vmem>> -> memref<1x125xi32, #tpu.memory_space<vmem>>
    %dma_start3A_39 = tpu.memref_squeeze %dma_start3A_38 : memref<1x125xi32, #tpu.memory_space<vmem>> -> memref<125xi32, #tpu.memory_space<vmem>>
    %dma_start3A_40 = arith.constant 0 : i32
    %dma_start3A_41 = arith.constant 0 : i32
    %dma_start3A_42 = tpu.memref_slice %arg7[%dma_start3A_40, %dma_start3A_41] : memref<10112x128xf32, #tpu.memory_space<vmem_shared>> -> memref<10112x128xf32, #tpu.memory_space<vmem_shared>>
    tpu.enqueue_indirect_dma source(%arg11 : memref<125x128xf32, #tpu.memory_space<vmem>>) target(%dma_start3A_42 : memref<10112x128xf32, #tpu.memory_space<vmem_shared>>) offsets(%dma_start3A_39 : memref<125xi32, #tpu.memory_space<vmem>>) semaphore(%arg13 : memref<!tpu.dma_semaphore, #tpu.memory_space<semaphore_mem>>) {add = true}
    %scan3A = arith.constant 0 : i32
    %scan3A_43 = arith.constant 1 : i32
    %scan3A_44 = arith.constant 19 : i32
    %scan3A_45 = arith.addi %scan3A_43, %scan3A_44 : i32
    %scan3A_46 = arith.constant 1 : i32
    scf.for %scan3A_264 = %scan3A_43 to %scan3A_45 step %scan3A_46  : i32 {
      %mul3A_265 = arith.constant 2 : i32
      %mul3A_266 = arith.muli %mul3A_265, %scan3A_264 : i32
      %sub3A = arith.constant 2 : i32
      %sub3A_267 = arith.subi %mul3A_266, %sub3A : i32
      %dma_wait3A_268 = arith.constant 0 : i32
      %dma_wait3A_269 = tpu.memref_slice %arg9[%sub3A_267, %dma_wait3A_268] : memref<40x125xi32, #tpu.memory_space<vmem>> -> memref<1x125xi32, #tpu.memory_space<vmem>>
      %dma_wait3A_270 = tpu.memref_squeeze %dma_wait3A_269 : memref<1x125xi32, #tpu.memory_space<vmem>> -> memref<125xi32, #tpu.memory_space<vmem>>
      %dma_wait3A_271 = arith.constant 0 : i32
      %dma_wait3A_272 = arith.constant 0 : i32
      %dma_wait3A_273 = tpu.memref_slice %arg7[%dma_wait3A_271, %dma_wait3A_272] : memref<10112x128xf32, #tpu.memory_space<vmem_shared>> -> memref<10112x128xf32, #tpu.memory_space<vmem_shared>>
      tpu.wait_indirect_dma semaphore(%arg13 : memref<!tpu.dma_semaphore, #tpu.memory_space<semaphore_mem>>) src(%arg10 : memref<125x128xf32, #tpu.memory_space<vmem>>) dst(%dma_wait3A_273 : memref<10112x128xf32, #tpu.memory_space<vmem_shared>>)
      %dma_start3A_274 = arith.constant 0 : i32
      %dma_start3A_275 = tpu.memref_slice %arg8[%mul3A_266, %dma_start3A_274] : memref<40x125xi32, #tpu.memory_space<vmem>> -> memref<1x125xi32, #tpu.memory_space<vmem>>
      %dma_start3A_276 = tpu.memref_squeeze %dma_start3A_275 : memref<1x125xi32, #tpu.memory_space<vmem>> -> memref<125xi32, #tpu.memory_space<vmem>>
      %dma_start3A_277 = arith.constant 0 : i32
      %dma_start3A_278 = arith.constant 0 : i32
      %dma_start3A_279 = tpu.memref_slice %arg2[%dma_start3A_277, %dma_start3A_278] : memref<40000x128xf32, #tpu.memory_space<hbm>> -> memref<40000x128xf32, #tpu.memory_space<hbm>>
      tpu.enqueue_indirect_dma source(%dma_start3A_279 : memref<40000x128xf32, #tpu.memory_space<hbm>>) target(%arg10 : memref<125x128xf32, #tpu.memory_space<vmem>>) offsets(%dma_start3A_276 : memref<125xi32, #tpu.memory_space<vmem>>) semaphore(%arg12 : memref<!tpu.dma_semaphore, #tpu.memory_space<semaphore_mem>>)
      %dma_wait3A_280 = arith.constant 0 : i32
      %dma_wait3A_281 = tpu.memref_slice %arg8[%mul3A_266, %dma_wait3A_280] : memref<40x125xi32, #tpu.memory_space<vmem>> -> memref<1x125xi32, #tpu.memory_space<vmem>>
      %dma_wait3A_282 = tpu.memref_squeeze %dma_wait3A_281 : memref<1x125xi32, #tpu.memory_space<vmem>> -> memref<125xi32, #tpu.memory_space<vmem>>
      %dma_wait3A_283 = arith.constant 0 : i32
      %dma_wait3A_284 = arith.constant 0 : i32
      %dma_wait3A_285 = tpu.memref_slice %arg2[%dma_wait3A_283, %dma_wait3A_284] : memref<40000x128xf32, #tpu.memory_space<hbm>> -> memref<40000x128xf32, #tpu.memory_space<hbm>>
      tpu.wait_indirect_dma semaphore(%arg12 : memref<!tpu.dma_semaphore, #tpu.memory_space<semaphore_mem>>) src(%dma_wait3A_285 : memref<40000x128xf32, #tpu.memory_space<hbm>>) dst(%arg10 : memref<125x128xf32, #tpu.memory_space<vmem>>)
      %dma_start3A_286 = arith.constant 0 : i32
      %dma_start3A_287 = tpu.memref_slice %arg9[%mul3A_266, %dma_start3A_286] : memref<40x125xi32, #tpu.memory_space<vmem>> -> memref<1x125xi32, #tpu.memory_space<vmem>>
      %dma_start3A_288 = tpu.memref_squeeze %dma_start3A_287 : memref<1x125xi32, #tpu.memory_space<vmem>> -> memref<125xi32, #tpu.memory_space<vmem>>
      %dma_start3A_289 = arith.constant 0 : i32
      %dma_start3A_290 = arith.constant 0 : i32
      %dma_start3A_291 = tpu.memref_slice %arg7[%dma_start3A_289, %dma_start3A_290] : memref<10112x128xf32, #tpu.memory_space<vmem_shared>> -> memref<10112x128xf32, #tpu.memory_space<vmem_shared>>
      tpu.enqueue_indirect_dma source(%arg10 : memref<125x128xf32, #tpu.memory_space<vmem>>) target(%dma_start3A_291 : memref<10112x128xf32, #tpu.memory_space<vmem_shared>>) offsets(%dma_start3A_288 : memref<125xi32, #tpu.memory_space<vmem>>) semaphore(%arg13 : memref<!tpu.dma_semaphore, #tpu.memory_space<semaphore_mem>>) {add = true}
      %sub3A_292 = arith.constant 1 : i32
      %sub3A_293 = arith.subi %mul3A_266, %sub3A_292 : i32
      %dma_wait3A_294 = arith.constant 0 : i32
      %dma_wait3A_295 = tpu.memref_slice %arg9[%sub3A_293, %dma_wait3A_294] : memref<40x125xi32, #tpu.memory_space<vmem>> -> memref<1x125xi32, #tpu.memory_space<vmem>>
      %dma_wait3A_296 = tpu.memref_squeeze %dma_wait3A_295 : memref<1x125xi32, #tpu.memory_space<vmem>> -> memref<125xi32, #tpu.memory_space<vmem>>
      %dma_wait3A_297 = arith.constant 0 : i32
      %dma_wait3A_298 = arith.constant 0 : i32
      %dma_wait3A_299 = tpu.memref_slice %arg7[%dma_wait3A_297, %dma_wait3A_298] : memref<10112x128xf32, #tpu.memory_space<vmem_shared>> -> memref<10112x128xf32, #tpu.memory_space<vmem_shared>>
      tpu.wait_indirect_dma semaphore(%arg13 : memref<!tpu.dma_semaphore, #tpu.memory_space<semaphore_mem>>) src(%arg11 : memref<125x128xf32, #tpu.memory_space<vmem>>) dst(%dma_wait3A_299 : memref<10112x128xf32, #tpu.memory_space<vmem_shared>>)
      %add3A_300 = arith.constant 1 : i32
      %add3A_301 = arith.addi %mul3A_266, %add3A_300 : i32
      %dma_start3A_302 = arith.constant 0 : i32
      %dma_start3A_303 = tpu.memref_slice %arg8[%add3A_301, %dma_start3A_302] : memref<40x125xi32, #tpu.memory_space<vmem>> -> memref<1x125xi32, #tpu.memory_space<vmem>>
      %dma_start3A_304 = tpu.memref_squeeze %dma_start3A_303 : memref<1x125xi32, #tpu.memory_space<vmem>> -> memref<125xi32, #tpu.memory_space<vmem>>
      %dma_start3A_305 = arith.constant 0 : i32
      %dma_start3A_306 = arith.constant 0 : i32
      %dma_start3A_307 = tpu.memref_slice %arg2[%dma_start3A_305, %dma_start3A_306] : memref<40000x128xf32, #tpu.memory_space<hbm>> -> memref<40000x128xf32, #tpu.memory_space<hbm>>
      tpu.enqueue_indirect_dma source(%dma_start3A_307 : memref<40000x128xf32, #tpu.memory_space<hbm>>) target(%arg11 : memref<125x128xf32, #tpu.memory_space<vmem>>) offsets(%dma_start3A_304 : memref<125xi32, #tpu.memory_space<vmem>>) semaphore(%arg12 : memref<!tpu.dma_semaphore, #tpu.memory_space<semaphore_mem>>)
      %add3A_308 = arith.constant 1 : i32
      %add3A_309 = arith.addi %mul3A_266, %add3A_308 : i32
      %dma_wait3A_310 = arith.constant 0 : i32
      %dma_wait3A_311 = tpu.memref_slice %arg8[%add3A_309, %dma_wait3A_310] : memref<40x125xi32, #tpu.memory_space<vmem>> -> memref<1x125xi32, #tpu.memory_space<vmem>>
      %dma_wait3A_312 = tpu.memref_squeeze %dma_wait3A_311 : memref<1x125xi32, #tpu.memory_space<vmem>> -> memref<125xi32, #tpu.memory_space<vmem>>
      %dma_wait3A_313 = arith.constant 0 : i32
      %dma_wait3A_314 = arith.constant 0 : i32
      %dma_wait3A_315 = tpu.memref_slice %arg2[%dma_wait3A_313, %dma_wait3A_314] : memref<40000x128xf32, #tpu.memory_space<hbm>> -> memref<40000x128xf32, #tpu.memory_space<hbm>>
      tpu.wait_indirect_dma semaphore(%arg12 : memref<!tpu.dma_semaphore, #tpu.memory_space<semaphore_mem>>) src(%dma_wait3A_315 : memref<40000x128xf32, #tpu.memory_space<hbm>>) dst(%arg11 : memref<125x128xf32, #tpu.memory_space<vmem>>)
      %add3A_316 = arith.constant 1 : i32
      %add3A_317 = arith.addi %mul3A_266, %add3A_316 : i32
      %dma_start3A_318 = arith.constant 0 : i32
      %dma_start3A_319 = tpu.memref_slice %arg9[%add3A_317, %dma_start3A_318] : memref<40x125xi32, #tpu.memory_space<vmem>> -> memref<1x125xi32, #tpu.memory_space<vmem>>
      %dma_start3A_320 = tpu.memref_squeeze %dma_start3A_319 : memref<1x125xi32, #tpu.memory_space<vmem>> -> memref<125xi32, #tpu.memory_space<vmem>>
      %dma_start3A_321 = arith.constant 0 : i32
      %dma_start3A_322 = arith.constant 0 : i32
      %dma_start3A_323 = tpu.memref_slice %arg7[%dma_start3A_321, %dma_start3A_322] : memref<10112x128xf32, #tpu.memory_space<vmem_shared>> -> memref<10112x128xf32, #tpu.memory_space<vmem_shared>>
      tpu.enqueue_indirect_dma source(%arg11 : memref<125x128xf32, #tpu.memory_space<vmem>>) target(%dma_start3A_323 : memref<10112x128xf32, #tpu.memory_space<vmem_shared>>) offsets(%dma_start3A_320 : memref<125xi32, #tpu.memory_space<vmem>>) semaphore(%arg13 : memref<!tpu.dma_semaphore, #tpu.memory_space<semaphore_mem>>) {add = true}
    }
    %scan3A_47 = arith.constant 19 : i32
    %dma_wait3A_48 = arith.constant 38 : i32
    %dma_wait3A_49 = arith.constant 0 : i32
    %dma_wait3A_50 = tpu.memref_slice %arg9[%dma_wait3A_48, %dma_wait3A_49] : memref<40x125xi32, #tpu.memory_space<vmem>> -> memref<1x125xi32, #tpu.memory_space<vmem>>
    %dma_wait3A_51 = tpu.memref_squeeze %dma_wait3A_50 : memref<1x125xi32, #tpu.memory_space<vmem>> -> memref<125xi32, #tpu.memory_space<vmem>>
    %dma_wait3A_52 = arith.constant 0 : i32
    %dma_wait3A_53 = arith.constant 0 : i32
    %dma_wait3A_54 = tpu.memref_slice %arg7[%dma_wait3A_52, %dma_wait3A_53] : memref<10112x128xf32, #tpu.memory_space<vmem_shared>> -> memref<10112x128xf32, #tpu.memory_space<vmem_shared>>
    tpu.wait_indirect_dma semaphore(%arg13 : memref<!tpu.dma_semaphore, #tpu.memory_space<semaphore_mem>>) src(%arg10 : memref<125x128xf32, #tpu.memory_space<vmem>>) dst(%dma_wait3A_54 : memref<10112x128xf32, #tpu.memory_space<vmem_shared>>)
    %dma_wait3A_55 = arith.constant 39 : i32
    %dma_wait3A_56 = arith.constant 0 : i32
    %dma_wait3A_57 = tpu.memref_slice %arg9[%dma_wait3A_55, %dma_wait3A_56] : memref<40x125xi32, #tpu.memory_space<vmem>> -> memref<1x125xi32, #tpu.memory_space<vmem>>
    %dma_wait3A_58 = tpu.memref_squeeze %dma_wait3A_57 : memref<1x125xi32, #tpu.memory_space<vmem>> -> memref<125xi32, #tpu.memory_space<vmem>>
    %dma_wait3A_59 = arith.constant 0 : i32
    %dma_wait3A_60 = arith.constant 0 : i32
    %dma_wait3A_61 = tpu.memref_slice %arg7[%dma_wait3A_59, %dma_wait3A_60] : memref<10112x128xf32, #tpu.memory_space<vmem_shared>> -> memref<10112x128xf32, #tpu.memory_space<vmem_shared>>
    tpu.wait_indirect_dma semaphore(%arg13 : memref<!tpu.dma_semaphore, #tpu.memory_space<semaphore_mem>>) src(%arg11 : memref<125x128xf32, #tpu.memory_space<vmem>>) dst(%dma_wait3A_61 : memref<10112x128xf32, #tpu.memory_space<vmem_shared>>)
    %run_scoped3A_62 = arith.constant 0 : i32
    %run_scoped3A_63 = arith.constant 1 : i32
    "tpu.region"() ({
      %run_scoped3A_264 = tpu.sem_alloc : memref<!tpu.dma_semaphore, #tpu.memory_space<semaphore_mem>>
      %dma_start3A_265 = arith.constant 0 : i32
      %dma_start3A_266 = arith.constant 0 : i32
      %dma_start3A_267 = tpu.memref_slice %arg3[%arg0, %run_scoped3A_62, %arg1, %run_scoped3A_63, %dma_start3A_265, %dma_start3A_266] : memref<2x2x16x2x40x125xi32, #tpu.memory_space<hbm>> -> memref<1x1x1x1x40x125xi32, #tpu.memory_space<hbm>>
      %dma_start3A_268 = tpu.memref_squeeze %dma_start3A_267 : memref<1x1x1x1x40x125xi32, #tpu.memory_space<hbm>> -> memref<40x125xi32, #tpu.memory_space<hbm>>
      %dma_start3A_269 = arith.constant 0 : i32
      %dma_start3A_270 = arith.constant 0 : i32
      %dma_start3A_271 = tpu.memref_slice %arg3[%arg0, %run_scoped3A_62, %arg1, %run_scoped3A_63, %dma_start3A_269, %dma_start3A_270] : memref<2x2x16x2x40x125xi32, #tpu.memory_space<hbm>> -> memref<1x1x1x1x40x125xi32, #tpu.memory_space<hbm>>
      %dma_start3A_272 = tpu.memref_squeeze %dma_start3A_271 : memref<1x1x1x1x40x125xi32, #tpu.memory_space<hbm>> -> memref<40x125xi32, #tpu.memory_space<hbm>>
      tpu.enqueue_dma source(%dma_start3A_272 : memref<40x125xi32, #tpu.memory_space<hbm>>) target(%arg8 : memref<40x125xi32, #tpu.memory_space<vmem>>) target_semaphore(%run_scoped3A_264 : memref<!tpu.dma_semaphore, #tpu.memory_space<semaphore_mem>>)
      %dma_wait3A_273 = arith.constant 0 : i32
      %dma_wait3A_274 = arith.constant 0 : i32
      %dma_wait3A_275 = tpu.memref_slice %arg3[%arg0, %run_scoped3A_62, %arg1, %run_scoped3A_63, %dma_wait3A_273, %dma_wait3A_274] : memref<2x2x16x2x40x125xi32, #tpu.memory_space<hbm>> -> memref<1x1x1x1x40x125xi32, #tpu.memory_space<hbm>>
      %dma_wait3A_276 = tpu.memref_squeeze %dma_wait3A_275 : memref<1x1x1x1x40x125xi32, #tpu.memory_space<hbm>> -> memref<40x125xi32, #tpu.memory_space<hbm>>
      %dma_wait3A_277 = arith.constant 0 : i32
      %dma_wait3A_278 = arith.constant 0 : i32
      %dma_wait3A_279 = tpu.memref_slice %arg3[%arg0, %run_scoped3A_62, %arg1, %run_scoped3A_63, %dma_wait3A_277, %dma_wait3A_278] : memref<2x2x16x2x40x125xi32, #tpu.memory_space<hbm>> -> memref<1x1x1x1x40x125xi32, #tpu.memory_space<hbm>>
      %dma_wait3A_280 = tpu.memref_squeeze %dma_wait3A_279 : memref<1x1x1x1x40x125xi32, #tpu.memory_space<hbm>> -> memref<40x125xi32, #tpu.memory_space<hbm>>
      tpu.wait_dma2 semaphore(%run_scoped3A_264 : memref<!tpu.dma_semaphore, #tpu.memory_space<semaphore_mem>>) src(%dma_wait3A_280 : memref<40x125xi32, #tpu.memory_space<hbm>>) dst(%arg8 : memref<40x125xi32, #tpu.memory_space<vmem>>)
      tpu.yield
    }) : () -> ()
    %run_scoped3A_64 = arith.constant 1 : i32
    "tpu.region"() ({
      %run_scoped3A_264 = tpu.sem_alloc : memref<!tpu.dma_semaphore, #tpu.memory_space<semaphore_mem>>
      %dma_start3A_265 = arith.constant 0 : i32
      %dma_start3A_266 = arith.constant 0 : i32
      %dma_start3A_267 = tpu.memref_slice %arg4[%arg1, %run_scoped3A_64, %dma_start3A_265, %dma_start3A_266] : memref<16x2x40x125xi32, #tpu.memory_space<hbm>> -> memref<1x1x40x125xi32, #tpu.memory_space<hbm>>
      %dma_start3A_268 = tpu.memref_squeeze %dma_start3A_267 : memref<1x1x40x125xi32, #tpu.memory_space<hbm>> -> memref<40x125xi32, #tpu.memory_space<hbm>>
      %dma_start3A_269 = arith.constant 0 : i32
      %dma_start3A_270 = arith.constant 0 : i32
      %dma_start3A_271 = tpu.memref_slice %arg4[%arg1, %run_scoped3A_64, %dma_start3A_269, %dma_start3A_270] : memref<16x2x40x125xi32, #tpu.memory_space<hbm>> -> memref<1x1x40x125xi32, #tpu.memory_space<hbm>>
      %dma_start3A_272 = tpu.memref_squeeze %dma_start3A_271 : memref<1x1x40x125xi32, #tpu.memory_space<hbm>> -> memref<40x125xi32, #tpu.memory_space<hbm>>
      tpu.enqueue_dma source(%dma_start3A_272 : memref<40x125xi32, #tpu.memory_space<hbm>>) target(%arg9 : memref<40x125xi32, #tpu.memory_space<vmem>>) target_semaphore(%run_scoped3A_264 : memref<!tpu.dma_semaphore, #tpu.memory_space<semaphore_mem>>)
      %dma_wait3A_273 = arith.constant 0 : i32
      %dma_wait3A_274 = arith.constant 0 : i32
      %dma_wait3A_275 = tpu.memref_slice %arg4[%arg1, %run_scoped3A_64, %dma_wait3A_273, %dma_wait3A_274] : memref<16x2x40x125xi32, #tpu.memory_space<hbm>> -> memref<1x1x40x125xi32, #tpu.memory_space<hbm>>
      %dma_wait3A_276 = tpu.memref_squeeze %dma_wait3A_275 : memref<1x1x40x125xi32, #tpu.memory_space<hbm>> -> memref<40x125xi32, #tpu.memory_space<hbm>>
      %dma_wait3A_277 = arith.constant 0 : i32
      %dma_wait3A_278 = arith.constant 0 : i32
      %dma_wait3A_279 = tpu.memref_slice %arg4[%arg1, %run_scoped3A_64, %dma_wait3A_277, %dma_wait3A_278] : memref<16x2x40x125xi32, #tpu.memory_space<hbm>> -> memref<1x1x40x125xi32, #tpu.memory_space<hbm>>
      %dma_wait3A_280 = tpu.memref_squeeze %dma_wait3A_279 : memref<1x1x40x125xi32, #tpu.memory_space<hbm>> -> memref<40x125xi32, #tpu.memory_space<hbm>>
      tpu.wait_dma2 semaphore(%run_scoped3A_264 : memref<!tpu.dma_semaphore, #tpu.memory_space<semaphore_mem>>) src(%dma_wait3A_280 : memref<40x125xi32, #tpu.memory_space<hbm>>) dst(%arg9 : memref<40x125xi32, #tpu.memory_space<vmem>>)
      tpu.yield
    }) : () -> ()
    %dma_start3A_65 = arith.constant 0 : i32
    %dma_start3A_66 = arith.constant 0 : i32
    %dma_start3A_67 = tpu.memref_slice %arg8[%dma_start3A_65, %dma_start3A_66] : memref<40x125xi32, #tpu.memory_space<vmem>> -> memref<1x125xi32, #tpu.memory_space<vmem>>
    %dma_start3A_68 = tpu.memref_squeeze %dma_start3A_67 : memref<1x125xi32, #tpu.memory_space<vmem>> -> memref<125xi32, #tpu.memory_space<vmem>>
    %dma_start3A_69 = arith.constant 0 : i32
    %dma_start3A_70 = arith.constant 0 : i32
    %dma_start3A_71 = tpu.memref_slice %arg2[%dma_start3A_69, %dma_start3A_70] : memref<40000x128xf32, #tpu.memory_space<hbm>> -> memref<40000x128xf32, #tpu.memory_space<hbm>>
    tpu.enqueue_indirect_dma source(%dma_start3A_71 : memref<40000x128xf32, #tpu.memory_space<hbm>>) target(%arg10 : memref<125x128xf32, #tpu.memory_space<vmem>>) offsets(%dma_start3A_68 : memref<125xi32, #tpu.memory_space<vmem>>) semaphore(%arg12 : memref<!tpu.dma_semaphore, #tpu.memory_space<semaphore_mem>>)
    %dma_wait3A_72 = arith.constant 0 : i32
    %dma_wait3A_73 = arith.constant 0 : i32
    %dma_wait3A_74 = tpu.memref_slice %arg8[%dma_wait3A_72, %dma_wait3A_73] : memref<40x125xi32, #tpu.memory_space<vmem>> -> memref<1x125xi32, #tpu.memory_space<vmem>>
    %dma_wait3A_75 = tpu.memref_squeeze %dma_wait3A_74 : memref<1x125xi32, #tpu.memory_space<vmem>> -> memref<125xi32, #tpu.memory_space<vmem>>
    %dma_wait3A_76 = arith.constant 0 : i32
    %dma_wait3A_77 = arith.constant 0 : i32
    %dma_wait3A_78 = tpu.memref_slice %arg2[%dma_wait3A_76, %dma_wait3A_77] : memref<40000x128xf32, #tpu.memory_space<hbm>> -> memref<40000x128xf32, #tpu.memory_space<hbm>>
    tpu.wait_indirect_dma semaphore(%arg12 : memref<!tpu.dma_semaphore, #tpu.memory_space<semaphore_mem>>) src(%dma_wait3A_78 : memref<40000x128xf32, #tpu.memory_space<hbm>>) dst(%arg10 : memref<125x128xf32, #tpu.memory_space<vmem>>)
    %dma_start3A_79 = arith.constant 0 : i32
    %dma_start3A_80 = arith.constant 0 : i32
    %dma_start3A_81 = tpu.memref_slice %arg9[%dma_start3A_79, %dma_start3A_80] : memref<40x125xi32, #tpu.memory_space<vmem>> -> memref<1x125xi32, #tpu.memory_space<vmem>>
    %dma_start3A_82 = tpu.memref_squeeze %dma_start3A_81 : memref<1x125xi32, #tpu.memory_space<vmem>> -> memref<125xi32, #tpu.memory_space<vmem>>
    %dma_start3A_83 = arith.constant 0 : i32
    %dma_start3A_84 = arith.constant 0 : i32
    %dma_start3A_85 = tpu.memref_slice %arg7[%dma_start3A_83, %dma_start3A_84] : memref<10112x128xf32, #tpu.memory_space<vmem_shared>> -> memref<10112x128xf32, #tpu.memory_space<vmem_shared>>
    tpu.enqueue_indirect_dma source(%arg10 : memref<125x128xf32, #tpu.memory_space<vmem>>) target(%dma_start3A_85 : memref<10112x128xf32, #tpu.memory_space<vmem_shared>>) offsets(%dma_start3A_82 : memref<125xi32, #tpu.memory_space<vmem>>) semaphore(%arg13 : memref<!tpu.dma_semaphore, #tpu.memory_space<semaphore_mem>>) {add = true}
    %dma_start3A_86 = arith.constant 1 : i32
    %dma_start3A_87 = arith.constant 0 : i32
    %dma_start3A_88 = tpu.memref_slice %arg8[%dma_start3A_86, %dma_start3A_87] : memref<40x125xi32, #tpu.memory_space<vmem>> -> memref<1x125xi32, #tpu.memory_space<vmem>>
    %dma_start3A_89 = tpu.memref_squeeze %dma_start3A_88 : memref<1x125xi32, #tpu.memory_space<vmem>> -> memref<125xi32, #tpu.memory_space<vmem>>
    %dma_start3A_90 = arith.constant 0 : i32
    %dma_start3A_91 = arith.constant 0 : i32
    %dma_start3A_92 = tpu.memref_slice %arg2[%dma_start3A_90, %dma_start3A_91] : memref<40000x128xf32, #tpu.memory_space<hbm>> -> memref<40000x128xf32, #tpu.memory_space<hbm>>
    tpu.enqueue_indirect_dma source(%dma_start3A_92 : memref<40000x128xf32, #tpu.memory_space<hbm>>) target(%arg11 : memref<125x128xf32, #tpu.memory_space<vmem>>) offsets(%dma_start3A_89 : memref<125xi32, #tpu.memory_space<vmem>>) semaphore(%arg12 : memref<!tpu.dma_semaphore, #tpu.memory_space<semaphore_mem>>)
    %dma_wait3A_93 = arith.constant 1 : i32
    %dma_wait3A_94 = arith.constant 0 : i32
    %dma_wait3A_95 = tpu.memref_slice %arg8[%dma_wait3A_93, %dma_wait3A_94] : memref<40x125xi32, #tpu.memory_space<vmem>> -> memref<1x125xi32, #tpu.memory_space<vmem>>
    %dma_wait3A_96 = tpu.memref_squeeze %dma_wait3A_95 : memref<1x125xi32, #tpu.memory_space<vmem>> -> memref<125xi32, #tpu.memory_space<vmem>>
    %dma_wait3A_97 = arith.constant 0 : i32
    %dma_wait3A_98 = arith.constant 0 : i32
    %dma_wait3A_99 = tpu.memref_slice %arg2[%dma_wait3A_97, %dma_wait3A_98] : memref<40000x128xf32, #tpu.memory_space<hbm>> -> memref<40000x128xf32, #tpu.memory_space<hbm>>
    tpu.wait_indirect_dma semaphore(%arg12 : memref<!tpu.dma_semaphore, #tpu.memory_space<semaphore_mem>>) src(%dma_wait3A_99 : memref<40000x128xf32, #tpu.memory_space<hbm>>) dst(%arg11 : memref<125x128xf32, #tpu.memory_space<vmem>>)
    %dma_start3A_100 = arith.constant 1 : i32
    %dma_start3A_101 = arith.constant 0 : i32
    %dma_start3A_102 = tpu.memref_slice %arg9[%dma_start3A_100, %dma_start3A_101] : memref<40x125xi32, #tpu.memory_space<vmem>> -> memref<1x125xi32, #tpu.memory_space<vmem>>
    %dma_start3A_103 = tpu.memref_squeeze %dma_start3A_102 : memref<1x125xi32, #tpu.memory_space<vmem>> -> memref<125xi32, #tpu.memory_space<vmem>>
    %dma_start3A_104 = arith.constant 0 : i32
    %dma_start3A_105 = arith.constant 0 : i32
    %dma_start3A_106 = tpu.memref_slice %arg7[%dma_start3A_104, %dma_start3A_105] : memref<10112x128xf32, #tpu.memory_space<vmem_shared>> -> memref<10112x128xf32, #tpu.memory_space<vmem_shared>>
    tpu.enqueue_indirect_dma source(%arg11 : memref<125x128xf32, #tpu.memory_space<vmem>>) target(%dma_start3A_106 : memref<10112x128xf32, #tpu.memory_space<vmem_shared>>) offsets(%dma_start3A_103 : memref<125xi32, #tpu.memory_space<vmem>>) semaphore(%arg13 : memref<!tpu.dma_semaphore, #tpu.memory_space<semaphore_mem>>) {add = true}
    %scan3A_107 = arith.constant 0 : i32
    %scan3A_108 = arith.constant 1 : i32
    %scan3A_109 = arith.constant 19 : i32
    %scan3A_110 = arith.addi %scan3A_108, %scan3A_109 : i32
    %scan3A_111 = arith.constant 1 : i32
    scf.for %scan3A_264 = %scan3A_108 to %scan3A_110 step %scan3A_111  : i32 {
      %mul3A_265 = arith.constant 2 : i32
      %mul3A_266 = arith.muli %mul3A_265, %scan3A_264 : i32
      %sub3A = arith.constant 2 : i32
      %sub3A_267 = arith.subi %mul3A_266, %sub3A : i32
      %dma_wait3A_268 = arith.constant 0 : i32
      %dma_wait3A_269 = tpu.memref_slice %arg9[%sub3A_267, %dma_wait3A_268] : memref<40x125xi32, #tpu.memory_space<vmem>> -> memref<1x125xi32, #tpu.memory_space<vmem>>
      %dma_wait3A_270 = tpu.memref_squeeze %dma_wait3A_269 : memref<1x125xi32, #tpu.memory_space<vmem>> -> memref<125xi32, #tpu.memory_space<vmem>>
      %dma_wait3A_271 = arith.constant 0 : i32
      %dma_wait3A_272 = arith.constant 0 : i32
      %dma_wait3A_273 = tpu.memref_slice %arg7[%dma_wait3A_271, %dma_wait3A_272] : memref<10112x128xf32, #tpu.memory_space<vmem_shared>> -> memref<10112x128xf32, #tpu.memory_space<vmem_shared>>
      tpu.wait_indirect_dma semaphore(%arg13 : memref<!tpu.dma_semaphore, #tpu.memory_space<semaphore_mem>>) src(%arg10 : memref<125x128xf32, #tpu.memory_space<vmem>>) dst(%dma_wait3A_273 : memref<10112x128xf32, #tpu.memory_space<vmem_shared>>)
      %dma_start3A_274 = arith.constant 0 : i32
      %dma_start3A_275 = tpu.memref_slice %arg8[%mul3A_266, %dma_start3A_274] : memref<40x125xi32, #tpu.memory_space<vmem>> -> memref<1x125xi32, #tpu.memory_space<vmem>>
      %dma_start3A_276 = tpu.memref_squeeze %dma_start3A_275 : memref<1x125xi32, #tpu.memory_space<vmem>> -> memref<125xi32, #tpu.memory_space<vmem>>
      %dma_start3A_277 = arith.constant 0 : i32
      %dma_start3A_278 = arith.constant 0 : i32
      %dma_start3A_279 = tpu.memref_slice %arg2[%dma_start3A_277, %dma_start3A_278] : memref<40000x128xf32, #tpu.memory_space<hbm>> -> memref<40000x128xf32, #tpu.memory_space<hbm>>
      tpu.enqueue_indirect_dma source(%dma_start3A_279 : memref<40000x128xf32, #tpu.memory_space<hbm>>) target(%arg10 : memref<125x128xf32, #tpu.memory_space<vmem>>) offsets(%dma_start3A_276 : memref<125xi32, #tpu.memory_space<vmem>>) semaphore(%arg12 : memref<!tpu.dma_semaphore, #tpu.memory_space<semaphore_mem>>)
      %dma_wait3A_280 = arith.constant 0 : i32
      %dma_wait3A_281 = tpu.memref_slice %arg8[%mul3A_266, %dma_wait3A_280] : memref<40x125xi32, #tpu.memory_space<vmem>> -> memref<1x125xi32, #tpu.memory_space<vmem>>
      %dma_wait3A_282 = tpu.memref_squeeze %dma_wait3A_281 : memref<1x125xi32, #tpu.memory_space<vmem>> -> memref<125xi32, #tpu.memory_space<vmem>>
      %dma_wait3A_283 = arith.constant 0 : i32
      %dma_wait3A_284 = arith.constant 0 : i32
      %dma_wait3A_285 = tpu.memref_slice %arg2[%dma_wait3A_283, %dma_wait3A_284] : memref<40000x128xf32, #tpu.memory_space<hbm>> -> memref<40000x128xf32, #tpu.memory_space<hbm>>
      tpu.wait_indirect_dma semaphore(%arg12 : memref<!tpu.dma_semaphore, #tpu.memory_space<semaphore_mem>>) src(%dma_wait3A_285 : memref<40000x128xf32, #tpu.memory_space<hbm>>) dst(%arg10 : memref<125x128xf32, #tpu.memory_space<vmem>>)
      %dma_start3A_286 = arith.constant 0 : i32
      %dma_start3A_287 = tpu.memref_slice %arg9[%mul3A_266, %dma_start3A_286] : memref<40x125xi32, #tpu.memory_space<vmem>> -> memref<1x125xi32, #tpu.memory_space<vmem>>
      %dma_start3A_288 = tpu.memref_squeeze %dma_start3A_287 : memref<1x125xi32, #tpu.memory_space<vmem>> -> memref<125xi32, #tpu.memory_space<vmem>>
      %dma_start3A_289 = arith.constant 0 : i32
      %dma_start3A_290 = arith.constant 0 : i32
      %dma_start3A_291 = tpu.memref_slice %arg7[%dma_start3A_289, %dma_start3A_290] : memref<10112x128xf32, #tpu.memory_space<vmem_shared>> -> memref<10112x128xf32, #tpu.memory_space<vmem_shared>>
      tpu.enqueue_indirect_dma source(%arg10 : memref<125x128xf32, #tpu.memory_space<vmem>>) target(%dma_start3A_291 : memref<10112x128xf32, #tpu.memory_space<vmem_shared>>) offsets(%dma_start3A_288 : memref<125xi32, #tpu.memory_space<vmem>>) semaphore(%arg13 : memref<!tpu.dma_semaphore, #tpu.memory_space<semaphore_mem>>) {add = true}
      %sub3A_292 = arith.constant 1 : i32
      %sub3A_293 = arith.subi %mul3A_266, %sub3A_292 : i32
      %dma_wait3A_294 = arith.constant 0 : i32
      %dma_wait3A_295 = tpu.memref_slice %arg9[%sub3A_293, %dma_wait3A_294] : memref<40x125xi32, #tpu.memory_space<vmem>> -> memref<1x125xi32, #tpu.memory_space<vmem>>
      %dma_wait3A_296 = tpu.memref_squeeze %dma_wait3A_295 : memref<1x125xi32, #tpu.memory_space<vmem>> -> memref<125xi32, #tpu.memory_space<vmem>>
      %dma_wait3A_297 = arith.constant 0 : i32
      %dma_wait3A_298 = arith.constant 0 : i32
      %dma_wait3A_299 = tpu.memref_slice %arg7[%dma_wait3A_297, %dma_wait3A_298] : memref<10112x128xf32, #tpu.memory_space<vmem_shared>> -> memref<10112x128xf32, #tpu.memory_space<vmem_shared>>
      tpu.wait_indirect_dma semaphore(%arg13 : memref<!tpu.dma_semaphore, #tpu.memory_space<semaphore_mem>>) src(%arg11 : memref<125x128xf32, #tpu.memory_space<vmem>>) dst(%dma_wait3A_299 : memref<10112x128xf32, #tpu.memory_space<vmem_shared>>)
      %add3A_300 = arith.constant 1 : i32
      %add3A_301 = arith.addi %mul3A_266, %add3A_300 : i32
      %dma_start3A_302 = arith.constant 0 : i32
      %dma_start3A_303 = tpu.memref_slice %arg8[%add3A_301, %dma_start3A_302] : memref<40x125xi32, #tpu.memory_space<vmem>> -> memref<1x125xi32, #tpu.memory_space<vmem>>
      %dma_start3A_304 = tpu.memref_squeeze %dma_start3A_303 : memref<1x125xi32, #tpu.memory_space<vmem>> -> memref<125xi32, #tpu.memory_space<vmem>>
      %dma_start3A_305 = arith.constant 0 : i32
      %dma_start3A_306 = arith.constant 0 : i32
      %dma_start3A_307 = tpu.memref_slice %arg2[%dma_start3A_305, %dma_start3A_306] : memref<40000x128xf32, #tpu.memory_space<hbm>> -> memref<40000x128xf32, #tpu.memory_space<hbm>>
      tpu.enqueue_indirect_dma source(%dma_start3A_307 : memref<40000x128xf32, #tpu.memory_space<hbm>>) target(%arg11 : memref<125x128xf32, #tpu.memory_space<vmem>>) offsets(%dma_start3A_304 : memref<125xi32, #tpu.memory_space<vmem>>) semaphore(%arg12 : memref<!tpu.dma_semaphore, #tpu.memory_space<semaphore_mem>>)
      %add3A_308 = arith.constant 1 : i32
      %add3A_309 = arith.addi %mul3A_266, %add3A_308 : i32
      %dma_wait3A_310 = arith.constant 0 : i32
      %dma_wait3A_311 = tpu.memref_slice %arg8[%add3A_309, %dma_wait3A_310] : memref<40x125xi32, #tpu.memory_space<vmem>> -> memref<1x125xi32, #tpu.memory_space<vmem>>
      %dma_wait3A_312 = tpu.memref_squeeze %dma_wait3A_311 : memref<1x125xi32, #tpu.memory_space<vmem>> -> memref<125xi32, #tpu.memory_space<vmem>>
      %dma_wait3A_313 = arith.constant 0 : i32
      %dma_wait3A_314 = arith.constant 0 : i32
      %dma_wait3A_315 = tpu.memref_slice %arg2[%dma_wait3A_313, %dma_wait3A_314] : memref<40000x128xf32, #tpu.memory_space<hbm>> -> memref<40000x128xf32, #tpu.memory_space<hbm>>
      tpu.wait_indirect_dma semaphore(%arg12 : memref<!tpu.dma_semaphore, #tpu.memory_space<semaphore_mem>>) src(%dma_wait3A_315 : memref<40000x128xf32, #tpu.memory_space<hbm>>) dst(%arg11 : memref<125x128xf32, #tpu.memory_space<vmem>>)
      %add3A_316 = arith.constant 1 : i32
      %add3A_317 = arith.addi %mul3A_266, %add3A_316 : i32
      %dma_start3A_318 = arith.constant 0 : i32
      %dma_start3A_319 = tpu.memref_slice %arg9[%add3A_317, %dma_start3A_318] : memref<40x125xi32, #tpu.memory_space<vmem>> -> memref<1x125xi32, #tpu.memory_space<vmem>>
      %dma_start3A_320 = tpu.memref_squeeze %dma_start3A_319 : memref<1x125xi32, #tpu.memory_space<vmem>> -> memref<125xi32, #tpu.memory_space<vmem>>
      %dma_start3A_321 = arith.constant 0 : i32
      %dma_start3A_322 = arith.constant 0 : i32
      %dma_start3A_323 = tpu.memref_slice %arg7[%dma_start3A_321, %dma_start3A_322] : memref<10112x128xf32, #tpu.memory_space<vmem_shared>> -> memref<10112x128xf32, #tpu.memory_space<vmem_shared>>
      tpu.enqueue_indirect_dma source(%arg11 : memref<125x128xf32, #tpu.memory_space<vmem>>) target(%dma_start3A_323 : memref<10112x128xf32, #tpu.memory_space<vmem_shared>>) offsets(%dma_start3A_320 : memref<125xi32, #tpu.memory_space<vmem>>) semaphore(%arg13 : memref<!tpu.dma_semaphore, #tpu.memory_space<semaphore_mem>>) {add = true}
    }
    %scan3A_112 = arith.constant 19 : i32
    %dma_wait3A_113 = arith.constant 38 : i32
    %dma_wait3A_114 = arith.constant 0 : i32
    %dma_wait3A_115 = tpu.memref_slice %arg9[%dma_wait3A_113, %dma_wait3A_114] : memref<40x125xi32, #tpu.memory_space<vmem>> -> memref<1x125xi32, #tpu.memory_space<vmem>>
    %dma_wait3A_116 = tpu.memref_squeeze %dma_wait3A_115 : memref<1x125xi32, #tpu.memory_space<vmem>> -> memref<125xi32, #tpu.memory_space<vmem>>
    %dma_wait3A_117 = arith.constant 0 : i32
    %dma_wait3A_118 = arith.constant 0 : i32
    %dma_wait3A_119 = tpu.memref_slice %arg7[%dma_wait3A_117, %dma_wait3A_118] : memref<10112x128xf32, #tpu.memory_space<vmem_shared>> -> memref<10112x128xf32, #tpu.memory_space<vmem_shared>>
    tpu.wait_indirect_dma semaphore(%arg13 : memref<!tpu.dma_semaphore, #tpu.memory_space<semaphore_mem>>) src(%arg10 : memref<125x128xf32, #tpu.memory_space<vmem>>) dst(%dma_wait3A_119 : memref<10112x128xf32, #tpu.memory_space<vmem_shared>>)
    %dma_wait3A_120 = arith.constant 39 : i32
    %dma_wait3A_121 = arith.constant 0 : i32
    %dma_wait3A_122 = tpu.memref_slice %arg9[%dma_wait3A_120, %dma_wait3A_121] : memref<40x125xi32, #tpu.memory_space<vmem>> -> memref<1x125xi32, #tpu.memory_space<vmem>>
    %dma_wait3A_123 = tpu.memref_squeeze %dma_wait3A_122 : memref<1x125xi32, #tpu.memory_space<vmem>> -> memref<125xi32, #tpu.memory_space<vmem>>
    %dma_wait3A_124 = arith.constant 0 : i32
    %dma_wait3A_125 = arith.constant 0 : i32
    %dma_wait3A_126 = tpu.memref_slice %arg7[%dma_wait3A_124, %dma_wait3A_125] : memref<10112x128xf32, #tpu.memory_space<vmem_shared>> -> memref<10112x128xf32, #tpu.memory_space<vmem_shared>>
    tpu.wait_indirect_dma semaphore(%arg13 : memref<!tpu.dma_semaphore, #tpu.memory_space<semaphore_mem>>) src(%arg11 : memref<125x128xf32, #tpu.memory_space<vmem>>) dst(%dma_wait3A_126 : memref<10112x128xf32, #tpu.memory_space<vmem_shared>>)
    %barrier3A_127 = arith.constant 0 : index
    tpu.barrier barrier_id(%barrier3A_127)
    %add3A = arith.constant 0 : i32
    %add3A_128 = arith.addi %add3A, %arg0 : i32
    "tpu.region"() ({
      %run_scoped3A_264 = tpu.sem_alloc : memref<!tpu.dma_semaphore, #tpu.memory_space<semaphore_mem>>
      %dma_start3A_265 = arith.constant 0 : i32
      %dma_start3A_266 = tpu.memref_slice %arg6[%add3A_128, %mul3A_0, %dma_start3A_265] : memref<4x10112x128xf32, #tpu.memory_space<hbm>> -> memref<1x632x128xf32, #tpu.memory_space<hbm>>
      %dma_start3A_267 = tpu.memref_squeeze %dma_start3A_266 : memref<1x632x128xf32, #tpu.memory_space<hbm>> -> memref<632x128xf32, #tpu.memory_space<hbm>>
      %dma_start3A_268 = arith.constant 0 : i32
      %dma_start3A_269 = tpu.memref_slice %arg7[%mul3A_0, %dma_start3A_268] : memref<10112x128xf32, #tpu.memory_space<vmem_shared>> -> memref<632x128xf32, #tpu.memory_space<vmem_shared>>
      tpu.enqueue_dma source(%dma_start3A_269 : memref<632x128xf32, #tpu.memory_space<vmem_shared>>) target(%dma_start3A_267 : memref<632x128xf32, #tpu.memory_space<hbm>>) target_semaphore(%run_scoped3A_264 : memref<!tpu.dma_semaphore, #tpu.memory_space<semaphore_mem>>)
      %dma_wait3A_270 = arith.constant 0 : i32
      %dma_wait3A_271 = tpu.memref_slice %arg6[%add3A_128, %mul3A_0, %dma_wait3A_270] : memref<4x10112x128xf32, #tpu.memory_space<hbm>> -> memref<1x632x128xf32, #tpu.memory_space<hbm>>
      %dma_wait3A_272 = tpu.memref_squeeze %dma_wait3A_271 : memref<1x632x128xf32, #tpu.memory_space<hbm>> -> memref<632x128xf32, #tpu.memory_space<hbm>>
      %dma_wait3A_273 = arith.constant 0 : i32
      %dma_wait3A_274 = tpu.memref_slice %arg7[%mul3A_0, %dma_wait3A_273] : memref<10112x128xf32, #tpu.memory_space<vmem_shared>> -> memref<632x128xf32, #tpu.memory_space<vmem_shared>>
      tpu.wait_dma2 semaphore(%run_scoped3A_264 : memref<!tpu.dma_semaphore, #tpu.memory_space<semaphore_mem>>) src(%dma_wait3A_274 : memref<632x128xf32, #tpu.memory_space<vmem_shared>>) dst(%dma_wait3A_272 : memref<632x128xf32, #tpu.memory_space<hbm>>)
      tpu.yield
    }) : () -> ()
    %barrier3A_129 = arith.constant 0 : index
    tpu.barrier barrier_id(%barrier3A_129)
    "tpu.region"() ({
      %run_scoped3A_264 = tpu.sem_alloc : memref<!tpu.dma_semaphore, #tpu.memory_space<semaphore_mem>>
      %dma_start3A_265 = arith.constant 0 : i32
      %dma_start3A_266 = tpu.memref_slice %arg7[%mul3A_0, %dma_start3A_265] : memref<10112x128xf32, #tpu.memory_space<vmem_shared>> -> memref<632x128xf32, #tpu.memory_space<vmem_shared>>
      tpu.enqueue_dma source(%arg5 : memref<632x128xf32, #tpu.memory_space<hbm>>) target(%dma_start3A_266 : memref<632x128xf32, #tpu.memory_space<vmem_shared>>) target_semaphore(%run_scoped3A_264 : memref<!tpu.dma_semaphore, #tpu.memory_space<semaphore_mem>>)
      %dma_wait3A_267 = arith.constant 0 : i32
      %dma_wait3A_268 = tpu.memref_slice %arg7[%mul3A_0, %dma_wait3A_267] : memref<10112x128xf32, #tpu.memory_space<vmem_shared>> -> memref<632x128xf32, #tpu.memory_space<vmem_shared>>
      tpu.wait_dma2 semaphore(%run_scoped3A_264 : memref<!tpu.dma_semaphore, #tpu.memory_space<semaphore_mem>>) src(%arg5 : memref<632x128xf32, #tpu.memory_space<hbm>>) dst(%dma_wait3A_268 : memref<632x128xf32, #tpu.memory_space<vmem_shared>>)
      tpu.yield
    }) : () -> ()
    %barrier3A_130 = arith.constant 0 : index
    tpu.barrier barrier_id(%barrier3A_130)
    %run_scoped3A_131 = arith.constant 1 : i32
    %run_scoped3A_132 = arith.constant 0 : i32
    "tpu.region"() ({
      %run_scoped3A_264 = tpu.sem_alloc : memref<!tpu.dma_semaphore, #tpu.memory_space<semaphore_mem>>
      %dma_start3A_265 = arith.constant 0 : i32
      %dma_start3A_266 = arith.constant 0 : i32
      %dma_start3A_267 = tpu.memref_slice %arg3[%arg0, %run_scoped3A_131, %arg1, %run_scoped3A_132, %dma_start3A_265, %dma_start3A_266] : memref<2x2x16x2x40x125xi32, #tpu.memory_space<hbm>> -> memref<1x1x1x1x40x125xi32, #tpu.memory_space<hbm>>
      %dma_start3A_268 = tpu.memref_squeeze %dma_start3A_267 : memref<1x1x1x1x40x125xi32, #tpu.memory_space<hbm>> -> memref<40x125xi32, #tpu.memory_space<hbm>>
      %dma_start3A_269 = arith.constant 0 : i32
      %dma_start3A_270 = arith.constant 0 : i32
      %dma_start3A_271 = tpu.memref_slice %arg3[%arg0, %run_scoped3A_131, %arg1, %run_scoped3A_132, %dma_start3A_269, %dma_start3A_270] : memref<2x2x16x2x40x125xi32, #tpu.memory_space<hbm>> -> memref<1x1x1x1x40x125xi32, #tpu.memory_space<hbm>>
      %dma_start3A_272 = tpu.memref_squeeze %dma_start3A_271 : memref<1x1x1x1x40x125xi32, #tpu.memory_space<hbm>> -> memref<40x125xi32, #tpu.memory_space<hbm>>
      tpu.enqueue_dma source(%dma_start3A_272 : memref<40x125xi32, #tpu.memory_space<hbm>>) target(%arg8 : memref<40x125xi32, #tpu.memory_space<vmem>>) target_semaphore(%run_scoped3A_264 : memref<!tpu.dma_semaphore, #tpu.memory_space<semaphore_mem>>)
      %dma_wait3A_273 = arith.constant 0 : i32
      %dma_wait3A_274 = arith.constant 0 : i32
      %dma_wait3A_275 = tpu.memref_slice %arg3[%arg0, %run_scoped3A_131, %arg1, %run_scoped3A_132, %dma_wait3A_273, %dma_wait3A_274] : memref<2x2x16x2x40x125xi32, #tpu.memory_space<hbm>> -> memref<1x1x1x1x40x125xi32, #tpu.memory_space<hbm>>
      %dma_wait3A_276 = tpu.memref_squeeze %dma_wait3A_275 : memref<1x1x1x1x40x125xi32, #tpu.memory_space<hbm>> -> memref<40x125xi32, #tpu.memory_space<hbm>>
      %dma_wait3A_277 = arith.constant 0 : i32
      %dma_wait3A_278 = arith.constant 0 : i32
      %dma_wait3A_279 = tpu.memref_slice %arg3[%arg0, %run_scoped3A_131, %arg1, %run_scoped3A_132, %dma_wait3A_277, %dma_wait3A_278] : memref<2x2x16x2x40x125xi32, #tpu.memory_space<hbm>> -> memref<1x1x1x1x40x125xi32, #tpu.memory_space<hbm>>
      %dma_wait3A_280 = tpu.memref_squeeze %dma_wait3A_279 : memref<1x1x1x1x40x125xi32, #tpu.memory_space<hbm>> -> memref<40x125xi32, #tpu.memory_space<hbm>>
      tpu.wait_dma2 semaphore(%run_scoped3A_264 : memref<!tpu.dma_semaphore, #tpu.memory_space<semaphore_mem>>) src(%dma_wait3A_280 : memref<40x125xi32, #tpu.memory_space<hbm>>) dst(%arg8 : memref<40x125xi32, #tpu.memory_space<vmem>>)
      tpu.yield
    }) : () -> ()
    %run_scoped3A_133 = arith.constant 0 : i32
    "tpu.region"() ({
      %run_scoped3A_264 = tpu.sem_alloc : memref<!tpu.dma_semaphore, #tpu.memory_space<semaphore_mem>>
      %dma_start3A_265 = arith.constant 0 : i32
      %dma_start3A_266 = arith.constant 0 : i32
      %dma_start3A_267 = tpu.memref_slice %arg4[%arg1, %run_scoped3A_133, %dma_start3A_265, %dma_start3A_266] : memref<16x2x40x125xi32, #tpu.memory_space<hbm>> -> memref<1x1x40x125xi32, #tpu.memory_space<hbm>>
      %dma_start3A_268 = tpu.memref_squeeze %dma_start3A_267 : memref<1x1x40x125xi32, #tpu.memory_space<hbm>> -> memref<40x125xi32, #tpu.memory_space<hbm>>
      %dma_start3A_269 = arith.constant 0 : i32
      %dma_start3A_270 = arith.constant 0 : i32
      %dma_start3A_271 = tpu.memref_slice %arg4[%arg1, %run_scoped3A_133, %dma_start3A_269, %dma_start3A_270] : memref<16x2x40x125xi32, #tpu.memory_space<hbm>> -> memref<1x1x40x125xi32, #tpu.memory_space<hbm>>
      %dma_start3A_272 = tpu.memref_squeeze %dma_start3A_271 : memref<1x1x40x125xi32, #tpu.memory_space<hbm>> -> memref<40x125xi32, #tpu.memory_space<hbm>>
      tpu.enqueue_dma source(%dma_start3A_272 : memref<40x125xi32, #tpu.memory_space<hbm>>) target(%arg9 : memref<40x125xi32, #tpu.memory_space<vmem>>) target_semaphore(%run_scoped3A_264 : memref<!tpu.dma_semaphore, #tpu.memory_space<semaphore_mem>>)
      %dma_wait3A_273 = arith.constant 0 : i32
      %dma_wait3A_274 = arith.constant 0 : i32
      %dma_wait3A_275 = tpu.memref_slice %arg4[%arg1, %run_scoped3A_133, %dma_wait3A_273, %dma_wait3A_274] : memref<16x2x40x125xi32, #tpu.memory_space<hbm>> -> memref<1x1x40x125xi32, #tpu.memory_space<hbm>>
      %dma_wait3A_276 = tpu.memref_squeeze %dma_wait3A_275 : memref<1x1x40x125xi32, #tpu.memory_space<hbm>> -> memref<40x125xi32, #tpu.memory_space<hbm>>
      %dma_wait3A_277 = arith.constant 0 : i32
      %dma_wait3A_278 = arith.constant 0 : i32
      %dma_wait3A_279 = tpu.memref_slice %arg4[%arg1, %run_scoped3A_133, %dma_wait3A_277, %dma_wait3A_278] : memref<16x2x40x125xi32, #tpu.memory_space<hbm>> -> memref<1x1x40x125xi32, #tpu.memory_space<hbm>>
      %dma_wait3A_280 = tpu.memref_squeeze %dma_wait3A_279 : memref<1x1x40x125xi32, #tpu.memory_space<hbm>> -> memref<40x125xi32, #tpu.memory_space<hbm>>
      tpu.wait_dma2 semaphore(%run_scoped3A_264 : memref<!tpu.dma_semaphore, #tpu.memory_space<semaphore_mem>>) src(%dma_wait3A_280 : memref<40x125xi32, #tpu.memory_space<hbm>>) dst(%arg9 : memref<40x125xi32, #tpu.memory_space<vmem>>)
      tpu.yield
    }) : () -> ()
    %dma_start3A_134 = arith.constant 0 : i32
    %dma_start3A_135 = arith.constant 0 : i32
    %dma_start3A_136 = tpu.memref_slice %arg8[%dma_start3A_134, %dma_start3A_135] : memref<40x125xi32, #tpu.memory_space<vmem>> -> memref<1x125xi32, #tpu.memory_space<vmem>>
    %dma_start3A_137 = tpu.memref_squeeze %dma_start3A_136 : memref<1x125xi32, #tpu.memory_space<vmem>> -> memref<125xi32, #tpu.memory_space<vmem>>
    %dma_start3A_138 = arith.constant 0 : i32
    %dma_start3A_139 = arith.constant 0 : i32
    %dma_start3A_140 = tpu.memref_slice %arg2[%dma_start3A_138, %dma_start3A_139] : memref<40000x128xf32, #tpu.memory_space<hbm>> -> memref<40000x128xf32, #tpu.memory_space<hbm>>
    tpu.enqueue_indirect_dma source(%dma_start3A_140 : memref<40000x128xf32, #tpu.memory_space<hbm>>) target(%arg10 : memref<125x128xf32, #tpu.memory_space<vmem>>) offsets(%dma_start3A_137 : memref<125xi32, #tpu.memory_space<vmem>>) semaphore(%arg12 : memref<!tpu.dma_semaphore, #tpu.memory_space<semaphore_mem>>)
    %dma_wait3A_141 = arith.constant 0 : i32
    %dma_wait3A_142 = arith.constant 0 : i32
    %dma_wait3A_143 = tpu.memref_slice %arg8[%dma_wait3A_141, %dma_wait3A_142] : memref<40x125xi32, #tpu.memory_space<vmem>> -> memref<1x125xi32, #tpu.memory_space<vmem>>
    %dma_wait3A_144 = tpu.memref_squeeze %dma_wait3A_143 : memref<1x125xi32, #tpu.memory_space<vmem>> -> memref<125xi32, #tpu.memory_space<vmem>>
    %dma_wait3A_145 = arith.constant 0 : i32
    %dma_wait3A_146 = arith.constant 0 : i32
    %dma_wait3A_147 = tpu.memref_slice %arg2[%dma_wait3A_145, %dma_wait3A_146] : memref<40000x128xf32, #tpu.memory_space<hbm>> -> memref<40000x128xf32, #tpu.memory_space<hbm>>
    tpu.wait_indirect_dma semaphore(%arg12 : memref<!tpu.dma_semaphore, #tpu.memory_space<semaphore_mem>>) src(%dma_wait3A_147 : memref<40000x128xf32, #tpu.memory_space<hbm>>) dst(%arg10 : memref<125x128xf32, #tpu.memory_space<vmem>>)
    %dma_start3A_148 = arith.constant 0 : i32
    %dma_start3A_149 = arith.constant 0 : i32
    %dma_start3A_150 = tpu.memref_slice %arg9[%dma_start3A_148, %dma_start3A_149] : memref<40x125xi32, #tpu.memory_space<vmem>> -> memref<1x125xi32, #tpu.memory_space<vmem>>
    %dma_start3A_151 = tpu.memref_squeeze %dma_start3A_150 : memref<1x125xi32, #tpu.memory_space<vmem>> -> memref<125xi32, #tpu.memory_space<vmem>>
    %dma_start3A_152 = arith.constant 0 : i32
    %dma_start3A_153 = arith.constant 0 : i32
    %dma_start3A_154 = tpu.memref_slice %arg7[%dma_start3A_152, %dma_start3A_153] : memref<10112x128xf32, #tpu.memory_space<vmem_shared>> -> memref<10112x128xf32, #tpu.memory_space<vmem_shared>>
    tpu.enqueue_indirect_dma source(%arg10 : memref<125x128xf32, #tpu.memory_space<vmem>>) target(%dma_start3A_154 : memref<10112x128xf32, #tpu.memory_space<vmem_shared>>) offsets(%dma_start3A_151 : memref<125xi32, #tpu.memory_space<vmem>>) semaphore(%arg13 : memref<!tpu.dma_semaphore, #tpu.memory_space<semaphore_mem>>) {add = true}
    %dma_start3A_155 = arith.constant 1 : i32
    %dma_start3A_156 = arith.constant 0 : i32
    %dma_start3A_157 = tpu.memref_slice %arg8[%dma_start3A_155, %dma_start3A_156] : memref<40x125xi32, #tpu.memory_space<vmem>> -> memref<1x125xi32, #tpu.memory_space<vmem>>
    %dma_start3A_158 = tpu.memref_squeeze %dma_start3A_157 : memref<1x125xi32, #tpu.memory_space<vmem>> -> memref<125xi32, #tpu.memory_space<vmem>>
    %dma_start3A_159 = arith.constant 0 : i32
    %dma_start3A_160 = arith.constant 0 : i32
    %dma_start3A_161 = tpu.memref_slice %arg2[%dma_start3A_159, %dma_start3A_160] : memref<40000x128xf32, #tpu.memory_space<hbm>> -> memref<40000x128xf32, #tpu.memory_space<hbm>>
    tpu.enqueue_indirect_dma source(%dma_start3A_161 : memref<40000x128xf32, #tpu.memory_space<hbm>>) target(%arg11 : memref<125x128xf32, #tpu.memory_space<vmem>>) offsets(%dma_start3A_158 : memref<125xi32, #tpu.memory_space<vmem>>) semaphore(%arg12 : memref<!tpu.dma_semaphore, #tpu.memory_space<semaphore_mem>>)
    %dma_wait3A_162 = arith.constant 1 : i32
    %dma_wait3A_163 = arith.constant 0 : i32
    %dma_wait3A_164 = tpu.memref_slice %arg8[%dma_wait3A_162, %dma_wait3A_163] : memref<40x125xi32, #tpu.memory_space<vmem>> -> memref<1x125xi32, #tpu.memory_space<vmem>>
    %dma_wait3A_165 = tpu.memref_squeeze %dma_wait3A_164 : memref<1x125xi32, #tpu.memory_space<vmem>> -> memref<125xi32, #tpu.memory_space<vmem>>
    %dma_wait3A_166 = arith.constant 0 : i32
    %dma_wait3A_167 = arith.constant 0 : i32
    %dma_wait3A_168 = tpu.memref_slice %arg2[%dma_wait3A_166, %dma_wait3A_167] : memref<40000x128xf32, #tpu.memory_space<hbm>> -> memref<40000x128xf32, #tpu.memory_space<hbm>>
    tpu.wait_indirect_dma semaphore(%arg12 : memref<!tpu.dma_semaphore, #tpu.memory_space<semaphore_mem>>) src(%dma_wait3A_168 : memref<40000x128xf32, #tpu.memory_space<hbm>>) dst(%arg11 : memref<125x128xf32, #tpu.memory_space<vmem>>)
    %dma_start3A_169 = arith.constant 1 : i32
    %dma_start3A_170 = arith.constant 0 : i32
    %dma_start3A_171 = tpu.memref_slice %arg9[%dma_start3A_169, %dma_start3A_170] : memref<40x125xi32, #tpu.memory_space<vmem>> -> memref<1x125xi32, #tpu.memory_space<vmem>>
    %dma_start3A_172 = tpu.memref_squeeze %dma_start3A_171 : memref<1x125xi32, #tpu.memory_space<vmem>> -> memref<125xi32, #tpu.memory_space<vmem>>
    %dma_start3A_173 = arith.constant 0 : i32
    %dma_start3A_174 = arith.constant 0 : i32
    %dma_start3A_175 = tpu.memref_slice %arg7[%dma_start3A_173, %dma_start3A_174] : memref<10112x128xf32, #tpu.memory_space<vmem_shared>> -> memref<10112x128xf32, #tpu.memory_space<vmem_shared>>
    tpu.enqueue_indirect_dma source(%arg11 : memref<125x128xf32, #tpu.memory_space<vmem>>) target(%dma_start3A_175 : memref<10112x128xf32, #tpu.memory_space<vmem_shared>>) offsets(%dma_start3A_172 : memref<125xi32, #tpu.memory_space<vmem>>) semaphore(%arg13 : memref<!tpu.dma_semaphore, #tpu.memory_space<semaphore_mem>>) {add = true}
    %scan3A_176 = arith.constant 0 : i32
    %scan3A_177 = arith.constant 1 : i32
    %scan3A_178 = arith.constant 19 : i32
    %scan3A_179 = arith.addi %scan3A_177, %scan3A_178 : i32
    %scan3A_180 = arith.constant 1 : i32
    scf.for %scan3A_264 = %scan3A_177 to %scan3A_179 step %scan3A_180  : i32 {
      %mul3A_265 = arith.constant 2 : i32
      %mul3A_266 = arith.muli %mul3A_265, %scan3A_264 : i32
      %sub3A = arith.constant 2 : i32
      %sub3A_267 = arith.subi %mul3A_266, %sub3A : i32
      %dma_wait3A_268 = arith.constant 0 : i32
      %dma_wait3A_269 = tpu.memref_slice %arg9[%sub3A_267, %dma_wait3A_268] : memref<40x125xi32, #tpu.memory_space<vmem>> -> memref<1x125xi32, #tpu.memory_space<vmem>>
      %dma_wait3A_270 = tpu.memref_squeeze %dma_wait3A_269 : memref<1x125xi32, #tpu.memory_space<vmem>> -> memref<125xi32, #tpu.memory_space<vmem>>
      %dma_wait3A_271 = arith.constant 0 : i32
      %dma_wait3A_272 = arith.constant 0 : i32
      %dma_wait3A_273 = tpu.memref_slice %arg7[%dma_wait3A_271, %dma_wait3A_272] : memref<10112x128xf32, #tpu.memory_space<vmem_shared>> -> memref<10112x128xf32, #tpu.memory_space<vmem_shared>>
      tpu.wait_indirect_dma semaphore(%arg13 : memref<!tpu.dma_semaphore, #tpu.memory_space<semaphore_mem>>) src(%arg10 : memref<125x128xf32, #tpu.memory_space<vmem>>) dst(%dma_wait3A_273 : memref<10112x128xf32, #tpu.memory_space<vmem_shared>>)
      %dma_start3A_274 = arith.constant 0 : i32
      %dma_start3A_275 = tpu.memref_slice %arg8[%mul3A_266, %dma_start3A_274] : memref<40x125xi32, #tpu.memory_space<vmem>> -> memref<1x125xi32, #tpu.memory_space<vmem>>
      %dma_start3A_276 = tpu.memref_squeeze %dma_start3A_275 : memref<1x125xi32, #tpu.memory_space<vmem>> -> memref<125xi32, #tpu.memory_space<vmem>>
      %dma_start3A_277 = arith.constant 0 : i32
      %dma_start3A_278 = arith.constant 0 : i32
      %dma_start3A_279 = tpu.memref_slice %arg2[%dma_start3A_277, %dma_start3A_278] : memref<40000x128xf32, #tpu.memory_space<hbm>> -> memref<40000x128xf32, #tpu.memory_space<hbm>>
      tpu.enqueue_indirect_dma source(%dma_start3A_279 : memref<40000x128xf32, #tpu.memory_space<hbm>>) target(%arg10 : memref<125x128xf32, #tpu.memory_space<vmem>>) offsets(%dma_start3A_276 : memref<125xi32, #tpu.memory_space<vmem>>) semaphore(%arg12 : memref<!tpu.dma_semaphore, #tpu.memory_space<semaphore_mem>>)
      %dma_wait3A_280 = arith.constant 0 : i32
      %dma_wait3A_281 = tpu.memref_slice %arg8[%mul3A_266, %dma_wait3A_280] : memref<40x125xi32, #tpu.memory_space<vmem>> -> memref<1x125xi32, #tpu.memory_space<vmem>>
      %dma_wait3A_282 = tpu.memref_squeeze %dma_wait3A_281 : memref<1x125xi32, #tpu.memory_space<vmem>> -> memref<125xi32, #tpu.memory_space<vmem>>
      %dma_wait3A_283 = arith.constant 0 : i32
      %dma_wait3A_284 = arith.constant 0 : i32
      %dma_wait3A_285 = tpu.memref_slice %arg2[%dma_wait3A_283, %dma_wait3A_284] : memref<40000x128xf32, #tpu.memory_space<hbm>> -> memref<40000x128xf32, #tpu.memory_space<hbm>>
      tpu.wait_indirect_dma semaphore(%arg12 : memref<!tpu.dma_semaphore, #tpu.memory_space<semaphore_mem>>) src(%dma_wait3A_285 : memref<40000x128xf32, #tpu.memory_space<hbm>>) dst(%arg10 : memref<125x128xf32, #tpu.memory_space<vmem>>)
      %dma_start3A_286 = arith.constant 0 : i32
      %dma_start3A_287 = tpu.memref_slice %arg9[%mul3A_266, %dma_start3A_286] : memref<40x125xi32, #tpu.memory_space<vmem>> -> memref<1x125xi32, #tpu.memory_space<vmem>>
      %dma_start3A_288 = tpu.memref_squeeze %dma_start3A_287 : memref<1x125xi32, #tpu.memory_space<vmem>> -> memref<125xi32, #tpu.memory_space<vmem>>
      %dma_start3A_289 = arith.constant 0 : i32
      %dma_start3A_290 = arith.constant 0 : i32
      %dma_start3A_291 = tpu.memref_slice %arg7[%dma_start3A_289, %dma_start3A_290] : memref<10112x128xf32, #tpu.memory_space<vmem_shared>> -> memref<10112x128xf32, #tpu.memory_space<vmem_shared>>
      tpu.enqueue_indirect_dma source(%arg10 : memref<125x128xf32, #tpu.memory_space<vmem>>) target(%dma_start3A_291 : memref<10112x128xf32, #tpu.memory_space<vmem_shared>>) offsets(%dma_start3A_288 : memref<125xi32, #tpu.memory_space<vmem>>) semaphore(%arg13 : memref<!tpu.dma_semaphore, #tpu.memory_space<semaphore_mem>>) {add = true}
      %sub3A_292 = arith.constant 1 : i32
      %sub3A_293 = arith.subi %mul3A_266, %sub3A_292 : i32
      %dma_wait3A_294 = arith.constant 0 : i32
      %dma_wait3A_295 = tpu.memref_slice %arg9[%sub3A_293, %dma_wait3A_294] : memref<40x125xi32, #tpu.memory_space<vmem>> -> memref<1x125xi32, #tpu.memory_space<vmem>>
      %dma_wait3A_296 = tpu.memref_squeeze %dma_wait3A_295 : memref<1x125xi32, #tpu.memory_space<vmem>> -> memref<125xi32, #tpu.memory_space<vmem>>
      %dma_wait3A_297 = arith.constant 0 : i32
      %dma_wait3A_298 = arith.constant 0 : i32
      %dma_wait3A_299 = tpu.memref_slice %arg7[%dma_wait3A_297, %dma_wait3A_298] : memref<10112x128xf32, #tpu.memory_space<vmem_shared>> -> memref<10112x128xf32, #tpu.memory_space<vmem_shared>>
      tpu.wait_indirect_dma semaphore(%arg13 : memref<!tpu.dma_semaphore, #tpu.memory_space<semaphore_mem>>) src(%arg11 : memref<125x128xf32, #tpu.memory_space<vmem>>) dst(%dma_wait3A_299 : memref<10112x128xf32, #tpu.memory_space<vmem_shared>>)
      %add3A_300 = arith.constant 1 : i32
      %add3A_301 = arith.addi %mul3A_266, %add3A_300 : i32
      %dma_start3A_302 = arith.constant 0 : i32
      %dma_start3A_303 = tpu.memref_slice %arg8[%add3A_301, %dma_start3A_302] : memref<40x125xi32, #tpu.memory_space<vmem>> -> memref<1x125xi32, #tpu.memory_space<vmem>>
      %dma_start3A_304 = tpu.memref_squeeze %dma_start3A_303 : memref<1x125xi32, #tpu.memory_space<vmem>> -> memref<125xi32, #tpu.memory_space<vmem>>
      %dma_start3A_305 = arith.constant 0 : i32
      %dma_start3A_306 = arith.constant 0 : i32
      %dma_start3A_307 = tpu.memref_slice %arg2[%dma_start3A_305, %dma_start3A_306] : memref<40000x128xf32, #tpu.memory_space<hbm>> -> memref<40000x128xf32, #tpu.memory_space<hbm>>
      tpu.enqueue_indirect_dma source(%dma_start3A_307 : memref<40000x128xf32, #tpu.memory_space<hbm>>) target(%arg11 : memref<125x128xf32, #tpu.memory_space<vmem>>) offsets(%dma_start3A_304 : memref<125xi32, #tpu.memory_space<vmem>>) semaphore(%arg12 : memref<!tpu.dma_semaphore, #tpu.memory_space<semaphore_mem>>)
      %add3A_308 = arith.constant 1 : i32
      %add3A_309 = arith.addi %mul3A_266, %add3A_308 : i32
      %dma_wait3A_310 = arith.constant 0 : i32
      %dma_wait3A_311 = tpu.memref_slice %arg8[%add3A_309, %dma_wait3A_310] : memref<40x125xi32, #tpu.memory_space<vmem>> -> memref<1x125xi32, #tpu.memory_space<vmem>>
      %dma_wait3A_312 = tpu.memref_squeeze %dma_wait3A_311 : memref<1x125xi32, #tpu.memory_space<vmem>> -> memref<125xi32, #tpu.memory_space<vmem>>
      %dma_wait3A_313 = arith.constant 0 : i32
      %dma_wait3A_314 = arith.constant 0 : i32
      %dma_wait3A_315 = tpu.memref_slice %arg2[%dma_wait3A_313, %dma_wait3A_314] : memref<40000x128xf32, #tpu.memory_space<hbm>> -> memref<40000x128xf32, #tpu.memory_space<hbm>>
      tpu.wait_indirect_dma semaphore(%arg12 : memref<!tpu.dma_semaphore, #tpu.memory_space<semaphore_mem>>) src(%dma_wait3A_315 : memref<40000x128xf32, #tpu.memory_space<hbm>>) dst(%arg11 : memref<125x128xf32, #tpu.memory_space<vmem>>)
      %add3A_316 = arith.constant 1 : i32
      %add3A_317 = arith.addi %mul3A_266, %add3A_316 : i32
      %dma_start3A_318 = arith.constant 0 : i32
      %dma_start3A_319 = tpu.memref_slice %arg9[%add3A_317, %dma_start3A_318] : memref<40x125xi32, #tpu.memory_space<vmem>> -> memref<1x125xi32, #tpu.memory_space<vmem>>
      %dma_start3A_320 = tpu.memref_squeeze %dma_start3A_319 : memref<1x125xi32, #tpu.memory_space<vmem>> -> memref<125xi32, #tpu.memory_space<vmem>>
      %dma_start3A_321 = arith.constant 0 : i32
      %dma_start3A_322 = arith.constant 0 : i32
      %dma_start3A_323 = tpu.memref_slice %arg7[%dma_start3A_321, %dma_start3A_322] : memref<10112x128xf32, #tpu.memory_space<vmem_shared>> -> memref<10112x128xf32, #tpu.memory_space<vmem_shared>>
      tpu.enqueue_indirect_dma source(%arg11 : memref<125x128xf32, #tpu.memory_space<vmem>>) target(%dma_start3A_323 : memref<10112x128xf32, #tpu.memory_space<vmem_shared>>) offsets(%dma_start3A_320 : memref<125xi32, #tpu.memory_space<vmem>>) semaphore(%arg13 : memref<!tpu.dma_semaphore, #tpu.memory_space<semaphore_mem>>) {add = true}
    }
    %scan3A_181 = arith.constant 19 : i32
    %dma_wait3A_182 = arith.constant 38 : i32
    %dma_wait3A_183 = arith.constant 0 : i32
    %dma_wait3A_184 = tpu.memref_slice %arg9[%dma_wait3A_182, %dma_wait3A_183] : memref<40x125xi32, #tpu.memory_space<vmem>> -> memref<1x125xi32, #tpu.memory_space<vmem>>
    %dma_wait3A_185 = tpu.memref_squeeze %dma_wait3A_184 : memref<1x125xi32, #tpu.memory_space<vmem>> -> memref<125xi32, #tpu.memory_space<vmem>>
    %dma_wait3A_186 = arith.constant 0 : i32
    %dma_wait3A_187 = arith.constant 0 : i32
    %dma_wait3A_188 = tpu.memref_slice %arg7[%dma_wait3A_186, %dma_wait3A_187] : memref<10112x128xf32, #tpu.memory_space<vmem_shared>> -> memref<10112x128xf32, #tpu.memory_space<vmem_shared>>
    tpu.wait_indirect_dma semaphore(%arg13 : memref<!tpu.dma_semaphore, #tpu.memory_space<semaphore_mem>>) src(%arg10 : memref<125x128xf32, #tpu.memory_space<vmem>>) dst(%dma_wait3A_188 : memref<10112x128xf32, #tpu.memory_space<vmem_shared>>)
    %dma_wait3A_189 = arith.constant 39 : i32
    %dma_wait3A_190 = arith.constant 0 : i32
    %dma_wait3A_191 = tpu.memref_slice %arg9[%dma_wait3A_189, %dma_wait3A_190] : memref<40x125xi32, #tpu.memory_space<vmem>> -> memref<1x125xi32, #tpu.memory_space<vmem>>
    %dma_wait3A_192 = tpu.memref_squeeze %dma_wait3A_191 : memref<1x125xi32, #tpu.memory_space<vmem>> -> memref<125xi32, #tpu.memory_space<vmem>>
    %dma_wait3A_193 = arith.constant 0 : i32
    %dma_wait3A_194 = arith.constant 0 : i32
    %dma_wait3A_195 = tpu.memref_slice %arg7[%dma_wait3A_193, %dma_wait3A_194] : memref<10112x128xf32, #tpu.memory_space<vmem_shared>> -> memref<10112x128xf32, #tpu.memory_space<vmem_shared>>
    tpu.wait_indirect_dma semaphore(%arg13 : memref<!tpu.dma_semaphore, #tpu.memory_space<semaphore_mem>>) src(%arg11 : memref<125x128xf32, #tpu.memory_space<vmem>>) dst(%dma_wait3A_195 : memref<10112x128xf32, #tpu.memory_space<vmem_shared>>)
    %run_scoped3A_196 = arith.constant 1 : i32
    %run_scoped3A_197 = arith.constant 1 : i32
    "tpu.region"() ({
      %run_scoped3A_264 = tpu.sem_alloc : memref<!tpu.dma_semaphore, #tpu.memory_space<semaphore_mem>>
      %dma_start3A_265 = arith.constant 0 : i32
      %dma_start3A_266 = arith.constant 0 : i32
      %dma_start3A_267 = tpu.memref_slice %arg3[%arg0, %run_scoped3A_196, %arg1, %run_scoped3A_197, %dma_start3A_265, %dma_start3A_266] : memref<2x2x16x2x40x125xi32, #tpu.memory_space<hbm>> -> memref<1x1x1x1x40x125xi32, #tpu.memory_space<hbm>>
      %dma_start3A_268 = tpu.memref_squeeze %dma_start3A_267 : memref<1x1x1x1x40x125xi32, #tpu.memory_space<hbm>> -> memref<40x125xi32, #tpu.memory_space<hbm>>
      %dma_start3A_269 = arith.constant 0 : i32
      %dma_start3A_270 = arith.constant 0 : i32
      %dma_start3A_271 = tpu.memref_slice %arg3[%arg0, %run_scoped3A_196, %arg1, %run_scoped3A_197, %dma_start3A_269, %dma_start3A_270] : memref<2x2x16x2x40x125xi32, #tpu.memory_space<hbm>> -> memref<1x1x1x1x40x125xi32, #tpu.memory_space<hbm>>
      %dma_start3A_272 = tpu.memref_squeeze %dma_start3A_271 : memref<1x1x1x1x40x125xi32, #tpu.memory_space<hbm>> -> memref<40x125xi32, #tpu.memory_space<hbm>>
      tpu.enqueue_dma source(%dma_start3A_272 : memref<40x125xi32, #tpu.memory_space<hbm>>) target(%arg8 : memref<40x125xi32, #tpu.memory_space<vmem>>) target_semaphore(%run_scoped3A_264 : memref<!tpu.dma_semaphore, #tpu.memory_space<semaphore_mem>>)
      %dma_wait3A_273 = arith.constant 0 : i32
      %dma_wait3A_274 = arith.constant 0 : i32
      %dma_wait3A_275 = tpu.memref_slice %arg3[%arg0, %run_scoped3A_196, %arg1, %run_scoped3A_197, %dma_wait3A_273, %dma_wait3A_274] : memref<2x2x16x2x40x125xi32, #tpu.memory_space<hbm>> -> memref<1x1x1x1x40x125xi32, #tpu.memory_space<hbm>>
      %dma_wait3A_276 = tpu.memref_squeeze %dma_wait3A_275 : memref<1x1x1x1x40x125xi32, #tpu.memory_space<hbm>> -> memref<40x125xi32, #tpu.memory_space<hbm>>
      %dma_wait3A_277 = arith.constant 0 : i32
      %dma_wait3A_278 = arith.constant 0 : i32
      %dma_wait3A_279 = tpu.memref_slice %arg3[%arg0, %run_scoped3A_196, %arg1, %run_scoped3A_197, %dma_wait3A_277, %dma_wait3A_278] : memref<2x2x16x2x40x125xi32, #tpu.memory_space<hbm>> -> memref<1x1x1x1x40x125xi32, #tpu.memory_space<hbm>>
      %dma_wait3A_280 = tpu.memref_squeeze %dma_wait3A_279 : memref<1x1x1x1x40x125xi32, #tpu.memory_space<hbm>> -> memref<40x125xi32, #tpu.memory_space<hbm>>
      tpu.wait_dma2 semaphore(%run_scoped3A_264 : memref<!tpu.dma_semaphore, #tpu.memory_space<semaphore_mem>>) src(%dma_wait3A_280 : memref<40x125xi32, #tpu.memory_space<hbm>>) dst(%arg8 : memref<40x125xi32, #tpu.memory_space<vmem>>)
      tpu.yield
    }) : () -> ()
    %run_scoped3A_198 = arith.constant 1 : i32
    "tpu.region"() ({
      %run_scoped3A_264 = tpu.sem_alloc : memref<!tpu.dma_semaphore, #tpu.memory_space<semaphore_mem>>
      %dma_start3A_265 = arith.constant 0 : i32
      %dma_start3A_266 = arith.constant 0 : i32
      %dma_start3A_267 = tpu.memref_slice %arg4[%arg1, %run_scoped3A_198, %dma_start3A_265, %dma_start3A_266] : memref<16x2x40x125xi32, #tpu.memory_space<hbm>> -> memref<1x1x40x125xi32, #tpu.memory_space<hbm>>
      %dma_start3A_268 = tpu.memref_squeeze %dma_start3A_267 : memref<1x1x40x125xi32, #tpu.memory_space<hbm>> -> memref<40x125xi32, #tpu.memory_space<hbm>>
      %dma_start3A_269 = arith.constant 0 : i32
      %dma_start3A_270 = arith.constant 0 : i32
      %dma_start3A_271 = tpu.memref_slice %arg4[%arg1, %run_scoped3A_198, %dma_start3A_269, %dma_start3A_270] : memref<16x2x40x125xi32, #tpu.memory_space<hbm>> -> memref<1x1x40x125xi32, #tpu.memory_space<hbm>>
      %dma_start3A_272 = tpu.memref_squeeze %dma_start3A_271 : memref<1x1x40x125xi32, #tpu.memory_space<hbm>> -> memref<40x125xi32, #tpu.memory_space<hbm>>
      tpu.enqueue_dma source(%dma_start3A_272 : memref<40x125xi32, #tpu.memory_space<hbm>>) target(%arg9 : memref<40x125xi32, #tpu.memory_space<vmem>>) target_semaphore(%run_scoped3A_264 : memref<!tpu.dma_semaphore, #tpu.memory_space<semaphore_mem>>)
      %dma_wait3A_273 = arith.constant 0 : i32
      %dma_wait3A_274 = arith.constant 0 : i32
      %dma_wait3A_275 = tpu.memref_slice %arg4[%arg1, %run_scoped3A_198, %dma_wait3A_273, %dma_wait3A_274] : memref<16x2x40x125xi32, #tpu.memory_space<hbm>> -> memref<1x1x40x125xi32, #tpu.memory_space<hbm>>
      %dma_wait3A_276 = tpu.memref_squeeze %dma_wait3A_275 : memref<1x1x40x125xi32, #tpu.memory_space<hbm>> -> memref<40x125xi32, #tpu.memory_space<hbm>>
      %dma_wait3A_277 = arith.constant 0 : i32
      %dma_wait3A_278 = arith.constant 0 : i32
      %dma_wait3A_279 = tpu.memref_slice %arg4[%arg1, %run_scoped3A_198, %dma_wait3A_277, %dma_wait3A_278] : memref<16x2x40x125xi32, #tpu.memory_space<hbm>> -> memref<1x1x40x125xi32, #tpu.memory_space<hbm>>
      %dma_wait3A_280 = tpu.memref_squeeze %dma_wait3A_279 : memref<1x1x40x125xi32, #tpu.memory_space<hbm>> -> memref<40x125xi32, #tpu.memory_space<hbm>>
      tpu.wait_dma2 semaphore(%run_scoped3A_264 : memref<!tpu.dma_semaphore, #tpu.memory_space<semaphore_mem>>) src(%dma_wait3A_280 : memref<40x125xi32, #tpu.memory_space<hbm>>) dst(%arg9 : memref<40x125xi32, #tpu.memory_space<vmem>>)
      tpu.yield
    }) : () -> ()
    %dma_start3A_199 = arith.constant 0 : i32
    %dma_start3A_200 = arith.constant 0 : i32
    %dma_start3A_201 = tpu.memref_slice %arg8[%dma_start3A_199, %dma_start3A_200] : memref<40x125xi32, #tpu.memory_space<vmem>> -> memref<1x125xi32, #tpu.memory_space<vmem>>
    %dma_start3A_202 = tpu.memref_squeeze %dma_start3A_201 : memref<1x125xi32, #tpu.memory_space<vmem>> -> memref<125xi32, #tpu.memory_space<vmem>>
    %dma_start3A_203 = arith.constant 0 : i32
    %dma_start3A_204 = arith.constant 0 : i32
    %dma_start3A_205 = tpu.memref_slice %arg2[%dma_start3A_203, %dma_start3A_204] : memref<40000x128xf32, #tpu.memory_space<hbm>> -> memref<40000x128xf32, #tpu.memory_space<hbm>>
    tpu.enqueue_indirect_dma source(%dma_start3A_205 : memref<40000x128xf32, #tpu.memory_space<hbm>>) target(%arg10 : memref<125x128xf32, #tpu.memory_space<vmem>>) offsets(%dma_start3A_202 : memref<125xi32, #tpu.memory_space<vmem>>) semaphore(%arg12 : memref<!tpu.dma_semaphore, #tpu.memory_space<semaphore_mem>>)
    %dma_wait3A_206 = arith.constant 0 : i32
    %dma_wait3A_207 = arith.constant 0 : i32
    %dma_wait3A_208 = tpu.memref_slice %arg8[%dma_wait3A_206, %dma_wait3A_207] : memref<40x125xi32, #tpu.memory_space<vmem>> -> memref<1x125xi32, #tpu.memory_space<vmem>>
    %dma_wait3A_209 = tpu.memref_squeeze %dma_wait3A_208 : memref<1x125xi32, #tpu.memory_space<vmem>> -> memref<125xi32, #tpu.memory_space<vmem>>
    %dma_wait3A_210 = arith.constant 0 : i32
    %dma_wait3A_211 = arith.constant 0 : i32
    %dma_wait3A_212 = tpu.memref_slice %arg2[%dma_wait3A_210, %dma_wait3A_211] : memref<40000x128xf32, #tpu.memory_space<hbm>> -> memref<40000x128xf32, #tpu.memory_space<hbm>>
    tpu.wait_indirect_dma semaphore(%arg12 : memref<!tpu.dma_semaphore, #tpu.memory_space<semaphore_mem>>) src(%dma_wait3A_212 : memref<40000x128xf32, #tpu.memory_space<hbm>>) dst(%arg10 : memref<125x128xf32, #tpu.memory_space<vmem>>)
    %dma_start3A_213 = arith.constant 0 : i32
    %dma_start3A_214 = arith.constant 0 : i32
    %dma_start3A_215 = tpu.memref_slice %arg9[%dma_start3A_213, %dma_start3A_214] : memref<40x125xi32, #tpu.memory_space<vmem>> -> memref<1x125xi32, #tpu.memory_space<vmem>>
    %dma_start3A_216 = tpu.memref_squeeze %dma_start3A_215 : memref<1x125xi32, #tpu.memory_space<vmem>> -> memref<125xi32, #tpu.memory_space<vmem>>
    %dma_start3A_217 = arith.constant 0 : i32
    %dma_start3A_218 = arith.constant 0 : i32
    %dma_start3A_219 = tpu.memref_slice %arg7[%dma_start3A_217, %dma_start3A_218] : memref<10112x128xf32, #tpu.memory_space<vmem_shared>> -> memref<10112x128xf32, #tpu.memory_space<vmem_shared>>
    tpu.enqueue_indirect_dma source(%arg10 : memref<125x128xf32, #tpu.memory_space<vmem>>) target(%dma_start3A_219 : memref<10112x128xf32, #tpu.memory_space<vmem_shared>>) offsets(%dma_start3A_216 : memref<125xi32, #tpu.memory_space<vmem>>) semaphore(%arg13 : memref<!tpu.dma_semaphore, #tpu.memory_space<semaphore_mem>>) {add = true}
    %dma_start3A_220 = arith.constant 1 : i32
    %dma_start3A_221 = arith.constant 0 : i32
    %dma_start3A_222 = tpu.memref_slice %arg8[%dma_start3A_220, %dma_start3A_221] : memref<40x125xi32, #tpu.memory_space<vmem>> -> memref<1x125xi32, #tpu.memory_space<vmem>>
    %dma_start3A_223 = tpu.memref_squeeze %dma_start3A_222 : memref<1x125xi32, #tpu.memory_space<vmem>> -> memref<125xi32, #tpu.memory_space<vmem>>
    %dma_start3A_224 = arith.constant 0 : i32
    %dma_start3A_225 = arith.constant 0 : i32
    %dma_start3A_226 = tpu.memref_slice %arg2[%dma_start3A_224, %dma_start3A_225] : memref<40000x128xf32, #tpu.memory_space<hbm>> -> memref<40000x128xf32, #tpu.memory_space<hbm>>
    tpu.enqueue_indirect_dma source(%dma_start3A_226 : memref<40000x128xf32, #tpu.memory_space<hbm>>) target(%arg11 : memref<125x128xf32, #tpu.memory_space<vmem>>) offsets(%dma_start3A_223 : memref<125xi32, #tpu.memory_space<vmem>>) semaphore(%arg12 : memref<!tpu.dma_semaphore, #tpu.memory_space<semaphore_mem>>)
    %dma_wait3A_227 = arith.constant 1 : i32
    %dma_wait3A_228 = arith.constant 0 : i32
    %dma_wait3A_229 = tpu.memref_slice %arg8[%dma_wait3A_227, %dma_wait3A_228] : memref<40x125xi32, #tpu.memory_space<vmem>> -> memref<1x125xi32, #tpu.memory_space<vmem>>
    %dma_wait3A_230 = tpu.memref_squeeze %dma_wait3A_229 : memref<1x125xi32, #tpu.memory_space<vmem>> -> memref<125xi32, #tpu.memory_space<vmem>>
    %dma_wait3A_231 = arith.constant 0 : i32
    %dma_wait3A_232 = arith.constant 0 : i32
    %dma_wait3A_233 = tpu.memref_slice %arg2[%dma_wait3A_231, %dma_wait3A_232] : memref<40000x128xf32, #tpu.memory_space<hbm>> -> memref<40000x128xf32, #tpu.memory_space<hbm>>
    tpu.wait_indirect_dma semaphore(%arg12 : memref<!tpu.dma_semaphore, #tpu.memory_space<semaphore_mem>>) src(%dma_wait3A_233 : memref<40000x128xf32, #tpu.memory_space<hbm>>) dst(%arg11 : memref<125x128xf32, #tpu.memory_space<vmem>>)
    %dma_start3A_234 = arith.constant 1 : i32
    %dma_start3A_235 = arith.constant 0 : i32
    %dma_start3A_236 = tpu.memref_slice %arg9[%dma_start3A_234, %dma_start3A_235] : memref<40x125xi32, #tpu.memory_space<vmem>> -> memref<1x125xi32, #tpu.memory_space<vmem>>
    %dma_start3A_237 = tpu.memref_squeeze %dma_start3A_236 : memref<1x125xi32, #tpu.memory_space<vmem>> -> memref<125xi32, #tpu.memory_space<vmem>>
    %dma_start3A_238 = arith.constant 0 : i32
    %dma_start3A_239 = arith.constant 0 : i32
    %dma_start3A_240 = tpu.memref_slice %arg7[%dma_start3A_238, %dma_start3A_239] : memref<10112x128xf32, #tpu.memory_space<vmem_shared>> -> memref<10112x128xf32, #tpu.memory_space<vmem_shared>>
    tpu.enqueue_indirect_dma source(%arg11 : memref<125x128xf32, #tpu.memory_space<vmem>>) target(%dma_start3A_240 : memref<10112x128xf32, #tpu.memory_space<vmem_shared>>) offsets(%dma_start3A_237 : memref<125xi32, #tpu.memory_space<vmem>>) semaphore(%arg13 : memref<!tpu.dma_semaphore, #tpu.memory_space<semaphore_mem>>) {add = true}
    %scan3A_241 = arith.constant 0 : i32
    %scan3A_242 = arith.constant 1 : i32
    %scan3A_243 = arith.constant 19 : i32
    %scan3A_244 = arith.addi %scan3A_242, %scan3A_243 : i32
    %scan3A_245 = arith.constant 1 : i32
    scf.for %scan3A_264 = %scan3A_242 to %scan3A_244 step %scan3A_245  : i32 {
      %mul3A_265 = arith.constant 2 : i32
      %mul3A_266 = arith.muli %mul3A_265, %scan3A_264 : i32
      %sub3A = arith.constant 2 : i32
      %sub3A_267 = arith.subi %mul3A_266, %sub3A : i32
      %dma_wait3A_268 = arith.constant 0 : i32
      %dma_wait3A_269 = tpu.memref_slice %arg9[%sub3A_267, %dma_wait3A_268] : memref<40x125xi32, #tpu.memory_space<vmem>> -> memref<1x125xi32, #tpu.memory_space<vmem>>
      %dma_wait3A_270 = tpu.memref_squeeze %dma_wait3A_269 : memref<1x125xi32, #tpu.memory_space<vmem>> -> memref<125xi32, #tpu.memory_space<vmem>>
      %dma_wait3A_271 = arith.constant 0 : i32
      %dma_wait3A_272 = arith.constant 0 : i32
      %dma_wait3A_273 = tpu.memref_slice %arg7[%dma_wait3A_271, %dma_wait3A_272] : memref<10112x128xf32, #tpu.memory_space<vmem_shared>> -> memref<10112x128xf32, #tpu.memory_space<vmem_shared>>
      tpu.wait_indirect_dma semaphore(%arg13 : memref<!tpu.dma_semaphore, #tpu.memory_space<semaphore_mem>>) src(%arg10 : memref<125x128xf32, #tpu.memory_space<vmem>>) dst(%dma_wait3A_273 : memref<10112x128xf32, #tpu.memory_space<vmem_shared>>)
      %dma_start3A_274 = arith.constant 0 : i32
      %dma_start3A_275 = tpu.memref_slice %arg8[%mul3A_266, %dma_start3A_274] : memref<40x125xi32, #tpu.memory_space<vmem>> -> memref<1x125xi32, #tpu.memory_space<vmem>>
      %dma_start3A_276 = tpu.memref_squeeze %dma_start3A_275 : memref<1x125xi32, #tpu.memory_space<vmem>> -> memref<125xi32, #tpu.memory_space<vmem>>
      %dma_start3A_277 = arith.constant 0 : i32
      %dma_start3A_278 = arith.constant 0 : i32
      %dma_start3A_279 = tpu.memref_slice %arg2[%dma_start3A_277, %dma_start3A_278] : memref<40000x128xf32, #tpu.memory_space<hbm>> -> memref<40000x128xf32, #tpu.memory_space<hbm>>
      tpu.enqueue_indirect_dma source(%dma_start3A_279 : memref<40000x128xf32, #tpu.memory_space<hbm>>) target(%arg10 : memref<125x128xf32, #tpu.memory_space<vmem>>) offsets(%dma_start3A_276 : memref<125xi32, #tpu.memory_space<vmem>>) semaphore(%arg12 : memref<!tpu.dma_semaphore, #tpu.memory_space<semaphore_mem>>)
      %dma_wait3A_280 = arith.constant 0 : i32
      %dma_wait3A_281 = tpu.memref_slice %arg8[%mul3A_266, %dma_wait3A_280] : memref<40x125xi32, #tpu.memory_space<vmem>> -> memref<1x125xi32, #tpu.memory_space<vmem>>
      %dma_wait3A_282 = tpu.memref_squeeze %dma_wait3A_281 : memref<1x125xi32, #tpu.memory_space<vmem>> -> memref<125xi32, #tpu.memory_space<vmem>>
      %dma_wait3A_283 = arith.constant 0 : i32
      %dma_wait3A_284 = arith.constant 0 : i32
      %dma_wait3A_285 = tpu.memref_slice %arg2[%dma_wait3A_283, %dma_wait3A_284] : memref<40000x128xf32, #tpu.memory_space<hbm>> -> memref<40000x128xf32, #tpu.memory_space<hbm>>
      tpu.wait_indirect_dma semaphore(%arg12 : memref<!tpu.dma_semaphore, #tpu.memory_space<semaphore_mem>>) src(%dma_wait3A_285 : memref<40000x128xf32, #tpu.memory_space<hbm>>) dst(%arg10 : memref<125x128xf32, #tpu.memory_space<vmem>>)
      %dma_start3A_286 = arith.constant 0 : i32
      %dma_start3A_287 = tpu.memref_slice %arg9[%mul3A_266, %dma_start3A_286] : memref<40x125xi32, #tpu.memory_space<vmem>> -> memref<1x125xi32, #tpu.memory_space<vmem>>
      %dma_start3A_288 = tpu.memref_squeeze %dma_start3A_287 : memref<1x125xi32, #tpu.memory_space<vmem>> -> memref<125xi32, #tpu.memory_space<vmem>>
      %dma_start3A_289 = arith.constant 0 : i32
      %dma_start3A_290 = arith.constant 0 : i32
      %dma_start3A_291 = tpu.memref_slice %arg7[%dma_start3A_289, %dma_start3A_290] : memref<10112x128xf32, #tpu.memory_space<vmem_shared>> -> memref<10112x128xf32, #tpu.memory_space<vmem_shared>>
      tpu.enqueue_indirect_dma source(%arg10 : memref<125x128xf32, #tpu.memory_space<vmem>>) target(%dma_start3A_291 : memref<10112x128xf32, #tpu.memory_space<vmem_shared>>) offsets(%dma_start3A_288 : memref<125xi32, #tpu.memory_space<vmem>>) semaphore(%arg13 : memref<!tpu.dma_semaphore, #tpu.memory_space<semaphore_mem>>) {add = true}
      %sub3A_292 = arith.constant 1 : i32
      %sub3A_293 = arith.subi %mul3A_266, %sub3A_292 : i32
      %dma_wait3A_294 = arith.constant 0 : i32
      %dma_wait3A_295 = tpu.memref_slice %arg9[%sub3A_293, %dma_wait3A_294] : memref<40x125xi32, #tpu.memory_space<vmem>> -> memref<1x125xi32, #tpu.memory_space<vmem>>
      %dma_wait3A_296 = tpu.memref_squeeze %dma_wait3A_295 : memref<1x125xi32, #tpu.memory_space<vmem>> -> memref<125xi32, #tpu.memory_space<vmem>>
      %dma_wait3A_297 = arith.constant 0 : i32
      %dma_wait3A_298 = arith.constant 0 : i32
      %dma_wait3A_299 = tpu.memref_slice %arg7[%dma_wait3A_297, %dma_wait3A_298] : memref<10112x128xf32, #tpu.memory_space<vmem_shared>> -> memref<10112x128xf32, #tpu.memory_space<vmem_shared>>
      tpu.wait_indirect_dma semaphore(%arg13 : memref<!tpu.dma_semaphore, #tpu.memory_space<semaphore_mem>>) src(%arg11 : memref<125x128xf32, #tpu.memory_space<vmem>>) dst(%dma_wait3A_299 : memref<10112x128xf32, #tpu.memory_space<vmem_shared>>)
      %add3A_300 = arith.constant 1 : i32
      %add3A_301 = arith.addi %mul3A_266, %add3A_300 : i32
      %dma_start3A_302 = arith.constant 0 : i32
      %dma_start3A_303 = tpu.memref_slice %arg8[%add3A_301, %dma_start3A_302] : memref<40x125xi32, #tpu.memory_space<vmem>> -> memref<1x125xi32, #tpu.memory_space<vmem>>
      %dma_start3A_304 = tpu.memref_squeeze %dma_start3A_303 : memref<1x125xi32, #tpu.memory_space<vmem>> -> memref<125xi32, #tpu.memory_space<vmem>>
      %dma_start3A_305 = arith.constant 0 : i32
      %dma_start3A_306 = arith.constant 0 : i32
      %dma_start3A_307 = tpu.memref_slice %arg2[%dma_start3A_305, %dma_start3A_306] : memref<40000x128xf32, #tpu.memory_space<hbm>> -> memref<40000x128xf32, #tpu.memory_space<hbm>>
      tpu.enqueue_indirect_dma source(%dma_start3A_307 : memref<40000x128xf32, #tpu.memory_space<hbm>>) target(%arg11 : memref<125x128xf32, #tpu.memory_space<vmem>>) offsets(%dma_start3A_304 : memref<125xi32, #tpu.memory_space<vmem>>) semaphore(%arg12 : memref<!tpu.dma_semaphore, #tpu.memory_space<semaphore_mem>>)
      %add3A_308 = arith.constant 1 : i32
      %add3A_309 = arith.addi %mul3A_266, %add3A_308 : i32
      %dma_wait3A_310 = arith.constant 0 : i32
      %dma_wait3A_311 = tpu.memref_slice %arg8[%add3A_309, %dma_wait3A_310] : memref<40x125xi32, #tpu.memory_space<vmem>> -> memref<1x125xi32, #tpu.memory_space<vmem>>
      %dma_wait3A_312 = tpu.memref_squeeze %dma_wait3A_311 : memref<1x125xi32, #tpu.memory_space<vmem>> -> memref<125xi32, #tpu.memory_space<vmem>>
      %dma_wait3A_313 = arith.constant 0 : i32
      %dma_wait3A_314 = arith.constant 0 : i32
      %dma_wait3A_315 = tpu.memref_slice %arg2[%dma_wait3A_313, %dma_wait3A_314] : memref<40000x128xf32, #tpu.memory_space<hbm>> -> memref<40000x128xf32, #tpu.memory_space<hbm>>
      tpu.wait_indirect_dma semaphore(%arg12 : memref<!tpu.dma_semaphore, #tpu.memory_space<semaphore_mem>>) src(%dma_wait3A_315 : memref<40000x128xf32, #tpu.memory_space<hbm>>) dst(%arg11 : memref<125x128xf32, #tpu.memory_space<vmem>>)
      %add3A_316 = arith.constant 1 : i32
      %add3A_317 = arith.addi %mul3A_266, %add3A_316 : i32
      %dma_start3A_318 = arith.constant 0 : i32
      %dma_start3A_319 = tpu.memref_slice %arg9[%add3A_317, %dma_start3A_318] : memref<40x125xi32, #tpu.memory_space<vmem>> -> memref<1x125xi32, #tpu.memory_space<vmem>>
      %dma_start3A_320 = tpu.memref_squeeze %dma_start3A_319 : memref<1x125xi32, #tpu.memory_space<vmem>> -> memref<125xi32, #tpu.memory_space<vmem>>
      %dma_start3A_321 = arith.constant 0 : i32
      %dma_start3A_322 = arith.constant 0 : i32
      %dma_start3A_323 = tpu.memref_slice %arg7[%dma_start3A_321, %dma_start3A_322] : memref<10112x128xf32, #tpu.memory_space<vmem_shared>> -> memref<10112x128xf32, #tpu.memory_space<vmem_shared>>
      tpu.enqueue_indirect_dma source(%arg11 : memref<125x128xf32, #tpu.memory_space<vmem>>) target(%dma_start3A_323 : memref<10112x128xf32, #tpu.memory_space<vmem_shared>>) offsets(%dma_start3A_320 : memref<125xi32, #tpu.memory_space<vmem>>) semaphore(%arg13 : memref<!tpu.dma_semaphore, #tpu.memory_space<semaphore_mem>>) {add = true}
    }
    %scan3A_246 = arith.constant 19 : i32
    %dma_wait3A_247 = arith.constant 38 : i32
    %dma_wait3A_248 = arith.constant 0 : i32
    %dma_wait3A_249 = tpu.memref_slice %arg9[%dma_wait3A_247, %dma_wait3A_248] : memref<40x125xi32, #tpu.memory_space<vmem>> -> memref<1x125xi32, #tpu.memory_space<vmem>>
    %dma_wait3A_250 = tpu.memref_squeeze %dma_wait3A_249 : memref<1x125xi32, #tpu.memory_space<vmem>> -> memref<125xi32, #tpu.memory_space<vmem>>
    %dma_wait3A_251 = arith.constant 0 : i32
    %dma_wait3A_252 = arith.constant 0 : i32
    %dma_wait3A_253 = tpu.memref_slice %arg7[%dma_wait3A_251, %dma_wait3A_252] : memref<10112x128xf32, #tpu.memory_space<vmem_shared>> -> memref<10112x128xf32, #tpu.memory_space<vmem_shared>>
    tpu.wait_indirect_dma semaphore(%arg13 : memref<!tpu.dma_semaphore, #tpu.memory_space<semaphore_mem>>) src(%arg10 : memref<125x128xf32, #tpu.memory_space<vmem>>) dst(%dma_wait3A_253 : memref<10112x128xf32, #tpu.memory_space<vmem_shared>>)
    %dma_wait3A_254 = arith.constant 39 : i32
    %dma_wait3A_255 = arith.constant 0 : i32
    %dma_wait3A_256 = tpu.memref_slice %arg9[%dma_wait3A_254, %dma_wait3A_255] : memref<40x125xi32, #tpu.memory_space<vmem>> -> memref<1x125xi32, #tpu.memory_space<vmem>>
    %dma_wait3A_257 = tpu.memref_squeeze %dma_wait3A_256 : memref<1x125xi32, #tpu.memory_space<vmem>> -> memref<125xi32, #tpu.memory_space<vmem>>
    %dma_wait3A_258 = arith.constant 0 : i32
    %dma_wait3A_259 = arith.constant 0 : i32
    %dma_wait3A_260 = tpu.memref_slice %arg7[%dma_wait3A_258, %dma_wait3A_259] : memref<10112x128xf32, #tpu.memory_space<vmem_shared>> -> memref<10112x128xf32, #tpu.memory_space<vmem_shared>>
    tpu.wait_indirect_dma semaphore(%arg13 : memref<!tpu.dma_semaphore, #tpu.memory_space<semaphore_mem>>) src(%arg11 : memref<125x128xf32, #tpu.memory_space<vmem>>) dst(%dma_wait3A_260 : memref<10112x128xf32, #tpu.memory_space<vmem_shared>>)
    %barrier3A_261 = arith.constant 0 : index
    tpu.barrier barrier_id(%barrier3A_261)
    %add3A_262 = arith.constant 2 : i32
    %add3A_263 = arith.addi %add3A_262, %arg0 : i32
    "tpu.region"() ({
      %run_scoped3A_264 = tpu.sem_alloc : memref<!tpu.dma_semaphore, #tpu.memory_space<semaphore_mem>>
      %dma_start3A_265 = arith.constant 0 : i32
      %dma_start3A_266 = tpu.memref_slice %arg6[%add3A_263, %mul3A_0, %dma_start3A_265] : memref<4x10112x128xf32, #tpu.memory_space<hbm>> -> memref<1x632x128xf32, #tpu.memory_space<hbm>>
      %dma_start3A_267 = tpu.memref_squeeze %dma_start3A_266 : memref<1x632x128xf32, #tpu.memory_space<hbm>> -> memref<632x128xf32, #tpu.memory_space<hbm>>
      %dma_start3A_268 = arith.constant 0 : i32
      %dma_start3A_269 = tpu.memref_slice %arg7[%mul3A_0, %dma_start3A_268] : memref<10112x128xf32, #tpu.memory_space<vmem_shared>> -> memref<632x128xf32, #tpu.memory_space<vmem_shared>>
      tpu.enqueue_dma source(%dma_start3A_269 : memref<632x128xf32, #tpu.memory_space<vmem_shared>>) target(%dma_start3A_267 : memref<632x128xf32, #tpu.memory_space<hbm>>) target_semaphore(%run_scoped3A_264 : memref<!tpu.dma_semaphore, #tpu.memory_space<semaphore_mem>>)
      %dma_wait3A_270 = arith.constant 0 : i32
      %dma_wait3A_271 = tpu.memref_slice %arg6[%add3A_263, %mul3A_0, %dma_wait3A_270] : memref<4x10112x128xf32, #tpu.memory_space<hbm>> -> memref<1x632x128xf32, #tpu.memory_space<hbm>>
      %dma_wait3A_272 = tpu.memref_squeeze %dma_wait3A_271 : memref<1x632x128xf32, #tpu.memory_space<hbm>> -> memref<632x128xf32, #tpu.memory_space<hbm>>
      %dma_wait3A_273 = arith.constant 0 : i32
      %dma_wait3A_274 = tpu.memref_slice %arg7[%mul3A_0, %dma_wait3A_273] : memref<10112x128xf32, #tpu.memory_space<vmem_shared>> -> memref<632x128xf32, #tpu.memory_space<vmem_shared>>
      tpu.wait_dma2 semaphore(%run_scoped3A_264 : memref<!tpu.dma_semaphore, #tpu.memory_space<semaphore_mem>>) src(%dma_wait3A_274 : memref<632x128xf32, #tpu.memory_space<vmem_shared>>) dst(%dma_wait3A_272 : memref<632x128xf32, #tpu.memory_space<hbm>>)
      tpu.yield
    }) : () -> ()
    return
  }
}

#map = affine_map<(d0, d1) -> (0, 0)>
#map1 = affine_map<(d0, d1) -> (0, 0, 0, 0, 0, 0)>
#map2 = affine_map<(d0, d1) -> (0, 0, 0, 0)>
#map3 = affine_map<(d0, d1) -> (0, 0, 0)>
module attributes {stable_mosaic.version = 14 : i64} {
  func.func @body(%arg0: i32, %arg1: i32, %arg2: memref<20000x128xf32, #tpu.memory_space<hbm>>, %arg3: memref<2x1x16x2x40x125xi32, #tpu.memory_space<hbm>>, %arg4: memref<16x2x40x125xi32, #tpu.memory_space<hbm>>, %arg5: memref<632x128xf32, #tpu.memory_space<hbm>>, %arg6: memref<2x10112x128xf32, #tpu.memory_space<hbm>>, %arg7: memref<10112x128xf32, #tpu.memory_space<vmem_shared>>, %arg8: memref<40x125xi32, #tpu.memory_space<vmem>>, %arg9: memref<40x125xi32, #tpu.memory_space<vmem>>, %arg10: memref<125x128xf32, #tpu.memory_space<vmem>>, %arg11: memref<125x128xf32, #tpu.memory_space<vmem>>, %arg12: memref<!tpu.dma_semaphore, #tpu.memory_space<semaphore_mem>>, %arg13: memref<!tpu.dma_semaphore, #tpu.memory_space<semaphore_mem>>) attributes {dimension_semantics = [#tpu.dimension_semantics<core_parallel>, #tpu.dimension_semantics<subcore_parallel>], iteration_bounds = array<i64: 2, 16>, scalar_prefetch = 0 : i64, scratch_operands = 7 : i64, tpu.core_type = #tpu.core_type<sc_vector_subcore>, window_params = [{transform_indices = #map}, {transform_indices = #map1}, {transform_indices = #map2}, {transform_indices = #map}, {transform_indices = #map3}]} {
    %mul3A = arith.constant 632 : i32
    %mul3A_0 = arith.muli %arg1, %mul3A : i32
    "tpu.region"() ({
      %run_scoped3A_129 = tpu.sem_alloc : memref<!tpu.dma_semaphore, #tpu.memory_space<semaphore_mem>>
      %dma_start3A_130 = arith.constant 0 : i32
      %dma_start3A_131 = tpu.memref_slice %arg7[%mul3A_0, %dma_start3A_130] : memref<10112x128xf32, #tpu.memory_space<vmem_shared>> -> memref<632x128xf32, #tpu.memory_space<vmem_shared>>
      tpu.enqueue_dma source(%arg5 : memref<632x128xf32, #tpu.memory_space<hbm>>) target(%dma_start3A_131 : memref<632x128xf32, #tpu.memory_space<vmem_shared>>) target_semaphore(%run_scoped3A_129 : memref<!tpu.dma_semaphore, #tpu.memory_space<semaphore_mem>>)
      %dma_wait3A_132 = arith.constant 0 : i32
      %dma_wait3A_133 = tpu.memref_slice %arg7[%mul3A_0, %dma_wait3A_132] : memref<10112x128xf32, #tpu.memory_space<vmem_shared>> -> memref<632x128xf32, #tpu.memory_space<vmem_shared>>
      tpu.wait_dma2 semaphore(%run_scoped3A_129 : memref<!tpu.dma_semaphore, #tpu.memory_space<semaphore_mem>>) src(%arg5 : memref<632x128xf32, #tpu.memory_space<hbm>>) dst(%dma_wait3A_133 : memref<632x128xf32, #tpu.memory_space<vmem_shared>>)
      tpu.yield
    }) : () -> ()
    %barrier3A = arith.constant 0 : index
    tpu.barrier barrier_id(%barrier3A)
    %run_scoped3A = arith.constant 0 : i32
    %run_scoped3A_1 = arith.constant 0 : i32
    "tpu.region"() ({
      %run_scoped3A_129 = tpu.sem_alloc : memref<!tpu.dma_semaphore, #tpu.memory_space<semaphore_mem>>
      %dma_start3A_130 = arith.constant 0 : i32
      %dma_start3A_131 = arith.constant 0 : i32
      %dma_start3A_132 = tpu.memref_slice %arg3[%arg0, %run_scoped3A, %arg1, %run_scoped3A_1, %dma_start3A_130, %dma_start3A_131] : memref<2x1x16x2x40x125xi32, #tpu.memory_space<hbm>> -> memref<1x1x1x1x40x125xi32, #tpu.memory_space<hbm>>
      %dma_start3A_133 = tpu.memref_squeeze %dma_start3A_132 : memref<1x1x1x1x40x125xi32, #tpu.memory_space<hbm>> -> memref<40x125xi32, #tpu.memory_space<hbm>>
      %dma_start3A_134 = arith.constant 0 : i32
      %dma_start3A_135 = arith.constant 0 : i32
      %dma_start3A_136 = tpu.memref_slice %arg3[%arg0, %run_scoped3A, %arg1, %run_scoped3A_1, %dma_start3A_134, %dma_start3A_135] : memref<2x1x16x2x40x125xi32, #tpu.memory_space<hbm>> -> memref<1x1x1x1x40x125xi32, #tpu.memory_space<hbm>>
      %dma_start3A_137 = tpu.memref_squeeze %dma_start3A_136 : memref<1x1x1x1x40x125xi32, #tpu.memory_space<hbm>> -> memref<40x125xi32, #tpu.memory_space<hbm>>
      tpu.enqueue_dma source(%dma_start3A_137 : memref<40x125xi32, #tpu.memory_space<hbm>>) target(%arg8 : memref<40x125xi32, #tpu.memory_space<vmem>>) target_semaphore(%run_scoped3A_129 : memref<!tpu.dma_semaphore, #tpu.memory_space<semaphore_mem>>)
      %dma_wait3A_138 = arith.constant 0 : i32
      %dma_wait3A_139 = arith.constant 0 : i32
      %dma_wait3A_140 = tpu.memref_slice %arg3[%arg0, %run_scoped3A, %arg1, %run_scoped3A_1, %dma_wait3A_138, %dma_wait3A_139] : memref<2x1x16x2x40x125xi32, #tpu.memory_space<hbm>> -> memref<1x1x1x1x40x125xi32, #tpu.memory_space<hbm>>
      %dma_wait3A_141 = tpu.memref_squeeze %dma_wait3A_140 : memref<1x1x1x1x40x125xi32, #tpu.memory_space<hbm>> -> memref<40x125xi32, #tpu.memory_space<hbm>>
      %dma_wait3A_142 = arith.constant 0 : i32
      %dma_wait3A_143 = arith.constant 0 : i32
      %dma_wait3A_144 = tpu.memref_slice %arg3[%arg0, %run_scoped3A, %arg1, %run_scoped3A_1, %dma_wait3A_142, %dma_wait3A_143] : memref<2x1x16x2x40x125xi32, #tpu.memory_space<hbm>> -> memref<1x1x1x1x40x125xi32, #tpu.memory_space<hbm>>
      %dma_wait3A_145 = tpu.memref_squeeze %dma_wait3A_144 : memref<1x1x1x1x40x125xi32, #tpu.memory_space<hbm>> -> memref<40x125xi32, #tpu.memory_space<hbm>>
      tpu.wait_dma2 semaphore(%run_scoped3A_129 : memref<!tpu.dma_semaphore, #tpu.memory_space<semaphore_mem>>) src(%dma_wait3A_145 : memref<40x125xi32, #tpu.memory_space<hbm>>) dst(%arg8 : memref<40x125xi32, #tpu.memory_space<vmem>>)
      tpu.yield
    }) : () -> ()
    %run_scoped3A_2 = arith.constant 0 : i32
    "tpu.region"() ({
      %run_scoped3A_129 = tpu.sem_alloc : memref<!tpu.dma_semaphore, #tpu.memory_space<semaphore_mem>>
      %dma_start3A_130 = arith.constant 0 : i32
      %dma_start3A_131 = arith.constant 0 : i32
      %dma_start3A_132 = tpu.memref_slice %arg4[%arg1, %run_scoped3A_2, %dma_start3A_130, %dma_start3A_131] : memref<16x2x40x125xi32, #tpu.memory_space<hbm>> -> memref<1x1x40x125xi32, #tpu.memory_space<hbm>>
      %dma_start3A_133 = tpu.memref_squeeze %dma_start3A_132 : memref<1x1x40x125xi32, #tpu.memory_space<hbm>> -> memref<40x125xi32, #tpu.memory_space<hbm>>
      %dma_start3A_134 = arith.constant 0 : i32
      %dma_start3A_135 = arith.constant 0 : i32
      %dma_start3A_136 = tpu.memref_slice %arg4[%arg1, %run_scoped3A_2, %dma_start3A_134, %dma_start3A_135] : memref<16x2x40x125xi32, #tpu.memory_space<hbm>> -> memref<1x1x40x125xi32, #tpu.memory_space<hbm>>
      %dma_start3A_137 = tpu.memref_squeeze %dma_start3A_136 : memref<1x1x40x125xi32, #tpu.memory_space<hbm>> -> memref<40x125xi32, #tpu.memory_space<hbm>>
      tpu.enqueue_dma source(%dma_start3A_137 : memref<40x125xi32, #tpu.memory_space<hbm>>) target(%arg9 : memref<40x125xi32, #tpu.memory_space<vmem>>) target_semaphore(%run_scoped3A_129 : memref<!tpu.dma_semaphore, #tpu.memory_space<semaphore_mem>>)
      %dma_wait3A_138 = arith.constant 0 : i32
      %dma_wait3A_139 = arith.constant 0 : i32
      %dma_wait3A_140 = tpu.memref_slice %arg4[%arg1, %run_scoped3A_2, %dma_wait3A_138, %dma_wait3A_139] : memref<16x2x40x125xi32, #tpu.memory_space<hbm>> -> memref<1x1x40x125xi32, #tpu.memory_space<hbm>>
      %dma_wait3A_141 = tpu.memref_squeeze %dma_wait3A_140 : memref<1x1x40x125xi32, #tpu.memory_space<hbm>> -> memref<40x125xi32, #tpu.memory_space<hbm>>
      %dma_wait3A_142 = arith.constant 0 : i32
      %dma_wait3A_143 = arith.constant 0 : i32
      %dma_wait3A_144 = tpu.memref_slice %arg4[%arg1, %run_scoped3A_2, %dma_wait3A_142, %dma_wait3A_143] : memref<16x2x40x125xi32, #tpu.memory_space<hbm>> -> memref<1x1x40x125xi32, #tpu.memory_space<hbm>>
      %dma_wait3A_145 = tpu.memref_squeeze %dma_wait3A_144 : memref<1x1x40x125xi32, #tpu.memory_space<hbm>> -> memref<40x125xi32, #tpu.memory_space<hbm>>
      tpu.wait_dma2 semaphore(%run_scoped3A_129 : memref<!tpu.dma_semaphore, #tpu.memory_space<semaphore_mem>>) src(%dma_wait3A_145 : memref<40x125xi32, #tpu.memory_space<hbm>>) dst(%arg9 : memref<40x125xi32, #tpu.memory_space<vmem>>)
      tpu.yield
    }) : () -> ()
    %dma_start3A = arith.constant 0 : i32
    %dma_start3A_3 = arith.constant 0 : i32
    %dma_start3A_4 = tpu.memref_slice %arg8[%dma_start3A, %dma_start3A_3] : memref<40x125xi32, #tpu.memory_space<vmem>> -> memref<1x125xi32, #tpu.memory_space<vmem>>
    %dma_start3A_5 = tpu.memref_squeeze %dma_start3A_4 : memref<1x125xi32, #tpu.memory_space<vmem>> -> memref<125xi32, #tpu.memory_space<vmem>>
    %dma_start3A_6 = arith.constant 0 : i32
    %dma_start3A_7 = arith.constant 0 : i32
    %dma_start3A_8 = tpu.memref_slice %arg2[%dma_start3A_6, %dma_start3A_7] : memref<20000x128xf32, #tpu.memory_space<hbm>> -> memref<20000x128xf32, #tpu.memory_space<hbm>>
    tpu.enqueue_indirect_dma source(%dma_start3A_8 : memref<20000x128xf32, #tpu.memory_space<hbm>>) target(%arg10 : memref<125x128xf32, #tpu.memory_space<vmem>>) offsets(%dma_start3A_5 : memref<125xi32, #tpu.memory_space<vmem>>) semaphore(%arg12 : memref<!tpu.dma_semaphore, #tpu.memory_space<semaphore_mem>>)
    %dma_wait3A = arith.constant 0 : i32
    %dma_wait3A_9 = arith.constant 0 : i32
    %dma_wait3A_10 = tpu.memref_slice %arg8[%dma_wait3A, %dma_wait3A_9] : memref<40x125xi32, #tpu.memory_space<vmem>> -> memref<1x125xi32, #tpu.memory_space<vmem>>
    %dma_wait3A_11 = tpu.memref_squeeze %dma_wait3A_10 : memref<1x125xi32, #tpu.memory_space<vmem>> -> memref<125xi32, #tpu.memory_space<vmem>>
    %dma_wait3A_12 = arith.constant 0 : i32
    %dma_wait3A_13 = arith.constant 0 : i32
    %dma_wait3A_14 = tpu.memref_slice %arg2[%dma_wait3A_12, %dma_wait3A_13] : memref<20000x128xf32, #tpu.memory_space<hbm>> -> memref<20000x128xf32, #tpu.memory_space<hbm>>
    tpu.wait_indirect_dma semaphore(%arg12 : memref<!tpu.dma_semaphore, #tpu.memory_space<semaphore_mem>>) src(%dma_wait3A_14 : memref<20000x128xf32, #tpu.memory_space<hbm>>) dst(%arg10 : memref<125x128xf32, #tpu.memory_space<vmem>>)
    %dma_start3A_15 = arith.constant 0 : i32
    %dma_start3A_16 = arith.constant 0 : i32
    %dma_start3A_17 = tpu.memref_slice %arg9[%dma_start3A_15, %dma_start3A_16] : memref<40x125xi32, #tpu.memory_space<vmem>> -> memref<1x125xi32, #tpu.memory_space<vmem>>
    %dma_start3A_18 = tpu.memref_squeeze %dma_start3A_17 : memref<1x125xi32, #tpu.memory_space<vmem>> -> memref<125xi32, #tpu.memory_space<vmem>>
    %dma_start3A_19 = arith.constant 0 : i32
    %dma_start3A_20 = arith.constant 0 : i32
    %dma_start3A_21 = tpu.memref_slice %arg7[%dma_start3A_19, %dma_start3A_20] : memref<10112x128xf32, #tpu.memory_space<vmem_shared>> -> memref<10112x128xf32, #tpu.memory_space<vmem_shared>>
    tpu.enqueue_indirect_dma source(%arg10 : memref<125x128xf32, #tpu.memory_space<vmem>>) target(%dma_start3A_21 : memref<10112x128xf32, #tpu.memory_space<vmem_shared>>) offsets(%dma_start3A_18 : memref<125xi32, #tpu.memory_space<vmem>>) semaphore(%arg13 : memref<!tpu.dma_semaphore, #tpu.memory_space<semaphore_mem>>) {add = true}
    %dma_start3A_22 = arith.constant 1 : i32
    %dma_start3A_23 = arith.constant 0 : i32
    %dma_start3A_24 = tpu.memref_slice %arg8[%dma_start3A_22, %dma_start3A_23] : memref<40x125xi32, #tpu.memory_space<vmem>> -> memref<1x125xi32, #tpu.memory_space<vmem>>
    %dma_start3A_25 = tpu.memref_squeeze %dma_start3A_24 : memref<1x125xi32, #tpu.memory_space<vmem>> -> memref<125xi32, #tpu.memory_space<vmem>>
    %dma_start3A_26 = arith.constant 0 : i32
    %dma_start3A_27 = arith.constant 0 : i32
    %dma_start3A_28 = tpu.memref_slice %arg2[%dma_start3A_26, %dma_start3A_27] : memref<20000x128xf32, #tpu.memory_space<hbm>> -> memref<20000x128xf32, #tpu.memory_space<hbm>>
    tpu.enqueue_indirect_dma source(%dma_start3A_28 : memref<20000x128xf32, #tpu.memory_space<hbm>>) target(%arg11 : memref<125x128xf32, #tpu.memory_space<vmem>>) offsets(%dma_start3A_25 : memref<125xi32, #tpu.memory_space<vmem>>) semaphore(%arg12 : memref<!tpu.dma_semaphore, #tpu.memory_space<semaphore_mem>>)
    %dma_wait3A_29 = arith.constant 1 : i32
    %dma_wait3A_30 = arith.constant 0 : i32
    %dma_wait3A_31 = tpu.memref_slice %arg8[%dma_wait3A_29, %dma_wait3A_30] : memref<40x125xi32, #tpu.memory_space<vmem>> -> memref<1x125xi32, #tpu.memory_space<vmem>>
    %dma_wait3A_32 = tpu.memref_squeeze %dma_wait3A_31 : memref<1x125xi32, #tpu.memory_space<vmem>> -> memref<125xi32, #tpu.memory_space<vmem>>
    %dma_wait3A_33 = arith.constant 0 : i32
    %dma_wait3A_34 = arith.constant 0 : i32
    %dma_wait3A_35 = tpu.memref_slice %arg2[%dma_wait3A_33, %dma_wait3A_34] : memref<20000x128xf32, #tpu.memory_space<hbm>> -> memref<20000x128xf32, #tpu.memory_space<hbm>>
    tpu.wait_indirect_dma semaphore(%arg12 : memref<!tpu.dma_semaphore, #tpu.memory_space<semaphore_mem>>) src(%dma_wait3A_35 : memref<20000x128xf32, #tpu.memory_space<hbm>>) dst(%arg11 : memref<125x128xf32, #tpu.memory_space<vmem>>)
    %dma_start3A_36 = arith.constant 1 : i32
    %dma_start3A_37 = arith.constant 0 : i32
    %dma_start3A_38 = tpu.memref_slice %arg9[%dma_start3A_36, %dma_start3A_37] : memref<40x125xi32, #tpu.memory_space<vmem>> -> memref<1x125xi32, #tpu.memory_space<vmem>>
    %dma_start3A_39 = tpu.memref_squeeze %dma_start3A_38 : memref<1x125xi32, #tpu.memory_space<vmem>> -> memref<125xi32, #tpu.memory_space<vmem>>
    %dma_start3A_40 = arith.constant 0 : i32
    %dma_start3A_41 = arith.constant 0 : i32
    %dma_start3A_42 = tpu.memref_slice %arg7[%dma_start3A_40, %dma_start3A_41] : memref<10112x128xf32, #tpu.memory_space<vmem_shared>> -> memref<10112x128xf32, #tpu.memory_space<vmem_shared>>
    tpu.enqueue_indirect_dma source(%arg11 : memref<125x128xf32, #tpu.memory_space<vmem>>) target(%dma_start3A_42 : memref<10112x128xf32, #tpu.memory_space<vmem_shared>>) offsets(%dma_start3A_39 : memref<125xi32, #tpu.memory_space<vmem>>) semaphore(%arg13 : memref<!tpu.dma_semaphore, #tpu.memory_space<semaphore_mem>>) {add = true}
    %scan3A = arith.constant 0 : i32
    %scan3A_43 = arith.constant 1 : i32
    %scan3A_44 = arith.constant 19 : i32
    %scan3A_45 = arith.addi %scan3A_43, %scan3A_44 : i32
    %scan3A_46 = arith.constant 1 : i32
    scf.for %scan3A_129 = %scan3A_43 to %scan3A_45 step %scan3A_46  : i32 {
      %mul3A_130 = arith.constant 2 : i32
      %mul3A_131 = arith.muli %mul3A_130, %scan3A_129 : i32
      %sub3A = arith.constant 2 : i32
      %sub3A_132 = arith.subi %mul3A_131, %sub3A : i32
      %dma_wait3A_133 = arith.constant 0 : i32
      %dma_wait3A_134 = tpu.memref_slice %arg9[%sub3A_132, %dma_wait3A_133] : memref<40x125xi32, #tpu.memory_space<vmem>> -> memref<1x125xi32, #tpu.memory_space<vmem>>
      %dma_wait3A_135 = tpu.memref_squeeze %dma_wait3A_134 : memref<1x125xi32, #tpu.memory_space<vmem>> -> memref<125xi32, #tpu.memory_space<vmem>>
      %dma_wait3A_136 = arith.constant 0 : i32
      %dma_wait3A_137 = arith.constant 0 : i32
      %dma_wait3A_138 = tpu.memref_slice %arg7[%dma_wait3A_136, %dma_wait3A_137] : memref<10112x128xf32, #tpu.memory_space<vmem_shared>> -> memref<10112x128xf32, #tpu.memory_space<vmem_shared>>
      tpu.wait_indirect_dma semaphore(%arg13 : memref<!tpu.dma_semaphore, #tpu.memory_space<semaphore_mem>>) src(%arg10 : memref<125x128xf32, #tpu.memory_space<vmem>>) dst(%dma_wait3A_138 : memref<10112x128xf32, #tpu.memory_space<vmem_shared>>)
      %dma_start3A_139 = arith.constant 0 : i32
      %dma_start3A_140 = tpu.memref_slice %arg8[%mul3A_131, %dma_start3A_139] : memref<40x125xi32, #tpu.memory_space<vmem>> -> memref<1x125xi32, #tpu.memory_space<vmem>>
      %dma_start3A_141 = tpu.memref_squeeze %dma_start3A_140 : memref<1x125xi32, #tpu.memory_space<vmem>> -> memref<125xi32, #tpu.memory_space<vmem>>
      %dma_start3A_142 = arith.constant 0 : i32
      %dma_start3A_143 = arith.constant 0 : i32
      %dma_start3A_144 = tpu.memref_slice %arg2[%dma_start3A_142, %dma_start3A_143] : memref<20000x128xf32, #tpu.memory_space<hbm>> -> memref<20000x128xf32, #tpu.memory_space<hbm>>
      tpu.enqueue_indirect_dma source(%dma_start3A_144 : memref<20000x128xf32, #tpu.memory_space<hbm>>) target(%arg10 : memref<125x128xf32, #tpu.memory_space<vmem>>) offsets(%dma_start3A_141 : memref<125xi32, #tpu.memory_space<vmem>>) semaphore(%arg12 : memref<!tpu.dma_semaphore, #tpu.memory_space<semaphore_mem>>)
      %dma_wait3A_145 = arith.constant 0 : i32
      %dma_wait3A_146 = tpu.memref_slice %arg8[%mul3A_131, %dma_wait3A_145] : memref<40x125xi32, #tpu.memory_space<vmem>> -> memref<1x125xi32, #tpu.memory_space<vmem>>
      %dma_wait3A_147 = tpu.memref_squeeze %dma_wait3A_146 : memref<1x125xi32, #tpu.memory_space<vmem>> -> memref<125xi32, #tpu.memory_space<vmem>>
      %dma_wait3A_148 = arith.constant 0 : i32
      %dma_wait3A_149 = arith.constant 0 : i32
      %dma_wait3A_150 = tpu.memref_slice %arg2[%dma_wait3A_148, %dma_wait3A_149] : memref<20000x128xf32, #tpu.memory_space<hbm>> -> memref<20000x128xf32, #tpu.memory_space<hbm>>
      tpu.wait_indirect_dma semaphore(%arg12 : memref<!tpu.dma_semaphore, #tpu.memory_space<semaphore_mem>>) src(%dma_wait3A_150 : memref<20000x128xf32, #tpu.memory_space<hbm>>) dst(%arg10 : memref<125x128xf32, #tpu.memory_space<vmem>>)
      %dma_start3A_151 = arith.constant 0 : i32
      %dma_start3A_152 = tpu.memref_slice %arg9[%mul3A_131, %dma_start3A_151] : memref<40x125xi32, #tpu.memory_space<vmem>> -> memref<1x125xi32, #tpu.memory_space<vmem>>
      %dma_start3A_153 = tpu.memref_squeeze %dma_start3A_152 : memref<1x125xi32, #tpu.memory_space<vmem>> -> memref<125xi32, #tpu.memory_space<vmem>>
      %dma_start3A_154 = arith.constant 0 : i32
      %dma_start3A_155 = arith.constant 0 : i32
      %dma_start3A_156 = tpu.memref_slice %arg7[%dma_start3A_154, %dma_start3A_155] : memref<10112x128xf32, #tpu.memory_space<vmem_shared>> -> memref<10112x128xf32, #tpu.memory_space<vmem_shared>>
      tpu.enqueue_indirect_dma source(%arg10 : memref<125x128xf32, #tpu.memory_space<vmem>>) target(%dma_start3A_156 : memref<10112x128xf32, #tpu.memory_space<vmem_shared>>) offsets(%dma_start3A_153 : memref<125xi32, #tpu.memory_space<vmem>>) semaphore(%arg13 : memref<!tpu.dma_semaphore, #tpu.memory_space<semaphore_mem>>) {add = true}
      %sub3A_157 = arith.constant 1 : i32
      %sub3A_158 = arith.subi %mul3A_131, %sub3A_157 : i32
      %dma_wait3A_159 = arith.constant 0 : i32
      %dma_wait3A_160 = tpu.memref_slice %arg9[%sub3A_158, %dma_wait3A_159] : memref<40x125xi32, #tpu.memory_space<vmem>> -> memref<1x125xi32, #tpu.memory_space<vmem>>
      %dma_wait3A_161 = tpu.memref_squeeze %dma_wait3A_160 : memref<1x125xi32, #tpu.memory_space<vmem>> -> memref<125xi32, #tpu.memory_space<vmem>>
      %dma_wait3A_162 = arith.constant 0 : i32
      %dma_wait3A_163 = arith.constant 0 : i32
      %dma_wait3A_164 = tpu.memref_slice %arg7[%dma_wait3A_162, %dma_wait3A_163] : memref<10112x128xf32, #tpu.memory_space<vmem_shared>> -> memref<10112x128xf32, #tpu.memory_space<vmem_shared>>
      tpu.wait_indirect_dma semaphore(%arg13 : memref<!tpu.dma_semaphore, #tpu.memory_space<semaphore_mem>>) src(%arg11 : memref<125x128xf32, #tpu.memory_space<vmem>>) dst(%dma_wait3A_164 : memref<10112x128xf32, #tpu.memory_space<vmem_shared>>)
      %add3A_165 = arith.constant 1 : i32
      %add3A_166 = arith.addi %mul3A_131, %add3A_165 : i32
      %dma_start3A_167 = arith.constant 0 : i32
      %dma_start3A_168 = tpu.memref_slice %arg8[%add3A_166, %dma_start3A_167] : memref<40x125xi32, #tpu.memory_space<vmem>> -> memref<1x125xi32, #tpu.memory_space<vmem>>
      %dma_start3A_169 = tpu.memref_squeeze %dma_start3A_168 : memref<1x125xi32, #tpu.memory_space<vmem>> -> memref<125xi32, #tpu.memory_space<vmem>>
      %dma_start3A_170 = arith.constant 0 : i32
      %dma_start3A_171 = arith.constant 0 : i32
      %dma_start3A_172 = tpu.memref_slice %arg2[%dma_start3A_170, %dma_start3A_171] : memref<20000x128xf32, #tpu.memory_space<hbm>> -> memref<20000x128xf32, #tpu.memory_space<hbm>>
      tpu.enqueue_indirect_dma source(%dma_start3A_172 : memref<20000x128xf32, #tpu.memory_space<hbm>>) target(%arg11 : memref<125x128xf32, #tpu.memory_space<vmem>>) offsets(%dma_start3A_169 : memref<125xi32, #tpu.memory_space<vmem>>) semaphore(%arg12 : memref<!tpu.dma_semaphore, #tpu.memory_space<semaphore_mem>>)
      %add3A_173 = arith.constant 1 : i32
      %add3A_174 = arith.addi %mul3A_131, %add3A_173 : i32
      %dma_wait3A_175 = arith.constant 0 : i32
      %dma_wait3A_176 = tpu.memref_slice %arg8[%add3A_174, %dma_wait3A_175] : memref<40x125xi32, #tpu.memory_space<vmem>> -> memref<1x125xi32, #tpu.memory_space<vmem>>
      %dma_wait3A_177 = tpu.memref_squeeze %dma_wait3A_176 : memref<1x125xi32, #tpu.memory_space<vmem>> -> memref<125xi32, #tpu.memory_space<vmem>>
      %dma_wait3A_178 = arith.constant 0 : i32
      %dma_wait3A_179 = arith.constant 0 : i32
      %dma_wait3A_180 = tpu.memref_slice %arg2[%dma_wait3A_178, %dma_wait3A_179] : memref<20000x128xf32, #tpu.memory_space<hbm>> -> memref<20000x128xf32, #tpu.memory_space<hbm>>
      tpu.wait_indirect_dma semaphore(%arg12 : memref<!tpu.dma_semaphore, #tpu.memory_space<semaphore_mem>>) src(%dma_wait3A_180 : memref<20000x128xf32, #tpu.memory_space<hbm>>) dst(%arg11 : memref<125x128xf32, #tpu.memory_space<vmem>>)
      %add3A_181 = arith.constant 1 : i32
      %add3A_182 = arith.addi %mul3A_131, %add3A_181 : i32
      %dma_start3A_183 = arith.constant 0 : i32
      %dma_start3A_184 = tpu.memref_slice %arg9[%add3A_182, %dma_start3A_183] : memref<40x125xi32, #tpu.memory_space<vmem>> -> memref<1x125xi32, #tpu.memory_space<vmem>>
      %dma_start3A_185 = tpu.memref_squeeze %dma_start3A_184 : memref<1x125xi32, #tpu.memory_space<vmem>> -> memref<125xi32, #tpu.memory_space<vmem>>
      %dma_start3A_186 = arith.constant 0 : i32
      %dma_start3A_187 = arith.constant 0 : i32
      %dma_start3A_188 = tpu.memref_slice %arg7[%dma_start3A_186, %dma_start3A_187] : memref<10112x128xf32, #tpu.memory_space<vmem_shared>> -> memref<10112x128xf32, #tpu.memory_space<vmem_shared>>
      tpu.enqueue_indirect_dma source(%arg11 : memref<125x128xf32, #tpu.memory_space<vmem>>) target(%dma_start3A_188 : memref<10112x128xf32, #tpu.memory_space<vmem_shared>>) offsets(%dma_start3A_185 : memref<125xi32, #tpu.memory_space<vmem>>) semaphore(%arg13 : memref<!tpu.dma_semaphore, #tpu.memory_space<semaphore_mem>>) {add = true}
    }
    %scan3A_47 = arith.constant 19 : i32
    %dma_wait3A_48 = arith.constant 38 : i32
    %dma_wait3A_49 = arith.constant 0 : i32
    %dma_wait3A_50 = tpu.memref_slice %arg9[%dma_wait3A_48, %dma_wait3A_49] : memref<40x125xi32, #tpu.memory_space<vmem>> -> memref<1x125xi32, #tpu.memory_space<vmem>>
    %dma_wait3A_51 = tpu.memref_squeeze %dma_wait3A_50 : memref<1x125xi32, #tpu.memory_space<vmem>> -> memref<125xi32, #tpu.memory_space<vmem>>
    %dma_wait3A_52 = arith.constant 0 : i32
    %dma_wait3A_53 = arith.constant 0 : i32
    %dma_wait3A_54 = tpu.memref_slice %arg7[%dma_wait3A_52, %dma_wait3A_53] : memref<10112x128xf32, #tpu.memory_space<vmem_shared>> -> memref<10112x128xf32, #tpu.memory_space<vmem_shared>>
    tpu.wait_indirect_dma semaphore(%arg13 : memref<!tpu.dma_semaphore, #tpu.memory_space<semaphore_mem>>) src(%arg10 : memref<125x128xf32, #tpu.memory_space<vmem>>) dst(%dma_wait3A_54 : memref<10112x128xf32, #tpu.memory_space<vmem_shared>>)
    %dma_wait3A_55 = arith.constant 39 : i32
    %dma_wait3A_56 = arith.constant 0 : i32
    %dma_wait3A_57 = tpu.memref_slice %arg9[%dma_wait3A_55, %dma_wait3A_56] : memref<40x125xi32, #tpu.memory_space<vmem>> -> memref<1x125xi32, #tpu.memory_space<vmem>>
    %dma_wait3A_58 = tpu.memref_squeeze %dma_wait3A_57 : memref<1x125xi32, #tpu.memory_space<vmem>> -> memref<125xi32, #tpu.memory_space<vmem>>
    %dma_wait3A_59 = arith.constant 0 : i32
    %dma_wait3A_60 = arith.constant 0 : i32
    %dma_wait3A_61 = tpu.memref_slice %arg7[%dma_wait3A_59, %dma_wait3A_60] : memref<10112x128xf32, #tpu.memory_space<vmem_shared>> -> memref<10112x128xf32, #tpu.memory_space<vmem_shared>>
    tpu.wait_indirect_dma semaphore(%arg13 : memref<!tpu.dma_semaphore, #tpu.memory_space<semaphore_mem>>) src(%arg11 : memref<125x128xf32, #tpu.memory_space<vmem>>) dst(%dma_wait3A_61 : memref<10112x128xf32, #tpu.memory_space<vmem_shared>>)
    %run_scoped3A_62 = arith.constant 0 : i32
    %run_scoped3A_63 = arith.constant 1 : i32
    "tpu.region"() ({
      %run_scoped3A_129 = tpu.sem_alloc : memref<!tpu.dma_semaphore, #tpu.memory_space<semaphore_mem>>
      %dma_start3A_130 = arith.constant 0 : i32
      %dma_start3A_131 = arith.constant 0 : i32
      %dma_start3A_132 = tpu.memref_slice %arg3[%arg0, %run_scoped3A_62, %arg1, %run_scoped3A_63, %dma_start3A_130, %dma_start3A_131] : memref<2x1x16x2x40x125xi32, #tpu.memory_space<hbm>> -> memref<1x1x1x1x40x125xi32, #tpu.memory_space<hbm>>
      %dma_start3A_133 = tpu.memref_squeeze %dma_start3A_132 : memref<1x1x1x1x40x125xi32, #tpu.memory_space<hbm>> -> memref<40x125xi32, #tpu.memory_space<hbm>>
      %dma_start3A_134 = arith.constant 0 : i32
      %dma_start3A_135 = arith.constant 0 : i32
      %dma_start3A_136 = tpu.memref_slice %arg3[%arg0, %run_scoped3A_62, %arg1, %run_scoped3A_63, %dma_start3A_134, %dma_start3A_135] : memref<2x1x16x2x40x125xi32, #tpu.memory_space<hbm>> -> memref<1x1x1x1x40x125xi32, #tpu.memory_space<hbm>>
      %dma_start3A_137 = tpu.memref_squeeze %dma_start3A_136 : memref<1x1x1x1x40x125xi32, #tpu.memory_space<hbm>> -> memref<40x125xi32, #tpu.memory_space<hbm>>
      tpu.enqueue_dma source(%dma_start3A_137 : memref<40x125xi32, #tpu.memory_space<hbm>>) target(%arg8 : memref<40x125xi32, #tpu.memory_space<vmem>>) target_semaphore(%run_scoped3A_129 : memref<!tpu.dma_semaphore, #tpu.memory_space<semaphore_mem>>)
      %dma_wait3A_138 = arith.constant 0 : i32
      %dma_wait3A_139 = arith.constant 0 : i32
      %dma_wait3A_140 = tpu.memref_slice %arg3[%arg0, %run_scoped3A_62, %arg1, %run_scoped3A_63, %dma_wait3A_138, %dma_wait3A_139] : memref<2x1x16x2x40x125xi32, #tpu.memory_space<hbm>> -> memref<1x1x1x1x40x125xi32, #tpu.memory_space<hbm>>
      %dma_wait3A_141 = tpu.memref_squeeze %dma_wait3A_140 : memref<1x1x1x1x40x125xi32, #tpu.memory_space<hbm>> -> memref<40x125xi32, #tpu.memory_space<hbm>>
      %dma_wait3A_142 = arith.constant 0 : i32
      %dma_wait3A_143 = arith.constant 0 : i32
      %dma_wait3A_144 = tpu.memref_slice %arg3[%arg0, %run_scoped3A_62, %arg1, %run_scoped3A_63, %dma_wait3A_142, %dma_wait3A_143] : memref<2x1x16x2x40x125xi32, #tpu.memory_space<hbm>> -> memref<1x1x1x1x40x125xi32, #tpu.memory_space<hbm>>
      %dma_wait3A_145 = tpu.memref_squeeze %dma_wait3A_144 : memref<1x1x1x1x40x125xi32, #tpu.memory_space<hbm>> -> memref<40x125xi32, #tpu.memory_space<hbm>>
      tpu.wait_dma2 semaphore(%run_scoped3A_129 : memref<!tpu.dma_semaphore, #tpu.memory_space<semaphore_mem>>) src(%dma_wait3A_145 : memref<40x125xi32, #tpu.memory_space<hbm>>) dst(%arg8 : memref<40x125xi32, #tpu.memory_space<vmem>>)
      tpu.yield
    }) : () -> ()
    %run_scoped3A_64 = arith.constant 1 : i32
    "tpu.region"() ({
      %run_scoped3A_129 = tpu.sem_alloc : memref<!tpu.dma_semaphore, #tpu.memory_space<semaphore_mem>>
      %dma_start3A_130 = arith.constant 0 : i32
      %dma_start3A_131 = arith.constant 0 : i32
      %dma_start3A_132 = tpu.memref_slice %arg4[%arg1, %run_scoped3A_64, %dma_start3A_130, %dma_start3A_131] : memref<16x2x40x125xi32, #tpu.memory_space<hbm>> -> memref<1x1x40x125xi32, #tpu.memory_space<hbm>>
      %dma_start3A_133 = tpu.memref_squeeze %dma_start3A_132 : memref<1x1x40x125xi32, #tpu.memory_space<hbm>> -> memref<40x125xi32, #tpu.memory_space<hbm>>
      %dma_start3A_134 = arith.constant 0 : i32
      %dma_start3A_135 = arith.constant 0 : i32
      %dma_start3A_136 = tpu.memref_slice %arg4[%arg1, %run_scoped3A_64, %dma_start3A_134, %dma_start3A_135] : memref<16x2x40x125xi32, #tpu.memory_space<hbm>> -> memref<1x1x40x125xi32, #tpu.memory_space<hbm>>
      %dma_start3A_137 = tpu.memref_squeeze %dma_start3A_136 : memref<1x1x40x125xi32, #tpu.memory_space<hbm>> -> memref<40x125xi32, #tpu.memory_space<hbm>>
      tpu.enqueue_dma source(%dma_start3A_137 : memref<40x125xi32, #tpu.memory_space<hbm>>) target(%arg9 : memref<40x125xi32, #tpu.memory_space<vmem>>) target_semaphore(%run_scoped3A_129 : memref<!tpu.dma_semaphore, #tpu.memory_space<semaphore_mem>>)
      %dma_wait3A_138 = arith.constant 0 : i32
      %dma_wait3A_139 = arith.constant 0 : i32
      %dma_wait3A_140 = tpu.memref_slice %arg4[%arg1, %run_scoped3A_64, %dma_wait3A_138, %dma_wait3A_139] : memref<16x2x40x125xi32, #tpu.memory_space<hbm>> -> memref<1x1x40x125xi32, #tpu.memory_space<hbm>>
      %dma_wait3A_141 = tpu.memref_squeeze %dma_wait3A_140 : memref<1x1x40x125xi32, #tpu.memory_space<hbm>> -> memref<40x125xi32, #tpu.memory_space<hbm>>
      %dma_wait3A_142 = arith.constant 0 : i32
      %dma_wait3A_143 = arith.constant 0 : i32
      %dma_wait3A_144 = tpu.memref_slice %arg4[%arg1, %run_scoped3A_64, %dma_wait3A_142, %dma_wait3A_143] : memref<16x2x40x125xi32, #tpu.memory_space<hbm>> -> memref<1x1x40x125xi32, #tpu.memory_space<hbm>>
      %dma_wait3A_145 = tpu.memref_squeeze %dma_wait3A_144 : memref<1x1x40x125xi32, #tpu.memory_space<hbm>> -> memref<40x125xi32, #tpu.memory_space<hbm>>
      tpu.wait_dma2 semaphore(%run_scoped3A_129 : memref<!tpu.dma_semaphore, #tpu.memory_space<semaphore_mem>>) src(%dma_wait3A_145 : memref<40x125xi32, #tpu.memory_space<hbm>>) dst(%arg9 : memref<40x125xi32, #tpu.memory_space<vmem>>)
      tpu.yield
    }) : () -> ()
    %dma_start3A_65 = arith.constant 0 : i32
    %dma_start3A_66 = arith.constant 0 : i32
    %dma_start3A_67 = tpu.memref_slice %arg8[%dma_start3A_65, %dma_start3A_66] : memref<40x125xi32, #tpu.memory_space<vmem>> -> memref<1x125xi32, #tpu.memory_space<vmem>>
    %dma_start3A_68 = tpu.memref_squeeze %dma_start3A_67 : memref<1x125xi32, #tpu.memory_space<vmem>> -> memref<125xi32, #tpu.memory_space<vmem>>
    %dma_start3A_69 = arith.constant 0 : i32
    %dma_start3A_70 = arith.constant 0 : i32
    %dma_start3A_71 = tpu.memref_slice %arg2[%dma_start3A_69, %dma_start3A_70] : memref<20000x128xf32, #tpu.memory_space<hbm>> -> memref<20000x128xf32, #tpu.memory_space<hbm>>
    tpu.enqueue_indirect_dma source(%dma_start3A_71 : memref<20000x128xf32, #tpu.memory_space<hbm>>) target(%arg10 : memref<125x128xf32, #tpu.memory_space<vmem>>) offsets(%dma_start3A_68 : memref<125xi32, #tpu.memory_space<vmem>>) semaphore(%arg12 : memref<!tpu.dma_semaphore, #tpu.memory_space<semaphore_mem>>)
    %dma_wait3A_72 = arith.constant 0 : i32
    %dma_wait3A_73 = arith.constant 0 : i32
    %dma_wait3A_74 = tpu.memref_slice %arg8[%dma_wait3A_72, %dma_wait3A_73] : memref<40x125xi32, #tpu.memory_space<vmem>> -> memref<1x125xi32, #tpu.memory_space<vmem>>
    %dma_wait3A_75 = tpu.memref_squeeze %dma_wait3A_74 : memref<1x125xi32, #tpu.memory_space<vmem>> -> memref<125xi32, #tpu.memory_space<vmem>>
    %dma_wait3A_76 = arith.constant 0 : i32
    %dma_wait3A_77 = arith.constant 0 : i32
    %dma_wait3A_78 = tpu.memref_slice %arg2[%dma_wait3A_76, %dma_wait3A_77] : memref<20000x128xf32, #tpu.memory_space<hbm>> -> memref<20000x128xf32, #tpu.memory_space<hbm>>
    tpu.wait_indirect_dma semaphore(%arg12 : memref<!tpu.dma_semaphore, #tpu.memory_space<semaphore_mem>>) src(%dma_wait3A_78 : memref<20000x128xf32, #tpu.memory_space<hbm>>) dst(%arg10 : memref<125x128xf32, #tpu.memory_space<vmem>>)
    %dma_start3A_79 = arith.constant 0 : i32
    %dma_start3A_80 = arith.constant 0 : i32
    %dma_start3A_81 = tpu.memref_slice %arg9[%dma_start3A_79, %dma_start3A_80] : memref<40x125xi32, #tpu.memory_space<vmem>> -> memref<1x125xi32, #tpu.memory_space<vmem>>
    %dma_start3A_82 = tpu.memref_squeeze %dma_start3A_81 : memref<1x125xi32, #tpu.memory_space<vmem>> -> memref<125xi32, #tpu.memory_space<vmem>>
    %dma_start3A_83 = arith.constant 0 : i32
    %dma_start3A_84 = arith.constant 0 : i32
    %dma_start3A_85 = tpu.memref_slice %arg7[%dma_start3A_83, %dma_start3A_84] : memref<10112x128xf32, #tpu.memory_space<vmem_shared>> -> memref<10112x128xf32, #tpu.memory_space<vmem_shared>>
    tpu.enqueue_indirect_dma source(%arg10 : memref<125x128xf32, #tpu.memory_space<vmem>>) target(%dma_start3A_85 : memref<10112x128xf32, #tpu.memory_space<vmem_shared>>) offsets(%dma_start3A_82 : memref<125xi32, #tpu.memory_space<vmem>>) semaphore(%arg13 : memref<!tpu.dma_semaphore, #tpu.memory_space<semaphore_mem>>) {add = true}
    %dma_start3A_86 = arith.constant 1 : i32
    %dma_start3A_87 = arith.constant 0 : i32
    %dma_start3A_88 = tpu.memref_slice %arg8[%dma_start3A_86, %dma_start3A_87] : memref<40x125xi32, #tpu.memory_space<vmem>> -> memref<1x125xi32, #tpu.memory_space<vmem>>
    %dma_start3A_89 = tpu.memref_squeeze %dma_start3A_88 : memref<1x125xi32, #tpu.memory_space<vmem>> -> memref<125xi32, #tpu.memory_space<vmem>>
    %dma_start3A_90 = arith.constant 0 : i32
    %dma_start3A_91 = arith.constant 0 : i32
    %dma_start3A_92 = tpu.memref_slice %arg2[%dma_start3A_90, %dma_start3A_91] : memref<20000x128xf32, #tpu.memory_space<hbm>> -> memref<20000x128xf32, #tpu.memory_space<hbm>>
    tpu.enqueue_indirect_dma source(%dma_start3A_92 : memref<20000x128xf32, #tpu.memory_space<hbm>>) target(%arg11 : memref<125x128xf32, #tpu.memory_space<vmem>>) offsets(%dma_start3A_89 : memref<125xi32, #tpu.memory_space<vmem>>) semaphore(%arg12 : memref<!tpu.dma_semaphore, #tpu.memory_space<semaphore_mem>>)
    %dma_wait3A_93 = arith.constant 1 : i32
    %dma_wait3A_94 = arith.constant 0 : i32
    %dma_wait3A_95 = tpu.memref_slice %arg8[%dma_wait3A_93, %dma_wait3A_94] : memref<40x125xi32, #tpu.memory_space<vmem>> -> memref<1x125xi32, #tpu.memory_space<vmem>>
    %dma_wait3A_96 = tpu.memref_squeeze %dma_wait3A_95 : memref<1x125xi32, #tpu.memory_space<vmem>> -> memref<125xi32, #tpu.memory_space<vmem>>
    %dma_wait3A_97 = arith.constant 0 : i32
    %dma_wait3A_98 = arith.constant 0 : i32
    %dma_wait3A_99 = tpu.memref_slice %arg2[%dma_wait3A_97, %dma_wait3A_98] : memref<20000x128xf32, #tpu.memory_space<hbm>> -> memref<20000x128xf32, #tpu.memory_space<hbm>>
    tpu.wait_indirect_dma semaphore(%arg12 : memref<!tpu.dma_semaphore, #tpu.memory_space<semaphore_mem>>) src(%dma_wait3A_99 : memref<20000x128xf32, #tpu.memory_space<hbm>>) dst(%arg11 : memref<125x128xf32, #tpu.memory_space<vmem>>)
    %dma_start3A_100 = arith.constant 1 : i32
    %dma_start3A_101 = arith.constant 0 : i32
    %dma_start3A_102 = tpu.memref_slice %arg9[%dma_start3A_100, %dma_start3A_101] : memref<40x125xi32, #tpu.memory_space<vmem>> -> memref<1x125xi32, #tpu.memory_space<vmem>>
    %dma_start3A_103 = tpu.memref_squeeze %dma_start3A_102 : memref<1x125xi32, #tpu.memory_space<vmem>> -> memref<125xi32, #tpu.memory_space<vmem>>
    %dma_start3A_104 = arith.constant 0 : i32
    %dma_start3A_105 = arith.constant 0 : i32
    %dma_start3A_106 = tpu.memref_slice %arg7[%dma_start3A_104, %dma_start3A_105] : memref<10112x128xf32, #tpu.memory_space<vmem_shared>> -> memref<10112x128xf32, #tpu.memory_space<vmem_shared>>
    tpu.enqueue_indirect_dma source(%arg11 : memref<125x128xf32, #tpu.memory_space<vmem>>) target(%dma_start3A_106 : memref<10112x128xf32, #tpu.memory_space<vmem_shared>>) offsets(%dma_start3A_103 : memref<125xi32, #tpu.memory_space<vmem>>) semaphore(%arg13 : memref<!tpu.dma_semaphore, #tpu.memory_space<semaphore_mem>>) {add = true}
    %scan3A_107 = arith.constant 0 : i32
    %scan3A_108 = arith.constant 1 : i32
    %scan3A_109 = arith.constant 19 : i32
    %scan3A_110 = arith.addi %scan3A_108, %scan3A_109 : i32
    %scan3A_111 = arith.constant 1 : i32
    scf.for %scan3A_129 = %scan3A_108 to %scan3A_110 step %scan3A_111  : i32 {
      %mul3A_130 = arith.constant 2 : i32
      %mul3A_131 = arith.muli %mul3A_130, %scan3A_129 : i32
      %sub3A = arith.constant 2 : i32
      %sub3A_132 = arith.subi %mul3A_131, %sub3A : i32
      %dma_wait3A_133 = arith.constant 0 : i32
      %dma_wait3A_134 = tpu.memref_slice %arg9[%sub3A_132, %dma_wait3A_133] : memref<40x125xi32, #tpu.memory_space<vmem>> -> memref<1x125xi32, #tpu.memory_space<vmem>>
      %dma_wait3A_135 = tpu.memref_squeeze %dma_wait3A_134 : memref<1x125xi32, #tpu.memory_space<vmem>> -> memref<125xi32, #tpu.memory_space<vmem>>
      %dma_wait3A_136 = arith.constant 0 : i32
      %dma_wait3A_137 = arith.constant 0 : i32
      %dma_wait3A_138 = tpu.memref_slice %arg7[%dma_wait3A_136, %dma_wait3A_137] : memref<10112x128xf32, #tpu.memory_space<vmem_shared>> -> memref<10112x128xf32, #tpu.memory_space<vmem_shared>>
      tpu.wait_indirect_dma semaphore(%arg13 : memref<!tpu.dma_semaphore, #tpu.memory_space<semaphore_mem>>) src(%arg10 : memref<125x128xf32, #tpu.memory_space<vmem>>) dst(%dma_wait3A_138 : memref<10112x128xf32, #tpu.memory_space<vmem_shared>>)
      %dma_start3A_139 = arith.constant 0 : i32
      %dma_start3A_140 = tpu.memref_slice %arg8[%mul3A_131, %dma_start3A_139] : memref<40x125xi32, #tpu.memory_space<vmem>> -> memref<1x125xi32, #tpu.memory_space<vmem>>
      %dma_start3A_141 = tpu.memref_squeeze %dma_start3A_140 : memref<1x125xi32, #tpu.memory_space<vmem>> -> memref<125xi32, #tpu.memory_space<vmem>>
      %dma_start3A_142 = arith.constant 0 : i32
      %dma_start3A_143 = arith.constant 0 : i32
      %dma_start3A_144 = tpu.memref_slice %arg2[%dma_start3A_142, %dma_start3A_143] : memref<20000x128xf32, #tpu.memory_space<hbm>> -> memref<20000x128xf32, #tpu.memory_space<hbm>>
      tpu.enqueue_indirect_dma source(%dma_start3A_144 : memref<20000x128xf32, #tpu.memory_space<hbm>>) target(%arg10 : memref<125x128xf32, #tpu.memory_space<vmem>>) offsets(%dma_start3A_141 : memref<125xi32, #tpu.memory_space<vmem>>) semaphore(%arg12 : memref<!tpu.dma_semaphore, #tpu.memory_space<semaphore_mem>>)
      %dma_wait3A_145 = arith.constant 0 : i32
      %dma_wait3A_146 = tpu.memref_slice %arg8[%mul3A_131, %dma_wait3A_145] : memref<40x125xi32, #tpu.memory_space<vmem>> -> memref<1x125xi32, #tpu.memory_space<vmem>>
      %dma_wait3A_147 = tpu.memref_squeeze %dma_wait3A_146 : memref<1x125xi32, #tpu.memory_space<vmem>> -> memref<125xi32, #tpu.memory_space<vmem>>
      %dma_wait3A_148 = arith.constant 0 : i32
      %dma_wait3A_149 = arith.constant 0 : i32
      %dma_wait3A_150 = tpu.memref_slice %arg2[%dma_wait3A_148, %dma_wait3A_149] : memref<20000x128xf32, #tpu.memory_space<hbm>> -> memref<20000x128xf32, #tpu.memory_space<hbm>>
      tpu.wait_indirect_dma semaphore(%arg12 : memref<!tpu.dma_semaphore, #tpu.memory_space<semaphore_mem>>) src(%dma_wait3A_150 : memref<20000x128xf32, #tpu.memory_space<hbm>>) dst(%arg10 : memref<125x128xf32, #tpu.memory_space<vmem>>)
      %dma_start3A_151 = arith.constant 0 : i32
      %dma_start3A_152 = tpu.memref_slice %arg9[%mul3A_131, %dma_start3A_151] : memref<40x125xi32, #tpu.memory_space<vmem>> -> memref<1x125xi32, #tpu.memory_space<vmem>>
      %dma_start3A_153 = tpu.memref_squeeze %dma_start3A_152 : memref<1x125xi32, #tpu.memory_space<vmem>> -> memref<125xi32, #tpu.memory_space<vmem>>
      %dma_start3A_154 = arith.constant 0 : i32
      %dma_start3A_155 = arith.constant 0 : i32
      %dma_start3A_156 = tpu.memref_slice %arg7[%dma_start3A_154, %dma_start3A_155] : memref<10112x128xf32, #tpu.memory_space<vmem_shared>> -> memref<10112x128xf32, #tpu.memory_space<vmem_shared>>
      tpu.enqueue_indirect_dma source(%arg10 : memref<125x128xf32, #tpu.memory_space<vmem>>) target(%dma_start3A_156 : memref<10112x128xf32, #tpu.memory_space<vmem_shared>>) offsets(%dma_start3A_153 : memref<125xi32, #tpu.memory_space<vmem>>) semaphore(%arg13 : memref<!tpu.dma_semaphore, #tpu.memory_space<semaphore_mem>>) {add = true}
      %sub3A_157 = arith.constant 1 : i32
      %sub3A_158 = arith.subi %mul3A_131, %sub3A_157 : i32
      %dma_wait3A_159 = arith.constant 0 : i32
      %dma_wait3A_160 = tpu.memref_slice %arg9[%sub3A_158, %dma_wait3A_159] : memref<40x125xi32, #tpu.memory_space<vmem>> -> memref<1x125xi32, #tpu.memory_space<vmem>>
      %dma_wait3A_161 = tpu.memref_squeeze %dma_wait3A_160 : memref<1x125xi32, #tpu.memory_space<vmem>> -> memref<125xi32, #tpu.memory_space<vmem>>
      %dma_wait3A_162 = arith.constant 0 : i32
      %dma_wait3A_163 = arith.constant 0 : i32
      %dma_wait3A_164 = tpu.memref_slice %arg7[%dma_wait3A_162, %dma_wait3A_163] : memref<10112x128xf32, #tpu.memory_space<vmem_shared>> -> memref<10112x128xf32, #tpu.memory_space<vmem_shared>>
      tpu.wait_indirect_dma semaphore(%arg13 : memref<!tpu.dma_semaphore, #tpu.memory_space<semaphore_mem>>) src(%arg11 : memref<125x128xf32, #tpu.memory_space<vmem>>) dst(%dma_wait3A_164 : memref<10112x128xf32, #tpu.memory_space<vmem_shared>>)
      %add3A_165 = arith.constant 1 : i32
      %add3A_166 = arith.addi %mul3A_131, %add3A_165 : i32
      %dma_start3A_167 = arith.constant 0 : i32
      %dma_start3A_168 = tpu.memref_slice %arg8[%add3A_166, %dma_start3A_167] : memref<40x125xi32, #tpu.memory_space<vmem>> -> memref<1x125xi32, #tpu.memory_space<vmem>>
      %dma_start3A_169 = tpu.memref_squeeze %dma_start3A_168 : memref<1x125xi32, #tpu.memory_space<vmem>> -> memref<125xi32, #tpu.memory_space<vmem>>
      %dma_start3A_170 = arith.constant 0 : i32
      %dma_start3A_171 = arith.constant 0 : i32
      %dma_start3A_172 = tpu.memref_slice %arg2[%dma_start3A_170, %dma_start3A_171] : memref<20000x128xf32, #tpu.memory_space<hbm>> -> memref<20000x128xf32, #tpu.memory_space<hbm>>
      tpu.enqueue_indirect_dma source(%dma_start3A_172 : memref<20000x128xf32, #tpu.memory_space<hbm>>) target(%arg11 : memref<125x128xf32, #tpu.memory_space<vmem>>) offsets(%dma_start3A_169 : memref<125xi32, #tpu.memory_space<vmem>>) semaphore(%arg12 : memref<!tpu.dma_semaphore, #tpu.memory_space<semaphore_mem>>)
      %add3A_173 = arith.constant 1 : i32
      %add3A_174 = arith.addi %mul3A_131, %add3A_173 : i32
      %dma_wait3A_175 = arith.constant 0 : i32
      %dma_wait3A_176 = tpu.memref_slice %arg8[%add3A_174, %dma_wait3A_175] : memref<40x125xi32, #tpu.memory_space<vmem>> -> memref<1x125xi32, #tpu.memory_space<vmem>>
      %dma_wait3A_177 = tpu.memref_squeeze %dma_wait3A_176 : memref<1x125xi32, #tpu.memory_space<vmem>> -> memref<125xi32, #tpu.memory_space<vmem>>
      %dma_wait3A_178 = arith.constant 0 : i32
      %dma_wait3A_179 = arith.constant 0 : i32
      %dma_wait3A_180 = tpu.memref_slice %arg2[%dma_wait3A_178, %dma_wait3A_179] : memref<20000x128xf32, #tpu.memory_space<hbm>> -> memref<20000x128xf32, #tpu.memory_space<hbm>>
      tpu.wait_indirect_dma semaphore(%arg12 : memref<!tpu.dma_semaphore, #tpu.memory_space<semaphore_mem>>) src(%dma_wait3A_180 : memref<20000x128xf32, #tpu.memory_space<hbm>>) dst(%arg11 : memref<125x128xf32, #tpu.memory_space<vmem>>)
      %add3A_181 = arith.constant 1 : i32
      %add3A_182 = arith.addi %mul3A_131, %add3A_181 : i32
      %dma_start3A_183 = arith.constant 0 : i32
      %dma_start3A_184 = tpu.memref_slice %arg9[%add3A_182, %dma_start3A_183] : memref<40x125xi32, #tpu.memory_space<vmem>> -> memref<1x125xi32, #tpu.memory_space<vmem>>
      %dma_start3A_185 = tpu.memref_squeeze %dma_start3A_184 : memref<1x125xi32, #tpu.memory_space<vmem>> -> memref<125xi32, #tpu.memory_space<vmem>>
      %dma_start3A_186 = arith.constant 0 : i32
      %dma_start3A_187 = arith.constant 0 : i32
      %dma_start3A_188 = tpu.memref_slice %arg7[%dma_start3A_186, %dma_start3A_187] : memref<10112x128xf32, #tpu.memory_space<vmem_shared>> -> memref<10112x128xf32, #tpu.memory_space<vmem_shared>>
      tpu.enqueue_indirect_dma source(%arg11 : memref<125x128xf32, #tpu.memory_space<vmem>>) target(%dma_start3A_188 : memref<10112x128xf32, #tpu.memory_space<vmem_shared>>) offsets(%dma_start3A_185 : memref<125xi32, #tpu.memory_space<vmem>>) semaphore(%arg13 : memref<!tpu.dma_semaphore, #tpu.memory_space<semaphore_mem>>) {add = true}
    }
    %scan3A_112 = arith.constant 19 : i32
    %dma_wait3A_113 = arith.constant 38 : i32
    %dma_wait3A_114 = arith.constant 0 : i32
    %dma_wait3A_115 = tpu.memref_slice %arg9[%dma_wait3A_113, %dma_wait3A_114] : memref<40x125xi32, #tpu.memory_space<vmem>> -> memref<1x125xi32, #tpu.memory_space<vmem>>
    %dma_wait3A_116 = tpu.memref_squeeze %dma_wait3A_115 : memref<1x125xi32, #tpu.memory_space<vmem>> -> memref<125xi32, #tpu.memory_space<vmem>>
    %dma_wait3A_117 = arith.constant 0 : i32
    %dma_wait3A_118 = arith.constant 0 : i32
    %dma_wait3A_119 = tpu.memref_slice %arg7[%dma_wait3A_117, %dma_wait3A_118] : memref<10112x128xf32, #tpu.memory_space<vmem_shared>> -> memref<10112x128xf32, #tpu.memory_space<vmem_shared>>
    tpu.wait_indirect_dma semaphore(%arg13 : memref<!tpu.dma_semaphore, #tpu.memory_space<semaphore_mem>>) src(%arg10 : memref<125x128xf32, #tpu.memory_space<vmem>>) dst(%dma_wait3A_119 : memref<10112x128xf32, #tpu.memory_space<vmem_shared>>)
    %dma_wait3A_120 = arith.constant 39 : i32
    %dma_wait3A_121 = arith.constant 0 : i32
    %dma_wait3A_122 = tpu.memref_slice %arg9[%dma_wait3A_120, %dma_wait3A_121] : memref<40x125xi32, #tpu.memory_space<vmem>> -> memref<1x125xi32, #tpu.memory_space<vmem>>
    %dma_wait3A_123 = tpu.memref_squeeze %dma_wait3A_122 : memref<1x125xi32, #tpu.memory_space<vmem>> -> memref<125xi32, #tpu.memory_space<vmem>>
    %dma_wait3A_124 = arith.constant 0 : i32
    %dma_wait3A_125 = arith.constant 0 : i32
    %dma_wait3A_126 = tpu.memref_slice %arg7[%dma_wait3A_124, %dma_wait3A_125] : memref<10112x128xf32, #tpu.memory_space<vmem_shared>> -> memref<10112x128xf32, #tpu.memory_space<vmem_shared>>
    tpu.wait_indirect_dma semaphore(%arg13 : memref<!tpu.dma_semaphore, #tpu.memory_space<semaphore_mem>>) src(%arg11 : memref<125x128xf32, #tpu.memory_space<vmem>>) dst(%dma_wait3A_126 : memref<10112x128xf32, #tpu.memory_space<vmem_shared>>)
    %barrier3A_127 = arith.constant 0 : index
    tpu.barrier barrier_id(%barrier3A_127)
    %add3A = arith.constant 0 : i32
    %add3A_128 = arith.addi %add3A, %arg0 : i32
    "tpu.region"() ({
      %run_scoped3A_129 = tpu.sem_alloc : memref<!tpu.dma_semaphore, #tpu.memory_space<semaphore_mem>>
      %dma_start3A_130 = arith.constant 0 : i32
      %dma_start3A_131 = tpu.memref_slice %arg6[%add3A_128, %mul3A_0, %dma_start3A_130] : memref<2x10112x128xf32, #tpu.memory_space<hbm>> -> memref<1x632x128xf32, #tpu.memory_space<hbm>>
      %dma_start3A_132 = tpu.memref_squeeze %dma_start3A_131 : memref<1x632x128xf32, #tpu.memory_space<hbm>> -> memref<632x128xf32, #tpu.memory_space<hbm>>
      %dma_start3A_133 = arith.constant 0 : i32
      %dma_start3A_134 = tpu.memref_slice %arg7[%mul3A_0, %dma_start3A_133] : memref<10112x128xf32, #tpu.memory_space<vmem_shared>> -> memref<632x128xf32, #tpu.memory_space<vmem_shared>>
      tpu.enqueue_dma source(%dma_start3A_134 : memref<632x128xf32, #tpu.memory_space<vmem_shared>>) target(%dma_start3A_132 : memref<632x128xf32, #tpu.memory_space<hbm>>) target_semaphore(%run_scoped3A_129 : memref<!tpu.dma_semaphore, #tpu.memory_space<semaphore_mem>>)
      %dma_wait3A_135 = arith.constant 0 : i32
      %dma_wait3A_136 = tpu.memref_slice %arg6[%add3A_128, %mul3A_0, %dma_wait3A_135] : memref<2x10112x128xf32, #tpu.memory_space<hbm>> -> memref<1x632x128xf32, #tpu.memory_space<hbm>>
      %dma_wait3A_137 = tpu.memref_squeeze %dma_wait3A_136 : memref<1x632x128xf32, #tpu.memory_space<hbm>> -> memref<632x128xf32, #tpu.memory_space<hbm>>
      %dma_wait3A_138 = arith.constant 0 : i32
      %dma_wait3A_139 = tpu.memref_slice %arg7[%mul3A_0, %dma_wait3A_138] : memref<10112x128xf32, #tpu.memory_space<vmem_shared>> -> memref<632x128xf32, #tpu.memory_space<vmem_shared>>
      tpu.wait_dma2 semaphore(%run_scoped3A_129 : memref<!tpu.dma_semaphore, #tpu.memory_space<semaphore_mem>>) src(%dma_wait3A_139 : memref<632x128xf32, #tpu.memory_space<vmem_shared>>) dst(%dma_wait3A_137 : memref<632x128xf32, #tpu.memory_space<hbm>>)
      tpu.yield
    }) : () -> ()
    return
  }
}

#map = affine_map<(d0, d1) -> (0, 0)>
#map1 = affine_map<(d0, d1) -> (0, 0, 0, 0, 0, 0)>
#map2 = affine_map<(d0, d1) -> (0, 0, 0, 0)>
#map3 = affine_map<(d0, d1) -> (0, 0, 0)>
module attributes {stable_mosaic.version = 14 : i64} {
  func.func @body(%arg0: i32, %arg1: i32, %arg2: memref<40000x128xf32, #tpu.memory_space<hbm>>, %arg3: memref<2x2x16x2x40x125xi32, #tpu.memory_space<hbm>>, %arg4: memref<16x2x40x125xi32, #tpu.memory_space<hbm>>, %arg5: memref<632x128xf32, #tpu.memory_space<hbm>>, %arg6: memref<4x10112x128xf32, #tpu.memory_space<hbm>>, %arg7: memref<10112x128xf32, #tpu.memory_space<vmem_shared>>, %arg8: memref<40x125xi32, #tpu.memory_space<vmem>>, %arg9: memref<40x125xi32, #tpu.memory_space<vmem>>, %arg10: memref<125x128xf32, #tpu.memory_space<vmem>>, %arg11: memref<125x128xf32, #tpu.memory_space<vmem>>, %arg12: memref<!tpu.dma_semaphore, #tpu.memory_space<semaphore_mem>>, %arg13: memref<!tpu.dma_semaphore, #tpu.memory_space<semaphore_mem>>) attributes {dimension_semantics = [#tpu.dimension_semantics<core_parallel>, #tpu.dimension_semantics<subcore_parallel>], iteration_bounds = array<i64: 2, 16>, scalar_prefetch = 0 : i64, scratch_operands = 7 : i64, tpu.core_type = #tpu.core_type<sc_vector_subcore>, window_params = [{transform_indices = #map}, {transform_indices = #map1}, {transform_indices = #map2}, {transform_indices = #map}, {transform_indices = #map3}]} {
    %mul3A = arith.constant 632 : i32
    %mul3A_0 = arith.muli %arg1, %mul3A : i32
    "tpu.region"() ({
      %run_scoped3A_264 = tpu.sem_alloc : memref<!tpu.dma_semaphore, #tpu.memory_space<semaphore_mem>>
      %dma_start3A_265 = arith.constant 0 : i32
      %dma_start3A_266 = tpu.memref_slice %arg7[%mul3A_0, %dma_start3A_265] : memref<10112x128xf32, #tpu.memory_space<vmem_shared>> -> memref<632x128xf32, #tpu.memory_space<vmem_shared>>
      tpu.enqueue_dma source(%arg5 : memref<632x128xf32, #tpu.memory_space<hbm>>) target(%dma_start3A_266 : memref<632x128xf32, #tpu.memory_space<vmem_shared>>) target_semaphore(%run_scoped3A_264 : memref<!tpu.dma_semaphore, #tpu.memory_space<semaphore_mem>>)
      %dma_wait3A_267 = arith.constant 0 : i32
      %dma_wait3A_268 = tpu.memref_slice %arg7[%mul3A_0, %dma_wait3A_267] : memref<10112x128xf32, #tpu.memory_space<vmem_shared>> -> memref<632x128xf32, #tpu.memory_space<vmem_shared>>
      tpu.wait_dma2 semaphore(%run_scoped3A_264 : memref<!tpu.dma_semaphore, #tpu.memory_space<semaphore_mem>>) src(%arg5 : memref<632x128xf32, #tpu.memory_space<hbm>>) dst(%dma_wait3A_268 : memref<632x128xf32, #tpu.memory_space<vmem_shared>>)
      tpu.yield
    }) : () -> ()
    %barrier3A = arith.constant 0 : index
    tpu.barrier barrier_id(%barrier3A)
    %run_scoped3A = arith.constant 0 : i32
    %run_scoped3A_1 = arith.constant 0 : i32
    "tpu.region"() ({
      %run_scoped3A_264 = tpu.sem_alloc : memref<!tpu.dma_semaphore, #tpu.memory_space<semaphore_mem>>
      %dma_start3A_265 = arith.constant 0 : i32
      %dma_start3A_266 = arith.constant 0 : i32
      %dma_start3A_267 = tpu.memref_slice %arg3[%arg0, %run_scoped3A, %arg1, %run_scoped3A_1, %dma_start3A_265, %dma_start3A_266] : memref<2x2x16x2x40x125xi32, #tpu.memory_space<hbm>> -> memref<1x1x1x1x40x125xi32, #tpu.memory_space<hbm>>
      %dma_start3A_268 = tpu.memref_squeeze %dma_start3A_267 : memref<1x1x1x1x40x125xi32, #tpu.memory_space<hbm>> -> memref<40x125xi32, #tpu.memory_space<hbm>>
      %dma_start3A_269 = arith.constant 0 : i32
      %dma_start3A_270 = arith.constant 0 : i32
      %dma_start3A_271 = tpu.memref_slice %arg3[%arg0, %run_scoped3A, %arg1, %run_scoped3A_1, %dma_start3A_269, %dma_start3A_270] : memref<2x2x16x2x40x125xi32, #tpu.memory_space<hbm>> -> memref<1x1x1x1x40x125xi32, #tpu.memory_space<hbm>>
      %dma_start3A_272 = tpu.memref_squeeze %dma_start3A_271 : memref<1x1x1x1x40x125xi32, #tpu.memory_space<hbm>> -> memref<40x125xi32, #tpu.memory_space<hbm>>
      tpu.enqueue_dma source(%dma_start3A_272 : memref<40x125xi32, #tpu.memory_space<hbm>>) target(%arg8 : memref<40x125xi32, #tpu.memory_space<vmem>>) target_semaphore(%run_scoped3A_264 : memref<!tpu.dma_semaphore, #tpu.memory_space<semaphore_mem>>)
      %dma_wait3A_273 = arith.constant 0 : i32
      %dma_wait3A_274 = arith.constant 0 : i32
      %dma_wait3A_275 = tpu.memref_slice %arg3[%arg0, %run_scoped3A, %arg1, %run_scoped3A_1, %dma_wait3A_273, %dma_wait3A_274] : memref<2x2x16x2x40x125xi32, #tpu.memory_space<hbm>> -> memref<1x1x1x1x40x125xi32, #tpu.memory_space<hbm>>
      %dma_wait3A_276 = tpu.memref_squeeze %dma_wait3A_275 : memref<1x1x1x1x40x125xi32, #tpu.memory_space<hbm>> -> memref<40x125xi32, #tpu.memory_space<hbm>>
      %dma_wait3A_277 = arith.constant 0 : i32
      %dma_wait3A_278 = arith.constant 0 : i32
      %dma_wait3A_279 = tpu.memref_slice %arg3[%arg0, %run_scoped3A, %arg1, %run_scoped3A_1, %dma_wait3A_277, %dma_wait3A_278] : memref<2x2x16x2x40x125xi32, #tpu.memory_space<hbm>> -> memref<1x1x1x1x40x125xi32, #tpu.memory_space<hbm>>
      %dma_wait3A_280 = tpu.memref_squeeze %dma_wait3A_279 : memref<1x1x1x1x40x125xi32, #tpu.memory_space<hbm>> -> memref<40x125xi32, #tpu.memory_space<hbm>>
      tpu.wait_dma2 semaphore(%run_scoped3A_264 : memref<!tpu.dma_semaphore, #tpu.memory_space<semaphore_mem>>) src(%dma_wait3A_280 : memref<40x125xi32, #tpu.memory_space<hbm>>) dst(%arg8 : memref<40x125xi32, #tpu.memory_space<vmem>>)
      tpu.yield
    }) : () -> ()
    %run_scoped3A_2 = arith.constant 0 : i32
    "tpu.region"() ({
      %run_scoped3A_264 = tpu.sem_alloc : memref<!tpu.dma_semaphore, #tpu.memory_space<semaphore_mem>>
      %dma_start3A_265 = arith.constant 0 : i32
      %dma_start3A_266 = arith.constant 0 : i32
      %dma_start3A_267 = tpu.memref_slice %arg4[%arg1, %run_scoped3A_2, %dma_start3A_265, %dma_start3A_266] : memref<16x2x40x125xi32, #tpu.memory_space<hbm>> -> memref<1x1x40x125xi32, #tpu.memory_space<hbm>>
      %dma_start3A_268 = tpu.memref_squeeze %dma_start3A_267 : memref<1x1x40x125xi32, #tpu.memory_space<hbm>> -> memref<40x125xi32, #tpu.memory_space<hbm>>
      %dma_start3A_269 = arith.constant 0 : i32
      %dma_start3A_270 = arith.constant 0 : i32
      %dma_start3A_271 = tpu.memref_slice %arg4[%arg1, %run_scoped3A_2, %dma_start3A_269, %dma_start3A_270] : memref<16x2x40x125xi32, #tpu.memory_space<hbm>> -> memref<1x1x40x125xi32, #tpu.memory_space<hbm>>
      %dma_start3A_272 = tpu.memref_squeeze %dma_start3A_271 : memref<1x1x40x125xi32, #tpu.memory_space<hbm>> -> memref<40x125xi32, #tpu.memory_space<hbm>>
      tpu.enqueue_dma source(%dma_start3A_272 : memref<40x125xi32, #tpu.memory_space<hbm>>) target(%arg9 : memref<40x125xi32, #tpu.memory_space<vmem>>) target_semaphore(%run_scoped3A_264 : memref<!tpu.dma_semaphore, #tpu.memory_space<semaphore_mem>>)
      %dma_wait3A_273 = arith.constant 0 : i32
      %dma_wait3A_274 = arith.constant 0 : i32
      %dma_wait3A_275 = tpu.memref_slice %arg4[%arg1, %run_scoped3A_2, %dma_wait3A_273, %dma_wait3A_274] : memref<16x2x40x125xi32, #tpu.memory_space<hbm>> -> memref<1x1x40x125xi32, #tpu.memory_space<hbm>>
      %dma_wait3A_276 = tpu.memref_squeeze %dma_wait3A_275 : memref<1x1x40x125xi32, #tpu.memory_space<hbm>> -> memref<40x125xi32, #tpu.memory_space<hbm>>
      %dma_wait3A_277 = arith.constant 0 : i32
      %dma_wait3A_278 = arith.constant 0 : i32
      %dma_wait3A_279 = tpu.memref_slice %arg4[%arg1, %run_scoped3A_2, %dma_wait3A_277, %dma_wait3A_278] : memref<16x2x40x125xi32, #tpu.memory_space<hbm>> -> memref<1x1x40x125xi32, #tpu.memory_space<hbm>>
      %dma_wait3A_280 = tpu.memref_squeeze %dma_wait3A_279 : memref<1x1x40x125xi32, #tpu.memory_space<hbm>> -> memref<40x125xi32, #tpu.memory_space<hbm>>
      tpu.wait_dma2 semaphore(%run_scoped3A_264 : memref<!tpu.dma_semaphore, #tpu.memory_space<semaphore_mem>>) src(%dma_wait3A_280 : memref<40x125xi32, #tpu.memory_space<hbm>>) dst(%arg9 : memref<40x125xi32, #tpu.memory_space<vmem>>)
      tpu.yield
    }) : () -> ()
    %dma_start3A = arith.constant 0 : i32
    %dma_start3A_3 = arith.constant 0 : i32
    %dma_start3A_4 = tpu.memref_slice %arg8[%dma_start3A, %dma_start3A_3] : memref<40x125xi32, #tpu.memory_space<vmem>> -> memref<1x125xi32, #tpu.memory_space<vmem>>
    %dma_start3A_5 = tpu.memref_squeeze %dma_start3A_4 : memref<1x125xi32, #tpu.memory_space<vmem>> -> memref<125xi32, #tpu.memory_space<vmem>>
    %dma_start3A_6 = arith.constant 0 : i32
    %dma_start3A_7 = arith.constant 0 : i32
    %dma_start3A_8 = tpu.memref_slice %arg2[%dma_start3A_6, %dma_start3A_7] : memref<40000x128xf32, #tpu.memory_space<hbm>> -> memref<40000x128xf32, #tpu.memory_space<hbm>>
    tpu.enqueue_indirect_dma source(%dma_start3A_8 : memref<40000x128xf32, #tpu.memory_space<hbm>>) target(%arg10 : memref<125x128xf32, #tpu.memory_space<vmem>>) offsets(%dma_start3A_5 : memref<125xi32, #tpu.memory_space<vmem>>) semaphore(%arg12 : memref<!tpu.dma_semaphore, #tpu.memory_space<semaphore_mem>>)
    %dma_wait3A = arith.constant 0 : i32
    %dma_wait3A_9 = arith.constant 0 : i32
    %dma_wait3A_10 = tpu.memref_slice %arg8[%dma_wait3A, %dma_wait3A_9] : memref<40x125xi32, #tpu.memory_space<vmem>> -> memref<1x125xi32, #tpu.memory_space<vmem>>
    %dma_wait3A_11 = tpu.memref_squeeze %dma_wait3A_10 : memref<1x125xi32, #tpu.memory_space<vmem>> -> memref<125xi32, #tpu.memory_space<vmem>>
    %dma_wait3A_12 = arith.constant 0 : i32
    %dma_wait3A_13 = arith.constant 0 : i32
    %dma_wait3A_14 = tpu.memref_slice %arg2[%dma_wait3A_12, %dma_wait3A_13] : memref<40000x128xf32, #tpu.memory_space<hbm>> -> memref<40000x128xf32, #tpu.memory_space<hbm>>
    tpu.wait_indirect_dma semaphore(%arg12 : memref<!tpu.dma_semaphore, #tpu.memory_space<semaphore_mem>>) src(%dma_wait3A_14 : memref<40000x128xf32, #tpu.memory_space<hbm>>) dst(%arg10 : memref<125x128xf32, #tpu.memory_space<vmem>>)
    %dma_start3A_15 = arith.constant 0 : i32
    %dma_start3A_16 = arith.constant 0 : i32
    %dma_start3A_17 = tpu.memref_slice %arg9[%dma_start3A_15, %dma_start3A_16] : memref<40x125xi32, #tpu.memory_space<vmem>> -> memref<1x125xi32, #tpu.memory_space<vmem>>
    %dma_start3A_18 = tpu.memref_squeeze %dma_start3A_17 : memref<1x125xi32, #tpu.memory_space<vmem>> -> memref<125xi32, #tpu.memory_space<vmem>>
    %dma_start3A_19 = arith.constant 0 : i32
    %dma_start3A_20 = arith.constant 0 : i32
    %dma_start3A_21 = tpu.memref_slice %arg7[%dma_start3A_19, %dma_start3A_20] : memref<10112x128xf32, #tpu.memory_space<vmem_shared>> -> memref<10112x128xf32, #tpu.memory_space<vmem_shared>>
    tpu.enqueue_indirect_dma source(%arg10 : memref<125x128xf32, #tpu.memory_space<vmem>>) target(%dma_start3A_21 : memref<10112x128xf32, #tpu.memory_space<vmem_shared>>) offsets(%dma_start3A_18 : memref<125xi32, #tpu.memory_space<vmem>>) semaphore(%arg13 : memref<!tpu.dma_semaphore, #tpu.memory_space<semaphore_mem>>) {add = true}
    %dma_start3A_22 = arith.constant 1 : i32
    %dma_start3A_23 = arith.constant 0 : i32
    %dma_start3A_24 = tpu.memref_slice %arg8[%dma_start3A_22, %dma_start3A_23] : memref<40x125xi32, #tpu.memory_space<vmem>> -> memref<1x125xi32, #tpu.memory_space<vmem>>
    %dma_start3A_25 = tpu.memref_squeeze %dma_start3A_24 : memref<1x125xi32, #tpu.memory_space<vmem>> -> memref<125xi32, #tpu.memory_space<vmem>>
    %dma_start3A_26 = arith.constant 0 : i32
    %dma_start3A_27 = arith.constant 0 : i32
    %dma_start3A_28 = tpu.memref_slice %arg2[%dma_start3A_26, %dma_start3A_27] : memref<40000x128xf32, #tpu.memory_space<hbm>> -> memref<40000x128xf32, #tpu.memory_space<hbm>>
    tpu.enqueue_indirect_dma source(%dma_start3A_28 : memref<40000x128xf32, #tpu.memory_space<hbm>>) target(%arg11 : memref<125x128xf32, #tpu.memory_space<vmem>>) offsets(%dma_start3A_25 : memref<125xi32, #tpu.memory_space<vmem>>) semaphore(%arg12 : memref<!tpu.dma_semaphore, #tpu.memory_space<semaphore_mem>>)
    %dma_wait3A_29 = arith.constant 1 : i32
    %dma_wait3A_30 = arith.constant 0 : i32
    %dma_wait3A_31 = tpu.memref_slice %arg8[%dma_wait3A_29, %dma_wait3A_30] : memref<40x125xi32, #tpu.memory_space<vmem>> -> memref<1x125xi32, #tpu.memory_space<vmem>>
    %dma_wait3A_32 = tpu.memref_squeeze %dma_wait3A_31 : memref<1x125xi32, #tpu.memory_space<vmem>> -> memref<125xi32, #tpu.memory_space<vmem>>
    %dma_wait3A_33 = arith.constant 0 : i32
    %dma_wait3A_34 = arith.constant 0 : i32
    %dma_wait3A_35 = tpu.memref_slice %arg2[%dma_wait3A_33, %dma_wait3A_34] : memref<40000x128xf32, #tpu.memory_space<hbm>> -> memref<40000x128xf32, #tpu.memory_space<hbm>>
    tpu.wait_indirect_dma semaphore(%arg12 : memref<!tpu.dma_semaphore, #tpu.memory_space<semaphore_mem>>) src(%dma_wait3A_35 : memref<40000x128xf32, #tpu.memory_space<hbm>>) dst(%arg11 : memref<125x128xf32, #tpu.memory_space<vmem>>)
    %dma_start3A_36 = arith.constant 1 : i32
    %dma_start3A_37 = arith.constant 0 : i32
    %dma_start3A_38 = tpu.memref_slice %arg9[%dma_start3A_36, %dma_start3A_37] : memref<40x125xi32, #tpu.memory_space<vmem>> -> memref<1x125xi32, #tpu.memory_space<vmem>>
    %dma_start3A_39 = tpu.memref_squeeze %dma_start3A_38 : memref<1x125xi32, #tpu.memory_space<vmem>> -> memref<125xi32, #tpu.memory_space<vmem>>
    %dma_start3A_40 = arith.constant 0 : i32
    %dma_start3A_41 = arith.constant 0 : i32
    %dma_start3A_42 = tpu.memref_slice %arg7[%dma_start3A_40, %dma_start3A_41] : memref<10112x128xf32, #tpu.memory_space<vmem_shared>> -> memref<10112x128xf32, #tpu.memory_space<vmem_shared>>
    tpu.enqueue_indirect_dma source(%arg11 : memref<125x128xf32, #tpu.memory_space<vmem>>) target(%dma_start3A_42 : memref<10112x128xf32, #tpu.memory_space<vmem_shared>>) offsets(%dma_start3A_39 : memref<125xi32, #tpu.memory_space<vmem>>) semaphore(%arg13 : memref<!tpu.dma_semaphore, #tpu.memory_space<semaphore_mem>>) {add = true}
    %scan3A = arith.constant 0 : i32
    %scan3A_43 = arith.constant 1 : i32
    %scan3A_44 = arith.constant 19 : i32
    %scan3A_45 = arith.addi %scan3A_43, %scan3A_44 : i32
    %scan3A_46 = arith.constant 1 : i32
    scf.for %scan3A_264 = %scan3A_43 to %scan3A_45 step %scan3A_46  : i32 {
      %mul3A_265 = arith.constant 2 : i32
      %mul3A_266 = arith.muli %mul3A_265, %scan3A_264 : i32
      %sub3A = arith.constant 2 : i32
      %sub3A_267 = arith.subi %mul3A_266, %sub3A : i32
      %dma_wait3A_268 = arith.constant 0 : i32
      %dma_wait3A_269 = tpu.memref_slice %arg9[%sub3A_267, %dma_wait3A_268] : memref<40x125xi32, #tpu.memory_space<vmem>> -> memref<1x125xi32, #tpu.memory_space<vmem>>
      %dma_wait3A_270 = tpu.memref_squeeze %dma_wait3A_269 : memref<1x125xi32, #tpu.memory_space<vmem>> -> memref<125xi32, #tpu.memory_space<vmem>>
      %dma_wait3A_271 = arith.constant 0 : i32
      %dma_wait3A_272 = arith.constant 0 : i32
      %dma_wait3A_273 = tpu.memref_slice %arg7[%dma_wait3A_271, %dma_wait3A_272] : memref<10112x128xf32, #tpu.memory_space<vmem_shared>> -> memref<10112x128xf32, #tpu.memory_space<vmem_shared>>
      tpu.wait_indirect_dma semaphore(%arg13 : memref<!tpu.dma_semaphore, #tpu.memory_space<semaphore_mem>>) src(%arg10 : memref<125x128xf32, #tpu.memory_space<vmem>>) dst(%dma_wait3A_273 : memref<10112x128xf32, #tpu.memory_space<vmem_shared>>)
      %dma_start3A_274 = arith.constant 0 : i32
      %dma_start3A_275 = tpu.memref_slice %arg8[%mul3A_266, %dma_start3A_274] : memref<40x125xi32, #tpu.memory_space<vmem>> -> memref<1x125xi32, #tpu.memory_space<vmem>>
      %dma_start3A_276 = tpu.memref_squeeze %dma_start3A_275 : memref<1x125xi32, #tpu.memory_space<vmem>> -> memref<125xi32, #tpu.memory_space<vmem>>
      %dma_start3A_277 = arith.constant 0 : i32
      %dma_start3A_278 = arith.constant 0 : i32
      %dma_start3A_279 = tpu.memref_slice %arg2[%dma_start3A_277, %dma_start3A_278] : memref<40000x128xf32, #tpu.memory_space<hbm>> -> memref<40000x128xf32, #tpu.memory_space<hbm>>
      tpu.enqueue_indirect_dma source(%dma_start3A_279 : memref<40000x128xf32, #tpu.memory_space<hbm>>) target(%arg10 : memref<125x128xf32, #tpu.memory_space<vmem>>) offsets(%dma_start3A_276 : memref<125xi32, #tpu.memory_space<vmem>>) semaphore(%arg12 : memref<!tpu.dma_semaphore, #tpu.memory_space<semaphore_mem>>)
      %dma_wait3A_280 = arith.constant 0 : i32
      %dma_wait3A_281 = tpu.memref_slice %arg8[%mul3A_266, %dma_wait3A_280] : memref<40x125xi32, #tpu.memory_space<vmem>> -> memref<1x125xi32, #tpu.memory_space<vmem>>
      %dma_wait3A_282 = tpu.memref_squeeze %dma_wait3A_281 : memref<1x125xi32, #tpu.memory_space<vmem>> -> memref<125xi32, #tpu.memory_space<vmem>>
      %dma_wait3A_283 = arith.constant 0 : i32
      %dma_wait3A_284 = arith.constant 0 : i32
      %dma_wait3A_285 = tpu.memref_slice %arg2[%dma_wait3A_283, %dma_wait3A_284] : memref<40000x128xf32, #tpu.memory_space<hbm>> -> memref<40000x128xf32, #tpu.memory_space<hbm>>
      tpu.wait_indirect_dma semaphore(%arg12 : memref<!tpu.dma_semaphore, #tpu.memory_space<semaphore_mem>>) src(%dma_wait3A_285 : memref<40000x128xf32, #tpu.memory_space<hbm>>) dst(%arg10 : memref<125x128xf32, #tpu.memory_space<vmem>>)
      %dma_start3A_286 = arith.constant 0 : i32
      %dma_start3A_287 = tpu.memref_slice %arg9[%mul3A_266, %dma_start3A_286] : memref<40x125xi32, #tpu.memory_space<vmem>> -> memref<1x125xi32, #tpu.memory_space<vmem>>
      %dma_start3A_288 = tpu.memref_squeeze %dma_start3A_287 : memref<1x125xi32, #tpu.memory_space<vmem>> -> memref<125xi32, #tpu.memory_space<vmem>>
      %dma_start3A_289 = arith.constant 0 : i32
      %dma_start3A_290 = arith.constant 0 : i32
      %dma_start3A_291 = tpu.memref_slice %arg7[%dma_start3A_289, %dma_start3A_290] : memref<10112x128xf32, #tpu.memory_space<vmem_shared>> -> memref<10112x128xf32, #tpu.memory_space<vmem_shared>>
      tpu.enqueue_indirect_dma source(%arg10 : memref<125x128xf32, #tpu.memory_space<vmem>>) target(%dma_start3A_291 : memref<10112x128xf32, #tpu.memory_space<vmem_shared>>) offsets(%dma_start3A_288 : memref<125xi32, #tpu.memory_space<vmem>>) semaphore(%arg13 : memref<!tpu.dma_semaphore, #tpu.memory_space<semaphore_mem>>) {add = true}
      %sub3A_292 = arith.constant 1 : i32
      %sub3A_293 = arith.subi %mul3A_266, %sub3A_292 : i32
      %dma_wait3A_294 = arith.constant 0 : i32
      %dma_wait3A_295 = tpu.memref_slice %arg9[%sub3A_293, %dma_wait3A_294] : memref<40x125xi32, #tpu.memory_space<vmem>> -> memref<1x125xi32, #tpu.memory_space<vmem>>
      %dma_wait3A_296 = tpu.memref_squeeze %dma_wait3A_295 : memref<1x125xi32, #tpu.memory_space<vmem>> -> memref<125xi32, #tpu.memory_space<vmem>>
      %dma_wait3A_297 = arith.constant 0 : i32
      %dma_wait3A_298 = arith.constant 0 : i32
      %dma_wait3A_299 = tpu.memref_slice %arg7[%dma_wait3A_297, %dma_wait3A_298] : memref<10112x128xf32, #tpu.memory_space<vmem_shared>> -> memref<10112x128xf32, #tpu.memory_space<vmem_shared>>
      tpu.wait_indirect_dma semaphore(%arg13 : memref<!tpu.dma_semaphore, #tpu.memory_space<semaphore_mem>>) src(%arg11 : memref<125x128xf32, #tpu.memory_space<vmem>>) dst(%dma_wait3A_299 : memref<10112x128xf32, #tpu.memory_space<vmem_shared>>)
      %add3A_300 = arith.constant 1 : i32
      %add3A_301 = arith.addi %mul3A_266, %add3A_300 : i32
      %dma_start3A_302 = arith.constant 0 : i32
      %dma_start3A_303 = tpu.memref_slice %arg8[%add3A_301, %dma_start3A_302] : memref<40x125xi32, #tpu.memory_space<vmem>> -> memref<1x125xi32, #tpu.memory_space<vmem>>
      %dma_start3A_304 = tpu.memref_squeeze %dma_start3A_303 : memref<1x125xi32, #tpu.memory_space<vmem>> -> memref<125xi32, #tpu.memory_space<vmem>>
      %dma_start3A_305 = arith.constant 0 : i32
      %dma_start3A_306 = arith.constant 0 : i32
      %dma_start3A_307 = tpu.memref_slice %arg2[%dma_start3A_305, %dma_start3A_306] : memref<40000x128xf32, #tpu.memory_space<hbm>> -> memref<40000x128xf32, #tpu.memory_space<hbm>>
      tpu.enqueue_indirect_dma source(%dma_start3A_307 : memref<40000x128xf32, #tpu.memory_space<hbm>>) target(%arg11 : memref<125x128xf32, #tpu.memory_space<vmem>>) offsets(%dma_start3A_304 : memref<125xi32, #tpu.memory_space<vmem>>) semaphore(%arg12 : memref<!tpu.dma_semaphore, #tpu.memory_space<semaphore_mem>>)
      %add3A_308 = arith.constant 1 : i32
      %add3A_309 = arith.addi %mul3A_266, %add3A_308 : i32
      %dma_wait3A_310 = arith.constant 0 : i32
      %dma_wait3A_311 = tpu.memref_slice %arg8[%add3A_309, %dma_wait3A_310] : memref<40x125xi32, #tpu.memory_space<vmem>> -> memref<1x125xi32, #tpu.memory_space<vmem>>
      %dma_wait3A_312 = tpu.memref_squeeze %dma_wait3A_311 : memref<1x125xi32, #tpu.memory_space<vmem>> -> memref<125xi32, #tpu.memory_space<vmem>>
      %dma_wait3A_313 = arith.constant 0 : i32
      %dma_wait3A_314 = arith.constant 0 : i32
      %dma_wait3A_315 = tpu.memref_slice %arg2[%dma_wait3A_313, %dma_wait3A_314] : memref<40000x128xf32, #tpu.memory_space<hbm>> -> memref<40000x128xf32, #tpu.memory_space<hbm>>
      tpu.wait_indirect_dma semaphore(%arg12 : memref<!tpu.dma_semaphore, #tpu.memory_space<semaphore_mem>>) src(%dma_wait3A_315 : memref<40000x128xf32, #tpu.memory_space<hbm>>) dst(%arg11 : memref<125x128xf32, #tpu.memory_space<vmem>>)
      %add3A_316 = arith.constant 1 : i32
      %add3A_317 = arith.addi %mul3A_266, %add3A_316 : i32
      %dma_start3A_318 = arith.constant 0 : i32
      %dma_start3A_319 = tpu.memref_slice %arg9[%add3A_317, %dma_start3A_318] : memref<40x125xi32, #tpu.memory_space<vmem>> -> memref<1x125xi32, #tpu.memory_space<vmem>>
      %dma_start3A_320 = tpu.memref_squeeze %dma_start3A_319 : memref<1x125xi32, #tpu.memory_space<vmem>> -> memref<125xi32, #tpu.memory_space<vmem>>
      %dma_start3A_321 = arith.constant 0 : i32
      %dma_start3A_322 = arith.constant 0 : i32
      %dma_start3A_323 = tpu.memref_slice %arg7[%dma_start3A_321, %dma_start3A_322] : memref<10112x128xf32, #tpu.memory_space<vmem_shared>> -> memref<10112x128xf32, #tpu.memory_space<vmem_shared>>
      tpu.enqueue_indirect_dma source(%arg11 : memref<125x128xf32, #tpu.memory_space<vmem>>) target(%dma_start3A_323 : memref<10112x128xf32, #tpu.memory_space<vmem_shared>>) offsets(%dma_start3A_320 : memref<125xi32, #tpu.memory_space<vmem>>) semaphore(%arg13 : memref<!tpu.dma_semaphore, #tpu.memory_space<semaphore_mem>>) {add = true}
    }
    %scan3A_47 = arith.constant 19 : i32
    %dma_wait3A_48 = arith.constant 38 : i32
    %dma_wait3A_49 = arith.constant 0 : i32
    %dma_wait3A_50 = tpu.memref_slice %arg9[%dma_wait3A_48, %dma_wait3A_49] : memref<40x125xi32, #tpu.memory_space<vmem>> -> memref<1x125xi32, #tpu.memory_space<vmem>>
    %dma_wait3A_51 = tpu.memref_squeeze %dma_wait3A_50 : memref<1x125xi32, #tpu.memory_space<vmem>> -> memref<125xi32, #tpu.memory_space<vmem>>
    %dma_wait3A_52 = arith.constant 0 : i32
    %dma_wait3A_53 = arith.constant 0 : i32
    %dma_wait3A_54 = tpu.memref_slice %arg7[%dma_wait3A_52, %dma_wait3A_53] : memref<10112x128xf32, #tpu.memory_space<vmem_shared>> -> memref<10112x128xf32, #tpu.memory_space<vmem_shared>>
    tpu.wait_indirect_dma semaphore(%arg13 : memref<!tpu.dma_semaphore, #tpu.memory_space<semaphore_mem>>) src(%arg10 : memref<125x128xf32, #tpu.memory_space<vmem>>) dst(%dma_wait3A_54 : memref<10112x128xf32, #tpu.memory_space<vmem_shared>>)
    %dma_wait3A_55 = arith.constant 39 : i32
    %dma_wait3A_56 = arith.constant 0 : i32
    %dma_wait3A_57 = tpu.memref_slice %arg9[%dma_wait3A_55, %dma_wait3A_56] : memref<40x125xi32, #tpu.memory_space<vmem>> -> memref<1x125xi32, #tpu.memory_space<vmem>>
    %dma_wait3A_58 = tpu.memref_squeeze %dma_wait3A_57 : memref<1x125xi32, #tpu.memory_space<vmem>> -> memref<125xi32, #tpu.memory_space<vmem>>
    %dma_wait3A_59 = arith.constant 0 : i32
    %dma_wait3A_60 = arith.constant 0 : i32
    %dma_wait3A_61 = tpu.memref_slice %arg7[%dma_wait3A_59, %dma_wait3A_60] : memref<10112x128xf32, #tpu.memory_space<vmem_shared>> -> memref<10112x128xf32, #tpu.memory_space<vmem_shared>>
    tpu.wait_indirect_dma semaphore(%arg13 : memref<!tpu.dma_semaphore, #tpu.memory_space<semaphore_mem>>) src(%arg11 : memref<125x128xf32, #tpu.memory_space<vmem>>) dst(%dma_wait3A_61 : memref<10112x128xf32, #tpu.memory_space<vmem_shared>>)
    %run_scoped3A_62 = arith.constant 0 : i32
    %run_scoped3A_63 = arith.constant 1 : i32
    "tpu.region"() ({
      %run_scoped3A_264 = tpu.sem_alloc : memref<!tpu.dma_semaphore, #tpu.memory_space<semaphore_mem>>
      %dma_start3A_265 = arith.constant 0 : i32
      %dma_start3A_266 = arith.constant 0 : i32
      %dma_start3A_267 = tpu.memref_slice %arg3[%arg0, %run_scoped3A_62, %arg1, %run_scoped3A_63, %dma_start3A_265, %dma_start3A_266] : memref<2x2x16x2x40x125xi32, #tpu.memory_space<hbm>> -> memref<1x1x1x1x40x125xi32, #tpu.memory_space<hbm>>
      %dma_start3A_268 = tpu.memref_squeeze %dma_start3A_267 : memref<1x1x1x1x40x125xi32, #tpu.memory_space<hbm>> -> memref<40x125xi32, #tpu.memory_space<hbm>>
      %dma_start3A_269 = arith.constant 0 : i32
      %dma_start3A_270 = arith.constant 0 : i32
      %dma_start3A_271 = tpu.memref_slice %arg3[%arg0, %run_scoped3A_62, %arg1, %run_scoped3A_63, %dma_start3A_269, %dma_start3A_270] : memref<2x2x16x2x40x125xi32, #tpu.memory_space<hbm>> -> memref<1x1x1x1x40x125xi32, #tpu.memory_space<hbm>>
      %dma_start3A_272 = tpu.memref_squeeze %dma_start3A_271 : memref<1x1x1x1x40x125xi32, #tpu.memory_space<hbm>> -> memref<40x125xi32, #tpu.memory_space<hbm>>
      tpu.enqueue_dma source(%dma_start3A_272 : memref<40x125xi32, #tpu.memory_space<hbm>>) target(%arg8 : memref<40x125xi32, #tpu.memory_space<vmem>>) target_semaphore(%run_scoped3A_264 : memref<!tpu.dma_semaphore, #tpu.memory_space<semaphore_mem>>)
      %dma_wait3A_273 = arith.constant 0 : i32
      %dma_wait3A_274 = arith.constant 0 : i32
      %dma_wait3A_275 = tpu.memref_slice %arg3[%arg0, %run_scoped3A_62, %arg1, %run_scoped3A_63, %dma_wait3A_273, %dma_wait3A_274] : memref<2x2x16x2x40x125xi32, #tpu.memory_space<hbm>> -> memref<1x1x1x1x40x125xi32, #tpu.memory_space<hbm>>
      %dma_wait3A_276 = tpu.memref_squeeze %dma_wait3A_275 : memref<1x1x1x1x40x125xi32, #tpu.memory_space<hbm>> -> memref<40x125xi32, #tpu.memory_space<hbm>>
      %dma_wait3A_277 = arith.constant 0 : i32
      %dma_wait3A_278 = arith.constant 0 : i32
      %dma_wait3A_279 = tpu.memref_slice %arg3[%arg0, %run_scoped3A_62, %arg1, %run_scoped3A_63, %dma_wait3A_277, %dma_wait3A_278] : memref<2x2x16x2x40x125xi32, #tpu.memory_space<hbm>> -> memref<1x1x1x1x40x125xi32, #tpu.memory_space<hbm>>
      %dma_wait3A_280 = tpu.memref_squeeze %dma_wait3A_279 : memref<1x1x1x1x40x125xi32, #tpu.memory_space<hbm>> -> memref<40x125xi32, #tpu.memory_space<hbm>>
      tpu.wait_dma2 semaphore(%run_scoped3A_264 : memref<!tpu.dma_semaphore, #tpu.memory_space<semaphore_mem>>) src(%dma_wait3A_280 : memref<40x125xi32, #tpu.memory_space<hbm>>) dst(%arg8 : memref<40x125xi32, #tpu.memory_space<vmem>>)
      tpu.yield
    }) : () -> ()
    %run_scoped3A_64 = arith.constant 1 : i32
    "tpu.region"() ({
      %run_scoped3A_264 = tpu.sem_alloc : memref<!tpu.dma_semaphore, #tpu.memory_space<semaphore_mem>>
      %dma_start3A_265 = arith.constant 0 : i32
      %dma_start3A_266 = arith.constant 0 : i32
      %dma_start3A_267 = tpu.memref_slice %arg4[%arg1, %run_scoped3A_64, %dma_start3A_265, %dma_start3A_266] : memref<16x2x40x125xi32, #tpu.memory_space<hbm>> -> memref<1x1x40x125xi32, #tpu.memory_space<hbm>>
      %dma_start3A_268 = tpu.memref_squeeze %dma_start3A_267 : memref<1x1x40x125xi32, #tpu.memory_space<hbm>> -> memref<40x125xi32, #tpu.memory_space<hbm>>
      %dma_start3A_269 = arith.constant 0 : i32
      %dma_start3A_270 = arith.constant 0 : i32
      %dma_start3A_271 = tpu.memref_slice %arg4[%arg1, %run_scoped3A_64, %dma_start3A_269, %dma_start3A_270] : memref<16x2x40x125xi32, #tpu.memory_space<hbm>> -> memref<1x1x40x125xi32, #tpu.memory_space<hbm>>
      %dma_start3A_272 = tpu.memref_squeeze %dma_start3A_271 : memref<1x1x40x125xi32, #tpu.memory_space<hbm>> -> memref<40x125xi32, #tpu.memory_space<hbm>>
      tpu.enqueue_dma source(%dma_start3A_272 : memref<40x125xi32, #tpu.memory_space<hbm>>) target(%arg9 : memref<40x125xi32, #tpu.memory_space<vmem>>) target_semaphore(%run_scoped3A_264 : memref<!tpu.dma_semaphore, #tpu.memory_space<semaphore_mem>>)
      %dma_wait3A_273 = arith.constant 0 : i32
      %dma_wait3A_274 = arith.constant 0 : i32
      %dma_wait3A_275 = tpu.memref_slice %arg4[%arg1, %run_scoped3A_64, %dma_wait3A_273, %dma_wait3A_274] : memref<16x2x40x125xi32, #tpu.memory_space<hbm>> -> memref<1x1x40x125xi32, #tpu.memory_space<hbm>>
      %dma_wait3A_276 = tpu.memref_squeeze %dma_wait3A_275 : memref<1x1x40x125xi32, #tpu.memory_space<hbm>> -> memref<40x125xi32, #tpu.memory_space<hbm>>
      %dma_wait3A_277 = arith.constant 0 : i32
      %dma_wait3A_278 = arith.constant 0 : i32
      %dma_wait3A_279 = tpu.memref_slice %arg4[%arg1, %run_scoped3A_64, %dma_wait3A_277, %dma_wait3A_278] : memref<16x2x40x125xi32, #tpu.memory_space<hbm>> -> memref<1x1x40x125xi32, #tpu.memory_space<hbm>>
      %dma_wait3A_280 = tpu.memref_squeeze %dma_wait3A_279 : memref<1x1x40x125xi32, #tpu.memory_space<hbm>> -> memref<40x125xi32, #tpu.memory_space<hbm>>
      tpu.wait_dma2 semaphore(%run_scoped3A_264 : memref<!tpu.dma_semaphore, #tpu.memory_space<semaphore_mem>>) src(%dma_wait3A_280 : memref<40x125xi32, #tpu.memory_space<hbm>>) dst(%arg9 : memref<40x125xi32, #tpu.memory_space<vmem>>)
      tpu.yield
    }) : () -> ()
    %dma_start3A_65 = arith.constant 0 : i32
    %dma_start3A_66 = arith.constant 0 : i32
    %dma_start3A_67 = tpu.memref_slice %arg8[%dma_start3A_65, %dma_start3A_66] : memref<40x125xi32, #tpu.memory_space<vmem>> -> memref<1x125xi32, #tpu.memory_space<vmem>>
    %dma_start3A_68 = tpu.memref_squeeze %dma_start3A_67 : memref<1x125xi32, #tpu.memory_space<vmem>> -> memref<125xi32, #tpu.memory_space<vmem>>
    %dma_start3A_69 = arith.constant 0 : i32
    %dma_start3A_70 = arith.constant 0 : i32
    %dma_start3A_71 = tpu.memref_slice %arg2[%dma_start3A_69, %dma_start3A_70] : memref<40000x128xf32, #tpu.memory_space<hbm>> -> memref<40000x128xf32, #tpu.memory_space<hbm>>
    tpu.enqueue_indirect_dma source(%dma_start3A_71 : memref<40000x128xf32, #tpu.memory_space<hbm>>) target(%arg10 : memref<125x128xf32, #tpu.memory_space<vmem>>) offsets(%dma_start3A_68 : memref<125xi32, #tpu.memory_space<vmem>>) semaphore(%arg12 : memref<!tpu.dma_semaphore, #tpu.memory_space<semaphore_mem>>)
    %dma_wait3A_72 = arith.constant 0 : i32
    %dma_wait3A_73 = arith.constant 0 : i32
    %dma_wait3A_74 = tpu.memref_slice %arg8[%dma_wait3A_72, %dma_wait3A_73] : memref<40x125xi32, #tpu.memory_space<vmem>> -> memref<1x125xi32, #tpu.memory_space<vmem>>
    %dma_wait3A_75 = tpu.memref_squeeze %dma_wait3A_74 : memref<1x125xi32, #tpu.memory_space<vmem>> -> memref<125xi32, #tpu.memory_space<vmem>>
    %dma_wait3A_76 = arith.constant 0 : i32
    %dma_wait3A_77 = arith.constant 0 : i32
    %dma_wait3A_78 = tpu.memref_slice %arg2[%dma_wait3A_76, %dma_wait3A_77] : memref<40000x128xf32, #tpu.memory_space<hbm>> -> memref<40000x128xf32, #tpu.memory_space<hbm>>
    tpu.wait_indirect_dma semaphore(%arg12 : memref<!tpu.dma_semaphore, #tpu.memory_space<semaphore_mem>>) src(%dma_wait3A_78 : memref<40000x128xf32, #tpu.memory_space<hbm>>) dst(%arg10 : memref<125x128xf32, #tpu.memory_space<vmem>>)
    %dma_start3A_79 = arith.constant 0 : i32
    %dma_start3A_80 = arith.constant 0 : i32
    %dma_start3A_81 = tpu.memref_slice %arg9[%dma_start3A_79, %dma_start3A_80] : memref<40x125xi32, #tpu.memory_space<vmem>> -> memref<1x125xi32, #tpu.memory_space<vmem>>
    %dma_start3A_82 = tpu.memref_squeeze %dma_start3A_81 : memref<1x125xi32, #tpu.memory_space<vmem>> -> memref<125xi32, #tpu.memory_space<vmem>>
    %dma_start3A_83 = arith.constant 0 : i32
    %dma_start3A_84 = arith.constant 0 : i32
    %dma_start3A_85 = tpu.memref_slice %arg7[%dma_start3A_83, %dma_start3A_84] : memref<10112x128xf32, #tpu.memory_space<vmem_shared>> -> memref<10112x128xf32, #tpu.memory_space<vmem_shared>>
    tpu.enqueue_indirect_dma source(%arg10 : memref<125x128xf32, #tpu.memory_space<vmem>>) target(%dma_start3A_85 : memref<10112x128xf32, #tpu.memory_space<vmem_shared>>) offsets(%dma_start3A_82 : memref<125xi32, #tpu.memory_space<vmem>>) semaphore(%arg13 : memref<!tpu.dma_semaphore, #tpu.memory_space<semaphore_mem>>) {add = true}
    %dma_start3A_86 = arith.constant 1 : i32
    %dma_start3A_87 = arith.constant 0 : i32
    %dma_start3A_88 = tpu.memref_slice %arg8[%dma_start3A_86, %dma_start3A_87] : memref<40x125xi32, #tpu.memory_space<vmem>> -> memref<1x125xi32, #tpu.memory_space<vmem>>
    %dma_start3A_89 = tpu.memref_squeeze %dma_start3A_88 : memref<1x125xi32, #tpu.memory_space<vmem>> -> memref<125xi32, #tpu.memory_space<vmem>>
    %dma_start3A_90 = arith.constant 0 : i32
    %dma_start3A_91 = arith.constant 0 : i32
    %dma_start3A_92 = tpu.memref_slice %arg2[%dma_start3A_90, %dma_start3A_91] : memref<40000x128xf32, #tpu.memory_space<hbm>> -> memref<40000x128xf32, #tpu.memory_space<hbm>>
    tpu.enqueue_indirect_dma source(%dma_start3A_92 : memref<40000x128xf32, #tpu.memory_space<hbm>>) target(%arg11 : memref<125x128xf32, #tpu.memory_space<vmem>>) offsets(%dma_start3A_89 : memref<125xi32, #tpu.memory_space<vmem>>) semaphore(%arg12 : memref<!tpu.dma_semaphore, #tpu.memory_space<semaphore_mem>>)
    %dma_wait3A_93 = arith.constant 1 : i32
    %dma_wait3A_94 = arith.constant 0 : i32
    %dma_wait3A_95 = tpu.memref_slice %arg8[%dma_wait3A_93, %dma_wait3A_94] : memref<40x125xi32, #tpu.memory_space<vmem>> -> memref<1x125xi32, #tpu.memory_space<vmem>>
    %dma_wait3A_96 = tpu.memref_squeeze %dma_wait3A_95 : memref<1x125xi32, #tpu.memory_space<vmem>> -> memref<125xi32, #tpu.memory_space<vmem>>
    %dma_wait3A_97 = arith.constant 0 : i32
    %dma_wait3A_98 = arith.constant 0 : i32
    %dma_wait3A_99 = tpu.memref_slice %arg2[%dma_wait3A_97, %dma_wait3A_98] : memref<40000x128xf32, #tpu.memory_space<hbm>> -> memref<40000x128xf32, #tpu.memory_space<hbm>>
    tpu.wait_indirect_dma semaphore(%arg12 : memref<!tpu.dma_semaphore, #tpu.memory_space<semaphore_mem>>) src(%dma_wait3A_99 : memref<40000x128xf32, #tpu.memory_space<hbm>>) dst(%arg11 : memref<125x128xf32, #tpu.memory_space<vmem>>)
    %dma_start3A_100 = arith.constant 1 : i32
    %dma_start3A_101 = arith.constant 0 : i32
    %dma_start3A_102 = tpu.memref_slice %arg9[%dma_start3A_100, %dma_start3A_101] : memref<40x125xi32, #tpu.memory_space<vmem>> -> memref<1x125xi32, #tpu.memory_space<vmem>>
    %dma_start3A_103 = tpu.memref_squeeze %dma_start3A_102 : memref<1x125xi32, #tpu.memory_space<vmem>> -> memref<125xi32, #tpu.memory_space<vmem>>
    %dma_start3A_104 = arith.constant 0 : i32
    %dma_start3A_105 = arith.constant 0 : i32
    %dma_start3A_106 = tpu.memref_slice %arg7[%dma_start3A_104, %dma_start3A_105] : memref<10112x128xf32, #tpu.memory_space<vmem_shared>> -> memref<10112x128xf32, #tpu.memory_space<vmem_shared>>
    tpu.enqueue_indirect_dma source(%arg11 : memref<125x128xf32, #tpu.memory_space<vmem>>) target(%dma_start3A_106 : memref<10112x128xf32, #tpu.memory_space<vmem_shared>>) offsets(%dma_start3A_103 : memref<125xi32, #tpu.memory_space<vmem>>) semaphore(%arg13 : memref<!tpu.dma_semaphore, #tpu.memory_space<semaphore_mem>>) {add = true}
    %scan3A_107 = arith.constant 0 : i32
    %scan3A_108 = arith.constant 1 : i32
    %scan3A_109 = arith.constant 19 : i32
    %scan3A_110 = arith.addi %scan3A_108, %scan3A_109 : i32
    %scan3A_111 = arith.constant 1 : i32
    scf.for %scan3A_264 = %scan3A_108 to %scan3A_110 step %scan3A_111  : i32 {
      %mul3A_265 = arith.constant 2 : i32
      %mul3A_266 = arith.muli %mul3A_265, %scan3A_264 : i32
      %sub3A = arith.constant 2 : i32
      %sub3A_267 = arith.subi %mul3A_266, %sub3A : i32
      %dma_wait3A_268 = arith.constant 0 : i32
      %dma_wait3A_269 = tpu.memref_slice %arg9[%sub3A_267, %dma_wait3A_268] : memref<40x125xi32, #tpu.memory_space<vmem>> -> memref<1x125xi32, #tpu.memory_space<vmem>>
      %dma_wait3A_270 = tpu.memref_squeeze %dma_wait3A_269 : memref<1x125xi32, #tpu.memory_space<vmem>> -> memref<125xi32, #tpu.memory_space<vmem>>
      %dma_wait3A_271 = arith.constant 0 : i32
      %dma_wait3A_272 = arith.constant 0 : i32
      %dma_wait3A_273 = tpu.memref_slice %arg7[%dma_wait3A_271, %dma_wait3A_272] : memref<10112x128xf32, #tpu.memory_space<vmem_shared>> -> memref<10112x128xf32, #tpu.memory_space<vmem_shared>>
      tpu.wait_indirect_dma semaphore(%arg13 : memref<!tpu.dma_semaphore, #tpu.memory_space<semaphore_mem>>) src(%arg10 : memref<125x128xf32, #tpu.memory_space<vmem>>) dst(%dma_wait3A_273 : memref<10112x128xf32, #tpu.memory_space<vmem_shared>>)
      %dma_start3A_274 = arith.constant 0 : i32
      %dma_start3A_275 = tpu.memref_slice %arg8[%mul3A_266, %dma_start3A_274] : memref<40x125xi32, #tpu.memory_space<vmem>> -> memref<1x125xi32, #tpu.memory_space<vmem>>
      %dma_start3A_276 = tpu.memref_squeeze %dma_start3A_275 : memref<1x125xi32, #tpu.memory_space<vmem>> -> memref<125xi32, #tpu.memory_space<vmem>>
      %dma_start3A_277 = arith.constant 0 : i32
      %dma_start3A_278 = arith.constant 0 : i32
      %dma_start3A_279 = tpu.memref_slice %arg2[%dma_start3A_277, %dma_start3A_278] : memref<40000x128xf32, #tpu.memory_space<hbm>> -> memref<40000x128xf32, #tpu.memory_space<hbm>>
      tpu.enqueue_indirect_dma source(%dma_start3A_279 : memref<40000x128xf32, #tpu.memory_space<hbm>>) target(%arg10 : memref<125x128xf32, #tpu.memory_space<vmem>>) offsets(%dma_start3A_276 : memref<125xi32, #tpu.memory_space<vmem>>) semaphore(%arg12 : memref<!tpu.dma_semaphore, #tpu.memory_space<semaphore_mem>>)
      %dma_wait3A_280 = arith.constant 0 : i32
      %dma_wait3A_281 = tpu.memref_slice %arg8[%mul3A_266, %dma_wait3A_280] : memref<40x125xi32, #tpu.memory_space<vmem>> -> memref<1x125xi32, #tpu.memory_space<vmem>>
      %dma_wait3A_282 = tpu.memref_squeeze %dma_wait3A_281 : memref<1x125xi32, #tpu.memory_space<vmem>> -> memref<125xi32, #tpu.memory_space<vmem>>
      %dma_wait3A_283 = arith.constant 0 : i32
      %dma_wait3A_284 = arith.constant 0 : i32
      %dma_wait3A_285 = tpu.memref_slice %arg2[%dma_wait3A_283, %dma_wait3A_284] : memref<40000x128xf32, #tpu.memory_space<hbm>> -> memref<40000x128xf32, #tpu.memory_space<hbm>>
      tpu.wait_indirect_dma semaphore(%arg12 : memref<!tpu.dma_semaphore, #tpu.memory_space<semaphore_mem>>) src(%dma_wait3A_285 : memref<40000x128xf32, #tpu.memory_space<hbm>>) dst(%arg10 : memref<125x128xf32, #tpu.memory_space<vmem>>)
      %dma_start3A_286 = arith.constant 0 : i32
      %dma_start3A_287 = tpu.memref_slice %arg9[%mul3A_266, %dma_start3A_286] : memref<40x125xi32, #tpu.memory_space<vmem>> -> memref<1x125xi32, #tpu.memory_space<vmem>>
      %dma_start3A_288 = tpu.memref_squeeze %dma_start3A_287 : memref<1x125xi32, #tpu.memory_space<vmem>> -> memref<125xi32, #tpu.memory_space<vmem>>
      %dma_start3A_289 = arith.constant 0 : i32
      %dma_start3A_290 = arith.constant 0 : i32
      %dma_start3A_291 = tpu.memref_slice %arg7[%dma_start3A_289, %dma_start3A_290] : memref<10112x128xf32, #tpu.memory_space<vmem_shared>> -> memref<10112x128xf32, #tpu.memory_space<vmem_shared>>
      tpu.enqueue_indirect_dma source(%arg10 : memref<125x128xf32, #tpu.memory_space<vmem>>) target(%dma_start3A_291 : memref<10112x128xf32, #tpu.memory_space<vmem_shared>>) offsets(%dma_start3A_288 : memref<125xi32, #tpu.memory_space<vmem>>) semaphore(%arg13 : memref<!tpu.dma_semaphore, #tpu.memory_space<semaphore_mem>>) {add = true}
      %sub3A_292 = arith.constant 1 : i32
      %sub3A_293 = arith.subi %mul3A_266, %sub3A_292 : i32
      %dma_wait3A_294 = arith.constant 0 : i32
      %dma_wait3A_295 = tpu.memref_slice %arg9[%sub3A_293, %dma_wait3A_294] : memref<40x125xi32, #tpu.memory_space<vmem>> -> memref<1x125xi32, #tpu.memory_space<vmem>>
      %dma_wait3A_296 = tpu.memref_squeeze %dma_wait3A_295 : memref<1x125xi32, #tpu.memory_space<vmem>> -> memref<125xi32, #tpu.memory_space<vmem>>
      %dma_wait3A_297 = arith.constant 0 : i32
      %dma_wait3A_298 = arith.constant 0 : i32
      %dma_wait3A_299 = tpu.memref_slice %arg7[%dma_wait3A_297, %dma_wait3A_298] : memref<10112x128xf32, #tpu.memory_space<vmem_shared>> -> memref<10112x128xf32, #tpu.memory_space<vmem_shared>>
      tpu.wait_indirect_dma semaphore(%arg13 : memref<!tpu.dma_semaphore, #tpu.memory_space<semaphore_mem>>) src(%arg11 : memref<125x128xf32, #tpu.memory_space<vmem>>) dst(%dma_wait3A_299 : memref<10112x128xf32, #tpu.memory_space<vmem_shared>>)
      %add3A_300 = arith.constant 1 : i32
      %add3A_301 = arith.addi %mul3A_266, %add3A_300 : i32
      %dma_start3A_302 = arith.constant 0 : i32
      %dma_start3A_303 = tpu.memref_slice %arg8[%add3A_301, %dma_start3A_302] : memref<40x125xi32, #tpu.memory_space<vmem>> -> memref<1x125xi32, #tpu.memory_space<vmem>>
      %dma_start3A_304 = tpu.memref_squeeze %dma_start3A_303 : memref<1x125xi32, #tpu.memory_space<vmem>> -> memref<125xi32, #tpu.memory_space<vmem>>
      %dma_start3A_305 = arith.constant 0 : i32
      %dma_start3A_306 = arith.constant 0 : i32
      %dma_start3A_307 = tpu.memref_slice %arg2[%dma_start3A_305, %dma_start3A_306] : memref<40000x128xf32, #tpu.memory_space<hbm>> -> memref<40000x128xf32, #tpu.memory_space<hbm>>
      tpu.enqueue_indirect_dma source(%dma_start3A_307 : memref<40000x128xf32, #tpu.memory_space<hbm>>) target(%arg11 : memref<125x128xf32, #tpu.memory_space<vmem>>) offsets(%dma_start3A_304 : memref<125xi32, #tpu.memory_space<vmem>>) semaphore(%arg12 : memref<!tpu.dma_semaphore, #tpu.memory_space<semaphore_mem>>)
      %add3A_308 = arith.constant 1 : i32
      %add3A_309 = arith.addi %mul3A_266, %add3A_308 : i32
      %dma_wait3A_310 = arith.constant 0 : i32
      %dma_wait3A_311 = tpu.memref_slice %arg8[%add3A_309, %dma_wait3A_310] : memref<40x125xi32, #tpu.memory_space<vmem>> -> memref<1x125xi32, #tpu.memory_space<vmem>>
      %dma_wait3A_312 = tpu.memref_squeeze %dma_wait3A_311 : memref<1x125xi32, #tpu.memory_space<vmem>> -> memref<125xi32, #tpu.memory_space<vmem>>
      %dma_wait3A_313 = arith.constant 0 : i32
      %dma_wait3A_314 = arith.constant 0 : i32
      %dma_wait3A_315 = tpu.memref_slice %arg2[%dma_wait3A_313, %dma_wait3A_314] : memref<40000x128xf32, #tpu.memory_space<hbm>> -> memref<40000x128xf32, #tpu.memory_space<hbm>>
      tpu.wait_indirect_dma semaphore(%arg12 : memref<!tpu.dma_semaphore, #tpu.memory_space<semaphore_mem>>) src(%dma_wait3A_315 : memref<40000x128xf32, #tpu.memory_space<hbm>>) dst(%arg11 : memref<125x128xf32, #tpu.memory_space<vmem>>)
      %add3A_316 = arith.constant 1 : i32
      %add3A_317 = arith.addi %mul3A_266, %add3A_316 : i32
      %dma_start3A_318 = arith.constant 0 : i32
      %dma_start3A_319 = tpu.memref_slice %arg9[%add3A_317, %dma_start3A_318] : memref<40x125xi32, #tpu.memory_space<vmem>> -> memref<1x125xi32, #tpu.memory_space<vmem>>
      %dma_start3A_320 = tpu.memref_squeeze %dma_start3A_319 : memref<1x125xi32, #tpu.memory_space<vmem>> -> memref<125xi32, #tpu.memory_space<vmem>>
      %dma_start3A_321 = arith.constant 0 : i32
      %dma_start3A_322 = arith.constant 0 : i32
      %dma_start3A_323 = tpu.memref_slice %arg7[%dma_start3A_321, %dma_start3A_322] : memref<10112x128xf32, #tpu.memory_space<vmem_shared>> -> memref<10112x128xf32, #tpu.memory_space<vmem_shared>>
      tpu.enqueue_indirect_dma source(%arg11 : memref<125x128xf32, #tpu.memory_space<vmem>>) target(%dma_start3A_323 : memref<10112x128xf32, #tpu.memory_space<vmem_shared>>) offsets(%dma_start3A_320 : memref<125xi32, #tpu.memory_space<vmem>>) semaphore(%arg13 : memref<!tpu.dma_semaphore, #tpu.memory_space<semaphore_mem>>) {add = true}
    }
    %scan3A_112 = arith.constant 19 : i32
    %dma_wait3A_113 = arith.constant 38 : i32
    %dma_wait3A_114 = arith.constant 0 : i32
    %dma_wait3A_115 = tpu.memref_slice %arg9[%dma_wait3A_113, %dma_wait3A_114] : memref<40x125xi32, #tpu.memory_space<vmem>> -> memref<1x125xi32, #tpu.memory_space<vmem>>
    %dma_wait3A_116 = tpu.memref_squeeze %dma_wait3A_115 : memref<1x125xi32, #tpu.memory_space<vmem>> -> memref<125xi32, #tpu.memory_space<vmem>>
    %dma_wait3A_117 = arith.constant 0 : i32
    %dma_wait3A_118 = arith.constant 0 : i32
    %dma_wait3A_119 = tpu.memref_slice %arg7[%dma_wait3A_117, %dma_wait3A_118] : memref<10112x128xf32, #tpu.memory_space<vmem_shared>> -> memref<10112x128xf32, #tpu.memory_space<vmem_shared>>
    tpu.wait_indirect_dma semaphore(%arg13 : memref<!tpu.dma_semaphore, #tpu.memory_space<semaphore_mem>>) src(%arg10 : memref<125x128xf32, #tpu.memory_space<vmem>>) dst(%dma_wait3A_119 : memref<10112x128xf32, #tpu.memory_space<vmem_shared>>)
    %dma_wait3A_120 = arith.constant 39 : i32
    %dma_wait3A_121 = arith.constant 0 : i32
    %dma_wait3A_122 = tpu.memref_slice %arg9[%dma_wait3A_120, %dma_wait3A_121] : memref<40x125xi32, #tpu.memory_space<vmem>> -> memref<1x125xi32, #tpu.memory_space<vmem>>
    %dma_wait3A_123 = tpu.memref_squeeze %dma_wait3A_122 : memref<1x125xi32, #tpu.memory_space<vmem>> -> memref<125xi32, #tpu.memory_space<vmem>>
    %dma_wait3A_124 = arith.constant 0 : i32
    %dma_wait3A_125 = arith.constant 0 : i32
    %dma_wait3A_126 = tpu.memref_slice %arg7[%dma_wait3A_124, %dma_wait3A_125] : memref<10112x128xf32, #tpu.memory_space<vmem_shared>> -> memref<10112x128xf32, #tpu.memory_space<vmem_shared>>
    tpu.wait_indirect_dma semaphore(%arg13 : memref<!tpu.dma_semaphore, #tpu.memory_space<semaphore_mem>>) src(%arg11 : memref<125x128xf32, #tpu.memory_space<vmem>>) dst(%dma_wait3A_126 : memref<10112x128xf32, #tpu.memory_space<vmem_shared>>)
    %barrier3A_127 = arith.constant 0 : index
    tpu.barrier barrier_id(%barrier3A_127)
    %add3A = arith.constant 0 : i32
    %add3A_128 = arith.addi %add3A, %arg0 : i32
    "tpu.region"() ({
      %run_scoped3A_264 = tpu.sem_alloc : memref<!tpu.dma_semaphore, #tpu.memory_space<semaphore_mem>>
      %dma_start3A_265 = arith.constant 0 : i32
      %dma_start3A_266 = tpu.memref_slice %arg6[%add3A_128, %mul3A_0, %dma_start3A_265] : memref<4x10112x128xf32, #tpu.memory_space<hbm>> -> memref<1x632x128xf32, #tpu.memory_space<hbm>>
      %dma_start3A_267 = tpu.memref_squeeze %dma_start3A_266 : memref<1x632x128xf32, #tpu.memory_space<hbm>> -> memref<632x128xf32, #tpu.memory_space<hbm>>
      %dma_start3A_268 = arith.constant 0 : i32
      %dma_start3A_269 = tpu.memref_slice %arg7[%mul3A_0, %dma_start3A_268] : memref<10112x128xf32, #tpu.memory_space<vmem_shared>> -> memref<632x128xf32, #tpu.memory_space<vmem_shared>>
      tpu.enqueue_dma source(%dma_start3A_269 : memref<632x128xf32, #tpu.memory_space<vmem_shared>>) target(%dma_start3A_267 : memref<632x128xf32, #tpu.memory_space<hbm>>) target_semaphore(%run_scoped3A_264 : memref<!tpu.dma_semaphore, #tpu.memory_space<semaphore_mem>>)
      %dma_wait3A_270 = arith.constant 0 : i32
      %dma_wait3A_271 = tpu.memref_slice %arg6[%add3A_128, %mul3A_0, %dma_wait3A_270] : memref<4x10112x128xf32, #tpu.memory_space<hbm>> -> memref<1x632x128xf32, #tpu.memory_space<hbm>>
      %dma_wait3A_272 = tpu.memref_squeeze %dma_wait3A_271 : memref<1x632x128xf32, #tpu.memory_space<hbm>> -> memref<632x128xf32, #tpu.memory_space<hbm>>
      %dma_wait3A_273 = arith.constant 0 : i32
      %dma_wait3A_274 = tpu.memref_slice %arg7[%mul3A_0, %dma_wait3A_273] : memref<10112x128xf32, #tpu.memory_space<vmem_shared>> -> memref<632x128xf32, #tpu.memory_space<vmem_shared>>
      tpu.wait_dma2 semaphore(%run_scoped3A_264 : memref<!tpu.dma_semaphore, #tpu.memory_space<semaphore_mem>>) src(%dma_wait3A_274 : memref<632x128xf32, #tpu.memory_space<vmem_shared>>) dst(%dma_wait3A_272 : memref<632x128xf32, #tpu.memory_space<hbm>>)
      tpu.yield
    }) : () -> ()
    %barrier3A_129 = arith.constant 0 : index
    tpu.barrier barrier_id(%barrier3A_129)
    "tpu.region"() ({
      %run_scoped3A_264 = tpu.sem_alloc : memref<!tpu.dma_semaphore, #tpu.memory_space<semaphore_mem>>
      %dma_start3A_265 = arith.constant 0 : i32
      %dma_start3A_266 = tpu.memref_slice %arg7[%mul3A_0, %dma_start3A_265] : memref<10112x128xf32, #tpu.memory_space<vmem_shared>> -> memref<632x128xf32, #tpu.memory_space<vmem_shared>>
      tpu.enqueue_dma source(%arg5 : memref<632x128xf32, #tpu.memory_space<hbm>>) target(%dma_start3A_266 : memref<632x128xf32, #tpu.memory_space<vmem_shared>>) target_semaphore(%run_scoped3A_264 : memref<!tpu.dma_semaphore, #tpu.memory_space<semaphore_mem>>)
      %dma_wait3A_267 = arith.constant 0 : i32
      %dma_wait3A_268 = tpu.memref_slice %arg7[%mul3A_0, %dma_wait3A_267] : memref<10112x128xf32, #tpu.memory_space<vmem_shared>> -> memref<632x128xf32, #tpu.memory_space<vmem_shared>>
      tpu.wait_dma2 semaphore(%run_scoped3A_264 : memref<!tpu.dma_semaphore, #tpu.memory_space<semaphore_mem>>) src(%arg5 : memref<632x128xf32, #tpu.memory_space<hbm>>) dst(%dma_wait3A_268 : memref<632x128xf32, #tpu.memory_space<vmem_shared>>)
      tpu.yield
    }) : () -> ()
    %barrier3A_130 = arith.constant 0 : index
    tpu.barrier barrier_id(%barrier3A_130)
    %run_scoped3A_131 = arith.constant 1 : i32
    %run_scoped3A_132 = arith.constant 0 : i32
    "tpu.region"() ({
      %run_scoped3A_264 = tpu.sem_alloc : memref<!tpu.dma_semaphore, #tpu.memory_space<semaphore_mem>>
      %dma_start3A_265 = arith.constant 0 : i32
      %dma_start3A_266 = arith.constant 0 : i32
      %dma_start3A_267 = tpu.memref_slice %arg3[%arg0, %run_scoped3A_131, %arg1, %run_scoped3A_132, %dma_start3A_265, %dma_start3A_266] : memref<2x2x16x2x40x125xi32, #tpu.memory_space<hbm>> -> memref<1x1x1x1x40x125xi32, #tpu.memory_space<hbm>>
      %dma_start3A_268 = tpu.memref_squeeze %dma_start3A_267 : memref<1x1x1x1x40x125xi32, #tpu.memory_space<hbm>> -> memref<40x125xi32, #tpu.memory_space<hbm>>
      %dma_start3A_269 = arith.constant 0 : i32
      %dma_start3A_270 = arith.constant 0 : i32
      %dma_start3A_271 = tpu.memref_slice %arg3[%arg0, %run_scoped3A_131, %arg1, %run_scoped3A_132, %dma_start3A_269, %dma_start3A_270] : memref<2x2x16x2x40x125xi32, #tpu.memory_space<hbm>> -> memref<1x1x1x1x40x125xi32, #tpu.memory_space<hbm>>
      %dma_start3A_272 = tpu.memref_squeeze %dma_start3A_271 : memref<1x1x1x1x40x125xi32, #tpu.memory_space<hbm>> -> memref<40x125xi32, #tpu.memory_space<hbm>>
      tpu.enqueue_dma source(%dma_start3A_272 : memref<40x125xi32, #tpu.memory_space<hbm>>) target(%arg8 : memref<40x125xi32, #tpu.memory_space<vmem>>) target_semaphore(%run_scoped3A_264 : memref<!tpu.dma_semaphore, #tpu.memory_space<semaphore_mem>>)
      %dma_wait3A_273 = arith.constant 0 : i32
      %dma_wait3A_274 = arith.constant 0 : i32
      %dma_wait3A_275 = tpu.memref_slice %arg3[%arg0, %run_scoped3A_131, %arg1, %run_scoped3A_132, %dma_wait3A_273, %dma_wait3A_274] : memref<2x2x16x2x40x125xi32, #tpu.memory_space<hbm>> -> memref<1x1x1x1x40x125xi32, #tpu.memory_space<hbm>>
      %dma_wait3A_276 = tpu.memref_squeeze %dma_wait3A_275 : memref<1x1x1x1x40x125xi32, #tpu.memory_space<hbm>> -> memref<40x125xi32, #tpu.memory_space<hbm>>
      %dma_wait3A_277 = arith.constant 0 : i32
      %dma_wait3A_278 = arith.constant 0 : i32
      %dma_wait3A_279 = tpu.memref_slice %arg3[%arg0, %run_scoped3A_131, %arg1, %run_scoped3A_132, %dma_wait3A_277, %dma_wait3A_278] : memref<2x2x16x2x40x125xi32, #tpu.memory_space<hbm>> -> memref<1x1x1x1x40x125xi32, #tpu.memory_space<hbm>>
      %dma_wait3A_280 = tpu.memref_squeeze %dma_wait3A_279 : memref<1x1x1x1x40x125xi32, #tpu.memory_space<hbm>> -> memref<40x125xi32, #tpu.memory_space<hbm>>
      tpu.wait_dma2 semaphore(%run_scoped3A_264 : memref<!tpu.dma_semaphore, #tpu.memory_space<semaphore_mem>>) src(%dma_wait3A_280 : memref<40x125xi32, #tpu.memory_space<hbm>>) dst(%arg8 : memref<40x125xi32, #tpu.memory_space<vmem>>)
      tpu.yield
    }) : () -> ()
    %run_scoped3A_133 = arith.constant 0 : i32
    "tpu.region"() ({
      %run_scoped3A_264 = tpu.sem_alloc : memref<!tpu.dma_semaphore, #tpu.memory_space<semaphore_mem>>
      %dma_start3A_265 = arith.constant 0 : i32
      %dma_start3A_266 = arith.constant 0 : i32
      %dma_start3A_267 = tpu.memref_slice %arg4[%arg1, %run_scoped3A_133, %dma_start3A_265, %dma_start3A_266] : memref<16x2x40x125xi32, #tpu.memory_space<hbm>> -> memref<1x1x40x125xi32, #tpu.memory_space<hbm>>
      %dma_start3A_268 = tpu.memref_squeeze %dma_start3A_267 : memref<1x1x40x125xi32, #tpu.memory_space<hbm>> -> memref<40x125xi32, #tpu.memory_space<hbm>>
      %dma_start3A_269 = arith.constant 0 : i32
      %dma_start3A_270 = arith.constant 0 : i32
      %dma_start3A_271 = tpu.memref_slice %arg4[%arg1, %run_scoped3A_133, %dma_start3A_269, %dma_start3A_270] : memref<16x2x40x125xi32, #tpu.memory_space<hbm>> -> memref<1x1x40x125xi32, #tpu.memory_space<hbm>>
      %dma_start3A_272 = tpu.memref_squeeze %dma_start3A_271 : memref<1x1x40x125xi32, #tpu.memory_space<hbm>> -> memref<40x125xi32, #tpu.memory_space<hbm>>
      tpu.enqueue_dma source(%dma_start3A_272 : memref<40x125xi32, #tpu.memory_space<hbm>>) target(%arg9 : memref<40x125xi32, #tpu.memory_space<vmem>>) target_semaphore(%run_scoped3A_264 : memref<!tpu.dma_semaphore, #tpu.memory_space<semaphore_mem>>)
      %dma_wait3A_273 = arith.constant 0 : i32
      %dma_wait3A_274 = arith.constant 0 : i32
      %dma_wait3A_275 = tpu.memref_slice %arg4[%arg1, %run_scoped3A_133, %dma_wait3A_273, %dma_wait3A_274] : memref<16x2x40x125xi32, #tpu.memory_space<hbm>> -> memref<1x1x40x125xi32, #tpu.memory_space<hbm>>
      %dma_wait3A_276 = tpu.memref_squeeze %dma_wait3A_275 : memref<1x1x40x125xi32, #tpu.memory_space<hbm>> -> memref<40x125xi32, #tpu.memory_space<hbm>>
      %dma_wait3A_277 = arith.constant 0 : i32
      %dma_wait3A_278 = arith.constant 0 : i32
      %dma_wait3A_279 = tpu.memref_slice %arg4[%arg1, %run_scoped3A_133, %dma_wait3A_277, %dma_wait3A_278] : memref<16x2x40x125xi32, #tpu.memory_space<hbm>> -> memref<1x1x40x125xi32, #tpu.memory_space<hbm>>
      %dma_wait3A_280 = tpu.memref_squeeze %dma_wait3A_279 : memref<1x1x40x125xi32, #tpu.memory_space<hbm>> -> memref<40x125xi32, #tpu.memory_space<hbm>>
      tpu.wait_dma2 semaphore(%run_scoped3A_264 : memref<!tpu.dma_semaphore, #tpu.memory_space<semaphore_mem>>) src(%dma_wait3A_280 : memref<40x125xi32, #tpu.memory_space<hbm>>) dst(%arg9 : memref<40x125xi32, #tpu.memory_space<vmem>>)
      tpu.yield
    }) : () -> ()
    %dma_start3A_134 = arith.constant 0 : i32
    %dma_start3A_135 = arith.constant 0 : i32
    %dma_start3A_136 = tpu.memref_slice %arg8[%dma_start3A_134, %dma_start3A_135] : memref<40x125xi32, #tpu.memory_space<vmem>> -> memref<1x125xi32, #tpu.memory_space<vmem>>
    %dma_start3A_137 = tpu.memref_squeeze %dma_start3A_136 : memref<1x125xi32, #tpu.memory_space<vmem>> -> memref<125xi32, #tpu.memory_space<vmem>>
    %dma_start3A_138 = arith.constant 0 : i32
    %dma_start3A_139 = arith.constant 0 : i32
    %dma_start3A_140 = tpu.memref_slice %arg2[%dma_start3A_138, %dma_start3A_139] : memref<40000x128xf32, #tpu.memory_space<hbm>> -> memref<40000x128xf32, #tpu.memory_space<hbm>>
    tpu.enqueue_indirect_dma source(%dma_start3A_140 : memref<40000x128xf32, #tpu.memory_space<hbm>>) target(%arg10 : memref<125x128xf32, #tpu.memory_space<vmem>>) offsets(%dma_start3A_137 : memref<125xi32, #tpu.memory_space<vmem>>) semaphore(%arg12 : memref<!tpu.dma_semaphore, #tpu.memory_space<semaphore_mem>>)
    %dma_wait3A_141 = arith.constant 0 : i32
    %dma_wait3A_142 = arith.constant 0 : i32
    %dma_wait3A_143 = tpu.memref_slice %arg8[%dma_wait3A_141, %dma_wait3A_142] : memref<40x125xi32, #tpu.memory_space<vmem>> -> memref<1x125xi32, #tpu.memory_space<vmem>>
    %dma_wait3A_144 = tpu.memref_squeeze %dma_wait3A_143 : memref<1x125xi32, #tpu.memory_space<vmem>> -> memref<125xi32, #tpu.memory_space<vmem>>
    %dma_wait3A_145 = arith.constant 0 : i32
    %dma_wait3A_146 = arith.constant 0 : i32
    %dma_wait3A_147 = tpu.memref_slice %arg2[%dma_wait3A_145, %dma_wait3A_146] : memref<40000x128xf32, #tpu.memory_space<hbm>> -> memref<40000x128xf32, #tpu.memory_space<hbm>>
    tpu.wait_indirect_dma semaphore(%arg12 : memref<!tpu.dma_semaphore, #tpu.memory_space<semaphore_mem>>) src(%dma_wait3A_147 : memref<40000x128xf32, #tpu.memory_space<hbm>>) dst(%arg10 : memref<125x128xf32, #tpu.memory_space<vmem>>)
    %dma_start3A_148 = arith.constant 0 : i32
    %dma_start3A_149 = arith.constant 0 : i32
    %dma_start3A_150 = tpu.memref_slice %arg9[%dma_start3A_148, %dma_start3A_149] : memref<40x125xi32, #tpu.memory_space<vmem>> -> memref<1x125xi32, #tpu.memory_space<vmem>>
    %dma_start3A_151 = tpu.memref_squeeze %dma_start3A_150 : memref<1x125xi32, #tpu.memory_space<vmem>> -> memref<125xi32, #tpu.memory_space<vmem>>
    %dma_start3A_152 = arith.constant 0 : i32
    %dma_start3A_153 = arith.constant 0 : i32
    %dma_start3A_154 = tpu.memref_slice %arg7[%dma_start3A_152, %dma_start3A_153] : memref<10112x128xf32, #tpu.memory_space<vmem_shared>> -> memref<10112x128xf32, #tpu.memory_space<vmem_shared>>
    tpu.enqueue_indirect_dma source(%arg10 : memref<125x128xf32, #tpu.memory_space<vmem>>) target(%dma_start3A_154 : memref<10112x128xf32, #tpu.memory_space<vmem_shared>>) offsets(%dma_start3A_151 : memref<125xi32, #tpu.memory_space<vmem>>) semaphore(%arg13 : memref<!tpu.dma_semaphore, #tpu.memory_space<semaphore_mem>>) {add = true}
    %dma_start3A_155 = arith.constant 1 : i32
    %dma_start3A_156 = arith.constant 0 : i32
    %dma_start3A_157 = tpu.memref_slice %arg8[%dma_start3A_155, %dma_start3A_156] : memref<40x125xi32, #tpu.memory_space<vmem>> -> memref<1x125xi32, #tpu.memory_space<vmem>>
    %dma_start3A_158 = tpu.memref_squeeze %dma_start3A_157 : memref<1x125xi32, #tpu.memory_space<vmem>> -> memref<125xi32, #tpu.memory_space<vmem>>
    %dma_start3A_159 = arith.constant 0 : i32
    %dma_start3A_160 = arith.constant 0 : i32
    %dma_start3A_161 = tpu.memref_slice %arg2[%dma_start3A_159, %dma_start3A_160] : memref<40000x128xf32, #tpu.memory_space<hbm>> -> memref<40000x128xf32, #tpu.memory_space<hbm>>
    tpu.enqueue_indirect_dma source(%dma_start3A_161 : memref<40000x128xf32, #tpu.memory_space<hbm>>) target(%arg11 : memref<125x128xf32, #tpu.memory_space<vmem>>) offsets(%dma_start3A_158 : memref<125xi32, #tpu.memory_space<vmem>>) semaphore(%arg12 : memref<!tpu.dma_semaphore, #tpu.memory_space<semaphore_mem>>)
    %dma_wait3A_162 = arith.constant 1 : i32
    %dma_wait3A_163 = arith.constant 0 : i32
    %dma_wait3A_164 = tpu.memref_slice %arg8[%dma_wait3A_162, %dma_wait3A_163] : memref<40x125xi32, #tpu.memory_space<vmem>> -> memref<1x125xi32, #tpu.memory_space<vmem>>
    %dma_wait3A_165 = tpu.memref_squeeze %dma_wait3A_164 : memref<1x125xi32, #tpu.memory_space<vmem>> -> memref<125xi32, #tpu.memory_space<vmem>>
    %dma_wait3A_166 = arith.constant 0 : i32
    %dma_wait3A_167 = arith.constant 0 : i32
    %dma_wait3A_168 = tpu.memref_slice %arg2[%dma_wait3A_166, %dma_wait3A_167] : memref<40000x128xf32, #tpu.memory_space<hbm>> -> memref<40000x128xf32, #tpu.memory_space<hbm>>
    tpu.wait_indirect_dma semaphore(%arg12 : memref<!tpu.dma_semaphore, #tpu.memory_space<semaphore_mem>>) src(%dma_wait3A_168 : memref<40000x128xf32, #tpu.memory_space<hbm>>) dst(%arg11 : memref<125x128xf32, #tpu.memory_space<vmem>>)
    %dma_start3A_169 = arith.constant 1 : i32
    %dma_start3A_170 = arith.constant 0 : i32
    %dma_start3A_171 = tpu.memref_slice %arg9[%dma_start3A_169, %dma_start3A_170] : memref<40x125xi32, #tpu.memory_space<vmem>> -> memref<1x125xi32, #tpu.memory_space<vmem>>
    %dma_start3A_172 = tpu.memref_squeeze %dma_start3A_171 : memref<1x125xi32, #tpu.memory_space<vmem>> -> memref<125xi32, #tpu.memory_space<vmem>>
    %dma_start3A_173 = arith.constant 0 : i32
    %dma_start3A_174 = arith.constant 0 : i32
    %dma_start3A_175 = tpu.memref_slice %arg7[%dma_start3A_173, %dma_start3A_174] : memref<10112x128xf32, #tpu.memory_space<vmem_shared>> -> memref<10112x128xf32, #tpu.memory_space<vmem_shared>>
    tpu.enqueue_indirect_dma source(%arg11 : memref<125x128xf32, #tpu.memory_space<vmem>>) target(%dma_start3A_175 : memref<10112x128xf32, #tpu.memory_space<vmem_shared>>) offsets(%dma_start3A_172 : memref<125xi32, #tpu.memory_space<vmem>>) semaphore(%arg13 : memref<!tpu.dma_semaphore, #tpu.memory_space<semaphore_mem>>) {add = true}
    %scan3A_176 = arith.constant 0 : i32
    %scan3A_177 = arith.constant 1 : i32
    %scan3A_178 = arith.constant 19 : i32
    %scan3A_179 = arith.addi %scan3A_177, %scan3A_178 : i32
    %scan3A_180 = arith.constant 1 : i32
    scf.for %scan3A_264 = %scan3A_177 to %scan3A_179 step %scan3A_180  : i32 {
      %mul3A_265 = arith.constant 2 : i32
      %mul3A_266 = arith.muli %mul3A_265, %scan3A_264 : i32
      %sub3A = arith.constant 2 : i32
      %sub3A_267 = arith.subi %mul3A_266, %sub3A : i32
      %dma_wait3A_268 = arith.constant 0 : i32
      %dma_wait3A_269 = tpu.memref_slice %arg9[%sub3A_267, %dma_wait3A_268] : memref<40x125xi32, #tpu.memory_space<vmem>> -> memref<1x125xi32, #tpu.memory_space<vmem>>
      %dma_wait3A_270 = tpu.memref_squeeze %dma_wait3A_269 : memref<1x125xi32, #tpu.memory_space<vmem>> -> memref<125xi32, #tpu.memory_space<vmem>>
      %dma_wait3A_271 = arith.constant 0 : i32
      %dma_wait3A_272 = arith.constant 0 : i32
      %dma_wait3A_273 = tpu.memref_slice %arg7[%dma_wait3A_271, %dma_wait3A_272] : memref<10112x128xf32, #tpu.memory_space<vmem_shared>> -> memref<10112x128xf32, #tpu.memory_space<vmem_shared>>
      tpu.wait_indirect_dma semaphore(%arg13 : memref<!tpu.dma_semaphore, #tpu.memory_space<semaphore_mem>>) src(%arg10 : memref<125x128xf32, #tpu.memory_space<vmem>>) dst(%dma_wait3A_273 : memref<10112x128xf32, #tpu.memory_space<vmem_shared>>)
      %dma_start3A_274 = arith.constant 0 : i32
      %dma_start3A_275 = tpu.memref_slice %arg8[%mul3A_266, %dma_start3A_274] : memref<40x125xi32, #tpu.memory_space<vmem>> -> memref<1x125xi32, #tpu.memory_space<vmem>>
      %dma_start3A_276 = tpu.memref_squeeze %dma_start3A_275 : memref<1x125xi32, #tpu.memory_space<vmem>> -> memref<125xi32, #tpu.memory_space<vmem>>
      %dma_start3A_277 = arith.constant 0 : i32
      %dma_start3A_278 = arith.constant 0 : i32
      %dma_start3A_279 = tpu.memref_slice %arg2[%dma_start3A_277, %dma_start3A_278] : memref<40000x128xf32, #tpu.memory_space<hbm>> -> memref<40000x128xf32, #tpu.memory_space<hbm>>
      tpu.enqueue_indirect_dma source(%dma_start3A_279 : memref<40000x128xf32, #tpu.memory_space<hbm>>) target(%arg10 : memref<125x128xf32, #tpu.memory_space<vmem>>) offsets(%dma_start3A_276 : memref<125xi32, #tpu.memory_space<vmem>>) semaphore(%arg12 : memref<!tpu.dma_semaphore, #tpu.memory_space<semaphore_mem>>)
      %dma_wait3A_280 = arith.constant 0 : i32
      %dma_wait3A_281 = tpu.memref_slice %arg8[%mul3A_266, %dma_wait3A_280] : memref<40x125xi32, #tpu.memory_space<vmem>> -> memref<1x125xi32, #tpu.memory_space<vmem>>
      %dma_wait3A_282 = tpu.memref_squeeze %dma_wait3A_281 : memref<1x125xi32, #tpu.memory_space<vmem>> -> memref<125xi32, #tpu.memory_space<vmem>>
      %dma_wait3A_283 = arith.constant 0 : i32
      %dma_wait3A_284 = arith.constant 0 : i32
      %dma_wait3A_285 = tpu.memref_slice %arg2[%dma_wait3A_283, %dma_wait3A_284] : memref<40000x128xf32, #tpu.memory_space<hbm>> -> memref<40000x128xf32, #tpu.memory_space<hbm>>
      tpu.wait_indirect_dma semaphore(%arg12 : memref<!tpu.dma_semaphore, #tpu.memory_space<semaphore_mem>>) src(%dma_wait3A_285 : memref<40000x128xf32, #tpu.memory_space<hbm>>) dst(%arg10 : memref<125x128xf32, #tpu.memory_space<vmem>>)
      %dma_start3A_286 = arith.constant 0 : i32
      %dma_start3A_287 = tpu.memref_slice %arg9[%mul3A_266, %dma_start3A_286] : memref<40x125xi32, #tpu.memory_space<vmem>> -> memref<1x125xi32, #tpu.memory_space<vmem>>
      %dma_start3A_288 = tpu.memref_squeeze %dma_start3A_287 : memref<1x125xi32, #tpu.memory_space<vmem>> -> memref<125xi32, #tpu.memory_space<vmem>>
      %dma_start3A_289 = arith.constant 0 : i32
      %dma_start3A_290 = arith.constant 0 : i32
      %dma_start3A_291 = tpu.memref_slice %arg7[%dma_start3A_289, %dma_start3A_290] : memref<10112x128xf32, #tpu.memory_space<vmem_shared>> -> memref<10112x128xf32, #tpu.memory_space<vmem_shared>>
      tpu.enqueue_indirect_dma source(%arg10 : memref<125x128xf32, #tpu.memory_space<vmem>>) target(%dma_start3A_291 : memref<10112x128xf32, #tpu.memory_space<vmem_shared>>) offsets(%dma_start3A_288 : memref<125xi32, #tpu.memory_space<vmem>>) semaphore(%arg13 : memref<!tpu.dma_semaphore, #tpu.memory_space<semaphore_mem>>) {add = true}
      %sub3A_292 = arith.constant 1 : i32
      %sub3A_293 = arith.subi %mul3A_266, %sub3A_292 : i32
      %dma_wait3A_294 = arith.constant 0 : i32
      %dma_wait3A_295 = tpu.memref_slice %arg9[%sub3A_293, %dma_wait3A_294] : memref<40x125xi32, #tpu.memory_space<vmem>> -> memref<1x125xi32, #tpu.memory_space<vmem>>
      %dma_wait3A_296 = tpu.memref_squeeze %dma_wait3A_295 : memref<1x125xi32, #tpu.memory_space<vmem>> -> memref<125xi32, #tpu.memory_space<vmem>>
      %dma_wait3A_297 = arith.constant 0 : i32
      %dma_wait3A_298 = arith.constant 0 : i32
      %dma_wait3A_299 = tpu.memref_slice %arg7[%dma_wait3A_297, %dma_wait3A_298] : memref<10112x128xf32, #tpu.memory_space<vmem_shared>> -> memref<10112x128xf32, #tpu.memory_space<vmem_shared>>
      tpu.wait_indirect_dma semaphore(%arg13 : memref<!tpu.dma_semaphore, #tpu.memory_space<semaphore_mem>>) src(%arg11 : memref<125x128xf32, #tpu.memory_space<vmem>>) dst(%dma_wait3A_299 : memref<10112x128xf32, #tpu.memory_space<vmem_shared>>)
      %add3A_300 = arith.constant 1 : i32
      %add3A_301 = arith.addi %mul3A_266, %add3A_300 : i32
      %dma_start3A_302 = arith.constant 0 : i32
      %dma_start3A_303 = tpu.memref_slice %arg8[%add3A_301, %dma_start3A_302] : memref<40x125xi32, #tpu.memory_space<vmem>> -> memref<1x125xi32, #tpu.memory_space<vmem>>
      %dma_start3A_304 = tpu.memref_squeeze %dma_start3A_303 : memref<1x125xi32, #tpu.memory_space<vmem>> -> memref<125xi32, #tpu.memory_space<vmem>>
      %dma_start3A_305 = arith.constant 0 : i32
      %dma_start3A_306 = arith.constant 0 : i32
      %dma_start3A_307 = tpu.memref_slice %arg2[%dma_start3A_305, %dma_start3A_306] : memref<40000x128xf32, #tpu.memory_space<hbm>> -> memref<40000x128xf32, #tpu.memory_space<hbm>>
      tpu.enqueue_indirect_dma source(%dma_start3A_307 : memref<40000x128xf32, #tpu.memory_space<hbm>>) target(%arg11 : memref<125x128xf32, #tpu.memory_space<vmem>>) offsets(%dma_start3A_304 : memref<125xi32, #tpu.memory_space<vmem>>) semaphore(%arg12 : memref<!tpu.dma_semaphore, #tpu.memory_space<semaphore_mem>>)
      %add3A_308 = arith.constant 1 : i32
      %add3A_309 = arith.addi %mul3A_266, %add3A_308 : i32
      %dma_wait3A_310 = arith.constant 0 : i32
      %dma_wait3A_311 = tpu.memref_slice %arg8[%add3A_309, %dma_wait3A_310] : memref<40x125xi32, #tpu.memory_space<vmem>> -> memref<1x125xi32, #tpu.memory_space<vmem>>
      %dma_wait3A_312 = tpu.memref_squeeze %dma_wait3A_311 : memref<1x125xi32, #tpu.memory_space<vmem>> -> memref<125xi32, #tpu.memory_space<vmem>>
      %dma_wait3A_313 = arith.constant 0 : i32
      %dma_wait3A_314 = arith.constant 0 : i32
      %dma_wait3A_315 = tpu.memref_slice %arg2[%dma_wait3A_313, %dma_wait3A_314] : memref<40000x128xf32, #tpu.memory_space<hbm>> -> memref<40000x128xf32, #tpu.memory_space<hbm>>
      tpu.wait_indirect_dma semaphore(%arg12 : memref<!tpu.dma_semaphore, #tpu.memory_space<semaphore_mem>>) src(%dma_wait3A_315 : memref<40000x128xf32, #tpu.memory_space<hbm>>) dst(%arg11 : memref<125x128xf32, #tpu.memory_space<vmem>>)
      %add3A_316 = arith.constant 1 : i32
      %add3A_317 = arith.addi %mul3A_266, %add3A_316 : i32
      %dma_start3A_318 = arith.constant 0 : i32
      %dma_start3A_319 = tpu.memref_slice %arg9[%add3A_317, %dma_start3A_318] : memref<40x125xi32, #tpu.memory_space<vmem>> -> memref<1x125xi32, #tpu.memory_space<vmem>>
      %dma_start3A_320 = tpu.memref_squeeze %dma_start3A_319 : memref<1x125xi32, #tpu.memory_space<vmem>> -> memref<125xi32, #tpu.memory_space<vmem>>
      %dma_start3A_321 = arith.constant 0 : i32
      %dma_start3A_322 = arith.constant 0 : i32
      %dma_start3A_323 = tpu.memref_slice %arg7[%dma_start3A_321, %dma_start3A_322] : memref<10112x128xf32, #tpu.memory_space<vmem_shared>> -> memref<10112x128xf32, #tpu.memory_space<vmem_shared>>
      tpu.enqueue_indirect_dma source(%arg11 : memref<125x128xf32, #tpu.memory_space<vmem>>) target(%dma_start3A_323 : memref<10112x128xf32, #tpu.memory_space<vmem_shared>>) offsets(%dma_start3A_320 : memref<125xi32, #tpu.memory_space<vmem>>) semaphore(%arg13 : memref<!tpu.dma_semaphore, #tpu.memory_space<semaphore_mem>>) {add = true}
    }
    %scan3A_181 = arith.constant 19 : i32
    %dma_wait3A_182 = arith.constant 38 : i32
    %dma_wait3A_183 = arith.constant 0 : i32
    %dma_wait3A_184 = tpu.memref_slice %arg9[%dma_wait3A_182, %dma_wait3A_183] : memref<40x125xi32, #tpu.memory_space<vmem>> -> memref<1x125xi32, #tpu.memory_space<vmem>>
    %dma_wait3A_185 = tpu.memref_squeeze %dma_wait3A_184 : memref<1x125xi32, #tpu.memory_space<vmem>> -> memref<125xi32, #tpu.memory_space<vmem>>
    %dma_wait3A_186 = arith.constant 0 : i32
    %dma_wait3A_187 = arith.constant 0 : i32
    %dma_wait3A_188 = tpu.memref_slice %arg7[%dma_wait3A_186, %dma_wait3A_187] : memref<10112x128xf32, #tpu.memory_space<vmem_shared>> -> memref<10112x128xf32, #tpu.memory_space<vmem_shared>>
    tpu.wait_indirect_dma semaphore(%arg13 : memref<!tpu.dma_semaphore, #tpu.memory_space<semaphore_mem>>) src(%arg10 : memref<125x128xf32, #tpu.memory_space<vmem>>) dst(%dma_wait3A_188 : memref<10112x128xf32, #tpu.memory_space<vmem_shared>>)
    %dma_wait3A_189 = arith.constant 39 : i32
    %dma_wait3A_190 = arith.constant 0 : i32
    %dma_wait3A_191 = tpu.memref_slice %arg9[%dma_wait3A_189, %dma_wait3A_190] : memref<40x125xi32, #tpu.memory_space<vmem>> -> memref<1x125xi32, #tpu.memory_space<vmem>>
    %dma_wait3A_192 = tpu.memref_squeeze %dma_wait3A_191 : memref<1x125xi32, #tpu.memory_space<vmem>> -> memref<125xi32, #tpu.memory_space<vmem>>
    %dma_wait3A_193 = arith.constant 0 : i32
    %dma_wait3A_194 = arith.constant 0 : i32
    %dma_wait3A_195 = tpu.memref_slice %arg7[%dma_wait3A_193, %dma_wait3A_194] : memref<10112x128xf32, #tpu.memory_space<vmem_shared>> -> memref<10112x128xf32, #tpu.memory_space<vmem_shared>>
    tpu.wait_indirect_dma semaphore(%arg13 : memref<!tpu.dma_semaphore, #tpu.memory_space<semaphore_mem>>) src(%arg11 : memref<125x128xf32, #tpu.memory_space<vmem>>) dst(%dma_wait3A_195 : memref<10112x128xf32, #tpu.memory_space<vmem_shared>>)
    %run_scoped3A_196 = arith.constant 1 : i32
    %run_scoped3A_197 = arith.constant 1 : i32
    "tpu.region"() ({
      %run_scoped3A_264 = tpu.sem_alloc : memref<!tpu.dma_semaphore, #tpu.memory_space<semaphore_mem>>
      %dma_start3A_265 = arith.constant 0 : i32
      %dma_start3A_266 = arith.constant 0 : i32
      %dma_start3A_267 = tpu.memref_slice %arg3[%arg0, %run_scoped3A_196, %arg1, %run_scoped3A_197, %dma_start3A_265, %dma_start3A_266] : memref<2x2x16x2x40x125xi32, #tpu.memory_space<hbm>> -> memref<1x1x1x1x40x125xi32, #tpu.memory_space<hbm>>
      %dma_start3A_268 = tpu.memref_squeeze %dma_start3A_267 : memref<1x1x1x1x40x125xi32, #tpu.memory_space<hbm>> -> memref<40x125xi32, #tpu.memory_space<hbm>>
      %dma_start3A_269 = arith.constant 0 : i32
      %dma_start3A_270 = arith.constant 0 : i32
      %dma_start3A_271 = tpu.memref_slice %arg3[%arg0, %run_scoped3A_196, %arg1, %run_scoped3A_197, %dma_start3A_269, %dma_start3A_270] : memref<2x2x16x2x40x125xi32, #tpu.memory_space<hbm>> -> memref<1x1x1x1x40x125xi32, #tpu.memory_space<hbm>>
      %dma_start3A_272 = tpu.memref_squeeze %dma_start3A_271 : memref<1x1x1x1x40x125xi32, #tpu.memory_space<hbm>> -> memref<40x125xi32, #tpu.memory_space<hbm>>
      tpu.enqueue_dma source(%dma_start3A_272 : memref<40x125xi32, #tpu.memory_space<hbm>>) target(%arg8 : memref<40x125xi32, #tpu.memory_space<vmem>>) target_semaphore(%run_scoped3A_264 : memref<!tpu.dma_semaphore, #tpu.memory_space<semaphore_mem>>)
      %dma_wait3A_273 = arith.constant 0 : i32
      %dma_wait3A_274 = arith.constant 0 : i32
      %dma_wait3A_275 = tpu.memref_slice %arg3[%arg0, %run_scoped3A_196, %arg1, %run_scoped3A_197, %dma_wait3A_273, %dma_wait3A_274] : memref<2x2x16x2x40x125xi32, #tpu.memory_space<hbm>> -> memref<1x1x1x1x40x125xi32, #tpu.memory_space<hbm>>
      %dma_wait3A_276 = tpu.memref_squeeze %dma_wait3A_275 : memref<1x1x1x1x40x125xi32, #tpu.memory_space<hbm>> -> memref<40x125xi32, #tpu.memory_space<hbm>>
      %dma_wait3A_277 = arith.constant 0 : i32
      %dma_wait3A_278 = arith.constant 0 : i32
      %dma_wait3A_279 = tpu.memref_slice %arg3[%arg0, %run_scoped3A_196, %arg1, %run_scoped3A_197, %dma_wait3A_277, %dma_wait3A_278] : memref<2x2x16x2x40x125xi32, #tpu.memory_space<hbm>> -> memref<1x1x1x1x40x125xi32, #tpu.memory_space<hbm>>
      %dma_wait3A_280 = tpu.memref_squeeze %dma_wait3A_279 : memref<1x1x1x1x40x125xi32, #tpu.memory_space<hbm>> -> memref<40x125xi32, #tpu.memory_space<hbm>>
      tpu.wait_dma2 semaphore(%run_scoped3A_264 : memref<!tpu.dma_semaphore, #tpu.memory_space<semaphore_mem>>) src(%dma_wait3A_280 : memref<40x125xi32, #tpu.memory_space<hbm>>) dst(%arg8 : memref<40x125xi32, #tpu.memory_space<vmem>>)
      tpu.yield
    }) : () -> ()
    %run_scoped3A_198 = arith.constant 1 : i32
    "tpu.region"() ({
      %run_scoped3A_264 = tpu.sem_alloc : memref<!tpu.dma_semaphore, #tpu.memory_space<semaphore_mem>>
      %dma_start3A_265 = arith.constant 0 : i32
      %dma_start3A_266 = arith.constant 0 : i32
      %dma_start3A_267 = tpu.memref_slice %arg4[%arg1, %run_scoped3A_198, %dma_start3A_265, %dma_start3A_266] : memref<16x2x40x125xi32, #tpu.memory_space<hbm>> -> memref<1x1x40x125xi32, #tpu.memory_space<hbm>>
      %dma_start3A_268 = tpu.memref_squeeze %dma_start3A_267 : memref<1x1x40x125xi32, #tpu.memory_space<hbm>> -> memref<40x125xi32, #tpu.memory_space<hbm>>
      %dma_start3A_269 = arith.constant 0 : i32
      %dma_start3A_270 = arith.constant 0 : i32
      %dma_start3A_271 = tpu.memref_slice %arg4[%arg1, %run_scoped3A_198, %dma_start3A_269, %dma_start3A_270] : memref<16x2x40x125xi32, #tpu.memory_space<hbm>> -> memref<1x1x40x125xi32, #tpu.memory_space<hbm>>
      %dma_start3A_272 = tpu.memref_squeeze %dma_start3A_271 : memref<1x1x40x125xi32, #tpu.memory_space<hbm>> -> memref<40x125xi32, #tpu.memory_space<hbm>>
      tpu.enqueue_dma source(%dma_start3A_272 : memref<40x125xi32, #tpu.memory_space<hbm>>) target(%arg9 : memref<40x125xi32, #tpu.memory_space<vmem>>) target_semaphore(%run_scoped3A_264 : memref<!tpu.dma_semaphore, #tpu.memory_space<semaphore_mem>>)
      %dma_wait3A_273 = arith.constant 0 : i32
      %dma_wait3A_274 = arith.constant 0 : i32
      %dma_wait3A_275 = tpu.memref_slice %arg4[%arg1, %run_scoped3A_198, %dma_wait3A_273, %dma_wait3A_274] : memref<16x2x40x125xi32, #tpu.memory_space<hbm>> -> memref<1x1x40x125xi32, #tpu.memory_space<hbm>>
      %dma_wait3A_276 = tpu.memref_squeeze %dma_wait3A_275 : memref<1x1x40x125xi32, #tpu.memory_space<hbm>> -> memref<40x125xi32, #tpu.memory_space<hbm>>
      %dma_wait3A_277 = arith.constant 0 : i32
      %dma_wait3A_278 = arith.constant 0 : i32
      %dma_wait3A_279 = tpu.memref_slice %arg4[%arg1, %run_scoped3A_198, %dma_wait3A_277, %dma_wait3A_278] : memref<16x2x40x125xi32, #tpu.memory_space<hbm>> -> memref<1x1x40x125xi32, #tpu.memory_space<hbm>>
      %dma_wait3A_280 = tpu.memref_squeeze %dma_wait3A_279 : memref<1x1x40x125xi32, #tpu.memory_space<hbm>> -> memref<40x125xi32, #tpu.memory_space<hbm>>
      tpu.wait_dma2 semaphore(%run_scoped3A_264 : memref<!tpu.dma_semaphore, #tpu.memory_space<semaphore_mem>>) src(%dma_wait3A_280 : memref<40x125xi32, #tpu.memory_space<hbm>>) dst(%arg9 : memref<40x125xi32, #tpu.memory_space<vmem>>)
      tpu.yield
    }) : () -> ()
    %dma_start3A_199 = arith.constant 0 : i32
    %dma_start3A_200 = arith.constant 0 : i32
    %dma_start3A_201 = tpu.memref_slice %arg8[%dma_start3A_199, %dma_start3A_200] : memref<40x125xi32, #tpu.memory_space<vmem>> -> memref<1x125xi32, #tpu.memory_space<vmem>>
    %dma_start3A_202 = tpu.memref_squeeze %dma_start3A_201 : memref<1x125xi32, #tpu.memory_space<vmem>> -> memref<125xi32, #tpu.memory_space<vmem>>
    %dma_start3A_203 = arith.constant 0 : i32
    %dma_start3A_204 = arith.constant 0 : i32
    %dma_start3A_205 = tpu.memref_slice %arg2[%dma_start3A_203, %dma_start3A_204] : memref<40000x128xf32, #tpu.memory_space<hbm>> -> memref<40000x128xf32, #tpu.memory_space<hbm>>
    tpu.enqueue_indirect_dma source(%dma_start3A_205 : memref<40000x128xf32, #tpu.memory_space<hbm>>) target(%arg10 : memref<125x128xf32, #tpu.memory_space<vmem>>) offsets(%dma_start3A_202 : memref<125xi32, #tpu.memory_space<vmem>>) semaphore(%arg12 : memref<!tpu.dma_semaphore, #tpu.memory_space<semaphore_mem>>)
    %dma_wait3A_206 = arith.constant 0 : i32
    %dma_wait3A_207 = arith.constant 0 : i32
    %dma_wait3A_208 = tpu.memref_slice %arg8[%dma_wait3A_206, %dma_wait3A_207] : memref<40x125xi32, #tpu.memory_space<vmem>> -> memref<1x125xi32, #tpu.memory_space<vmem>>
    %dma_wait3A_209 = tpu.memref_squeeze %dma_wait3A_208 : memref<1x125xi32, #tpu.memory_space<vmem>> -> memref<125xi32, #tpu.memory_space<vmem>>
    %dma_wait3A_210 = arith.constant 0 : i32
    %dma_wait3A_211 = arith.constant 0 : i32
    %dma_wait3A_212 = tpu.memref_slice %arg2[%dma_wait3A_210, %dma_wait3A_211] : memref<40000x128xf32, #tpu.memory_space<hbm>> -> memref<40000x128xf32, #tpu.memory_space<hbm>>
    tpu.wait_indirect_dma semaphore(%arg12 : memref<!tpu.dma_semaphore, #tpu.memory_space<semaphore_mem>>) src(%dma_wait3A_212 : memref<40000x128xf32, #tpu.memory_space<hbm>>) dst(%arg10 : memref<125x128xf32, #tpu.memory_space<vmem>>)
    %dma_start3A_213 = arith.constant 0 : i32
    %dma_start3A_214 = arith.constant 0 : i32
    %dma_start3A_215 = tpu.memref_slice %arg9[%dma_start3A_213, %dma_start3A_214] : memref<40x125xi32, #tpu.memory_space<vmem>> -> memref<1x125xi32, #tpu.memory_space<vmem>>
    %dma_start3A_216 = tpu.memref_squeeze %dma_start3A_215 : memref<1x125xi32, #tpu.memory_space<vmem>> -> memref<125xi32, #tpu.memory_space<vmem>>
    %dma_start3A_217 = arith.constant 0 : i32
    %dma_start3A_218 = arith.constant 0 : i32
    %dma_start3A_219 = tpu.memref_slice %arg7[%dma_start3A_217, %dma_start3A_218] : memref<10112x128xf32, #tpu.memory_space<vmem_shared>> -> memref<10112x128xf32, #tpu.memory_space<vmem_shared>>
    tpu.enqueue_indirect_dma source(%arg10 : memref<125x128xf32, #tpu.memory_space<vmem>>) target(%dma_start3A_219 : memref<10112x128xf32, #tpu.memory_space<vmem_shared>>) offsets(%dma_start3A_216 : memref<125xi32, #tpu.memory_space<vmem>>) semaphore(%arg13 : memref<!tpu.dma_semaphore, #tpu.memory_space<semaphore_mem>>) {add = true}
    %dma_start3A_220 = arith.constant 1 : i32
    %dma_start3A_221 = arith.constant 0 : i32
    %dma_start3A_222 = tpu.memref_slice %arg8[%dma_start3A_220, %dma_start3A_221] : memref<40x125xi32, #tpu.memory_space<vmem>> -> memref<1x125xi32, #tpu.memory_space<vmem>>
    %dma_start3A_223 = tpu.memref_squeeze %dma_start3A_222 : memref<1x125xi32, #tpu.memory_space<vmem>> -> memref<125xi32, #tpu.memory_space<vmem>>
    %dma_start3A_224 = arith.constant 0 : i32
    %dma_start3A_225 = arith.constant 0 : i32
    %dma_start3A_226 = tpu.memref_slice %arg2[%dma_start3A_224, %dma_start3A_225] : memref<40000x128xf32, #tpu.memory_space<hbm>> -> memref<40000x128xf32, #tpu.memory_space<hbm>>
    tpu.enqueue_indirect_dma source(%dma_start3A_226 : memref<40000x128xf32, #tpu.memory_space<hbm>>) target(%arg11 : memref<125x128xf32, #tpu.memory_space<vmem>>) offsets(%dma_start3A_223 : memref<125xi32, #tpu.memory_space<vmem>>) semaphore(%arg12 : memref<!tpu.dma_semaphore, #tpu.memory_space<semaphore_mem>>)
    %dma_wait3A_227 = arith.constant 1 : i32
    %dma_wait3A_228 = arith.constant 0 : i32
    %dma_wait3A_229 = tpu.memref_slice %arg8[%dma_wait3A_227, %dma_wait3A_228] : memref<40x125xi32, #tpu.memory_space<vmem>> -> memref<1x125xi32, #tpu.memory_space<vmem>>
    %dma_wait3A_230 = tpu.memref_squeeze %dma_wait3A_229 : memref<1x125xi32, #tpu.memory_space<vmem>> -> memref<125xi32, #tpu.memory_space<vmem>>
    %dma_wait3A_231 = arith.constant 0 : i32
    %dma_wait3A_232 = arith.constant 0 : i32
    %dma_wait3A_233 = tpu.memref_slice %arg2[%dma_wait3A_231, %dma_wait3A_232] : memref<40000x128xf32, #tpu.memory_space<hbm>> -> memref<40000x128xf32, #tpu.memory_space<hbm>>
    tpu.wait_indirect_dma semaphore(%arg12 : memref<!tpu.dma_semaphore, #tpu.memory_space<semaphore_mem>>) src(%dma_wait3A_233 : memref<40000x128xf32, #tpu.memory_space<hbm>>) dst(%arg11 : memref<125x128xf32, #tpu.memory_space<vmem>>)
    %dma_start3A_234 = arith.constant 1 : i32
    %dma_start3A_235 = arith.constant 0 : i32
    %dma_start3A_236 = tpu.memref_slice %arg9[%dma_start3A_234, %dma_start3A_235] : memref<40x125xi32, #tpu.memory_space<vmem>> -> memref<1x125xi32, #tpu.memory_space<vmem>>
    %dma_start3A_237 = tpu.memref_squeeze %dma_start3A_236 : memref<1x125xi32, #tpu.memory_space<vmem>> -> memref<125xi32, #tpu.memory_space<vmem>>
    %dma_start3A_238 = arith.constant 0 : i32
    %dma_start3A_239 = arith.constant 0 : i32
    %dma_start3A_240 = tpu.memref_slice %arg7[%dma_start3A_238, %dma_start3A_239] : memref<10112x128xf32, #tpu.memory_space<vmem_shared>> -> memref<10112x128xf32, #tpu.memory_space<vmem_shared>>
    tpu.enqueue_indirect_dma source(%arg11 : memref<125x128xf32, #tpu.memory_space<vmem>>) target(%dma_start3A_240 : memref<10112x128xf32, #tpu.memory_space<vmem_shared>>) offsets(%dma_start3A_237 : memref<125xi32, #tpu.memory_space<vmem>>) semaphore(%arg13 : memref<!tpu.dma_semaphore, #tpu.memory_space<semaphore_mem>>) {add = true}
    %scan3A_241 = arith.constant 0 : i32
    %scan3A_242 = arith.constant 1 : i32
    %scan3A_243 = arith.constant 19 : i32
    %scan3A_244 = arith.addi %scan3A_242, %scan3A_243 : i32
    %scan3A_245 = arith.constant 1 : i32
    scf.for %scan3A_264 = %scan3A_242 to %scan3A_244 step %scan3A_245  : i32 {
      %mul3A_265 = arith.constant 2 : i32
      %mul3A_266 = arith.muli %mul3A_265, %scan3A_264 : i32
      %sub3A = arith.constant 2 : i32
      %sub3A_267 = arith.subi %mul3A_266, %sub3A : i32
      %dma_wait3A_268 = arith.constant 0 : i32
      %dma_wait3A_269 = tpu.memref_slice %arg9[%sub3A_267, %dma_wait3A_268] : memref<40x125xi32, #tpu.memory_space<vmem>> -> memref<1x125xi32, #tpu.memory_space<vmem>>
      %dma_wait3A_270 = tpu.memref_squeeze %dma_wait3A_269 : memref<1x125xi32, #tpu.memory_space<vmem>> -> memref<125xi32, #tpu.memory_space<vmem>>
      %dma_wait3A_271 = arith.constant 0 : i32
      %dma_wait3A_272 = arith.constant 0 : i32
      %dma_wait3A_273 = tpu.memref_slice %arg7[%dma_wait3A_271, %dma_wait3A_272] : memref<10112x128xf32, #tpu.memory_space<vmem_shared>> -> memref<10112x128xf32, #tpu.memory_space<vmem_shared>>
      tpu.wait_indirect_dma semaphore(%arg13 : memref<!tpu.dma_semaphore, #tpu.memory_space<semaphore_mem>>) src(%arg10 : memref<125x128xf32, #tpu.memory_space<vmem>>) dst(%dma_wait3A_273 : memref<10112x128xf32, #tpu.memory_space<vmem_shared>>)
      %dma_start3A_274 = arith.constant 0 : i32
      %dma_start3A_275 = tpu.memref_slice %arg8[%mul3A_266, %dma_start3A_274] : memref<40x125xi32, #tpu.memory_space<vmem>> -> memref<1x125xi32, #tpu.memory_space<vmem>>
      %dma_start3A_276 = tpu.memref_squeeze %dma_start3A_275 : memref<1x125xi32, #tpu.memory_space<vmem>> -> memref<125xi32, #tpu.memory_space<vmem>>
      %dma_start3A_277 = arith.constant 0 : i32
      %dma_start3A_278 = arith.constant 0 : i32
      %dma_start3A_279 = tpu.memref_slice %arg2[%dma_start3A_277, %dma_start3A_278] : memref<40000x128xf32, #tpu.memory_space<hbm>> -> memref<40000x128xf32, #tpu.memory_space<hbm>>
      tpu.enqueue_indirect_dma source(%dma_start3A_279 : memref<40000x128xf32, #tpu.memory_space<hbm>>) target(%arg10 : memref<125x128xf32, #tpu.memory_space<vmem>>) offsets(%dma_start3A_276 : memref<125xi32, #tpu.memory_space<vmem>>) semaphore(%arg12 : memref<!tpu.dma_semaphore, #tpu.memory_space<semaphore_mem>>)
      %dma_wait3A_280 = arith.constant 0 : i32
      %dma_wait3A_281 = tpu.memref_slice %arg8[%mul3A_266, %dma_wait3A_280] : memref<40x125xi32, #tpu.memory_space<vmem>> -> memref<1x125xi32, #tpu.memory_space<vmem>>
      %dma_wait3A_282 = tpu.memref_squeeze %dma_wait3A_281 : memref<1x125xi32, #tpu.memory_space<vmem>> -> memref<125xi32, #tpu.memory_space<vmem>>
      %dma_wait3A_283 = arith.constant 0 : i32
      %dma_wait3A_284 = arith.constant 0 : i32
      %dma_wait3A_285 = tpu.memref_slice %arg2[%dma_wait3A_283, %dma_wait3A_284] : memref<40000x128xf32, #tpu.memory_space<hbm>> -> memref<40000x128xf32, #tpu.memory_space<hbm>>
      tpu.wait_indirect_dma semaphore(%arg12 : memref<!tpu.dma_semaphore, #tpu.memory_space<semaphore_mem>>) src(%dma_wait3A_285 : memref<40000x128xf32, #tpu.memory_space<hbm>>) dst(%arg10 : memref<125x128xf32, #tpu.memory_space<vmem>>)
      %dma_start3A_286 = arith.constant 0 : i32
      %dma_start3A_287 = tpu.memref_slice %arg9[%mul3A_266, %dma_start3A_286] : memref<40x125xi32, #tpu.memory_space<vmem>> -> memref<1x125xi32, #tpu.memory_space<vmem>>
      %dma_start3A_288 = tpu.memref_squeeze %dma_start3A_287 : memref<1x125xi32, #tpu.memory_space<vmem>> -> memref<125xi32, #tpu.memory_space<vmem>>
      %dma_start3A_289 = arith.constant 0 : i32
      %dma_start3A_290 = arith.constant 0 : i32
      %dma_start3A_291 = tpu.memref_slice %arg7[%dma_start3A_289, %dma_start3A_290] : memref<10112x128xf32, #tpu.memory_space<vmem_shared>> -> memref<10112x128xf32, #tpu.memory_space<vmem_shared>>
      tpu.enqueue_indirect_dma source(%arg10 : memref<125x128xf32, #tpu.memory_space<vmem>>) target(%dma_start3A_291 : memref<10112x128xf32, #tpu.memory_space<vmem_shared>>) offsets(%dma_start3A_288 : memref<125xi32, #tpu.memory_space<vmem>>) semaphore(%arg13 : memref<!tpu.dma_semaphore, #tpu.memory_space<semaphore_mem>>) {add = true}
      %sub3A_292 = arith.constant 1 : i32
      %sub3A_293 = arith.subi %mul3A_266, %sub3A_292 : i32
      %dma_wait3A_294 = arith.constant 0 : i32
      %dma_wait3A_295 = tpu.memref_slice %arg9[%sub3A_293, %dma_wait3A_294] : memref<40x125xi32, #tpu.memory_space<vmem>> -> memref<1x125xi32, #tpu.memory_space<vmem>>
      %dma_wait3A_296 = tpu.memref_squeeze %dma_wait3A_295 : memref<1x125xi32, #tpu.memory_space<vmem>> -> memref<125xi32, #tpu.memory_space<vmem>>
      %dma_wait3A_297 = arith.constant 0 : i32
      %dma_wait3A_298 = arith.constant 0 : i32
      %dma_wait3A_299 = tpu.memref_slice %arg7[%dma_wait3A_297, %dma_wait3A_298] : memref<10112x128xf32, #tpu.memory_space<vmem_shared>> -> memref<10112x128xf32, #tpu.memory_space<vmem_shared>>
      tpu.wait_indirect_dma semaphore(%arg13 : memref<!tpu.dma_semaphore, #tpu.memory_space<semaphore_mem>>) src(%arg11 : memref<125x128xf32, #tpu.memory_space<vmem>>) dst(%dma_wait3A_299 : memref<10112x128xf32, #tpu.memory_space<vmem_shared>>)
      %add3A_300 = arith.constant 1 : i32
      %add3A_301 = arith.addi %mul3A_266, %add3A_300 : i32
      %dma_start3A_302 = arith.constant 0 : i32
      %dma_start3A_303 = tpu.memref_slice %arg8[%add3A_301, %dma_start3A_302] : memref<40x125xi32, #tpu.memory_space<vmem>> -> memref<1x125xi32, #tpu.memory_space<vmem>>
      %dma_start3A_304 = tpu.memref_squeeze %dma_start3A_303 : memref<1x125xi32, #tpu.memory_space<vmem>> -> memref<125xi32, #tpu.memory_space<vmem>>
      %dma_start3A_305 = arith.constant 0 : i32
      %dma_start3A_306 = arith.constant 0 : i32
      %dma_start3A_307 = tpu.memref_slice %arg2[%dma_start3A_305, %dma_start3A_306] : memref<40000x128xf32, #tpu.memory_space<hbm>> -> memref<40000x128xf32, #tpu.memory_space<hbm>>
      tpu.enqueue_indirect_dma source(%dma_start3A_307 : memref<40000x128xf32, #tpu.memory_space<hbm>>) target(%arg11 : memref<125x128xf32, #tpu.memory_space<vmem>>) offsets(%dma_start3A_304 : memref<125xi32, #tpu.memory_space<vmem>>) semaphore(%arg12 : memref<!tpu.dma_semaphore, #tpu.memory_space<semaphore_mem>>)
      %add3A_308 = arith.constant 1 : i32
      %add3A_309 = arith.addi %mul3A_266, %add3A_308 : i32
      %dma_wait3A_310 = arith.constant 0 : i32
      %dma_wait3A_311 = tpu.memref_slice %arg8[%add3A_309, %dma_wait3A_310] : memref<40x125xi32, #tpu.memory_space<vmem>> -> memref<1x125xi32, #tpu.memory_space<vmem>>
      %dma_wait3A_312 = tpu.memref_squeeze %dma_wait3A_311 : memref<1x125xi32, #tpu.memory_space<vmem>> -> memref<125xi32, #tpu.memory_space<vmem>>
      %dma_wait3A_313 = arith.constant 0 : i32
      %dma_wait3A_314 = arith.constant 0 : i32
      %dma_wait3A_315 = tpu.memref_slice %arg2[%dma_wait3A_313, %dma_wait3A_314] : memref<40000x128xf32, #tpu.memory_space<hbm>> -> memref<40000x128xf32, #tpu.memory_space<hbm>>
      tpu.wait_indirect_dma semaphore(%arg12 : memref<!tpu.dma_semaphore, #tpu.memory_space<semaphore_mem>>) src(%dma_wait3A_315 : memref<40000x128xf32, #tpu.memory_space<hbm>>) dst(%arg11 : memref<125x128xf32, #tpu.memory_space<vmem>>)
      %add3A_316 = arith.constant 1 : i32
      %add3A_317 = arith.addi %mul3A_266, %add3A_316 : i32
      %dma_start3A_318 = arith.constant 0 : i32
      %dma_start3A_319 = tpu.memref_slice %arg9[%add3A_317, %dma_start3A_318] : memref<40x125xi32, #tpu.memory_space<vmem>> -> memref<1x125xi32, #tpu.memory_space<vmem>>
      %dma_start3A_320 = tpu.memref_squeeze %dma_start3A_319 : memref<1x125xi32, #tpu.memory_space<vmem>> -> memref<125xi32, #tpu.memory_space<vmem>>
      %dma_start3A_321 = arith.constant 0 : i32
      %dma_start3A_322 = arith.constant 0 : i32
      %dma_start3A_323 = tpu.memref_slice %arg7[%dma_start3A_321, %dma_start3A_322] : memref<10112x128xf32, #tpu.memory_space<vmem_shared>> -> memref<10112x128xf32, #tpu.memory_space<vmem_shared>>
      tpu.enqueue_indirect_dma source(%arg11 : memref<125x128xf32, #tpu.memory_space<vmem>>) target(%dma_start3A_323 : memref<10112x128xf32, #tpu.memory_space<vmem_shared>>) offsets(%dma_start3A_320 : memref<125xi32, #tpu.memory_space<vmem>>) semaphore(%arg13 : memref<!tpu.dma_semaphore, #tpu.memory_space<semaphore_mem>>) {add = true}
    }
    %scan3A_246 = arith.constant 19 : i32
    %dma_wait3A_247 = arith.constant 38 : i32
    %dma_wait3A_248 = arith.constant 0 : i32
    %dma_wait3A_249 = tpu.memref_slice %arg9[%dma_wait3A_247, %dma_wait3A_248] : memref<40x125xi32, #tpu.memory_space<vmem>> -> memref<1x125xi32, #tpu.memory_space<vmem>>
    %dma_wait3A_250 = tpu.memref_squeeze %dma_wait3A_249 : memref<1x125xi32, #tpu.memory_space<vmem>> -> memref<125xi32, #tpu.memory_space<vmem>>
    %dma_wait3A_251 = arith.constant 0 : i32
    %dma_wait3A_252 = arith.constant 0 : i32
    %dma_wait3A_253 = tpu.memref_slice %arg7[%dma_wait3A_251, %dma_wait3A_252] : memref<10112x128xf32, #tpu.memory_space<vmem_shared>> -> memref<10112x128xf32, #tpu.memory_space<vmem_shared>>
    tpu.wait_indirect_dma semaphore(%arg13 : memref<!tpu.dma_semaphore, #tpu.memory_space<semaphore_mem>>) src(%arg10 : memref<125x128xf32, #tpu.memory_space<vmem>>) dst(%dma_wait3A_253 : memref<10112x128xf32, #tpu.memory_space<vmem_shared>>)
    %dma_wait3A_254 = arith.constant 39 : i32
    %dma_wait3A_255 = arith.constant 0 : i32
    %dma_wait3A_256 = tpu.memref_slice %arg9[%dma_wait3A_254, %dma_wait3A_255] : memref<40x125xi32, #tpu.memory_space<vmem>> -> memref<1x125xi32, #tpu.memory_space<vmem>>
    %dma_wait3A_257 = tpu.memref_squeeze %dma_wait3A_256 : memref<1x125xi32, #tpu.memory_space<vmem>> -> memref<125xi32, #tpu.memory_space<vmem>>
    %dma_wait3A_258 = arith.constant 0 : i32
    %dma_wait3A_259 = arith.constant 0 : i32
    %dma_wait3A_260 = tpu.memref_slice %arg7[%dma_wait3A_258, %dma_wait3A_259] : memref<10112x128xf32, #tpu.memory_space<vmem_shared>> -> memref<10112x128xf32, #tpu.memory_space<vmem_shared>>
    tpu.wait_indirect_dma semaphore(%arg13 : memref<!tpu.dma_semaphore, #tpu.memory_space<semaphore_mem>>) src(%arg11 : memref<125x128xf32, #tpu.memory_space<vmem>>) dst(%dma_wait3A_260 : memref<10112x128xf32, #tpu.memory_space<vmem_shared>>)
    %barrier3A_261 = arith.constant 0 : index
    tpu.barrier barrier_id(%barrier3A_261)
    %add3A_262 = arith.constant 2 : i32
    %add3A_263 = arith.addi %add3A_262, %arg0 : i32
    "tpu.region"() ({
      %run_scoped3A_264 = tpu.sem_alloc : memref<!tpu.dma_semaphore, #tpu.memory_space<semaphore_mem>>
      %dma_start3A_265 = arith.constant 0 : i32
      %dma_start3A_266 = tpu.memref_slice %arg6[%add3A_263, %mul3A_0, %dma_start3A_265] : memref<4x10112x128xf32, #tpu.memory_space<hbm>> -> memref<1x632x128xf32, #tpu.memory_space<hbm>>
      %dma_start3A_267 = tpu.memref_squeeze %dma_start3A_266 : memref<1x632x128xf32, #tpu.memory_space<hbm>> -> memref<632x128xf32, #tpu.memory_space<hbm>>
      %dma_start3A_268 = arith.constant 0 : i32
      %dma_start3A_269 = tpu.memref_slice %arg7[%mul3A_0, %dma_start3A_268] : memref<10112x128xf32, #tpu.memory_space<vmem_shared>> -> memref<632x128xf32, #tpu.memory_space<vmem_shared>>
      tpu.enqueue_dma source(%dma_start3A_269 : memref<632x128xf32, #tpu.memory_space<vmem_shared>>) target(%dma_start3A_267 : memref<632x128xf32, #tpu.memory_space<hbm>>) target_semaphore(%run_scoped3A_264 : memref<!tpu.dma_semaphore, #tpu.memory_space<semaphore_mem>>)
      %dma_wait3A_270 = arith.constant 0 : i32
      %dma_wait3A_271 = tpu.memref_slice %arg6[%add3A_263, %mul3A_0, %dma_wait3A_270] : memref<4x10112x128xf32, #tpu.memory_space<hbm>> -> memref<1x632x128xf32, #tpu.memory_space<hbm>>
      %dma_wait3A_272 = tpu.memref_squeeze %dma_wait3A_271 : memref<1x632x128xf32, #tpu.memory_space<hbm>> -> memref<632x128xf32, #tpu.memory_space<hbm>>
      %dma_wait3A_273 = arith.constant 0 : i32
      %dma_wait3A_274 = tpu.memref_slice %arg7[%mul3A_0, %dma_wait3A_273] : memref<10112x128xf32, #tpu.memory_space<vmem_shared>> -> memref<632x128xf32, #tpu.memory_space<vmem_shared>>
      tpu.wait_dma2 semaphore(%run_scoped3A_264 : memref<!tpu.dma_semaphore, #tpu.memory_space<semaphore_mem>>) src(%dma_wait3A_274 : memref<632x128xf32, #tpu.memory_space<vmem_shared>>) dst(%dma_wait3A_272 : memref<632x128xf32, #tpu.memory_space<hbm>>)
      tpu.yield
    }) : () -> ()
    return
  }
}

module attributes {stable_mosaic.version = 14 : i64} {
  func.func @_mm_body(%arg0: i32, %arg1: memref<1000x256xf32, #tpu.memory_space<vmem>>, %arg2: memref<256x512xf32, #tpu.memory_space<vmem>>, %arg3: memref<1000x512xf32, #tpu.memory_space<vmem>>) attributes {dimension_semantics = [#tpu.dimension_semantics<arbitrary>], iteration_bounds = array<i64: 10>, scalar_prefetch = 0 : i64, scratch_operands = 0 : i64, tpu.core_type = #tpu.core_type<tc>, window_params = [{transform_indices = @transform_0, window_bounds = array<i64: 1000, 256>}, {pipeline_mode = #tpu.pipeline_mode<synchronous>, transform_indices = @transform_1, window_bounds = array<i64: 256, 512>}, {transform_indices = @transform_2, window_bounds = array<i64: 1000, 512>}]} {
    %get3A = arith.constant 0 : index
    %get3A_0 = arith.constant 0 : index
    %get3A_1 = vector.load %arg1[%get3A, %get3A_0] : memref<1000x256xf32, #tpu.memory_space<vmem>>, vector<1000x256xf32>
    %get3A_2 = arith.constant 0 : index
    %get3A_3 = arith.constant 0 : index
    %get3A_4 = vector.load %arg2[%get3A_2, %get3A_3] : memref<256x512xf32, #tpu.memory_space<vmem>>, vector<256x512xf32>
    %dot_general3A = arith.constant dense<0.000000e+00> : vector<1000x512xf32>
    %dot_general3A_5 = tpu.matmul %get3A_1, %get3A_4, %dot_general3A {dimension_numbers = #tpu.dot_dimension_numbers<[1], [0], [0], [1], [0, 0, 1, 1], [], []>, transpose_lhs_hint = false} : vector<1000x256xf32>, vector<256x512xf32>, vector<1000x512xf32> -> vector<1000x512xf32>
    %swap3A = arith.constant 0 : index
    %swap3A_6 = arith.constant 0 : index
    %swap3A_7 = vector.load %arg3[%swap3A, %swap3A_6] : memref<1000x512xf32, #tpu.memory_space<vmem>>, vector<1000x512xf32>
    tpu.vector_store %arg3[%swap3A, %swap3A_6], %dot_general3A_5 {strides = array<i32>} : memref<1000x512xf32, #tpu.memory_space<vmem>>, vector<1000x512xf32>,
    return
  }
  func.func @transform_0(%arg0: i32) -> (i32, i32) {
    %c0_i32 = arith.constant 0 : i32
    %c0_i32_0 = arith.constant 0 : i32
    return %arg0, %c0_i32 : i32, i32
  }
  func.func @transform_1(%arg0: i32) -> (i32, i32) {
    %c0_i32 = arith.constant 0 : i32
    %c0_i32_0 = arith.constant 0 : i32
    %c0_i32_1 = arith.constant 0 : i32
    return %c0_i32, %c0_i32_0 : i32, i32
  }
  func.func @transform_2(%arg0: i32) -> (i32, i32) {
    %c0_i32 = arith.constant 0 : i32
    %c0_i32_0 = arith.constant 0 : i32
    return %arg0, %c0_i32 : i32, i32
  }
}

module attributes {stable_mosaic.version = 14 : i64} {
  func.func @_mm_bias_relu_body(%arg0: i32, %arg1: memref<1000x512xf32, #tpu.memory_space<vmem>>, %arg2: memref<1x512xf32, #tpu.memory_space<vmem>>, %arg3: memref<512x512xf32, #tpu.memory_space<vmem>>, %arg4: memref<1000x512xf32, #tpu.memory_space<vmem>>) attributes {dimension_semantics = [#tpu.dimension_semantics<arbitrary>], iteration_bounds = array<i64: 10>, scalar_prefetch = 0 : i64, scratch_operands = 0 : i64, tpu.core_type = #tpu.core_type<tc>, window_params = [{transform_indices = @transform_0, window_bounds = array<i64: 1000, 512>}, {pipeline_mode = #tpu.pipeline_mode<synchronous>, transform_indices = @transform_1, window_bounds = array<i64: 1, 512>}, {pipeline_mode = #tpu.pipeline_mode<synchronous>, transform_indices = @transform_2, window_bounds = array<i64: 512, 512>}, {transform_indices = @transform_3, window_bounds = array<i64: 1000, 512>}]} {
    %get3A = arith.constant 0 : index
    %get3A_0 = arith.constant 0 : index
    %get3A_1 = vector.load %arg1[%get3A, %get3A_0] : memref<1000x512xf32, #tpu.memory_space<vmem>>, vector<1000x512xf32>
    %get3A_2 = arith.constant 0 : index
    %get3A_3 = arith.constant 0 : index
    %get3A_4 = vector.load %arg2[%get3A_2, %get3A_3] : memref<1x512xf32, #tpu.memory_space<vmem>>, vector<1x512xf32>
    %add3A = vector.broadcast %get3A_4 : vector<1x512xf32> to vector<1000x512xf32>
    %add3A_5 = arith.addf %get3A_1, %add3A : vector<1000x512xf32>
    %max3A = arith.constant 0.000000e+00 : f32
    %max3A_6 = vector.broadcast %max3A : f32 to vector<1000x512xf32>
    %max3A_7 = arith.maximumf %add3A_5, %max3A_6 : vector<1000x512xf32>
    %get3A_8 = arith.constant 0 : index
    %get3A_9 = arith.constant 0 : index
    %get3A_10 = vector.load %arg3[%get3A_8, %get3A_9] : memref<512x512xf32, #tpu.memory_space<vmem>>, vector<512x512xf32>
    %dot_general3A = arith.constant dense<0.000000e+00> : vector<1000x512xf32>
    %dot_general3A_11 = tpu.matmul %max3A_7, %get3A_10, %dot_general3A {dimension_numbers = #tpu.dot_dimension_numbers<[1], [0], [0], [1], [0, 0, 1, 1], [], []>, transpose_lhs_hint = false} : vector<1000x512xf32>, vector<512x512xf32>, vector<1000x512xf32> -> vector<1000x512xf32>
    %swap3A = arith.constant 0 : index
    %swap3A_12 = arith.constant 0 : index
    %swap3A_13 = vector.load %arg4[%swap3A, %swap3A_12] : memref<1000x512xf32, #tpu.memory_space<vmem>>, vector<1000x512xf32>
    tpu.vector_store %arg4[%swap3A, %swap3A_12], %dot_general3A_11 {strides = array<i32>} : memref<1000x512xf32, #tpu.memory_space<vmem>>, vector<1000x512xf32>,
    return
  }
  func.func @transform_0(%arg0: i32) -> (i32, i32) {
    %c0_i32 = arith.constant 0 : i32
    %c0_i32_0 = arith.constant 0 : i32
    return %arg0, %c0_i32 : i32, i32
  }
  func.func @transform_1(%arg0: i32) -> (i32, i32) {
    %c0_i32 = arith.constant 0 : i32
    %c0_i32_0 = arith.constant 0 : i32
    %c0_i32_1 = arith.constant 0 : i32
    return %c0_i32, %c0_i32_0 : i32, i32
  }
  func.func @transform_2(%arg0: i32) -> (i32, i32) {
    %c0_i32 = arith.constant 0 : i32
    %c0_i32_0 = arith.constant 0 : i32
    %c0_i32_1 = arith.constant 0 : i32
    return %c0_i32, %c0_i32_0 : i32, i32
  }
  func.func @transform_3(%arg0: i32) -> (i32, i32) {
    %c0_i32 = arith.constant 0 : i32
    %c0_i32_0 = arith.constant 0 : i32
    return %arg0, %c0_i32 : i32, i32
  }
}

module attributes {stable_mosaic.version = 14 : i64} {
  func.func @_mm_bias_relu_body(%arg0: i32, %arg1: memref<1000x512xf32, #tpu.memory_space<vmem>>, %arg2: memref<1x512xf32, #tpu.memory_space<vmem>>, %arg3: memref<512x256xf32, #tpu.memory_space<vmem>>, %arg4: memref<1000x256xf32, #tpu.memory_space<vmem>>) attributes {dimension_semantics = [#tpu.dimension_semantics<arbitrary>], iteration_bounds = array<i64: 10>, scalar_prefetch = 0 : i64, scratch_operands = 0 : i64, tpu.core_type = #tpu.core_type<tc>, window_params = [{transform_indices = @transform_0, window_bounds = array<i64: 1000, 512>}, {pipeline_mode = #tpu.pipeline_mode<synchronous>, transform_indices = @transform_1, window_bounds = array<i64: 1, 512>}, {pipeline_mode = #tpu.pipeline_mode<synchronous>, transform_indices = @transform_2, window_bounds = array<i64: 512, 256>}, {transform_indices = @transform_3, window_bounds = array<i64: 1000, 256>}]} {
    %get3A = arith.constant 0 : index
    %get3A_0 = arith.constant 0 : index
    %get3A_1 = vector.load %arg1[%get3A, %get3A_0] : memref<1000x512xf32, #tpu.memory_space<vmem>>, vector<1000x512xf32>
    %get3A_2 = arith.constant 0 : index
    %get3A_3 = arith.constant 0 : index
    %get3A_4 = vector.load %arg2[%get3A_2, %get3A_3] : memref<1x512xf32, #tpu.memory_space<vmem>>, vector<1x512xf32>
    %add3A = vector.broadcast %get3A_4 : vector<1x512xf32> to vector<1000x512xf32>
    %add3A_5 = arith.addf %get3A_1, %add3A : vector<1000x512xf32>
    %max3A = arith.constant 0.000000e+00 : f32
    %max3A_6 = vector.broadcast %max3A : f32 to vector<1000x512xf32>
    %max3A_7 = arith.maximumf %add3A_5, %max3A_6 : vector<1000x512xf32>
    %get3A_8 = arith.constant 0 : index
    %get3A_9 = arith.constant 0 : index
    %get3A_10 = vector.load %arg3[%get3A_8, %get3A_9] : memref<512x256xf32, #tpu.memory_space<vmem>>, vector<512x256xf32>
    %dot_general3A = arith.constant dense<0.000000e+00> : vector<1000x256xf32>
    %dot_general3A_11 = tpu.matmul %max3A_7, %get3A_10, %dot_general3A {dimension_numbers = #tpu.dot_dimension_numbers<[1], [0], [0], [1], [0, 0, 1, 1], [], []>, transpose_lhs_hint = false} : vector<1000x512xf32>, vector<512x256xf32>, vector<1000x256xf32> -> vector<1000x256xf32>
    %swap3A = arith.constant 0 : index
    %swap3A_12 = arith.constant 0 : index
    %swap3A_13 = vector.load %arg4[%swap3A, %swap3A_12] : memref<1000x256xf32, #tpu.memory_space<vmem>>, vector<1000x256xf32>
    tpu.vector_store %arg4[%swap3A, %swap3A_12], %dot_general3A_11 {strides = array<i32>} : memref<1000x256xf32, #tpu.memory_space<vmem>>, vector<1000x256xf32>,
    return
  }
  func.func @transform_0(%arg0: i32) -> (i32, i32) {
    %c0_i32 = arith.constant 0 : i32
    %c0_i32_0 = arith.constant 0 : i32
    return %arg0, %c0_i32 : i32, i32
  }
  func.func @transform_1(%arg0: i32) -> (i32, i32) {
    %c0_i32 = arith.constant 0 : i32
    %c0_i32_0 = arith.constant 0 : i32
    %c0_i32_1 = arith.constant 0 : i32
    return %c0_i32, %c0_i32_0 : i32, i32
  }
  func.func @transform_2(%arg0: i32) -> (i32, i32) {
    %c0_i32 = arith.constant 0 : i32
    %c0_i32_0 = arith.constant 0 : i32
    %c0_i32_1 = arith.constant 0 : i32
    return %c0_i32, %c0_i32_0 : i32, i32
  }
  func.func @transform_3(%arg0: i32) -> (i32, i32) {
    %c0_i32 = arith.constant 0 : i32
    %c0_i32_0 = arith.constant 0 : i32
    return %arg0, %c0_i32 : i32, i32
  }
}

module attributes {stable_mosaic.version = 14 : i64} {
  func.func @_logsoftmax_bias_body(%arg0: i32, %arg1: memref<1000x256xf32, #tpu.memory_space<vmem>>, %arg2: memref<1x256xf32, #tpu.memory_space<vmem>>, %arg3: memref<1000x256xf32, #tpu.memory_space<vmem>>) attributes {dimension_semantics = [#tpu.dimension_semantics<arbitrary>], iteration_bounds = array<i64: 10>, scalar_prefetch = 0 : i64, scratch_operands = 0 : i64, tpu.core_type = #tpu.core_type<tc>, window_params = [{transform_indices = @transform_0, window_bounds = array<i64: 1000, 256>}, {pipeline_mode = #tpu.pipeline_mode<synchronous>, transform_indices = @transform_1, window_bounds = array<i64: 1, 256>}, {transform_indices = @transform_2, window_bounds = array<i64: 1000, 256>}]} {
    %get3A = arith.constant 0 : index
    %get3A_0 = arith.constant 0 : index
    %get3A_1 = vector.load %arg1[%get3A, %get3A_0] : memref<1000x256xf32, #tpu.memory_space<vmem>>, vector<1000x256xf32>
    %get3A_2 = arith.constant 0 : index
    %get3A_3 = arith.constant 0 : index
    %get3A_4 = vector.load %arg2[%get3A_2, %get3A_3] : memref<1x256xf32, #tpu.memory_space<vmem>>, vector<1x256xf32>
    %add3A = vector.broadcast %get3A_4 : vector<1x256xf32> to vector<1000x256xf32>
    %add3A_5 = arith.addf %get3A_1, %add3A : vector<1000x256xf32>
    %reduce_max3A = arith.constant dense<0xFF800000> : vector<1000xf32>
    %reduce_max3A_6 = vector.multi_reduction <maximumf>, %add3A_5, %reduce_max3A [1] : vector<1000x256xf32> to vector<1000xf32>
    %broadcast_in_dim3A = vector.shape_cast %reduce_max3A_6 : vector<1000xf32> to vector<1000x1xf32>
    %sub3A = vector.broadcast %broadcast_in_dim3A : vector<1000x1xf32> to vector<1000x256xf32>
    %sub3A_7 = arith.subf %add3A_5, %sub3A : vector<1000x256xf32>
    %exp3A = math.exp %sub3A_7 : vector<1000x256xf32>
    %reduce_sum3A = arith.constant dense<0.000000e+00> : vector<1000xf32>
    %reduce_sum3A_8 = vector.multi_reduction <add>, %exp3A, %reduce_sum3A [1] : vector<1000x256xf32> to vector<1000xf32>
    %broadcast_in_dim3A_9 = vector.shape_cast %reduce_sum3A_8 : vector<1000xf32> to vector<1000x1xf32>
    %sub3A_10 = vector.broadcast %broadcast_in_dim3A : vector<1000x1xf32> to vector<1000x256xf32>
    %sub3A_11 = arith.subf %add3A_5, %sub3A_10 : vector<1000x256xf32>
    %log3A = math.log %broadcast_in_dim3A_9 : vector<1000x1xf32>
    %sub3A_12 = vector.broadcast %log3A : vector<1000x1xf32> to vector<1000x256xf32>
    %sub3A_13 = arith.subf %sub3A_11, %sub3A_12 : vector<1000x256xf32>
    %swap3A = arith.constant 0 : index
    %swap3A_14 = arith.constant 0 : index
    %swap3A_15 = vector.load %arg3[%swap3A, %swap3A_14] : memref<1000x256xf32, #tpu.memory_space<vmem>>, vector<1000x256xf32>
    tpu.vector_store %arg3[%swap3A, %swap3A_14], %sub3A_13 {strides = array<i32>} : memref<1000x256xf32, #tpu.memory_space<vmem>>, vector<1000x256xf32>,
    return
  }
  func.func @transform_0(%arg0: i32) -> (i32, i32) {
    %c0_i32 = arith.constant 0 : i32
    %c0_i32_0 = arith.constant 0 : i32
    return %arg0, %c0_i32 : i32, i32
  }
  func.func @transform_1(%arg0: i32) -> (i32, i32) {
    %c0_i32 = arith.constant 0 : i32
    %c0_i32_0 = arith.constant 0 : i32
    %c0_i32_1 = arith.constant 0 : i32
    return %c0_i32, %c0_i32_0 : i32, i32
  }
  func.func @transform_2(%arg0: i32) -> (i32, i32) {
    %c0_i32 = arith.constant 0 : i32
    %c0_i32_0 = arith.constant 0 : i32
    return %arg0, %c0_i32 : i32, i32
  }
}

</mosaic_0001>

<sc_bundles>
// kernel: kernel.12.cloned.1.call-start
scs
__scs_entry_jumppad:
0x0: {  	(pc) =	sbr.rel $0x88, $3  }
0x1: {  	(tag) =	ssettag $0x0;
	lr =	simm.s32 $0x1  }
0x2: {  	[smem:$0x3F99] =	sst lr;
	_ =	strace $0xD0000000  }
0x3: {  	_ = 	snop  }
0x4: {  	_ = 	snop  }
0x5: {  	_ = 	snop  }
0x6: {  	_ = 	snop  }
0x7: {  	_ = 	snop  }
__scs_overlays_trampoline_lowered:
0x8: {  	[smem:$0x3FA8] =	sst s0  }
0x9: {  	[smem:$0x3FA9] =	sst s1  }
0xa: {  	[smem:$0x3FAA] =	sst s2  }
0xb: {  	[smem:$0x3FAB] =	sst s3  }
0xc: {  	[smem:$0x3FAC] =	sst s4  }
0xd: {  	[smem:$0x3FAD] =	sst s5  }
0xe: {  	[smem:$0x3FAE] =	sst s6  }
0xf: {  	[smem:$0x3FAF] =	sst s7  }
0x10: {  	[smem:$0x3FB0] =	sst s8  }
0x11: {  	[smem:$0x3FB1] =	sst s9;
	s0 =	simm.s32 @!p0 $0x0  }
0x12: {  	s1 =	sld [smem:$0x3F97];
	s0 =	simm.s32 @p0 $0x1  }
0x13: {  	[smem:$0x3FB2] =	sst s0;
	s0 =	simm.s32 @!p1 $0x0  }
0x14: {  	s2 =	sld [smem:$0x3F96];
	s0 =	simm.s32 @p1 $0x1  }
0x15: {  	[smem:$0x3FB3] =	sst s0;
	s0 =	simm.s32 @!p2 $0x0  }
0x16: {  	s3 =	sld [smem:$0x3FDB];
	s0 =	simm.s32 @p2 $0x1  }
0x17: {  	s4 =	simm.s32 $0x1BF5;
	[smem:$0x3FB5] =	sst s0  }
0x18: {  	s0 =	sld [smem:$0x3F98];
	_ =	swait.ge [sflag:s4], $0x0  }
0x19: {  	s7 =	sld [smem:$0x3F99]  }
0x1a: {  	s8 =	sadd.s32 $0xFFFFE003, lr  }
0x1b: {  	s9 =	sadd.s32 $0xFFFFFEF7, lr;
	s5 =	simm.s32 $0xFFFFFFFF;
	p2 =	slt.u32 s8, $0xFFFFF086  }
0x1c: {  	p1 =	slt.u32 s9, $0xF7A;
	s5 =	simm.s32 @!p2 $0x0  }
0x1d: {  	s5 =	simm.s32 @p1 $0x1;
	p0 =	seq.s32 s7, s2  }
0x1e: {  	s7 =	smul.u32 @!p0 $0xF7A, s2;
	p2 =	seq.s32 @!p0 s5, $0x0  }
0x1f: {  	s9 =	smul.u32 $0xF7A, s1;
	s8 =	simm.s32 @!p0 $0x1BF5;
	p2 =	por !p2, p0  }
0x20: {  	[sflag:s8] =	ssyncset.s32 @!p0 $0xFFFFF086;
	s6 =	sadd.s32 @!p0 s3, s7;
	s7 =	simm.s32 @!p0 $0x108  }
0x21: {  	s3 =	sadd.s32 s3, s9;
	s6 =	sadd.s32 @!p0 $0x88, s6;
	s7 =	simm.s32 @p2 $0x1082  }
0x22: {  	[simem:s7], [sflag:s8] =	dma.local @!p0 [hbm:s6], $0xF7A  }
0x23: {  	s9 =	sor.u32 $0xD0000000, s2;
	s6 =	simm.s32 $0x108;
	_ =	swait.ge @!p0 [sflag:s8], $0x0  }
0x24: {  	s3 =	sadd.s32 $0x88, s3;
	s6 =	simm.s32 @!p1 $0x1082;
	[sflag:s4] =	ssyncset.s32 $0xFFFFF086  }
0x25: {  	[simem:s6], [sflag:s4] =	dma.local [hbm:s3], $0xF7A  }
0x26: {  	[smem:$0x3F99] =	sst s1;
	(tag) =	ssettag s2;
	_ =	strace s9  }
0x27: {  	s1 =	sld [smem:$0x3FA9]  }
0x28: {  	s2 =	sld [smem:$0x3FAA]  }
0x29: {  	s4 =	sld [smem:$0x3FAC]  }
0x2a: {  	p0 =	seq.s32 s5, $0x0;
	s5 =	sld [smem:$0x3FAD]  }
0x2b: {  	s6 =	sld [smem:$0x3FAE]  }
0x2c: {  	s7 =	sld [smem:$0x3FAF]  }
0x2d: {  	s3 =	simm.s32 $0x108;
	s8 =	sld [smem:$0x3FB0]  }
0x2e: {  	s3 =	simm.s32 @!p0 $0x1082;
	s9 =	sld [smem:$0x3FB1]  }
0x2f: {  	lr =	sadd.s32 s0, s3;
	s0 =	sld [smem:$0x3FA8]  }
0x30: {  	s3 =	sld [smem:$0x3FAB]  }
0x31: {  	[smem:$0x3FB4] =	sst s10  }
0x32: {  	s10 =	sld [smem:$0x3FB2];
	_ =	sdelay $0x3  }
0x33: {  	p0 =	seq.s32 s10, $0x1;
	s10 =	sld [smem:$0x3FB4];
	_ =	sdelay $0x3  }
0x34: {  	[smem:$0x3FB4] =	sst s10  }
0x35: {  	s10 =	sld [smem:$0x3FB3];
	_ =	sdelay $0x3  }
0x36: {  	p1 =	seq.s32 s10, $0x1;
	s10 =	sld [smem:$0x3FB4];
	_ =	sdelay $0x3  }
0x37: {  	[smem:$0x3FB4] =	sst s10  }
0x38: {  	s10 =	sld [smem:$0x3FB5]  }
0x39: {  	_ = 	snop;
	(pc) =	sbr.ind lr, $3  }
0x3a: {  	_ = 	snop  }
0x3b: {  	_ = 	snop  }
0x3c: {  	p2 =	seq.s32 s10, $0x1;
	s10 =	sld [smem:$0x3FB4]  }
0x3d: {  	_ =	shalt  }
0x3e: {  	_ =	shalt  }
0x3f: {  	_ =	shalt  }
0x40: {  	_ =	shalt  }
0x41: {  	_ =	shalt  }
0x42: {  	_ =	shalt  }
0x43: {  	_ =	shalt  }
0x44: {  	_ =	shalt  }
0x45: {  	_ =	shalt  }
0x46: {  	_ =	shalt  }
0x47: {  	_ =	shalt  }
0x48: {  	_ =	shalt  }
0x49: {  	_ =	shalt  }
0x4a: {  	_ =	shalt  }
0x4b: {  	_ =	shalt  }
0x4c: {  	_ =	shalt  }
0x4d: {  	_ =	shalt  }
0x4e: {  	_ =	shalt  }
0x4f: {  	_ =	shalt  }
0x50: {  	_ =	shalt  }
0x51: {  	_ =	shalt  }
0x52: {  	_ =	shalt  }
0x53: {  	_ =	shalt  }
0x54: {  	_ =	shalt  }
0x55: {  	_ =	shalt  }
0x56: {  	_ =	shalt  }
0x57: {  	_ =	shalt  }
0x58: {  	_ =	shalt  }
0x59: {  	_ =	shalt  }
0x5a: {  	_ =	shalt  }
0x5b: {  	_ =	shalt  }
0x5c: {  	_ =	shalt  }
0x5d: {  	_ =	shalt  }
0x5e: {  	_ =	shalt  }
0x5f: {  	_ =	shalt  }
0x60: {  	_ =	shalt  }
0x61: {  	_ =	shalt  }
0x62: {  	_ =	shalt  }
0x63: {  	_ =	shalt  }
0x64: {  	_ =	shalt  }
0x65: {  	_ =	shalt  }
0x66: {  	_ =	shalt  }
0x67: {  	_ =	shalt  }
0x68: {  	_ =	shalt  }
0x69: {  	_ =	shalt  }
0x6a: {  	_ =	shalt  }
0x6b: {  	_ =	shalt  }
0x6c: {  	_ =	shalt  }
0x6d: {  	_ =	shalt  }
0x6e: {  	_ =	shalt  }
0x6f: {  	_ =	shalt  }
0x70: {  	_ =	shalt  }
0x71: {  	_ =	shalt  }
0x72: {  	_ =	shalt  }
0x73: {  	_ =	shalt  }
0x74: {  	_ =	shalt  }
0x75: {  	_ =	shalt  }
0x76: {  	_ =	shalt  }
0x77: {  	_ =	shalt  }
0x78: {  	_ =	shalt  }
0x79: {  	_ =	shalt  }
0x7a: {  	_ =	shalt  }
0x7b: {  	_ =	shalt  }
0x7c: {  	_ =	shalt  }
0x7d: {  	_ =	shalt  }
0x7e: {  	_ =	shalt  }
0x7f: {  	_ =	shalt  }
0x80: {  	_ =	shalt  }
0x81: {  	_ =	shalt  }
0x82: {  	_ =	shalt  }
0x83: {  	_ =	shalt  }
0x84: {  	_ =	shalt  }
0x85: {  	_ =	shalt  }
0x86: {  	_ =	shalt  }
0x87: {  	_ =	shalt  }
.Lfunc_end0:
.L_simem_size_0:
called_computation.1_lowered:
.L_overlay_start_0:
0x88: {  	s2 =	sld [smem:$0x3FD9]  }
0x89: {  	s3 =	sld [smem:$0x3FFE];
	_ =	sdelay $0x1  }
0x8a: {  	s1 =	srdreg.scid  }
0x8b: {  	s0 =	sand.u32 $0x1, s1  }
0x8c: {  	s16 =	sshll.u32 s0, $0xA;
	s2 =	sadd.s32 s3, s2  }
0x8d: {  	s2 =	sadd.s32 s2, s16  }
0x8e: {  	[smem:$0x3FC0] =	sst s2  }
0x8f: {  	_ = 	snop  }
0x90: {  	(tm) =	ssettm $0x1  }
0x91: {  	s17 =	sld [smem:$0x3FFB];
	_ =	sdelay $0x3  }
0x92: {  	_ =	strace s17  }
0x93: {  	s2 =	sld [smem:$0x3FFC];
	_ =	sdelay $0x3  }
0x94: {  	_ =	strace s2  }
0x95: {  	s2 =	sld [smem:$0x3FFD];
	_ =	sdelay $0x3  }
0x96: {  	_ =	strace s2  }
0x97: {  	_ =	strace $0x8FFFFFFF  }
0x98: {  	s18 =	sld [smem:$0x3FDB];
	_ =	sdelay $0x1  }
0x99: {  	s19 =	simm.s32 $_scs_section_size  }
0x9a: {  	s4 =	simm.s32 $_size__tile_overlayer_lowered;
	s5 =	simm.s32 $_tile_overlayer_lowered  }
0x9b: {  	s22 =	simm.s32 $0x1BFF;
	s21 =	sshll.u32 s5, $0x1;
	s2 =	sadd.s32 s19, s18  }
0x9c: {  	s6 =	simm.s32 $0x0;
	s20 =	sshll.u32 s4, $0x1;
	s4 =	sadd.s32 s21, s2  }
0x9d: {  	[timem:s6], [sflag:s22] =	dma.local [hbm:s4], s20  }
0x9e: {  	_ =	swait.ge [sflag:s22], s20  }
0x9f: {  	s3 =	ssub.s32 $0x0, s20;
	[sflag:s22] =	ssyncset.done $0x0  }
0xa0: {  	[sflag:s22] =	ssyncadd.s32 s3;
	_ =	sdelay $0x1  }
0xa1: {  	s23 =	simm.s32 $0x1B8B  }
0xa2: {  	_ =	swait.ge [sflag:s23], $0x1  }
0xa3: {  	[sflag:s23] =	ssyncset.done $0x0  }
0xa4: {  	s25 =	simm.s32 $0x1B8E;
	s24 =	sld [smem:$0x3FFE];
	[sflag:s23] =	ssyncadd.s32 $0xFFFFFFFF  }
0xa5: {  	s26 =	simm.s32 $execute0_lowered;
	[smem:$0x3FD2] =	sst s25  }
0xa6: {  	s4 =	sshll.u32 s26, $0x1;
	_ =	strace $0x80000049;
	[dreg:$0x1] =	wrdreg $0xFFFFFFFF  }
0xa7: {  	s28 =	simm.s32 $_size_execute0_lowered;
	s2 =	sadd.s32 s2, s4;
	[dreg:$0x0] =	wrdreg $0x0  }
0xa8: {  	s4 =	sshll.u32 s28, $0x1;
	[dreg:$0x2] =	wrdreg s2  }
0xa9: {  	[dreg:$0x3] =	wrdreg s4  }
0xaa: {  	[dreg:$0x4] =	wrdreg $0xC0  }
0xab: {  	_ =	task [dreg:s6], $0x5FFFF  }
0xac: {  	[dreg:$0x1] =	wrdreg $0xFFFFFFFF  }
0xad: {  	[dreg:$0x0] =	wrdreg $0x60  }
0xae: {  	[dreg:$0x2] =	wrdreg s24  }
0xaf: {  	[dreg:$0x3] =	wrdreg $0x0  }
0xb0: {  	[dreg:$0x4] =	wrdreg $0x9  }
0xb1: {  	_ =	task.clear_ibuf [dreg:s6], $0x5FFFF;
	_ =	strace $0x90000049  }
0xb2: {  	s29 =	simm.s32 $0x9;
	_ =	strace $0x8000004B  }
0xb3: {  	_ =	swait.ge [sflag:s29], $0x1  }
0xb4: {  	[sflag:s29] =	ssyncadd.s32 $0xFFFFFFFF  }
0xb5: {  	_ =	strace $0x9000004B  }
0xb6: {  	_ =	sfence  }
0xb7: {  	s30 =	sld [smem:$0x0];
	_ =	sdelay $0x2  }
0xb8: {  	s31 =	sshll.u32 s1, $0xD;
	s1 =	sshrl.u32 s1, $0x2  }
0xb9: {  	s3 =	sand.u32 $0x4000, s31;
	s1 =	sadd.s32 s1, s30  }
0xba: {  	s0 =	sor.u32 s3, s0;
	s1 =	sshll.u32 s1, $0x11  }
0xbb: {  	s0 =	sor.u32 s1, s0  }
0xbc: {  	s0 =	sadd.s32 $0x8F2B, s0  }
0xbd: {  	[sflag:s0] =	ssyncadd.remote.s32 $0x1  }
0xbe: {  	_ =	sfence.sel $0xFFFF  }
0xbf: {  	[dreg:$0x0] =	wrdreg $0xFFFFFFFF;
	(pc) =	sbr.abs _section_cstart, $3  }
0xc0: {  	[dreg:$0x1] =	wrdreg $0xFFFFFFFF  }
0xc1: {  	_ =	task.clear_ibuf [dreg:s6], $0x2FFFF;
	_ =	strace $0x9FFFFFFF  }
0xc2: {  	(tm) =	ssettm $0x7FFFFFFF  }
0xc3: {  	_ =	shalt  }
tec
execute0_lowered:
.L_overlay_start_1:
0x0: {  	(tag) =	ssettag $0x1  }
0x1: {  	s6 =	rddreg [dreg:$0x0]  }
0x2: {  	s2 =	rddreg [dreg:$0x1]  }
0x3: {  	s0 =	srdreg.scid;
	s1 =	rddreg [dreg:$0x2]  }
0x4: {  	s3 =	simm.s32 $0x0;
	s17 =	simm.s32 $0x3;
	s18 =	simm.s32 $0x13C00  }
0x5: {  	s19 =	simm.s32 $0x15000;
	s20 =	simm.s32 $0x7D;
	s7 =	sand.u32 $0x1, s0  }
0x6: {  	s21 =	simm.s32 $0x16400;
	s0 =	stileid.u32;
	s4 =	smul.u32 $0x50000, s7  }
0x7: {  	s22 =	simm.s32 $0x1;
	s23 =	simm.s32 $0x13C80;
	s5 =	smul.u32 $0x2800, s0  }
0x8: {  	s24 =	simm.s32 $0x1A400;
	[smem:$0x7FF] =	sst s3;
	s8 =	smul.u32 $0x13C00, s0  }
0x9: {  	s28 =	simm.s32 $0x0;
	s10 =	smul.u32 $0x13C000, s7;
	_ =	strace $0x8000004A  }
0xa: {  	s26 =	smul.u32 $0x4F000, s0;
	s29 =	ssub.s32 $0x2, s7;
	s31 =	sshll.u32 s0, $0x6  }
0xb: {  	s7 =	sshrl.u32 s29, $0x1;
	s9 =	sadd.s32 s5, s4;
	s4 =	sadd.s32 $0xBA600, s6  }
0xc: {  	s5 =	sshrl.u32 s5, $0x3;
	s8 =	sadd.s32 s8, s10;
	s30 =	sshrl.u32 s26, $0x2  }
0xd: {  	s15 =	ssub.s32 s29, s7;
	s26 =	simm.s32 $0x2;
	s9 =	sshrl.u32 s9, $0x3  }
0xe: {  	s25 =	sadd.s32 s5, s6;
	s8 =	sshrl.u32 s8, $0x3;
	s5 =	sadd.s32 $0xB7E00, s6  }
0xf: {  	s16 =	sadd.s32 s30, s2;
	s15 =	smax.u32 s15, $0x1;
	s13 =	sadd.s32 s9, s6  }
0x10: {  	s14 =	sadd.s32 s8, s6;
	s6 =	sor.u32 $0x1C03, s31;
	s8 =	sadd.s32 $0x2A00, s25  }
0x11: {  	s10 =	sadd.s32 $0x2C80, s25;
	s16 =	sshrl.u32 s16, $0x3;
	s25 =	simm.s32 $0x15080  }
0x12: {  	s7 =	sadd.s32 $0x7A00, s13;
	s9 =	sadd.s32 $0x7C80, s13;
	s11 =	sadd.s32 $0x156A00, s14  }
0x13: {  	s12 =	sadd.s32 $0xCA00, s13;
	s13 =	sadd.s32 $0xCC80, s13;
	s14 =	sadd.s32 $0x1A5A00, s14  }
.LBB2_1:
0x14: {  	[spmem:s16], [sflag:s6] =	dma.local [hbm:s5], $0x2780  }
0x15: {  	_ =	swait.ge [sflag:s17], $0x2780  }
0x16: {  	[sflag:s17] =	ssyncset.done $0x0  }
0x17: {  	[sflag:s17] =	ssyncadd.s32 $0xFFFFD880  }
0x18: {  	[bflag:$0x0] =	sbarrier.arrive $0xFFFF  }
0x19: {  	[tilespmem:s18], [sflag:$0x3] =	stream.linear.gather [hbm4b:s7+s3], $0x1400, $0x38;
	[tilespmem:$0x1E400] =	vst v63  }
0x1a: {  	_ =	swait.ge [sflag:s17], $0x1400  }
0x1b: {  	[sflag:s17] =	ssyncset.done $0x0  }
0x1c: {  	[sflag:s17] =	ssyncadd.s32 $0xFFFFEC00  }
0x1d: {  	[tilespmem:s19], [sflag:$0x3] =	stream.linear.gather [hbm4b:s8+s3], $0x1400, $0x38;
	[tilespmem:$0x1E400] =	vst v63  }
0x1e: {  	_ =	swait.ge [sflag:s17], $0x1400  }
0x1f: {  	[sflag:s17] =	ssyncset.done $0x0  }
0x20: {  	[sflag:s17] =	ssyncadd.s32 $0xFFFFEC00  }
0x21: {  	[tilespmem:s21], [sflag:$0x1] =	stream.indirect.gather [hbm4b:s4+s20], $0x80, s18, s20, $0xb8;
	[tilespmem:$0x1E400] =	vst v63  }
0x22: {  	_ =	swait.ge [sflag:s22], $0x3E80  }
0x23: {  	[sflag:s22] =	ssyncset.done $0x0  }
0x24: {  	[sflag:s22] =	ssyncadd.s32 $0xFFFFC180  }
0x25: {  	[spmem:s2] =	stream.indirect.scatter.add.f32 [tilespmem:s21], [sflag:$0x2], $0x80, s19, s20, $0xb8;
	[tilespmem:$0x1E400] =	vst v63  }
0x26: {  	_ = 	snop  }
0x27: {  	[tilespmem:s24], [sflag:$0x1] =	stream.indirect.gather [hbm4b:s4+s20], $0x80, s23, s20, $0xb8;
	[tilespmem:$0x1E400] =	vst v63  }
0x28: {  	_ =	swait.ge [sflag:s22], $0x3E80  }
0x29: {  	[sflag:s22] =	ssyncset.done $0x0  }
0x2a: {  	[sflag:s22] =	ssyncadd.s32 $0xFFFFC180  }
0x2b: {  	[spmem:s2] =	stream.indirect.scatter.add.f32 [tilespmem:s24], [sflag:$0x2], $0x80, s25, s20, $0xb8;
	[tilespmem:$0x1E400] =	vst v63  }
0x2c: {  	_ =	swait.ge [sflag:s26], $0x3E80  }
0x2d: {  	[sflag:s26] =	ssyncset.done $0x0  }
0x2e: {  	s29 =	simm.s32 $0x13D00;
	[sflag:s26] =	ssyncadd.s32 $0xFFFFC180  }
0x2f: {  	[tilespmem:s21], [sflag:$0x1] =	stream.indirect.gather [hbm4b:s4+s20], $0x80, s29, s20, $0xb8;
	[tilespmem:$0x1E400] =	vst v63  }
0x30: {  	_ =	swait.ge [sflag:s22], $0x3E80  }
0x31: {  	[sflag:s22] =	ssyncset.done $0x0  }
0x32: {  	s29 =	simm.s32 $0x15100;
	[sflag:s22] =	ssyncadd.s32 $0xFFFFC180  }
0x33: {  	[spmem:s2] =	stream.indirect.scatter.add.f32 [tilespmem:s21], [sflag:$0x2], $0x80, s29, s20, $0xb8;
	[tilespmem:$0x1E400] =	vst v63  }
0x34: {  	_ =	swait.ge [sflag:s26], $0x3E80  }
0x35: {  	[sflag:s26] =	ssyncset.done $0x0  }
0x36: {  	s29 =	simm.s32 $0x13D80;
	[sflag:s26] =	ssyncadd.s32 $0xFFFFC180  }
0x37: {  	[tilespmem:s24], [sflag:$0x1] =	stream.indirect.gather [hbm4b:s4+s20], $0x80, s29, s20, $0xb8;
	[tilespmem:$0x1E400] =	vst v63  }
0x38: {  	_ =	swait.ge [sflag:s22], $0x3E80  }
0x39: {  	[sflag:s22] =	ssyncset.done $0x0  }
0x3a: {  	s30 =	simm.s32 $0x15180;
	s29 =	simm.s32 $0xFFFFB800;
	[sflag:s22] =	ssyncadd.s32 $0xFFFFC180  }
.LBB2_2:
0x3b: {  	[spmem:s2] =	stream.indirect.scatter.add.f32 [tilespmem:s24], [sflag:$0x2], $0x80, s30, s20, $0xb8;
	[tilespmem:$0x1E400] =	vst v63  }
0x3c: {  	s30 =	smov.u32 s29  }
0x3d: {  	p0 =	sne.s32 s29, $0xFFFFFC00;
	s29 =	sadd.s32 $0x400, s29;
	_ =	swait.ge [sflag:s26], $0x3E80  }
0x3e: {  	s30 =	sshra.s32 s30, $0x2;
	[sflag:s26] =	ssyncset.done $0x0  }
0x3f: {  	s31 =	sadd.s32 $0x15000, s30;
	[sflag:s26] =	ssyncadd.s32 $0xFFFFC180  }
0x40: {  	[tilespmem:s21], [sflag:$0x1] =	stream.indirect.gather [hbm4b:s4+s20], $0x80, s31, s20, $0xb8;
	[tilespmem:$0x1E400] =	vst v63  }
0x41: {  	_ =	swait.ge [sflag:s22], $0x3E80  }
0x42: {  	[sflag:s22] =	ssyncset.done $0x0  }
0x43: {  	s31 =	sadd.s32 $0x16400, s30;
	[sflag:s22] =	ssyncadd.s32 $0xFFFFC180  }
0x44: {  	[spmem:s2] =	stream.indirect.scatter.add.f32 [tilespmem:s21], [sflag:$0x2], $0x80, s31, s20, $0xb8;
	[tilespmem:$0x1E400] =	vst v63  }
0x45: {  	_ =	swait.ge [sflag:s26], $0x3E80  }
0x46: {  	[sflag:s26] =	ssyncset.done $0x0  }
.Ltmp0:
0x47: {  	s31 =	sadd.s32 $0x15080, s30;
	[sflag:s26] =	ssyncadd.s32 $0xFFFFC180;
	(pc) =	sbr.rel @p0 .LBB2_2-.Ltmp0, $4  }
0x48: {  	[tilespmem:s24], [sflag:$0x1] =	stream.indirect.gather [hbm4b:s4+s20], $0x80, s31, s20, $0xb8;
	[tilespmem:$0x1E400] =	vst v63  }
0x49: {  	_ =	swait.ge [sflag:s22], $0x3E80  }
0x4a: {  	[sflag:s22] =	ssyncset.done $0x0  }
0x4b: {  	s30 =	sadd.s32 $0x16480, s30;
	[sflag:s22] =	ssyncadd.s32 $0xFFFFC180  }
0x4c: {  	[spmem:s2] =	stream.indirect.scatter.add.f32 [tilespmem:s24], [sflag:$0x2], $0x80, s30, s20, $0xb8;
	[tilespmem:$0x1E400] =	vst v63  }
0x4d: {  	_ =	swait.ge [sflag:s26], $0x3E80  }
0x4e: {  	[sflag:s26] =	ssyncset.done $0x0  }
0x4f: {  	[sflag:s26] =	ssyncadd.s32 $0xFFFFC180  }
0x50: {  	_ =	swait.ge [sflag:s26], $0x3E80  }
0x51: {  	[sflag:s26] =	ssyncset.done $0x0  }
0x52: {  	[sflag:s26] =	ssyncadd.s32 $0xFFFFC180  }
0x53: {  	[tilespmem:s18], [sflag:$0x3] =	stream.linear.gather [hbm4b:s9+s3], $0x1400, $0x38;
	[tilespmem:$0x1E400] =	vst v63  }
0x54: {  	_ =	swait.ge [sflag:s17], $0x1400  }
0x55: {  	[sflag:s17] =	ssyncset.done $0x0  }
0x56: {  	[sflag:s17] =	ssyncadd.s32 $0xFFFFEC00  }
0x57: {  	[tilespmem:s19], [sflag:$0x3] =	stream.linear.gather [hbm4b:s10+s3], $0x1400, $0x38;
	[tilespmem:$0x1E400] =	vst v63  }
0x58: {  	_ =	swait.ge [sflag:s17], $0x1400  }
0x59: {  	[sflag:s17] =	ssyncset.done $0x0  }
0x5a: {  	[sflag:s17] =	ssyncadd.s32 $0xFFFFEC00  }
0x5b: {  	[tilespmem:s21], [sflag:$0x1] =	stream.indirect.gather [hbm4b:s4+s20], $0x80, s18, s20, $0xb8;
	[tilespmem:$0x1E400] =	vst v63  }
0x5c: {  	_ =	swait.ge [sflag:s22], $0x3E80  }
0x5d: {  	[sflag:s22] =	ssyncset.done $0x0  }
0x5e: {  	[sflag:s22] =	ssyncadd.s32 $0xFFFFC180  }
0x5f: {  	[spmem:s2] =	stream.indirect.scatter.add.f32 [tilespmem:s21], [sflag:$0x2], $0x80, s19, s20, $0xb8;
	[tilespmem:$0x1E400] =	vst v63  }
0x60: {  	_ = 	snop  }
0x61: {  	[tilespmem:s24], [sflag:$0x1] =	stream.indirect.gather [hbm4b:s4+s20], $0x80, s23, s20, $0xb8;
	[tilespmem:$0x1E400] =	vst v63  }
0x62: {  	_ =	swait.ge [sflag:s22], $0x3E80  }
0x63: {  	[sflag:s22] =	ssyncset.done $0x0  }
0x64: {  	[sflag:s22] =	ssyncadd.s32 $0xFFFFC180  }
0x65: {  	[spmem:s2] =	stream.indirect.scatter.add.f32 [tilespmem:s24], [sflag:$0x2], $0x80, s25, s20, $0xb8;
	[tilespmem:$0x1E400] =	vst v63  }
0x66: {  	_ =	swait.ge [sflag:s26], $0x3E80  }
0x67: {  	[sflag:s26] =	ssyncset.done $0x0  }
0x68: {  	s29 =	simm.s32 $0x13D00;
	[sflag:s26] =	ssyncadd.s32 $0xFFFFC180  }
0x69: {  	[tilespmem:s21], [sflag:$0x1] =	stream.indirect.gather [hbm4b:s4+s20], $0x80, s29, s20, $0xb8;
	[tilespmem:$0x1E400] =	vst v63  }
0x6a: {  	_ =	swait.ge [sflag:s22], $0x3E80  }
0x6b: {  	[sflag:s22] =	ssyncset.done $0x0  }
0x6c: {  	s29 =	simm.s32 $0x15100;
	[sflag:s22] =	ssyncadd.s32 $0xFFFFC180  }
0x6d: {  	[spmem:s2] =	stream.indirect.scatter.add.f32 [tilespmem:s21], [sflag:$0x2], $0x80, s29, s20, $0xb8;
	[tilespmem:$0x1E400] =	vst v63  }
0x6e: {  	_ =	swait.ge [sflag:s26], $0x3E80  }
0x6f: {  	[sflag:s26] =	ssyncset.done $0x0  }
0x70: {  	s29 =	simm.s32 $0x13D80;
	[sflag:s26] =	ssyncadd.s32 $0xFFFFC180  }
0x71: {  	[tilespmem:s24], [sflag:$0x1] =	stream.indirect.gather [hbm4b:s4+s20], $0x80, s29, s20, $0xb8;
	[tilespmem:$0x1E400] =	vst v63  }
0x72: {  	_ =	swait.ge [sflag:s22], $0x3E80  }
0x73: {  	[sflag:s22] =	ssyncset.done $0x0  }
0x74: {  	s30 =	simm.s32 $0x15180;
	s29 =	simm.s32 $0xFFFFB800;
	[sflag:s22] =	ssyncadd.s32 $0xFFFFC180  }
.LBB2_4:
0x75: {  	[spmem:s2] =	stream.indirect.scatter.add.f32 [tilespmem:s24], [sflag:$0x2], $0x80, s30, s20, $0xb8;
	[tilespmem:$0x1E400] =	vst v63  }
0x76: {  	s30 =	smov.u32 s29  }
0x77: {  	p0 =	sne.s32 s29, $0xFFFFFC00;
	s29 =	sadd.s32 $0x400, s29;
	_ =	swait.ge [sflag:s26], $0x3E80  }
0x78: {  	s30 =	sshra.s32 s30, $0x2;
	[sflag:s26] =	ssyncset.done $0x0  }
0x79: {  	s31 =	sadd.s32 $0x15000, s30;
	[sflag:s26] =	ssyncadd.s32 $0xFFFFC180  }
0x7a: {  	[tilespmem:s21], [sflag:$0x1] =	stream.indirect.gather [hbm4b:s4+s20], $0x80, s31, s20, $0xb8;
	[tilespmem:$0x1E400] =	vst v63  }
0x7b: {  	_ =	swait.ge [sflag:s22], $0x3E80  }
0x7c: {  	[sflag:s22] =	ssyncset.done $0x0  }
0x7d: {  	s31 =	sadd.s32 $0x16400, s30;
	[sflag:s22] =	ssyncadd.s32 $0xFFFFC180  }
0x7e: {  	[spmem:s2] =	stream.indirect.scatter.add.f32 [tilespmem:s21], [sflag:$0x2], $0x80, s31, s20, $0xb8;
	[tilespmem:$0x1E400] =	vst v63  }
0x7f: {  	_ =	swait.ge [sflag:s26], $0x3E80  }
0x80: {  	[sflag:s26] =	ssyncset.done $0x0  }
.Ltmp1:
0x81: {  	s31 =	sadd.s32 $0x15080, s30;
	[sflag:s26] =	ssyncadd.s32 $0xFFFFC180;
	(pc) =	sbr.rel @p0 .LBB2_4-.Ltmp1, $4  }
0x82: {  	[tilespmem:s24], [sflag:$0x1] =	stream.indirect.gather [hbm4b:s4+s20], $0x80, s31, s20, $0xb8;
	[tilespmem:$0x1E400] =	vst v63  }
0x83: {  	_ =	swait.ge [sflag:s22], $0x3E80  }
0x84: {  	[sflag:s22] =	ssyncset.done $0x0  }
0x85: {  	s30 =	sadd.s32 $0x16480, s30;
	[sflag:s22] =	ssyncadd.s32 $0xFFFFC180  }
0x86: {  	[spmem:s2] =	stream.indirect.scatter.add.f32 [tilespmem:s24], [sflag:$0x2], $0x80, s30, s20, $0xb8;
	[tilespmem:$0x1E400] =	vst v63  }
0x87: {  	_ =	swait.ge [sflag:s26], $0x3E80  }
0x88: {  	[sflag:s26] =	ssyncset.done $0x0  }
0x89: {  	[sflag:s26] =	ssyncadd.s32 $0xFFFFC180  }
0x8a: {  	_ =	swait.ge [sflag:s26], $0x3E80  }
0x8b: {  	[sflag:s26] =	ssyncset.done $0x0  }
0x8c: {  	[sflag:s26] =	ssyncadd.s32 $0xFFFFC180  }
0x8d: {  	[bflag:$0x0] =	sbarrier.arrive $0xFFFF  }
0x8e: {  	[hbm:s11], [sflag:s6] =	dma.local [spmem:s16], $0x2780  }
0x8f: {  	_ =	swait.ge [sflag:s17], $0x2780  }
0x90: {  	[sflag:s17] =	ssyncset.done $0x0  }
0x91: {  	[sflag:s17] =	ssyncadd.s32 $0xFFFFD880  }
0x92: {  	[bflag:$0x0] =	sbarrier.arrive $0xFFFF  }
0x93: {  	[spmem:s16], [sflag:s6] =	dma.local [hbm:s5], $0x2780  }
0x94: {  	_ =	swait.ge [sflag:s17], $0x2780  }
0x95: {  	[sflag:s17] =	ssyncset.done $0x0  }
0x96: {  	[sflag:s17] =	ssyncadd.s32 $0xFFFFD880  }
0x97: {  	[bflag:$0x0] =	sbarrier.arrive $0xFFFF  }
0x98: {  	[tilespmem:s18], [sflag:$0x3] =	stream.linear.gather [hbm4b:s12+s3], $0x1400, $0x38;
	[tilespmem:$0x1E400] =	vst v63  }
0x99: {  	_ =	swait.ge [sflag:s17], $0x1400  }
0x9a: {  	[sflag:s17] =	ssyncset.done $0x0  }
0x9b: {  	[sflag:s17] =	ssyncadd.s32 $0xFFFFEC00  }
0x9c: {  	[tilespmem:s19], [sflag:$0x3] =	stream.linear.gather [hbm4b:s8+s3], $0x1400, $0x38;
	[tilespmem:$0x1E400] =	vst v63  }
0x9d: {  	_ =	swait.ge [sflag:s17], $0x1400  }
0x9e: {  	[sflag:s17] =	ssyncset.done $0x0  }
0x9f: {  	[sflag:s17] =	ssyncadd.s32 $0xFFFFEC00  }
0xa0: {  	[tilespmem:s21], [sflag:$0x1] =	stream.indirect.gather [hbm4b:s4+s20], $0x80, s18, s20, $0xb8;
	[tilespmem:$0x1E400] =	vst v63  }
0xa1: {  	_ =	swait.ge [sflag:s22], $0x3E80  }
0xa2: {  	[sflag:s22] =	ssyncset.done $0x0  }
0xa3: {  	[sflag:s22] =	ssyncadd.s32 $0xFFFFC180  }
0xa4: {  	[spmem:s2] =	stream.indirect.scatter.add.f32 [tilespmem:s21], [sflag:$0x2], $0x80, s19, s20, $0xb8;
	[tilespmem:$0x1E400] =	vst v63  }
0xa5: {  	_ = 	snop  }
0xa6: {  	[tilespmem:s24], [sflag:$0x1] =	stream.indirect.gather [hbm4b:s4+s20], $0x80, s23, s20, $0xb8;
	[tilespmem:$0x1E400] =	vst v63  }
0xa7: {  	_ =	swait.ge [sflag:s22], $0x3E80  }
0xa8: {  	[sflag:s22] =	ssyncset.done $0x0  }
0xa9: {  	[sflag:s22] =	ssyncadd.s32 $0xFFFFC180  }
0xaa: {  	[spmem:s2] =	stream.indirect.scatter.add.f32 [tilespmem:s24], [sflag:$0x2], $0x80, s25, s20, $0xb8;
	[tilespmem:$0x1E400] =	vst v63  }
0xab: {  	_ =	swait.ge [sflag:s26], $0x3E80  }
0xac: {  	[sflag:s26] =	ssyncset.done $0x0  }
0xad: {  	s29 =	simm.s32 $0x13D00;
	[sflag:s26] =	ssyncadd.s32 $0xFFFFC180  }
0xae: {  	[tilespmem:s21], [sflag:$0x1] =	stream.indirect.gather [hbm4b:s4+s20], $0x80, s29, s20, $0xb8;
	[tilespmem:$0x1E400] =	vst v63  }
0xaf: {  	_ =	swait.ge [sflag:s22], $0x3E80  }
0xb0: {  	[sflag:s22] =	ssyncset.done $0x0  }
0xb1: {  	s29 =	simm.s32 $0x15100;
	[sflag:s22] =	ssyncadd.s32 $0xFFFFC180  }
0xb2: {  	[spmem:s2] =	stream.indirect.scatter.add.f32 [tilespmem:s21], [sflag:$0x2], $0x80, s29, s20, $0xb8;
	[tilespmem:$0x1E400] =	vst v63  }
0xb3: {  	_ =	swait.ge [sflag:s26], $0x3E80  }
0xb4: {  	[sflag:s26] =	ssyncset.done $0x0  }
0xb5: {  	s29 =	simm.s32 $0x13D80;
	[sflag:s26] =	ssyncadd.s32 $0xFFFFC180  }
0xb6: {  	[tilespmem:s24], [sflag:$0x1] =	stream.indirect.gather [hbm4b:s4+s20], $0x80, s29, s20, $0xb8;
	[tilespmem:$0x1E400] =	vst v63  }
0xb7: {  	_ =	swait.ge [sflag:s22], $0x3E80  }
0xb8: {  	[sflag:s22] =	ssyncset.done $0x0  }
0xb9: {  	s30 =	simm.s32 $0x15180;
	s29 =	simm.s32 $0xFFFFB800;
	[sflag:s22] =	ssyncadd.s32 $0xFFFFC180  }
.LBB2_6:
0xba: {  	[spmem:s2] =	stream.indirect.scatter.add.f32 [tilespmem:s24], [sflag:$0x2], $0x80, s30, s20, $0xb8;
	[tilespmem:$0x1E400] =	vst v63  }
0xbb: {  	s30 =	smov.u32 s29  }
0xbc: {  	p0 =	sne.s32 s29, $0xFFFFFC00;
	s29 =	sadd.s32 $0x400, s29;
	_ =	swait.ge [sflag:s26], $0x3E80  }
0xbd: {  	s30 =	sshra.s32 s30, $0x2;
	[sflag:s26] =	ssyncset.done $0x0  }
0xbe: {  	s31 =	sadd.s32 $0x15000, s30;
	[sflag:s26] =	ssyncadd.s32 $0xFFFFC180  }
0xbf: {  	[tilespmem:s21], [sflag:$0x1] =	stream.indirect.gather [hbm4b:s4+s20], $0x80, s31, s20, $0xb8;
	[tilespmem:$0x1E400] =	vst v63  }
0xc0: {  	_ =	swait.ge [sflag:s22], $0x3E80  }
0xc1: {  	[sflag:s22] =	ssyncset.done $0x0  }
0xc2: {  	s31 =	sadd.s32 $0x16400, s30;
	[sflag:s22] =	ssyncadd.s32 $0xFFFFC180  }
0xc3: {  	[spmem:s2] =	stream.indirect.scatter.add.f32 [tilespmem:s21], [sflag:$0x2], $0x80, s31, s20, $0xb8;
	[tilespmem:$0x1E400] =	vst v63  }
0xc4: {  	_ =	swait.ge [sflag:s26], $0x3E80  }
0xc5: {  	[sflag:s26] =	ssyncset.done $0x0  }
.Ltmp2:
0xc6: {  	s31 =	sadd.s32 $0x15080, s30;
	[sflag:s26] =	ssyncadd.s32 $0xFFFFC180;
	(pc) =	sbr.rel @p0 .LBB2_6-.Ltmp2, $4  }
0xc7: {  	[tilespmem:s24], [sflag:$0x1] =	stream.indirect.gather [hbm4b:s4+s20], $0x80, s31, s20, $0xb8;
	[tilespmem:$0x1E400] =	vst v63  }
0xc8: {  	_ =	swait.ge [sflag:s22], $0x3E80  }
0xc9: {  	[sflag:s22] =	ssyncset.done $0x0  }
0xca: {  	s30 =	sadd.s32 $0x16480, s30;
	[sflag:s22] =	ssyncadd.s32 $0xFFFFC180  }
0xcb: {  	[spmem:s2] =	stream.indirect.scatter.add.f32 [tilespmem:s24], [sflag:$0x2], $0x80, s30, s20, $0xb8;
	[tilespmem:$0x1E400] =	vst v63  }
0xcc: {  	_ =	swait.ge [sflag:s26], $0x3E80  }
0xcd: {  	[sflag:s26] =	ssyncset.done $0x0  }
0xce: {  	[sflag:s26] =	ssyncadd.s32 $0xFFFFC180  }
0xcf: {  	_ =	swait.ge [sflag:s26], $0x3E80  }
0xd0: {  	[sflag:s26] =	ssyncset.done $0x0  }
0xd1: {  	[sflag:s26] =	ssyncadd.s32 $0xFFFFC180  }
0xd2: {  	[tilespmem:s18], [sflag:$0x3] =	stream.linear.gather [hbm4b:s13+s3], $0x1400, $0x38;
	[tilespmem:$0x1E400] =	vst v63  }
0xd3: {  	_ =	swait.ge [sflag:s17], $0x1400  }
0xd4: {  	[sflag:s17] =	ssyncset.done $0x0  }
0xd5: {  	[sflag:s17] =	ssyncadd.s32 $0xFFFFEC00  }
0xd6: {  	[tilespmem:s19], [sflag:$0x3] =	stream.linear.gather [hbm4b:s10+s3], $0x1400, $0x38;
	[tilespmem:$0x1E400] =	vst v63  }
0xd7: {  	_ =	swait.ge [sflag:s17], $0x1400  }
0xd8: {  	[sflag:s17] =	ssyncset.done $0x0  }
0xd9: {  	[sflag:s17] =	ssyncadd.s32 $0xFFFFEC00  }
0xda: {  	[tilespmem:s21], [sflag:$0x1] =	stream.indirect.gather [hbm4b:s4+s20], $0x80, s18, s20, $0xb8;
	[tilespmem:$0x1E400] =	vst v63  }
0xdb: {  	_ =	swait.ge [sflag:s22], $0x3E80  }
0xdc: {  	[sflag:s22] =	ssyncset.done $0x0  }
0xdd: {  	[sflag:s22] =	ssyncadd.s32 $0xFFFFC180  }
0xde: {  	[spmem:s2] =	stream.indirect.scatter.add.f32 [tilespmem:s21], [sflag:$0x2], $0x80, s19, s20, $0xb8;
	[tilespmem:$0x1E400] =	vst v63  }
0xdf: {  	_ = 	snop  }
0xe0: {  	[tilespmem:s24], [sflag:$0x1] =	stream.indirect.gather [hbm4b:s4+s20], $0x80, s23, s20, $0xb8;
	[tilespmem:$0x1E400] =	vst v63  }
0xe1: {  	_ =	swait.ge [sflag:s22], $0x3E80  }
0xe2: {  	[sflag:s22] =	ssyncset.done $0x0  }
0xe3: {  	[sflag:s22] =	ssyncadd.s32 $0xFFFFC180  }
0xe4: {  	[spmem:s2] =	stream.indirect.scatter.add.f32 [tilespmem:s24], [sflag:$0x2], $0x80, s25, s20, $0xb8;
	[tilespmem:$0x1E400] =	vst v63  }
0xe5: {  	_ =	swait.ge [sflag:s26], $0x3E80  }
0xe6: {  	[sflag:s26] =	ssyncset.done $0x0  }
0xe7: {  	s29 =	simm.s32 $0x13D00;
	[sflag:s26] =	ssyncadd.s32 $0xFFFFC180  }
0xe8: {  	[tilespmem:s21], [sflag:$0x1] =	stream.indirect.gather [hbm4b:s4+s20], $0x80, s29, s20, $0xb8;
	[tilespmem:$0x1E400] =	vst v63  }
0xe9: {  	_ =	swait.ge [sflag:s22], $0x3E80  }
0xea: {  	[sflag:s22] =	ssyncset.done $0x0  }
0xeb: {  	s29 =	simm.s32 $0x15100;
	[sflag:s22] =	ssyncadd.s32 $0xFFFFC180  }
0xec: {  	[spmem:s2] =	stream.indirect.scatter.add.f32 [tilespmem:s21], [sflag:$0x2], $0x80, s29, s20, $0xb8;
	[tilespmem:$0x1E400] =	vst v63  }
0xed: {  	_ =	swait.ge [sflag:s26], $0x3E80  }
0xee: {  	[sflag:s26] =	ssyncset.done $0x0  }
0xef: {  	s29 =	simm.s32 $0x13D80;
	[sflag:s26] =	ssyncadd.s32 $0xFFFFC180  }
0xf0: {  	[tilespmem:s24], [sflag:$0x1] =	stream.indirect.gather [hbm4b:s4+s20], $0x80, s29, s20, $0xb8;
	[tilespmem:$0x1E400] =	vst v63  }
0xf1: {  	_ =	swait.ge [sflag:s22], $0x3E80  }
0xf2: {  	[sflag:s22] =	ssyncset.done $0x0  }
0xf3: {  	s30 =	simm.s32 $0x15180;
	s29 =	simm.s32 $0xFFFFB800;
	[sflag:s22] =	ssyncadd.s32 $0xFFFFC180  }
.LBB2_8:
0xf4: {  	[spmem:s2] =	stream.indirect.scatter.add.f32 [tilespmem:s24], [sflag:$0x2], $0x80, s30, s20, $0xb8;
	[tilespmem:$0x1E400] =	vst v63  }
0xf5: {  	s30 =	smov.u32 s29  }
0xf6: {  	p0 =	sne.s32 s29, $0xFFFFFC00;
	s29 =	sadd.s32 $0x400, s29;
	_ =	swait.ge [sflag:s26], $0x3E80  }
0xf7: {  	s30 =	sshra.s32 s30, $0x2;
	[sflag:s26] =	ssyncset.done $0x0  }
0xf8: {  	s31 =	sadd.s32 $0x15000, s30;
	[sflag:s26] =	ssyncadd.s32 $0xFFFFC180  }
0xf9: {  	[tilespmem:s21], [sflag:$0x1] =	stream.indirect.gather [hbm4b:s4+s20], $0x80, s31, s20, $0xb8;
	[tilespmem:$0x1E400] =	vst v63  }
0xfa: {  	_ =	swait.ge [sflag:s22], $0x3E80  }
0xfb: {  	[sflag:s22] =	ssyncset.done $0x0  }
0xfc: {  	s31 =	sadd.s32 $0x16400, s30;
	[sflag:s22] =	ssyncadd.s32 $0xFFFFC180  }
0xfd: {  	[spmem:s2] =	stream.indirect.scatter.add.f32 [tilespmem:s21], [sflag:$0x2], $0x80, s31, s20, $0xb8;
	[tilespmem:$0x1E400] =	vst v63  }
0xfe: {  	_ =	swait.ge [sflag:s26], $0x3E80  }
0xff: {  	[sflag:s26] =	ssyncset.done $0x0  }
.Ltmp3:
0x100: {  	s31 =	sadd.s32 $0x15080, s30;
	[sflag:s26] =	ssyncadd.s32 $0xFFFFC180;
	(pc) =	sbr.rel @p0 .LBB2_8-.Ltmp3, $4  }
0x101: {  	[tilespmem:s24], [sflag:$0x1] =	stream.indirect.gather [hbm4b:s4+s20], $0x80, s31, s20, $0xb8;
	[tilespmem:$0x1E400] =	vst v63  }
0x102: {  	_ =	swait.ge [sflag:s22], $0x3E80  }
0x103: {  	[sflag:s22] =	ssyncset.done $0x0  }
0x104: {  	s30 =	sadd.s32 $0x16480, s30;
	[sflag:s22] =	ssyncadd.s32 $0xFFFFC180  }
0x105: {  	[spmem:s2] =	stream.indirect.scatter.add.f32 [tilespmem:s24], [sflag:$0x2], $0x80, s30, s20, $0xb8;
	[tilespmem:$0x1E400] =	vst v63  }
0x106: {  	_ =	swait.ge [sflag:s26], $0x3E80  }
0x107: {  	[sflag:s26] =	ssyncset.done $0x0  }
0x108: {  	[sflag:s26] =	ssyncadd.s32 $0xFFFFC180  }
0x109: {  	_ =	swait.ge [sflag:s26], $0x3E80  }
0x10a: {  	s28 =	sadd.s32 $0x1, s28;
	[sflag:s26] =	ssyncset.done $0x0  }
0x10b: {  	p0 =	sne.s32 s28, s15;
	[sflag:s26] =	ssyncadd.s32 $0xFFFFC180  }
.Ltmp4:
0x10c: {  	[bflag:$0x0] =	sbarrier.arrive $0xFFFF;
	(pc) =	sbr.rel @p0 .LBB2_1-.Ltmp4, $4  }
0x10d: {  	[hbm:s14], [sflag:s6] =	dma.local [spmem:s16], $0x2780  }
0x10e: {  	_ =	swait.ge [sflag:s17], $0x2780  }
0x10f: {  	[sflag:s17] =	ssyncset.done $0x0  }
0x110: {  	[sflag:s17] =	ssyncadd.s32 $0xFFFFD880  }
0x111: {  	_ =	sfence.sel $0x180000  }
0x112: {  	[bflag:$0x0] =	sbarrier.arrive $0xFFFF  }
0x113: {  	p0 =	sne.s32 s0, $0x0;
	_ =	strace $0x9000004A  }
0x114: {  	s0 =	sadd.s32 @!p0 $0x100000, s1;
	[bflag:$0x2] =	sbarrier.arrive $0xFFFF  }
0x115: {  	[sflag:s0] =	ssyncadd.tile.s32 @!p0 $0x1;
	_ =	shalt  }
.Lfunc_end2:
_tile_overlayer_lowered:
.L_overlay_start_2:
0x116: {  	(tag) =	ssettag $0x2  }
0x117: {  	s0 =	rddreg [dreg:$0x0];
	s2 =	stileid.u32  }
0x118: {  	s1 =	rddreg [dreg:$0x1];
	p0 =	sne.s32 s2, $0x0  }
0x119: {  	s3 =	rddreg [dreg:$0x2];
	[bflag:$0x3] =	sbarrier.arrive $0xFFFF;
	s2 =	simm.s32 @!p0 $0x1C03  }
0x11a: {  	[timem:s3], [sflag:s2] =	dma.local @!p0 [hbm:s0], s1  }
0x11b: {  	s0 =	simm.s32 @!p0 $0x3  }
0x11c: {  	_ =	swait.ge @!p0 [sflag:s0], s1  }
0x11d: {  	s1 =	ssub.s32 @!p0 $0x0, s1;
	[sflag:s0] =	ssyncset.done @!p0 $0x0  }
0x11e: {  	[sflag:s0] =	ssyncadd.s32 @!p0 s1  }
0x11f: {  	[bflag:$0x3] =	sbarrier.arrive $0xFFFF  }
0x120: {  	_ =	shalt  }

// kernel: kernel.15.cloned.1.call-start
scs
__scs_entry_jumppad:
0x0: {  	(pc) =	sbr.rel $0x88, $3  }
0x1: {  	(tag) =	ssettag $0x0;
	lr =	simm.s32 $0x1  }
0x2: {  	[smem:$0x3F99] =	sst lr;
	_ =	strace $0xD0000000  }
0x3: {  	_ = 	snop  }
0x4: {  	_ = 	snop  }
0x5: {  	_ = 	snop  }
0x6: {  	_ = 	snop  }
0x7: {  	_ = 	snop  }
__scs_overlays_trampoline_lowered:
0x8: {  	[smem:$0x3FA8] =	sst s0  }
0x9: {  	[smem:$0x3FA9] =	sst s1  }
0xa: {  	[smem:$0x3FAA] =	sst s2  }
0xb: {  	[smem:$0x3FAB] =	sst s3  }
0xc: {  	[smem:$0x3FAC] =	sst s4  }
0xd: {  	[smem:$0x3FAD] =	sst s5  }
0xe: {  	[smem:$0x3FAE] =	sst s6  }
0xf: {  	[smem:$0x3FAF] =	sst s7  }
0x10: {  	[smem:$0x3FB0] =	sst s8  }
0x11: {  	[smem:$0x3FB1] =	sst s9;
	s0 =	simm.s32 @!p0 $0x0  }
0x12: {  	s1 =	sld [smem:$0x3F97];
	s0 =	simm.s32 @p0 $0x1  }
0x13: {  	[smem:$0x3FB2] =	sst s0;
	s0 =	simm.s32 @!p1 $0x0  }
0x14: {  	s2 =	sld [smem:$0x3F96];
	s0 =	simm.s32 @p1 $0x1  }
0x15: {  	[smem:$0x3FB3] =	sst s0;
	s0 =	simm.s32 @!p2 $0x0  }
0x16: {  	s3 =	sld [smem:$0x3FDB];
	s0 =	simm.s32 @p2 $0x1  }
0x17: {  	s4 =	simm.s32 $0x1BF5;
	[smem:$0x3FB5] =	sst s0  }
0x18: {  	s0 =	sld [smem:$0x3F98];
	_ =	swait.ge [sflag:s4], $0x0  }
0x19: {  	s7 =	sld [smem:$0x3F99]  }
0x1a: {  	s8 =	sadd.s32 $0xFFFFE003, lr  }
0x1b: {  	s9 =	sadd.s32 $0xFFFFFEF7, lr;
	s5 =	simm.s32 $0xFFFFFFFF;
	p2 =	slt.u32 s8, $0xFFFFF086  }
0x1c: {  	p1 =	slt.u32 s9, $0xF7A;
	s5 =	simm.s32 @!p2 $0x0  }
0x1d: {  	s5 =	simm.s32 @p1 $0x1;
	p0 =	seq.s32 s7, s2  }
0x1e: {  	s7 =	smul.u32 @!p0 $0xF7A, s2;
	p2 =	seq.s32 @!p0 s5, $0x0  }
0x1f: {  	s9 =	smul.u32 $0xF7A, s1;
	s8 =	simm.s32 @!p0 $0x1BF5;
	p2 =	por !p2, p0  }
0x20: {  	[sflag:s8] =	ssyncset.s32 @!p0 $0xFFFFF086;
	s6 =	sadd.s32 @!p0 s3, s7;
	s7 =	simm.s32 @!p0 $0x108  }
0x21: {  	s3 =	sadd.s32 s3, s9;
	s6 =	sadd.s32 @!p0 $0x88, s6;
	s7 =	simm.s32 @p2 $0x1082  }
0x22: {  	[simem:s7], [sflag:s8] =	dma.local @!p0 [hbm:s6], $0xF7A  }
0x23: {  	s9 =	sor.u32 $0xD0000000, s2;
	s6 =	simm.s32 $0x108;
	_ =	swait.ge @!p0 [sflag:s8], $0x0  }
0x24: {  	s3 =	sadd.s32 $0x88, s3;
	s6 =	simm.s32 @!p1 $0x1082;
	[sflag:s4] =	ssyncset.s32 $0xFFFFF086  }
0x25: {  	[simem:s6], [sflag:s4] =	dma.local [hbm:s3], $0xF7A  }
0x26: {  	[smem:$0x3F99] =	sst s1;
	(tag) =	ssettag s2;
	_ =	strace s9  }
0x27: {  	s1 =	sld [smem:$0x3FA9]  }
0x28: {  	s2 =	sld [smem:$0x3FAA]  }
0x29: {  	s4 =	sld [smem:$0x3FAC]  }
0x2a: {  	p0 =	seq.s32 s5, $0x0;
	s5 =	sld [smem:$0x3FAD]  }
0x2b: {  	s6 =	sld [smem:$0x3FAE]  }
0x2c: {  	s7 =	sld [smem:$0x3FAF]  }
0x2d: {  	s3 =	simm.s32 $0x108;
	s8 =	sld [smem:$0x3FB0]  }
0x2e: {  	s3 =	simm.s32 @!p0 $0x1082;
	s9 =	sld [smem:$0x3FB1]  }
0x2f: {  	lr =	sadd.s32 s0, s3;
	s0 =	sld [smem:$0x3FA8]  }
0x30: {  	s3 =	sld [smem:$0x3FAB]  }
0x31: {  	[smem:$0x3FB4] =	sst s10  }
0x32: {  	s10 =	sld [smem:$0x3FB2];
	_ =	sdelay $0x3  }
0x33: {  	p0 =	seq.s32 s10, $0x1;
	s10 =	sld [smem:$0x3FB4];
	_ =	sdelay $0x3  }
0x34: {  	[smem:$0x3FB4] =	sst s10  }
0x35: {  	s10 =	sld [smem:$0x3FB3];
	_ =	sdelay $0x3  }
0x36: {  	p1 =	seq.s32 s10, $0x1;
	s10 =	sld [smem:$0x3FB4];
	_ =	sdelay $0x3  }
0x37: {  	[smem:$0x3FB4] =	sst s10  }
0x38: {  	s10 =	sld [smem:$0x3FB5]  }
0x39: {  	_ = 	snop;
	(pc) =	sbr.ind lr, $3  }
0x3a: {  	_ = 	snop  }
0x3b: {  	_ = 	snop  }
0x3c: {  	p2 =	seq.s32 s10, $0x1;
	s10 =	sld [smem:$0x3FB4]  }
0x3d: {  	_ =	shalt  }
0x3e: {  	_ =	shalt  }
0x3f: {  	_ =	shalt  }
0x40: {  	_ =	shalt  }
0x41: {  	_ =	shalt  }
0x42: {  	_ =	shalt  }
0x43: {  	_ =	shalt  }
0x44: {  	_ =	shalt  }
0x45: {  	_ =	shalt  }
0x46: {  	_ =	shalt  }
0x47: {  	_ =	shalt  }
0x48: {  	_ =	shalt  }
0x49: {  	_ =	shalt  }
0x4a: {  	_ =	shalt  }
0x4b: {  	_ =	shalt  }
0x4c: {  	_ =	shalt  }
0x4d: {  	_ =	shalt  }
0x4e: {  	_ =	shalt  }
0x4f: {  	_ =	shalt  }
0x50: {  	_ =	shalt  }
0x51: {  	_ =	shalt  }
0x52: {  	_ =	shalt  }
0x53: {  	_ =	shalt  }
0x54: {  	_ =	shalt  }
0x55: {  	_ =	shalt  }
0x56: {  	_ =	shalt  }
0x57: {  	_ =	shalt  }
0x58: {  	_ =	shalt  }
0x59: {  	_ =	shalt  }
0x5a: {  	_ =	shalt  }
0x5b: {  	_ =	shalt  }
0x5c: {  	_ =	shalt  }
0x5d: {  	_ =	shalt  }
0x5e: {  	_ =	shalt  }
0x5f: {  	_ =	shalt  }
0x60: {  	_ =	shalt  }
0x61: {  	_ =	shalt  }
0x62: {  	_ =	shalt  }
0x63: {  	_ =	shalt  }
0x64: {  	_ =	shalt  }
0x65: {  	_ =	shalt  }
0x66: {  	_ =	shalt  }
0x67: {  	_ =	shalt  }
0x68: {  	_ =	shalt  }
0x69: {  	_ =	shalt  }
0x6a: {  	_ =	shalt  }
0x6b: {  	_ =	shalt  }
0x6c: {  	_ =	shalt  }
0x6d: {  	_ =	shalt  }
0x6e: {  	_ =	shalt  }
0x6f: {  	_ =	shalt  }
0x70: {  	_ =	shalt  }
0x71: {  	_ =	shalt  }
0x72: {  	_ =	shalt  }
0x73: {  	_ =	shalt  }
0x74: {  	_ =	shalt  }
0x75: {  	_ =	shalt  }
0x76: {  	_ =	shalt  }
0x77: {  	_ =	shalt  }
0x78: {  	_ =	shalt  }
0x79: {  	_ =	shalt  }
0x7a: {  	_ =	shalt  }
0x7b: {  	_ =	shalt  }
0x7c: {  	_ =	shalt  }
0x7d: {  	_ =	shalt  }
0x7e: {  	_ =	shalt  }
0x7f: {  	_ =	shalt  }
0x80: {  	_ =	shalt  }
0x81: {  	_ =	shalt  }
0x82: {  	_ =	shalt  }
0x83: {  	_ =	shalt  }
0x84: {  	_ =	shalt  }
0x85: {  	_ =	shalt  }
0x86: {  	_ =	shalt  }
0x87: {  	_ =	shalt  }
.Lfunc_end0:
.L_simem_size_0:
called_computation.2_lowered:
.L_overlay_start_0:
0x88: {  	s2 =	sld [smem:$0x3FD9]  }
0x89: {  	s3 =	sld [smem:$0x3FFE];
	_ =	sdelay $0x1  }
0x8a: {  	s1 =	srdreg.scid  }
0x8b: {  	s0 =	sand.u32 $0x1, s1  }
0x8c: {  	s17 =	sshll.u32 s0, $0xA;
	s2 =	sadd.s32 s3, s2  }
0x8d: {  	s2 =	sadd.s32 s2, s17  }
0x8e: {  	[smem:$0x3FC0] =	sst s2  }
0x8f: {  	_ = 	snop  }
0x90: {  	s2 =	sld [smem:$0x3FD0];
	(tm) =	ssettm $0x1  }
0x91: {  	s18 =	sld [smem:$0x3FFB];
	_ =	sdelay $0x3  }
0x92: {  	_ =	strace s18  }
0x93: {  	s3 =	sld [smem:$0x3FFC];
	_ =	sdelay $0x3  }
0x94: {  	_ =	strace s3  }
0x95: {  	s3 =	sld [smem:$0x3FFD];
	_ =	sdelay $0x3  }
0x96: {  	_ =	strace s3  }
0x97: {  	_ =	strace $0x8FFFFFFF  }
0x98: {  	s19 =	sld [smem:$0x3FDB];
	_ =	sdelay $0x1  }
0x99: {  	s4 =	simm.s32 $_scs_section_size  }
0x9a: {  	s5 =	simm.s32 $_size__tile_overlayer_lowered;
	s6 =	simm.s32 $_tile_overlayer_lowered  }
0x9b: {  	s22 =	simm.s32 $0x1BFF;
	s21 =	sshll.u32 s6, $0x1;
	s3 =	sadd.s32 s4, s19  }
0x9c: {  	s7 =	simm.s32 $0x0;
	s20 =	sshll.u32 s5, $0x1;
	s5 =	sadd.s32 s21, s3  }
0x9d: {  	[timem:s7], [sflag:s22] =	dma.local [hbm:s5], s20  }
0x9e: {  	_ =	swait.ge [sflag:s22], s20  }
0x9f: {  	s4 =	ssub.s32 $0x0, s20;
	[sflag:s22] =	ssyncset.done $0x0  }
0xa0: {  	[sflag:s22] =	ssyncadd.s32 s4;
	_ =	sdelay $0x1  }
0xa1: {  	s23 =	simm.s32 $0x1B8B  }
0xa2: {  	_ =	swait.ge [sflag:s23], $0x1  }
0xa3: {  	[sflag:s23] =	ssyncset.done $0x0  }
0xa4: {  	s25 =	simm.s32 $0x1B8E;
	s24 =	sld [smem:$0x3FFE];
	[sflag:s23] =	ssyncadd.s32 $0xFFFFFFFF  }
0xa5: {  	s26 =	simm.s32 $execute0_lowered;
	[smem:$0x3FD2] =	sst s25  }
0xa6: {  	s5 =	sshll.u32 s26, $0x1;
	_ =	strace $0x8000004C;
	[dreg:$0x1] =	wrdreg $0xFFFFFFFF  }
0xa7: {  	s28 =	simm.s32 $_size_execute0_lowered;
	s3 =	sadd.s32 s3, s5;
	[dreg:$0x0] =	wrdreg $0x0  }
0xa8: {  	s5 =	sshll.u32 s28, $0x1;
	[dreg:$0x2] =	wrdreg s3  }
0xa9: {  	[dreg:$0x3] =	wrdreg s5  }
0xaa: {  	[dreg:$0x4] =	wrdreg $0xC0  }
0xab: {  	_ =	task [dreg:s7], $0x5FFFF  }
0xac: {  	[dreg:$0x1] =	wrdreg $0xFFFFFFFF  }
0xad: {  	[dreg:$0x0] =	wrdreg $0x60  }
0xae: {  	[dreg:$0x2] =	wrdreg s2  }
0xaf: {  	[dreg:$0x3] =	wrdreg s24  }
0xb0: {  	[dreg:$0x4] =	wrdreg $0x0  }
0xb1: {  	[dreg:$0x5] =	wrdreg $0x9  }
0xb2: {  	_ =	task.clear_ibuf [dreg:s7], $0x6FFFF;
	_ =	strace $0x9000004C  }
0xb3: {  	s29 =	simm.s32 $0x9;
	_ =	strace $0x8000004E  }
0xb4: {  	_ =	swait.ge [sflag:s29], $0x1  }
0xb5: {  	[sflag:s29] =	ssyncadd.s32 $0xFFFFFFFF  }
0xb6: {  	_ =	strace $0x9000004E  }
0xb7: {  	_ =	sfence  }
0xb8: {  	s30 =	sld [smem:$0x0];
	_ =	sdelay $0x2  }
0xb9: {  	s31 =	sshll.u32 s1, $0xD;
	s1 =	sshrl.u32 s1, $0x2  }
0xba: {  	s3 =	sand.u32 $0x4000, s31;
	s1 =	sadd.s32 s1, s30  }
0xbb: {  	s0 =	sor.u32 s3, s0;
	s1 =	sshll.u32 s1, $0x11  }
0xbc: {  	s0 =	sor.u32 s1, s0  }
0xbd: {  	s0 =	sadd.s32 $0x8F2B, s0  }
0xbe: {  	[sflag:s0] =	ssyncadd.remote.s32 $0x1  }
0xbf: {  	_ =	sfence.sel $0xFFFF  }
0xc0: {  	[dreg:$0x0] =	wrdreg $0xFFFFFFFF;
	(pc) =	sbr.abs _section_cstart, $3  }
0xc1: {  	[dreg:$0x1] =	wrdreg $0xFFFFFFFF  }
0xc2: {  	_ =	task.clear_ibuf [dreg:s7], $0x2FFFF;
	_ =	strace $0x9FFFFFFF  }
0xc3: {  	(tm) =	ssettm $0x7FFFFFFF  }
tec
execute0_lowered:
.L_overlay_start_1:
0x0: {  	(tag) =	ssettag $0x1  }
0x1: {  	s1 =	rddreg [dreg:$0x0]  }
0x2: {  	s6 =	rddreg [dreg:$0x1]  }
0x3: {  	s0 =	srdreg.scid;
	s3 =	rddreg [dreg:$0x2]  }
0x4: {  	s2 =	rddreg [dreg:$0x3];
	s4 =	simm.s32 $0x0;
	s15 =	simm.s32 $0x13C00  }
0x5: {  	s16 =	simm.s32 $0x15000;
	s17 =	simm.s32 $0x7D;
	s7 =	sand.u32 $0x1, s0  }
0x6: {  	s18 =	simm.s32 $0x16400;
	s0 =	stileid.u32;
	s5 =	smul.u32 $0x28000, s7  }
0x7: {  	s19 =	simm.s32 $0x1;
	s20 =	simm.s32 $0x13C80;
	s8 =	smul.u32 $0x2800, s0  }
0x8: {  	s21 =	simm.s32 $0x1A400;
	s22 =	simm.s32 $0x15080;
	s9 =	smul.u32 $0x13C000, s7  }
0x9: {  	s23 =	simm.s32 $0x2;
	[smem:$0x7FF] =	sst s4;
	s10 =	smul.u32 $0x13C00, s0  }
0xa: {  	_ =	strace $0x8000004D;
	s28 =	smul.u32 $0x4F000, s0;
	s29 =	ssub.s32 $0x2, s7  }
0xb: {  	s31 =	sshll.u32 s0, $0x6;
	s7 =	sshrl.u32 s29, $0x1;
	s5 =	sadd.s32 s8, s5  }
0xc: {  	s24 =	sshrl.u32 s8, $0x3;
	s25 =	sadd.s32 s10, s9;
	s30 =	sshrl.u32 s28, $0x2  }
0xd: {  	s13 =	ssub.s32 s29, s7;
	s5 =	sshrl.u32 s5, $0x3;
	s26 =	sadd.s32 s24, s6  }
0xe: {  	s8 =	sshrl.u32 s25, $0x3;
	s14 =	sadd.s32 s30, s3;
	s24 =	simm.s32 $0x0  }
0xf: {  	s11 =	sadd.s32 s5, s6;
	s5 =	sadd.s32 $0xB7E00, s6;
	s12 =	sadd.s32 s8, s6  }
0x10: {  	s6 =	sor.u32 $0x1C03, s31;
	s8 =	sadd.s32 $0x2A00, s26;
	s10 =	sadd.s32 $0x2C80, s26  }
0x11: {  	s7 =	sadd.s32 $0x1BA00, s11;
	s9 =	sadd.s32 $0x1BC80, s11;
	s11 =	sadd.s32 $0x25A00, s12  }
0x12: {  	s12 =	smax.u32 s13, $0x1;
	s13 =	sshrl.u32 s14, $0x3;
	s14 =	simm.s32 $0x3  }
.LBB2_1:
0x13: {  	[spmem:s13], [sflag:s6] =	dma.local [hbm:s5], $0x2780  }
0x14: {  	_ =	swait.ge [sflag:s14], $0x2780  }
0x15: {  	[sflag:s14] =	ssyncset.done $0x0  }
0x16: {  	[sflag:s14] =	ssyncadd.s32 $0xFFFFD880  }
0x17: {  	[bflag:$0x0] =	sbarrier.arrive $0xFFFF  }
0x18: {  	[tilespmem:s15], [sflag:$0x3] =	stream.linear.gather [hbm4b:s7+s4], $0x1400, $0x38;
	[tilespmem:$0x1E400] =	vst v63  }
0x19: {  	_ =	swait.ge [sflag:s14], $0x1400  }
0x1a: {  	[sflag:s14] =	ssyncset.done $0x0  }
0x1b: {  	[sflag:s14] =	ssyncadd.s32 $0xFFFFEC00  }
0x1c: {  	[tilespmem:s16], [sflag:$0x3] =	stream.linear.gather [hbm4b:s8+s4], $0x1400, $0x38;
	[tilespmem:$0x1E400] =	vst v63  }
0x1d: {  	_ =	swait.ge [sflag:s14], $0x1400  }
0x1e: {  	[sflag:s14] =	ssyncset.done $0x0  }
0x1f: {  	[sflag:s14] =	ssyncadd.s32 $0xFFFFEC00  }
0x20: {  	[tilespmem:s18], [sflag:$0x1] =	stream.indirect.gather [hbm4b:s1+s17], $0x80, s15, s17, $0xb8;
	[tilespmem:$0x1E400] =	vst v63  }
0x21: {  	_ =	swait.ge [sflag:s19], $0x3E80  }
0x22: {  	[sflag:s19] =	ssyncset.done $0x0  }
0x23: {  	[sflag:s19] =	ssyncadd.s32 $0xFFFFC180  }
0x24: {  	[spmem:s3] =	stream.indirect.scatter.add.f32 [tilespmem:s18], [sflag:$0x2], $0x80, s16, s17, $0xb8;
	[tilespmem:$0x1E400] =	vst v63  }
0x25: {  	_ = 	snop  }
0x26: {  	[tilespmem:s21], [sflag:$0x1] =	stream.indirect.gather [hbm4b:s1+s17], $0x80, s20, s17, $0xb8;
	[tilespmem:$0x1E400] =	vst v63  }
0x27: {  	_ =	swait.ge [sflag:s19], $0x3E80  }
0x28: {  	[sflag:s19] =	ssyncset.done $0x0  }
0x29: {  	[sflag:s19] =	ssyncadd.s32 $0xFFFFC180  }
0x2a: {  	[spmem:s3] =	stream.indirect.scatter.add.f32 [tilespmem:s21], [sflag:$0x2], $0x80, s22, s17, $0xb8;
	[tilespmem:$0x1E400] =	vst v63  }
0x2b: {  	_ =	swait.ge [sflag:s23], $0x3E80  }
0x2c: {  	[sflag:s23] =	ssyncset.done $0x0  }
0x2d: {  	s25 =	simm.s32 $0x13D00;
	[sflag:s23] =	ssyncadd.s32 $0xFFFFC180  }
0x2e: {  	[tilespmem:s18], [sflag:$0x1] =	stream.indirect.gather [hbm4b:s1+s17], $0x80, s25, s17, $0xb8;
	[tilespmem:$0x1E400] =	vst v63  }
0x2f: {  	_ =	swait.ge [sflag:s19], $0x3E80  }
0x30: {  	[sflag:s19] =	ssyncset.done $0x0  }
0x31: {  	s30 =	simm.s32 $0x15100;
	[sflag:s19] =	ssyncadd.s32 $0xFFFFC180  }
0x32: {  	[spmem:s3] =	stream.indirect.scatter.add.f32 [tilespmem:s18], [sflag:$0x2], $0x80, s30, s17, $0xb8;
	[tilespmem:$0x1E400] =	vst v63  }
0x33: {  	_ =	swait.ge [sflag:s23], $0x3E80  }
0x34: {  	[sflag:s23] =	ssyncset.done $0x0  }
0x35: {  	s31 =	simm.s32 $0x13D80;
	[sflag:s23] =	ssyncadd.s32 $0xFFFFC180  }
0x36: {  	[tilespmem:s21], [sflag:$0x1] =	stream.indirect.gather [hbm4b:s1+s17], $0x80, s31, s17, $0xb8;
	[tilespmem:$0x1E400] =	vst v63  }
0x37: {  	_ =	swait.ge [sflag:s19], $0x3E80  }
0x38: {  	[sflag:s19] =	ssyncset.done $0x0  }
0x39: {  	s26 =	simm.s32 $0x15180;
	s25 =	simm.s32 $0xFFFFB800;
	[sflag:s19] =	ssyncadd.s32 $0xFFFFC180  }
.LBB2_2:
0x3a: {  	[spmem:s3] =	stream.indirect.scatter.add.f32 [tilespmem:s21], [sflag:$0x2], $0x80, s26, s17, $0xb8;
	[tilespmem:$0x1E400] =	vst v63  }
0x3b: {  	s26 =	smov.u32 s25  }
0x3c: {  	p0 =	sne.s32 s25, $0xFFFFFC00;
	s25 =	sadd.s32 $0x400, s25;
	_ =	swait.ge [sflag:s23], $0x3E80  }
0x3d: {  	s26 =	sshra.s32 s26, $0x2;
	[sflag:s23] =	ssyncset.done $0x0  }
0x3e: {  	s28 =	sadd.s32 $0x15000, s26;
	[sflag:s23] =	ssyncadd.s32 $0xFFFFC180  }
0x3f: {  	[tilespmem:s18], [sflag:$0x1] =	stream.indirect.gather [hbm4b:s1+s17], $0x80, s28, s17, $0xb8;
	[tilespmem:$0x1E400] =	vst v63  }
0x40: {  	_ =	swait.ge [sflag:s19], $0x3E80  }
0x41: {  	[sflag:s19] =	ssyncset.done $0x0  }
0x42: {  	s28 =	sadd.s32 $0x16400, s26;
	[sflag:s19] =	ssyncadd.s32 $0xFFFFC180  }
0x43: {  	[spmem:s3] =	stream.indirect.scatter.add.f32 [tilespmem:s18], [sflag:$0x2], $0x80, s28, s17, $0xb8;
	[tilespmem:$0x1E400] =	vst v63  }
0x44: {  	_ =	swait.ge [sflag:s23], $0x3E80  }
0x45: {  	[sflag:s23] =	ssyncset.done $0x0  }
.Ltmp0:
0x46: {  	s28 =	sadd.s32 $0x15080, s26;
	[sflag:s23] =	ssyncadd.s32 $0xFFFFC180;
	(pc) =	sbr.rel @p0 .LBB2_2-.Ltmp0, $4  }
0x47: {  	[tilespmem:s21], [sflag:$0x1] =	stream.indirect.gather [hbm4b:s1+s17], $0x80, s28, s17, $0xb8;
	[tilespmem:$0x1E400] =	vst v63  }
0x48: {  	_ =	swait.ge [sflag:s19], $0x3E80  }
0x49: {  	[sflag:s19] =	ssyncset.done $0x0  }
0x4a: {  	s26 =	sadd.s32 $0x16480, s26;
	[sflag:s19] =	ssyncadd.s32 $0xFFFFC180  }
0x4b: {  	[spmem:s3] =	stream.indirect.scatter.add.f32 [tilespmem:s21], [sflag:$0x2], $0x80, s26, s17, $0xb8;
	[tilespmem:$0x1E400] =	vst v63  }
0x4c: {  	_ =	swait.ge [sflag:s23], $0x3E80  }
0x4d: {  	[sflag:s23] =	ssyncset.done $0x0  }
0x4e: {  	[sflag:s23] =	ssyncadd.s32 $0xFFFFC180  }
0x4f: {  	_ =	swait.ge [sflag:s23], $0x3E80  }
0x50: {  	[sflag:s23] =	ssyncset.done $0x0  }
0x51: {  	[sflag:s23] =	ssyncadd.s32 $0xFFFFC180  }
0x52: {  	[tilespmem:s15], [sflag:$0x3] =	stream.linear.gather [hbm4b:s9+s4], $0x1400, $0x38;
	[tilespmem:$0x1E400] =	vst v63  }
0x53: {  	_ =	swait.ge [sflag:s14], $0x1400  }
0x54: {  	[sflag:s14] =	ssyncset.done $0x0  }
0x55: {  	[sflag:s14] =	ssyncadd.s32 $0xFFFFEC00  }
0x56: {  	[tilespmem:s16], [sflag:$0x3] =	stream.linear.gather [hbm4b:s10+s4], $0x1400, $0x38;
	[tilespmem:$0x1E400] =	vst v63  }
0x57: {  	_ =	swait.ge [sflag:s14], $0x1400  }
0x58: {  	[sflag:s14] =	ssyncset.done $0x0  }
0x59: {  	[sflag:s14] =	ssyncadd.s32 $0xFFFFEC00  }
0x5a: {  	[tilespmem:s18], [sflag:$0x1] =	stream.indirect.gather [hbm4b:s1+s17], $0x80, s15, s17, $0xb8;
	[tilespmem:$0x1E400] =	vst v63  }
0x5b: {  	_ =	swait.ge [sflag:s19], $0x3E80  }
0x5c: {  	[sflag:s19] =	ssyncset.done $0x0  }
0x5d: {  	[sflag:s19] =	ssyncadd.s32 $0xFFFFC180  }
0x5e: {  	[spmem:s3] =	stream.indirect.scatter.add.f32 [tilespmem:s18], [sflag:$0x2], $0x80, s16, s17, $0xb8;
	[tilespmem:$0x1E400] =	vst v63  }
0x5f: {  	_ = 	snop  }
0x60: {  	[tilespmem:s21], [sflag:$0x1] =	stream.indirect.gather [hbm4b:s1+s17], $0x80, s20, s17, $0xb8;
	[tilespmem:$0x1E400] =	vst v63  }
0x61: {  	_ =	swait.ge [sflag:s19], $0x3E80  }
0x62: {  	[sflag:s19] =	ssyncset.done $0x0  }
0x63: {  	[sflag:s19] =	ssyncadd.s32 $0xFFFFC180  }
0x64: {  	[spmem:s3] =	stream.indirect.scatter.add.f32 [tilespmem:s21], [sflag:$0x2], $0x80, s22, s17, $0xb8;
	[tilespmem:$0x1E400] =	vst v63  }
0x65: {  	_ =	swait.ge [sflag:s23], $0x3E80  }
0x66: {  	[sflag:s23] =	ssyncset.done $0x0  }
0x67: {  	s25 =	simm.s32 $0x13D00;
	[sflag:s23] =	ssyncadd.s32 $0xFFFFC180  }
0x68: {  	[tilespmem:s18], [sflag:$0x1] =	stream.indirect.gather [hbm4b:s1+s17], $0x80, s25, s17, $0xb8;
	[tilespmem:$0x1E400] =	vst v63  }
0x69: {  	_ =	swait.ge [sflag:s19], $0x3E80  }
0x6a: {  	[sflag:s19] =	ssyncset.done $0x0  }
0x6b: {  	s30 =	simm.s32 $0x15100;
	[sflag:s19] =	ssyncadd.s32 $0xFFFFC180  }
0x6c: {  	[spmem:s3] =	stream.indirect.scatter.add.f32 [tilespmem:s18], [sflag:$0x2], $0x80, s30, s17, $0xb8;
	[tilespmem:$0x1E400] =	vst v63  }
0x6d: {  	_ =	swait.ge [sflag:s23], $0x3E80  }
0x6e: {  	[sflag:s23] =	ssyncset.done $0x0  }
0x6f: {  	s31 =	simm.s32 $0x13D80;
	[sflag:s23] =	ssyncadd.s32 $0xFFFFC180  }
0x70: {  	[tilespmem:s21], [sflag:$0x1] =	stream.indirect.gather [hbm4b:s1+s17], $0x80, s31, s17, $0xb8;
	[tilespmem:$0x1E400] =	vst v63  }
0x71: {  	_ =	swait.ge [sflag:s19], $0x3E80  }
0x72: {  	[sflag:s19] =	ssyncset.done $0x0  }
0x73: {  	s26 =	simm.s32 $0x15180;
	s25 =	simm.s32 $0xFFFFB800;
	[sflag:s19] =	ssyncadd.s32 $0xFFFFC180  }
.LBB2_4:
0x74: {  	[spmem:s3] =	stream.indirect.scatter.add.f32 [tilespmem:s21], [sflag:$0x2], $0x80, s26, s17, $0xb8;
	[tilespmem:$0x1E400] =	vst v63  }
0x75: {  	s26 =	smov.u32 s25  }
0x76: {  	p0 =	sne.s32 s25, $0xFFFFFC00;
	s25 =	sadd.s32 $0x400, s25;
	_ =	swait.ge [sflag:s23], $0x3E80  }
0x77: {  	s26 =	sshra.s32 s26, $0x2;
	[sflag:s23] =	ssyncset.done $0x0  }
0x78: {  	s28 =	sadd.s32 $0x15000, s26;
	[sflag:s23] =	ssyncadd.s32 $0xFFFFC180  }
0x79: {  	[tilespmem:s18], [sflag:$0x1] =	stream.indirect.gather [hbm4b:s1+s17], $0x80, s28, s17, $0xb8;
	[tilespmem:$0x1E400] =	vst v63  }
0x7a: {  	_ =	swait.ge [sflag:s19], $0x3E80  }
0x7b: {  	[sflag:s19] =	ssyncset.done $0x0  }
0x7c: {  	s28 =	sadd.s32 $0x16400, s26;
	[sflag:s19] =	ssyncadd.s32 $0xFFFFC180  }
0x7d: {  	[spmem:s3] =	stream.indirect.scatter.add.f32 [tilespmem:s18], [sflag:$0x2], $0x80, s28, s17, $0xb8;
	[tilespmem:$0x1E400] =	vst v63  }
0x7e: {  	_ =	swait.ge [sflag:s23], $0x3E80  }
0x7f: {  	[sflag:s23] =	ssyncset.done $0x0  }
.Ltmp1:
0x80: {  	s28 =	sadd.s32 $0x15080, s26;
	[sflag:s23] =	ssyncadd.s32 $0xFFFFC180;
	(pc) =	sbr.rel @p0 .LBB2_4-.Ltmp1, $4  }
0x81: {  	[tilespmem:s21], [sflag:$0x1] =	stream.indirect.gather [hbm4b:s1+s17], $0x80, s28, s17, $0xb8;
	[tilespmem:$0x1E400] =	vst v63  }
0x82: {  	_ =	swait.ge [sflag:s19], $0x3E80  }
0x83: {  	[sflag:s19] =	ssyncset.done $0x0  }
0x84: {  	s26 =	sadd.s32 $0x16480, s26;
	[sflag:s19] =	ssyncadd.s32 $0xFFFFC180  }
0x85: {  	[spmem:s3] =	stream.indirect.scatter.add.f32 [tilespmem:s21], [sflag:$0x2], $0x80, s26, s17, $0xb8;
	[tilespmem:$0x1E400] =	vst v63  }
0x86: {  	_ =	swait.ge [sflag:s23], $0x3E80  }
0x87: {  	[sflag:s23] =	ssyncset.done $0x0  }
0x88: {  	[sflag:s23] =	ssyncadd.s32 $0xFFFFC180  }
0x89: {  	_ =	swait.ge [sflag:s23], $0x3E80  }
0x8a: {  	s24 =	sadd.s32 $0x1, s24;
	[sflag:s23] =	ssyncset.done $0x0  }
0x8b: {  	p0 =	sne.s32 s24, s12;
	[sflag:s23] =	ssyncadd.s32 $0xFFFFC180  }
.Ltmp2:
0x8c: {  	[bflag:$0x0] =	sbarrier.arrive $0xFFFF;
	(pc) =	sbr.rel @p0 .LBB2_1-.Ltmp2, $4  }
0x8d: {  	[hbm:s11], [sflag:s6] =	dma.local [spmem:s13], $0x2780  }
0x8e: {  	_ =	swait.ge [sflag:s14], $0x2780  }
0x8f: {  	[sflag:s14] =	ssyncset.done $0x0  }
0x90: {  	[sflag:s14] =	ssyncadd.s32 $0xFFFFD880  }
0x91: {  	_ =	sfence.sel $0x180000  }
0x92: {  	[bflag:$0x0] =	sbarrier.arrive $0xFFFF  }
0x93: {  	p0 =	sne.s32 s0, $0x0;
	_ =	strace $0x9000004D  }
0x94: {  	s0 =	sadd.s32 @!p0 $0x100000, s2;
	[bflag:$0x2] =	sbarrier.arrive $0xFFFF  }
0x95: {  	[sflag:s0] =	ssyncadd.tile.s32 @!p0 $0x1;
	_ =	shalt  }
.Lfunc_end2:
_tile_overlayer_lowered:
.L_overlay_start_2:
0x96: {  	(tag) =	ssettag $0x2  }
0x97: {  	s0 =	rddreg [dreg:$0x0];
	s2 =	stileid.u32  }
0x98: {  	s1 =	rddreg [dreg:$0x1];
	p0 =	sne.s32 s2, $0x0  }
0x99: {  	s3 =	rddreg [dreg:$0x2];
	[bflag:$0x3] =	sbarrier.arrive $0xFFFF;
	s2 =	simm.s32 @!p0 $0x1C03  }
0x9a: {  	[timem:s3], [sflag:s2] =	dma.local @!p0 [hbm:s0], s1  }
0x9b: {  	s0 =	simm.s32 @!p0 $0x3  }
0x9c: {  	_ =	swait.ge @!p0 [sflag:s0], s1  }
0x9d: {  	s1 =	ssub.s32 @!p0 $0x0, s1;
	[sflag:s0] =	ssyncset.done @!p0 $0x0  }
0x9e: {  	[sflag:s0] =	ssyncadd.s32 @!p0 s1  }
0x9f: {  	[bflag:$0x3] =	sbarrier.arrive $0xFFFF  }
0xa0: {  	_ =	shalt  }

// kernel: kernel.9.cloned.1.call-start
scs
__scs_entry_jumppad:
0x0: {  	(pc) =	sbr.rel $0x88, $3  }
0x1: {  	(tag) =	ssettag $0x0;
	lr =	simm.s32 $0x1  }
0x2: {  	[smem:$0x3F99] =	sst lr;
	_ =	strace $0xD0000000  }
0x3: {  	_ = 	snop  }
0x4: {  	_ = 	snop  }
0x5: {  	_ = 	snop  }
0x6: {  	_ = 	snop  }
0x7: {  	_ = 	snop  }
__scs_overlays_trampoline_lowered:
0x8: {  	[smem:$0x3FA8] =	sst s0  }
0x9: {  	[smem:$0x3FA9] =	sst s1  }
0xa: {  	[smem:$0x3FAA] =	sst s2  }
0xb: {  	[smem:$0x3FAB] =	sst s3  }
0xc: {  	[smem:$0x3FAC] =	sst s4  }
0xd: {  	[smem:$0x3FAD] =	sst s5  }
0xe: {  	[smem:$0x3FAE] =	sst s6  }
0xf: {  	[smem:$0x3FAF] =	sst s7  }
0x10: {  	[smem:$0x3FB0] =	sst s8  }
0x11: {  	[smem:$0x3FB1] =	sst s9;
	s0 =	simm.s32 @!p0 $0x0  }
0x12: {  	s1 =	sld [smem:$0x3F97];
	s0 =	simm.s32 @p0 $0x1  }
0x13: {  	[smem:$0x3FB2] =	sst s0;
	s0 =	simm.s32 @!p1 $0x0  }
0x14: {  	s2 =	sld [smem:$0x3F96];
	s0 =	simm.s32 @p1 $0x1  }
0x15: {  	[smem:$0x3FB3] =	sst s0;
	s0 =	simm.s32 @!p2 $0x0  }
0x16: {  	s3 =	sld [smem:$0x3FDB];
	s0 =	simm.s32 @p2 $0x1  }
0x17: {  	s4 =	simm.s32 $0x1BF5;
	[smem:$0x3FB5] =	sst s0  }
0x18: {  	s0 =	sld [smem:$0x3F98];
	_ =	swait.ge [sflag:s4], $0x0  }
0x19: {  	s7 =	sld [smem:$0x3F99]  }
0x1a: {  	s8 =	sadd.s32 $0xFFFFE003, lr  }
0x1b: {  	s9 =	sadd.s32 $0xFFFFFEF7, lr;
	s5 =	simm.s32 $0xFFFFFFFF;
	p2 =	slt.u32 s8, $0xFFFFF086  }
0x1c: {  	p1 =	slt.u32 s9, $0xF7A;
	s5 =	simm.s32 @!p2 $0x0  }
0x1d: {  	s5 =	simm.s32 @p1 $0x1;
	p0 =	seq.s32 s7, s2  }
0x1e: {  	s7 =	smul.u32 @!p0 $0xF7A, s2;
	p2 =	seq.s32 @!p0 s5, $0x0  }
0x1f: {  	s9 =	smul.u32 $0xF7A, s1;
	s8 =	simm.s32 @!p0 $0x1BF5;
	p2 =	por !p2, p0  }
0x20: {  	[sflag:s8] =	ssyncset.s32 @!p0 $0xFFFFF086;
	s6 =	sadd.s32 @!p0 s3, s7;
	s7 =	simm.s32 @!p0 $0x108  }
0x21: {  	s3 =	sadd.s32 s3, s9;
	s6 =	sadd.s32 @!p0 $0x88, s6;
	s7 =	simm.s32 @p2 $0x1082  }
0x22: {  	[simem:s7], [sflag:s8] =	dma.local @!p0 [hbm:s6], $0xF7A  }
0x23: {  	s9 =	sor.u32 $0xD0000000, s2;
	s6 =	simm.s32 $0x108;
	_ =	swait.ge @!p0 [sflag:s8], $0x0  }
0x24: {  	s3 =	sadd.s32 $0x88, s3;
	s6 =	simm.s32 @!p1 $0x1082;
	[sflag:s4] =	ssyncset.s32 $0xFFFFF086  }
0x25: {  	[simem:s6], [sflag:s4] =	dma.local [hbm:s3], $0xF7A  }
0x26: {  	[smem:$0x3F99] =	sst s1;
	(tag) =	ssettag s2;
	_ =	strace s9  }
0x27: {  	s1 =	sld [smem:$0x3FA9]  }
0x28: {  	s2 =	sld [smem:$0x3FAA]  }
0x29: {  	s4 =	sld [smem:$0x3FAC]  }
0x2a: {  	p0 =	seq.s32 s5, $0x0;
	s5 =	sld [smem:$0x3FAD]  }
0x2b: {  	s6 =	sld [smem:$0x3FAE]  }
0x2c: {  	s7 =	sld [smem:$0x3FAF]  }
0x2d: {  	s3 =	simm.s32 $0x108;
	s8 =	sld [smem:$0x3FB0]  }
0x2e: {  	s3 =	simm.s32 @!p0 $0x1082;
	s9 =	sld [smem:$0x3FB1]  }
0x2f: {  	lr =	sadd.s32 s0, s3;
	s0 =	sld [smem:$0x3FA8]  }
0x30: {  	s3 =	sld [smem:$0x3FAB]  }
0x31: {  	[smem:$0x3FB4] =	sst s10  }
0x32: {  	s10 =	sld [smem:$0x3FB2];
	_ =	sdelay $0x3  }
0x33: {  	p0 =	seq.s32 s10, $0x1;
	s10 =	sld [smem:$0x3FB4];
	_ =	sdelay $0x3  }
0x34: {  	[smem:$0x3FB4] =	sst s10  }
0x35: {  	s10 =	sld [smem:$0x3FB3];
	_ =	sdelay $0x3  }
0x36: {  	p1 =	seq.s32 s10, $0x1;
	s10 =	sld [smem:$0x3FB4];
	_ =	sdelay $0x3  }
0x37: {  	[smem:$0x3FB4] =	sst s10  }
0x38: {  	s10 =	sld [smem:$0x3FB5]  }
0x39: {  	_ = 	snop;
	(pc) =	sbr.ind lr, $3  }
0x3a: {  	_ = 	snop  }
0x3b: {  	_ = 	snop  }
0x3c: {  	p2 =	seq.s32 s10, $0x1;
	s10 =	sld [smem:$0x3FB4]  }
0x3d: {  	_ =	shalt  }
0x3e: {  	_ =	shalt  }
0x3f: {  	_ =	shalt  }
0x40: {  	_ =	shalt  }
0x41: {  	_ =	shalt  }
0x42: {  	_ =	shalt  }
0x43: {  	_ =	shalt  }
0x44: {  	_ =	shalt  }
0x45: {  	_ =	shalt  }
0x46: {  	_ =	shalt  }
0x47: {  	_ =	shalt  }
0x48: {  	_ =	shalt  }
0x49: {  	_ =	shalt  }
0x4a: {  	_ =	shalt  }
0x4b: {  	_ =	shalt  }
0x4c: {  	_ =	shalt  }
0x4d: {  	_ =	shalt  }
0x4e: {  	_ =	shalt  }
0x4f: {  	_ =	shalt  }
0x50: {  	_ =	shalt  }
0x51: {  	_ =	shalt  }
0x52: {  	_ =	shalt  }
0x53: {  	_ =	shalt  }
0x54: {  	_ =	shalt  }
0x55: {  	_ =	shalt  }
0x56: {  	_ =	shalt  }
0x57: {  	_ =	shalt  }
0x58: {  	_ =	shalt  }
0x59: {  	_ =	shalt  }
0x5a: {  	_ =	shalt  }
0x5b: {  	_ =	shalt  }
0x5c: {  	_ =	shalt  }
0x5d: {  	_ =	shalt  }
0x5e: {  	_ =	shalt  }
0x5f: {  	_ =	shalt  }
0x60: {  	_ =	shalt  }
0x61: {  	_ =	shalt  }
0x62: {  	_ =	shalt  }
0x63: {  	_ =	shalt  }
0x64: {  	_ =	shalt  }
0x65: {  	_ =	shalt  }
0x66: {  	_ =	shalt  }
0x67: {  	_ =	shalt  }
0x68: {  	_ =	shalt  }
0x69: {  	_ =	shalt  }
0x6a: {  	_ =	shalt  }
0x6b: {  	_ =	shalt  }
0x6c: {  	_ =	shalt  }
0x6d: {  	_ =	shalt  }
0x6e: {  	_ =	shalt  }
0x6f: {  	_ =	shalt  }
0x70: {  	_ =	shalt  }
0x71: {  	_ =	shalt  }
0x72: {  	_ =	shalt  }
0x73: {  	_ =	shalt  }
0x74: {  	_ =	shalt  }
0x75: {  	_ =	shalt  }
0x76: {  	_ =	shalt  }
0x77: {  	_ =	shalt  }
0x78: {  	_ =	shalt  }
0x79: {  	_ =	shalt  }
0x7a: {  	_ =	shalt  }
0x7b: {  	_ =	shalt  }
0x7c: {  	_ =	shalt  }
0x7d: {  	_ =	shalt  }
0x7e: {  	_ =	shalt  }
0x7f: {  	_ =	shalt  }
0x80: {  	_ =	shalt  }
0x81: {  	_ =	shalt  }
0x82: {  	_ =	shalt  }
0x83: {  	_ =	shalt  }
0x84: {  	_ =	shalt  }
0x85: {  	_ =	shalt  }
0x86: {  	_ =	shalt  }
0x87: {  	_ =	shalt  }
.Lfunc_end0:
.L_simem_size_0:
called_computation_lowered:
.L_overlay_start_0:
0x88: {  	s2 =	sld [smem:$0x3FD9]  }
0x89: {  	s3 =	sld [smem:$0x3FFE];
	_ =	sdelay $0x1  }
0x8a: {  	s1 =	srdreg.scid  }
0x8b: {  	s0 =	sand.u32 $0x1, s1  }
0x8c: {  	s16 =	sshll.u32 s0, $0xA;
	s2 =	sadd.s32 s3, s2  }
0x8d: {  	s2 =	sadd.s32 s2, s16  }
0x8e: {  	[smem:$0x3FC0] =	sst s2  }
0x8f: {  	_ = 	snop  }
0x90: {  	(tm) =	ssettm $0x1  }
0x91: {  	s17 =	sld [smem:$0x3FFB];
	_ =	sdelay $0x3  }
0x92: {  	_ =	strace s17  }
0x93: {  	s2 =	sld [smem:$0x3FFC];
	_ =	sdelay $0x3  }
0x94: {  	_ =	strace s2  }
0x95: {  	s2 =	sld [smem:$0x3FFD];
	_ =	sdelay $0x3  }
0x96: {  	_ =	strace s2  }
0x97: {  	_ =	strace $0x8FFFFFFF  }
0x98: {  	s18 =	sld [smem:$0x3FDB];
	_ =	sdelay $0x1  }
0x99: {  	s19 =	simm.s32 $_scs_section_size  }
0x9a: {  	s4 =	simm.s32 $_size__tile_overlayer_lowered;
	s5 =	simm.s32 $_tile_overlayer_lowered  }
0x9b: {  	s22 =	simm.s32 $0x1BFF;
	s21 =	sshll.u32 s5, $0x1;
	s2 =	sadd.s32 s19, s18  }
0x9c: {  	s6 =	simm.s32 $0x0;
	s20 =	sshll.u32 s4, $0x1;
	s4 =	sadd.s32 s21, s2  }
0x9d: {  	[timem:s6], [sflag:s22] =	dma.local [hbm:s4], s20  }
0x9e: {  	_ =	swait.ge [sflag:s22], s20  }
0x9f: {  	s3 =	ssub.s32 $0x0, s20;
	[sflag:s22] =	ssyncset.done $0x0  }
0xa0: {  	[sflag:s22] =	ssyncadd.s32 s3;
	_ =	sdelay $0x1  }
0xa1: {  	s23 =	simm.s32 $0x1B8B  }
0xa2: {  	_ =	swait.ge [sflag:s23], $0x1  }
0xa3: {  	[sflag:s23] =	ssyncset.done $0x0  }
0xa4: {  	s25 =	simm.s32 $0x1B8E;
	s24 =	sld [smem:$0x3FFE];
	[sflag:s23] =	ssyncadd.s32 $0xFFFFFFFF  }
0xa5: {  	s26 =	simm.s32 $execute0_lowered;
	[smem:$0x3FD2] =	sst s25  }
0xa6: {  	s4 =	sshll.u32 s26, $0x1;
	_ =	strace $0x80000046;
	[dreg:$0x1] =	wrdreg $0xFFFFFFFF  }
0xa7: {  	s28 =	simm.s32 $_size_execute0_lowered;
	s2 =	sadd.s32 s2, s4;
	[dreg:$0x0] =	wrdreg $0x0  }
0xa8: {  	s4 =	sshll.u32 s28, $0x1;
	[dreg:$0x2] =	wrdreg s2  }
0xa9: {  	[dreg:$0x3] =	wrdreg s4  }
0xaa: {  	[dreg:$0x4] =	wrdreg $0xC0  }
0xab: {  	_ =	task [dreg:s6], $0x5FFFF  }
0xac: {  	[dreg:$0x1] =	wrdreg $0xFFFFFFFF  }
0xad: {  	[dreg:$0x0] =	wrdreg $0x60  }
0xae: {  	[dreg:$0x2] =	wrdreg s24  }
0xaf: {  	[dreg:$0x3] =	wrdreg $0x0  }
0xb0: {  	[dreg:$0x4] =	wrdreg $0x9  }
0xb1: {  	_ =	task.clear_ibuf [dreg:s6], $0x5FFFF;
	_ =	strace $0x90000046  }
0xb2: {  	s29 =	simm.s32 $0x9;
	_ =	strace $0x80000048  }
0xb3: {  	_ =	swait.ge [sflag:s29], $0x1  }
0xb4: {  	[sflag:s29] =	ssyncadd.s32 $0xFFFFFFFF  }
0xb5: {  	_ =	strace $0x90000048  }
0xb6: {  	_ =	sfence  }
0xb7: {  	s30 =	sld [smem:$0x0];
	_ =	sdelay $0x2  }
0xb8: {  	s31 =	sshll.u32 s1, $0xD;
	s1 =	sshrl.u32 s1, $0x2  }
0xb9: {  	s3 =	sand.u32 $0x4000, s31;
	s1 =	sadd.s32 s1, s30  }
0xba: {  	s0 =	sor.u32 s3, s0;
	s1 =	sshll.u32 s1, $0x11  }
0xbb: {  	s0 =	sor.u32 s1, s0  }
0xbc: {  	s0 =	sadd.s32 $0x8F2B, s0  }
0xbd: {  	[sflag:s0] =	ssyncadd.remote.s32 $0x1  }
0xbe: {  	_ =	sfence.sel $0xFFFF  }
0xbf: {  	[dreg:$0x0] =	wrdreg $0xFFFFFFFF;
	(pc) =	sbr.abs _section_cstart, $3  }
0xc0: {  	[dreg:$0x1] =	wrdreg $0xFFFFFFFF  }
0xc1: {  	_ =	task.clear_ibuf [dreg:s6], $0x2FFFF;
	_ =	strace $0x9FFFFFFF  }
0xc2: {  	(tm) =	ssettm $0x7FFFFFFF  }
0xc3: {  	_ =	shalt  }
tec
execute0_lowered:
.L_overlay_start_1:
0x0: {  	(tag) =	ssettag $0x1  }
0x1: {  	s6 =	rddreg [dreg:$0x0]  }
0x2: {  	s2 =	rddreg [dreg:$0x1]  }
0x3: {  	s0 =	srdreg.scid;
	s1 =	rddreg [dreg:$0x2]  }
0x4: {  	s3 =	simm.s32 $0x0;
	s17 =	simm.s32 $0x3;
	s18 =	simm.s32 $0x13C00  }
0x5: {  	s19 =	simm.s32 $0x15000;
	s20 =	simm.s32 $0x7D;
	s7 =	sand.u32 $0x1, s0  }
0x6: {  	s21 =	simm.s32 $0x16400;
	s0 =	stileid.u32;
	s4 =	smul.u32 $0x50000, s7  }
0x7: {  	s22 =	simm.s32 $0x1;
	s23 =	simm.s32 $0x13C80;
	s5 =	smul.u32 $0x2800, s0  }
0x8: {  	s24 =	simm.s32 $0x1A400;
	[smem:$0x7FF] =	sst s3;
	s8 =	smul.u32 $0x13C00, s0  }
0x9: {  	s28 =	simm.s32 $0x0;
	s10 =	smul.u32 $0x13C000, s7;
	_ =	strace $0x80000047  }
0xa: {  	s26 =	smul.u32 $0x4F000, s0;
	s29 =	ssub.s32 $0x2, s7;
	s31 =	sshll.u32 s0, $0x6  }
0xb: {  	s7 =	sshrl.u32 s29, $0x1;
	s9 =	sadd.s32 s5, s4;
	s4 =	sadd.s32 $0x1BA00, s6  }
0xc: {  	s5 =	sshrl.u32 s5, $0x3;
	s8 =	sadd.s32 s8, s10;
	s30 =	sshrl.u32 s26, $0x2  }
0xd: {  	s15 =	ssub.s32 s29, s7;
	s26 =	simm.s32 $0x2;
	s9 =	sshrl.u32 s9, $0x3  }
0xe: {  	s25 =	sadd.s32 s5, s6;
	s8 =	sshrl.u32 s8, $0x3;
	s5 =	sadd.s32 $0xB7E00, s6  }
0xf: {  	s16 =	sadd.s32 s30, s2;
	s15 =	smax.u32 s15, $0x1;
	s13 =	sadd.s32 s9, s6  }
0x10: {  	s14 =	sadd.s32 s8, s6;
	s6 =	sor.u32 $0x1C03, s31;
	s8 =	sadd.s32 $0x2A00, s25  }
0x11: {  	s10 =	sadd.s32 $0x2C80, s25;
	s16 =	sshrl.u32 s16, $0x3;
	s25 =	simm.s32 $0x15080  }
0x12: {  	s7 =	sadd.s32 $0x7A00, s13;
	s9 =	sadd.s32 $0x7C80, s13;
	s11 =	sadd.s32 $0xBA600, s14  }
0x13: {  	s12 =	sadd.s32 $0xCA00, s13;
	s13 =	sadd.s32 $0xCC80, s13;
	s14 =	sadd.s32 $0x109600, s14  }
.LBB2_1:
0x14: {  	[spmem:s16], [sflag:s6] =	dma.local [hbm:s5], $0x2780  }
0x15: {  	_ =	swait.ge [sflag:s17], $0x2780  }
0x16: {  	[sflag:s17] =	ssyncset.done $0x0  }
0x17: {  	[sflag:s17] =	ssyncadd.s32 $0xFFFFD880  }
0x18: {  	[bflag:$0x0] =	sbarrier.arrive $0xFFFF  }
0x19: {  	[tilespmem:s18], [sflag:$0x3] =	stream.linear.gather [hbm4b:s7+s3], $0x1400, $0x38;
	[tilespmem:$0x1E400] =	vst v63  }
0x1a: {  	_ =	swait.ge [sflag:s17], $0x1400  }
0x1b: {  	[sflag:s17] =	ssyncset.done $0x0  }
0x1c: {  	[sflag:s17] =	ssyncadd.s32 $0xFFFFEC00  }
0x1d: {  	[tilespmem:s19], [sflag:$0x3] =	stream.linear.gather [hbm4b:s8+s3], $0x1400, $0x38;
	[tilespmem:$0x1E400] =	vst v63  }
0x1e: {  	_ =	swait.ge [sflag:s17], $0x1400  }
0x1f: {  	[sflag:s17] =	ssyncset.done $0x0  }
0x20: {  	[sflag:s17] =	ssyncadd.s32 $0xFFFFEC00  }
0x21: {  	[tilespmem:s21], [sflag:$0x1] =	stream.indirect.gather [hbm4b:s4+s20], $0x80, s18, s20, $0xb8;
	[tilespmem:$0x1E400] =	vst v63  }
0x22: {  	_ =	swait.ge [sflag:s22], $0x3E80  }
0x23: {  	[sflag:s22] =	ssyncset.done $0x0  }
0x24: {  	[sflag:s22] =	ssyncadd.s32 $0xFFFFC180  }
0x25: {  	[spmem:s2] =	stream.indirect.scatter.add.f32 [tilespmem:s21], [sflag:$0x2], $0x80, s19, s20, $0xb8;
	[tilespmem:$0x1E400] =	vst v63  }
0x26: {  	_ = 	snop  }
0x27: {  	[tilespmem:s24], [sflag:$0x1] =	stream.indirect.gather [hbm4b:s4+s20], $0x80, s23, s20, $0xb8;
	[tilespmem:$0x1E400] =	vst v63  }
0x28: {  	_ =	swait.ge [sflag:s22], $0x3E80  }
0x29: {  	[sflag:s22] =	ssyncset.done $0x0  }
0x2a: {  	[sflag:s22] =	ssyncadd.s32 $0xFFFFC180  }
0x2b: {  	[spmem:s2] =	stream.indirect.scatter.add.f32 [tilespmem:s24], [sflag:$0x2], $0x80, s25, s20, $0xb8;
	[tilespmem:$0x1E400] =	vst v63  }
0x2c: {  	_ =	swait.ge [sflag:s26], $0x3E80  }
0x2d: {  	[sflag:s26] =	ssyncset.done $0x0  }
0x2e: {  	s29 =	simm.s32 $0x13D00;
	[sflag:s26] =	ssyncadd.s32 $0xFFFFC180  }
0x2f: {  	[tilespmem:s21], [sflag:$0x1] =	stream.indirect.gather [hbm4b:s4+s20], $0x80, s29, s20, $0xb8;
	[tilespmem:$0x1E400] =	vst v63  }
0x30: {  	_ =	swait.ge [sflag:s22], $0x3E80  }
0x31: {  	[sflag:s22] =	ssyncset.done $0x0  }
0x32: {  	s29 =	simm.s32 $0x15100;
	[sflag:s22] =	ssyncadd.s32 $0xFFFFC180  }
0x33: {  	[spmem:s2] =	stream.indirect.scatter.add.f32 [tilespmem:s21], [sflag:$0x2], $0x80, s29, s20, $0xb8;
	[tilespmem:$0x1E400] =	vst v63  }
0x34: {  	_ =	swait.ge [sflag:s26], $0x3E80  }
0x35: {  	[sflag:s26] =	ssyncset.done $0x0  }
0x36: {  	s29 =	simm.s32 $0x13D80;
	[sflag:s26] =	ssyncadd.s32 $0xFFFFC180  }
0x37: {  	[tilespmem:s24], [sflag:$0x1] =	stream.indirect.gather [hbm4b:s4+s20], $0x80, s29, s20, $0xb8;
	[tilespmem:$0x1E400] =	vst v63  }
0x38: {  	_ =	swait.ge [sflag:s22], $0x3E80  }
0x39: {  	[sflag:s22] =	ssyncset.done $0x0  }
0x3a: {  	s30 =	simm.s32 $0x15180;
	s29 =	simm.s32 $0xFFFFB800;
	[sflag:s22] =	ssyncadd.s32 $0xFFFFC180  }
.LBB2_2:
0x3b: {  	[spmem:s2] =	stream.indirect.scatter.add.f32 [tilespmem:s24], [sflag:$0x2], $0x80, s30, s20, $0xb8;
	[tilespmem:$0x1E400] =	vst v63  }
0x3c: {  	s30 =	smov.u32 s29  }
0x3d: {  	p0 =	sne.s32 s29, $0xFFFFFC00;
	s29 =	sadd.s32 $0x400, s29;
	_ =	swait.ge [sflag:s26], $0x3E80  }
0x3e: {  	s30 =	sshra.s32 s30, $0x2;
	[sflag:s26] =	ssyncset.done $0x0  }
0x3f: {  	s31 =	sadd.s32 $0x15000, s30;
	[sflag:s26] =	ssyncadd.s32 $0xFFFFC180  }
0x40: {  	[tilespmem:s21], [sflag:$0x1] =	stream.indirect.gather [hbm4b:s4+s20], $0x80, s31, s20, $0xb8;
	[tilespmem:$0x1E400] =	vst v63  }
0x41: {  	_ =	swait.ge [sflag:s22], $0x3E80  }
0x42: {  	[sflag:s22] =	ssyncset.done $0x0  }
0x43: {  	s31 =	sadd.s32 $0x16400, s30;
	[sflag:s22] =	ssyncadd.s32 $0xFFFFC180  }
0x44: {  	[spmem:s2] =	stream.indirect.scatter.add.f32 [tilespmem:s21], [sflag:$0x2], $0x80, s31, s20, $0xb8;
	[tilespmem:$0x1E400] =	vst v63  }
0x45: {  	_ =	swait.ge [sflag:s26], $0x3E80  }
0x46: {  	[sflag:s26] =	ssyncset.done $0x0  }
.Ltmp0:
0x47: {  	s31 =	sadd.s32 $0x15080, s30;
	[sflag:s26] =	ssyncadd.s32 $0xFFFFC180;
	(pc) =	sbr.rel @p0 .LBB2_2-.Ltmp0, $4  }
0x48: {  	[tilespmem:s24], [sflag:$0x1] =	stream.indirect.gather [hbm4b:s4+s20], $0x80, s31, s20, $0xb8;
	[tilespmem:$0x1E400] =	vst v63  }
0x49: {  	_ =	swait.ge [sflag:s22], $0x3E80  }
0x4a: {  	[sflag:s22] =	ssyncset.done $0x0  }
0x4b: {  	s30 =	sadd.s32 $0x16480, s30;
	[sflag:s22] =	ssyncadd.s32 $0xFFFFC180  }
0x4c: {  	[spmem:s2] =	stream.indirect.scatter.add.f32 [tilespmem:s24], [sflag:$0x2], $0x80, s30, s20, $0xb8;
	[tilespmem:$0x1E400] =	vst v63  }
0x4d: {  	_ =	swait.ge [sflag:s26], $0x3E80  }
0x4e: {  	[sflag:s26] =	ssyncset.done $0x0  }
0x4f: {  	[sflag:s26] =	ssyncadd.s32 $0xFFFFC180  }
0x50: {  	_ =	swait.ge [sflag:s26], $0x3E80  }
0x51: {  	[sflag:s26] =	ssyncset.done $0x0  }
0x52: {  	[sflag:s26] =	ssyncadd.s32 $0xFFFFC180  }
0x53: {  	[tilespmem:s18], [sflag:$0x3] =	stream.linear.gather [hbm4b:s9+s3], $0x1400, $0x38;
	[tilespmem:$0x1E400] =	vst v63  }
0x54: {  	_ =	swait.ge [sflag:s17], $0x1400  }
0x55: {  	[sflag:s17] =	ssyncset.done $0x0  }
0x56: {  	[sflag:s17] =	ssyncadd.s32 $0xFFFFEC00  }
0x57: {  	[tilespmem:s19], [sflag:$0x3] =	stream.linear.gather [hbm4b:s10+s3], $0x1400, $0x38;
	[tilespmem:$0x1E400] =	vst v63  }
0x58: {  	_ =	swait.ge [sflag:s17], $0x1400  }
0x59: {  	[sflag:s17] =	ssyncset.done $0x0  }
0x5a: {  	[sflag:s17] =	ssyncadd.s32 $0xFFFFEC00  }
0x5b: {  	[tilespmem:s21], [sflag:$0x1] =	stream.indirect.gather [hbm4b:s4+s20], $0x80, s18, s20, $0xb8;
	[tilespmem:$0x1E400] =	vst v63  }
0x5c: {  	_ =	swait.ge [sflag:s22], $0x3E80  }
0x5d: {  	[sflag:s22] =	ssyncset.done $0x0  }
0x5e: {  	[sflag:s22] =	ssyncadd.s32 $0xFFFFC180  }
0x5f: {  	[spmem:s2] =	stream.indirect.scatter.add.f32 [tilespmem:s21], [sflag:$0x2], $0x80, s19, s20, $0xb8;
	[tilespmem:$0x1E400] =	vst v63  }
0x60: {  	_ = 	snop  }
0x61: {  	[tilespmem:s24], [sflag:$0x1] =	stream.indirect.gather [hbm4b:s4+s20], $0x80, s23, s20, $0xb8;
	[tilespmem:$0x1E400] =	vst v63  }
0x62: {  	_ =	swait.ge [sflag:s22], $0x3E80  }
0x63: {  	[sflag:s22] =	ssyncset.done $0x0  }
0x64: {  	[sflag:s22] =	ssyncadd.s32 $0xFFFFC180  }
0x65: {  	[spmem:s2] =	stream.indirect.scatter.add.f32 [tilespmem:s24], [sflag:$0x2], $0x80, s25, s20, $0xb8;
	[tilespmem:$0x1E400] =	vst v63  }
0x66: {  	_ =	swait.ge [sflag:s26], $0x3E80  }
0x67: {  	[sflag:s26] =	ssyncset.done $0x0  }
0x68: {  	s29 =	simm.s32 $0x13D00;
	[sflag:s26] =	ssyncadd.s32 $0xFFFFC180  }
0x69: {  	[tilespmem:s21], [sflag:$0x1] =	stream.indirect.gather [hbm4b:s4+s20], $0x80, s29, s20, $0xb8;
	[tilespmem:$0x1E400] =	vst v63  }
0x6a: {  	_ =	swait.ge [sflag:s22], $0x3E80  }
0x6b: {  	[sflag:s22] =	ssyncset.done $0x0  }
0x6c: {  	s29 =	simm.s32 $0x15100;
	[sflag:s22] =	ssyncadd.s32 $0xFFFFC180  }
0x6d: {  	[spmem:s2] =	stream.indirect.scatter.add.f32 [tilespmem:s21], [sflag:$0x2], $0x80, s29, s20, $0xb8;
	[tilespmem:$0x1E400] =	vst v63  }
0x6e: {  	_ =	swait.ge [sflag:s26], $0x3E80  }
0x6f: {  	[sflag:s26] =	ssyncset.done $0x0  }
0x70: {  	s29 =	simm.s32 $0x13D80;
	[sflag:s26] =	ssyncadd.s32 $0xFFFFC180  }
0x71: {  	[tilespmem:s24], [sflag:$0x1] =	stream.indirect.gather [hbm4b:s4+s20], $0x80, s29, s20, $0xb8;
	[tilespmem:$0x1E400] =	vst v63  }
0x72: {  	_ =	swait.ge [sflag:s22], $0x3E80  }
0x73: {  	[sflag:s22] =	ssyncset.done $0x0  }
0x74: {  	s30 =	simm.s32 $0x15180;
	s29 =	simm.s32 $0xFFFFB800;
	[sflag:s22] =	ssyncadd.s32 $0xFFFFC180  }
.LBB2_4:
0x75: {  	[spmem:s2] =	stream.indirect.scatter.add.f32 [tilespmem:s24], [sflag:$0x2], $0x80, s30, s20, $0xb8;
	[tilespmem:$0x1E400] =	vst v63  }
0x76: {  	s30 =	smov.u32 s29  }
0x77: {  	p0 =	sne.s32 s29, $0xFFFFFC00;
	s29 =	sadd.s32 $0x400, s29;
	_ =	swait.ge [sflag:s26], $0x3E80  }
0x78: {  	s30 =	sshra.s32 s30, $0x2;
	[sflag:s26] =	ssyncset.done $0x0  }
0x79: {  	s31 =	sadd.s32 $0x15000, s30;
	[sflag:s26] =	ssyncadd.s32 $0xFFFFC180  }
0x7a: {  	[tilespmem:s21], [sflag:$0x1] =	stream.indirect.gather [hbm4b:s4+s20], $0x80, s31, s20, $0xb8;
	[tilespmem:$0x1E400] =	vst v63  }
0x7b: {  	_ =	swait.ge [sflag:s22], $0x3E80  }
0x7c: {  	[sflag:s22] =	ssyncset.done $0x0  }
0x7d: {  	s31 =	sadd.s32 $0x16400, s30;
	[sflag:s22] =	ssyncadd.s32 $0xFFFFC180  }
0x7e: {  	[spmem:s2] =	stream.indirect.scatter.add.f32 [tilespmem:s21], [sflag:$0x2], $0x80, s31, s20, $0xb8;
	[tilespmem:$0x1E400] =	vst v63  }
0x7f: {  	_ =	swait.ge [sflag:s26], $0x3E80  }
0x80: {  	[sflag:s26] =	ssyncset.done $0x0  }
.Ltmp1:
0x81: {  	s31 =	sadd.s32 $0x15080, s30;
	[sflag:s26] =	ssyncadd.s32 $0xFFFFC180;
	(pc) =	sbr.rel @p0 .LBB2_4-.Ltmp1, $4  }
0x82: {  	[tilespmem:s24], [sflag:$0x1] =	stream.indirect.gather [hbm4b:s4+s20], $0x80, s31, s20, $0xb8;
	[tilespmem:$0x1E400] =	vst v63  }
0x83: {  	_ =	swait.ge [sflag:s22], $0x3E80  }
0x84: {  	[sflag:s22] =	ssyncset.done $0x0  }
0x85: {  	s30 =	sadd.s32 $0x16480, s30;
	[sflag:s22] =	ssyncadd.s32 $0xFFFFC180  }
0x86: {  	[spmem:s2] =	stream.indirect.scatter.add.f32 [tilespmem:s24], [sflag:$0x2], $0x80, s30, s20, $0xb8;
	[tilespmem:$0x1E400] =	vst v63  }
0x87: {  	_ =	swait.ge [sflag:s26], $0x3E80  }
0x88: {  	[sflag:s26] =	ssyncset.done $0x0  }
0x89: {  	[sflag:s26] =	ssyncadd.s32 $0xFFFFC180  }
0x8a: {  	_ =	swait.ge [sflag:s26], $0x3E80  }
0x8b: {  	[sflag:s26] =	ssyncset.done $0x0  }
0x8c: {  	[sflag:s26] =	ssyncadd.s32 $0xFFFFC180  }
0x8d: {  	[bflag:$0x0] =	sbarrier.arrive $0xFFFF  }
0x8e: {  	[hbm:s11], [sflag:s6] =	dma.local [spmem:s16], $0x2780  }
0x8f: {  	_ =	swait.ge [sflag:s17], $0x2780  }
0x90: {  	[sflag:s17] =	ssyncset.done $0x0  }
0x91: {  	[sflag:s17] =	ssyncadd.s32 $0xFFFFD880  }
0x92: {  	[bflag:$0x0] =	sbarrier.arrive $0xFFFF  }
0x93: {  	[spmem:s16], [sflag:s6] =	dma.local [hbm:s5], $0x2780  }
0x94: {  	_ =	swait.ge [sflag:s17], $0x2780  }
0x95: {  	[sflag:s17] =	ssyncset.done $0x0  }
0x96: {  	[sflag:s17] =	ssyncadd.s32 $0xFFFFD880  }
0x97: {  	[bflag:$0x0] =	sbarrier.arrive $0xFFFF  }
0x98: {  	[tilespmem:s18], [sflag:$0x3] =	stream.linear.gather [hbm4b:s12+s3], $0x1400, $0x38;
	[tilespmem:$0x1E400] =	vst v63  }
0x99: {  	_ =	swait.ge [sflag:s17], $0x1400  }
0x9a: {  	[sflag:s17] =	ssyncset.done $0x0  }
0x9b: {  	[sflag:s17] =	ssyncadd.s32 $0xFFFFEC00  }
0x9c: {  	[tilespmem:s19], [sflag:$0x3] =	stream.linear.gather [hbm4b:s8+s3], $0x1400, $0x38;
	[tilespmem:$0x1E400] =	vst v63  }
0x9d: {  	_ =	swait.ge [sflag:s17], $0x1400  }
0x9e: {  	[sflag:s17] =	ssyncset.done $0x0  }
0x9f: {  	[sflag:s17] =	ssyncadd.s32 $0xFFFFEC00  }
0xa0: {  	[tilespmem:s21], [sflag:$0x1] =	stream.indirect.gather [hbm4b:s4+s20], $0x80, s18, s20, $0xb8;
	[tilespmem:$0x1E400] =	vst v63  }
0xa1: {  	_ =	swait.ge [sflag:s22], $0x3E80  }
0xa2: {  	[sflag:s22] =	ssyncset.done $0x0  }
0xa3: {  	[sflag:s22] =	ssyncadd.s32 $0xFFFFC180  }
0xa4: {  	[spmem:s2] =	stream.indirect.scatter.add.f32 [tilespmem:s21], [sflag:$0x2], $0x80, s19, s20, $0xb8;
	[tilespmem:$0x1E400] =	vst v63  }
0xa5: {  	_ = 	snop  }
0xa6: {  	[tilespmem:s24], [sflag:$0x1] =	stream.indirect.gather [hbm4b:s4+s20], $0x80, s23, s20, $0xb8;
	[tilespmem:$0x1E400] =	vst v63  }
0xa7: {  	_ =	swait.ge [sflag:s22], $0x3E80  }
0xa8: {  	[sflag:s22] =	ssyncset.done $0x0  }
0xa9: {  	[sflag:s22] =	ssyncadd.s32 $0xFFFFC180  }
0xaa: {  	[spmem:s2] =	stream.indirect.scatter.add.f32 [tilespmem:s24], [sflag:$0x2], $0x80, s25, s20, $0xb8;
	[tilespmem:$0x1E400] =	vst v63  }
0xab: {  	_ =	swait.ge [sflag:s26], $0x3E80  }
0xac: {  	[sflag:s26] =	ssyncset.done $0x0  }
0xad: {  	s29 =	simm.s32 $0x13D00;
	[sflag:s26] =	ssyncadd.s32 $0xFFFFC180  }
0xae: {  	[tilespmem:s21], [sflag:$0x1] =	stream.indirect.gather [hbm4b:s4+s20], $0x80, s29, s20, $0xb8;
	[tilespmem:$0x1E400] =	vst v63  }
0xaf: {  	_ =	swait.ge [sflag:s22], $0x3E80  }
0xb0: {  	[sflag:s22] =	ssyncset.done $0x0  }
0xb1: {  	s29 =	simm.s32 $0x15100;
	[sflag:s22] =	ssyncadd.s32 $0xFFFFC180  }
0xb2: {  	[spmem:s2] =	stream.indirect.scatter.add.f32 [tilespmem:s21], [sflag:$0x2], $0x80, s29, s20, $0xb8;
	[tilespmem:$0x1E400] =	vst v63  }
0xb3: {  	_ =	swait.ge [sflag:s26], $0x3E80  }
0xb4: {  	[sflag:s26] =	ssyncset.done $0x0  }
0xb5: {  	s29 =	simm.s32 $0x13D80;
	[sflag:s26] =	ssyncadd.s32 $0xFFFFC180  }
0xb6: {  	[tilespmem:s24], [sflag:$0x1] =	stream.indirect.gather [hbm4b:s4+s20], $0x80, s29, s20, $0xb8;
	[tilespmem:$0x1E400] =	vst v63  }
0xb7: {  	_ =	swait.ge [sflag:s22], $0x3E80  }
0xb8: {  	[sflag:s22] =	ssyncset.done $0x0  }
0xb9: {  	s30 =	simm.s32 $0x15180;
	s29 =	simm.s32 $0xFFFFB800;
	[sflag:s22] =	ssyncadd.s32 $0xFFFFC180  }
.LBB2_6:
0xba: {  	[spmem:s2] =	stream.indirect.scatter.add.f32 [tilespmem:s24], [sflag:$0x2], $0x80, s30, s20, $0xb8;
	[tilespmem:$0x1E400] =	vst v63  }
0xbb: {  	s30 =	smov.u32 s29  }
0xbc: {  	p0 =	sne.s32 s29, $0xFFFFFC00;
	s29 =	sadd.s32 $0x400, s29;
	_ =	swait.ge [sflag:s26], $0x3E80  }
0xbd: {  	s30 =	sshra.s32 s30, $0x2;
	[sflag:s26] =	ssyncset.done $0x0  }
0xbe: {  	s31 =	sadd.s32 $0x15000, s30;
	[sflag:s26] =	ssyncadd.s32 $0xFFFFC180  }
0xbf: {  	[tilespmem:s21], [sflag:$0x1] =	stream.indirect.gather [hbm4b:s4+s20], $0x80, s31, s20, $0xb8;
	[tilespmem:$0x1E400] =	vst v63  }
0xc0: {  	_ =	swait.ge [sflag:s22], $0x3E80  }
0xc1: {  	[sflag:s22] =	ssyncset.done $0x0  }
0xc2: {  	s31 =	sadd.s32 $0x16400, s30;
	[sflag:s22] =	ssyncadd.s32 $0xFFFFC180  }
0xc3: {  	[spmem:s2] =	stream.indirect.scatter.add.f32 [tilespmem:s21], [sflag:$0x2], $0x80, s31, s20, $0xb8;
	[tilespmem:$0x1E400] =	vst v63  }
0xc4: {  	_ =	swait.ge [sflag:s26], $0x3E80  }
0xc5: {  	[sflag:s26] =	ssyncset.done $0x0  }
.Ltmp2:
0xc6: {  	s31 =	sadd.s32 $0x15080, s30;
	[sflag:s26] =	ssyncadd.s32 $0xFFFFC180;
	(pc) =	sbr.rel @p0 .LBB2_6-.Ltmp2, $4  }
0xc7: {  	[tilespmem:s24], [sflag:$0x1] =	stream.indirect.gather [hbm4b:s4+s20], $0x80, s31, s20, $0xb8;
	[tilespmem:$0x1E400] =	vst v63  }
0xc8: {  	_ =	swait.ge [sflag:s22], $0x3E80  }
0xc9: {  	[sflag:s22] =	ssyncset.done $0x0  }
0xca: {  	s30 =	sadd.s32 $0x16480, s30;
	[sflag:s22] =	ssyncadd.s32 $0xFFFFC180  }
0xcb: {  	[spmem:s2] =	stream.indirect.scatter.add.f32 [tilespmem:s24], [sflag:$0x2], $0x80, s30, s20, $0xb8;
	[tilespmem:$0x1E400] =	vst v63  }
0xcc: {  	_ =	swait.ge [sflag:s26], $0x3E80  }
0xcd: {  	[sflag:s26] =	ssyncset.done $0x0  }
0xce: {  	[sflag:s26] =	ssyncadd.s32 $0xFFFFC180  }
0xcf: {  	_ =	swait.ge [sflag:s26], $0x3E80  }
0xd0: {  	[sflag:s26] =	ssyncset.done $0x0  }
0xd1: {  	[sflag:s26] =	ssyncadd.s32 $0xFFFFC180  }
0xd2: {  	[tilespmem:s18], [sflag:$0x3] =	stream.linear.gather [hbm4b:s13+s3], $0x1400, $0x38;
	[tilespmem:$0x1E400] =	vst v63  }
0xd3: {  	_ =	swait.ge [sflag:s17], $0x1400  }
0xd4: {  	[sflag:s17] =	ssyncset.done $0x0  }
0xd5: {  	[sflag:s17] =	ssyncadd.s32 $0xFFFFEC00  }
0xd6: {  	[tilespmem:s19], [sflag:$0x3] =	stream.linear.gather [hbm4b:s10+s3], $0x1400, $0x38;
	[tilespmem:$0x1E400] =	vst v63  }
0xd7: {  	_ =	swait.ge [sflag:s17], $0x1400  }
0xd8: {  	[sflag:s17] =	ssyncset.done $0x0  }
0xd9: {  	[sflag:s17] =	ssyncadd.s32 $0xFFFFEC00  }
0xda: {  	[tilespmem:s21], [sflag:$0x1] =	stream.indirect.gather [hbm4b:s4+s20], $0x80, s18, s20, $0xb8;
	[tilespmem:$0x1E400] =	vst v63  }
0xdb: {  	_ =	swait.ge [sflag:s22], $0x3E80  }
0xdc: {  	[sflag:s22] =	ssyncset.done $0x0  }
0xdd: {  	[sflag:s22] =	ssyncadd.s32 $0xFFFFC180  }
0xde: {  	[spmem:s2] =	stream.indirect.scatter.add.f32 [tilespmem:s21], [sflag:$0x2], $0x80, s19, s20, $0xb8;
	[tilespmem:$0x1E400] =	vst v63  }
0xdf: {  	_ = 	snop  }
0xe0: {  	[tilespmem:s24], [sflag:$0x1] =	stream.indirect.gather [hbm4b:s4+s20], $0x80, s23, s20, $0xb8;
	[tilespmem:$0x1E400] =	vst v63  }
0xe1: {  	_ =	swait.ge [sflag:s22], $0x3E80  }
0xe2: {  	[sflag:s22] =	ssyncset.done $0x0  }
0xe3: {  	[sflag:s22] =	ssyncadd.s32 $0xFFFFC180  }
0xe4: {  	[spmem:s2] =	stream.indirect.scatter.add.f32 [tilespmem:s24], [sflag:$0x2], $0x80, s25, s20, $0xb8;
	[tilespmem:$0x1E400] =	vst v63  }
0xe5: {  	_ =	swait.ge [sflag:s26], $0x3E80  }
0xe6: {  	[sflag:s26] =	ssyncset.done $0x0  }
0xe7: {  	s29 =	simm.s32 $0x13D00;
	[sflag:s26] =	ssyncadd.s32 $0xFFFFC180  }
0xe8: {  	[tilespmem:s21], [sflag:$0x1] =	stream.indirect.gather [hbm4b:s4+s20], $0x80, s29, s20, $0xb8;
	[tilespmem:$0x1E400] =	vst v63  }
0xe9: {  	_ =	swait.ge [sflag:s22], $0x3E80  }
0xea: {  	[sflag:s22] =	ssyncset.done $0x0  }
0xeb: {  	s29 =	simm.s32 $0x15100;
	[sflag:s22] =	ssyncadd.s32 $0xFFFFC180  }
0xec: {  	[spmem:s2] =	stream.indirect.scatter.add.f32 [tilespmem:s21], [sflag:$0x2], $0x80, s29, s20, $0xb8;
	[tilespmem:$0x1E400] =	vst v63  }
0xed: {  	_ =	swait.ge [sflag:s26], $0x3E80  }
0xee: {  	[sflag:s26] =	ssyncset.done $0x0  }
0xef: {  	s29 =	simm.s32 $0x13D80;
	[sflag:s26] =	ssyncadd.s32 $0xFFFFC180  }
0xf0: {  	[tilespmem:s24], [sflag:$0x1] =	stream.indirect.gather [hbm4b:s4+s20], $0x80, s29, s20, $0xb8;
	[tilespmem:$0x1E400] =	vst v63  }
0xf1: {  	_ =	swait.ge [sflag:s22], $0x3E80  }
0xf2: {  	[sflag:s22] =	ssyncset.done $0x0  }
0xf3: {  	s30 =	simm.s32 $0x15180;
	s29 =	simm.s32 $0xFFFFB800;
	[sflag:s22] =	ssyncadd.s32 $0xFFFFC180  }
.LBB2_8:
0xf4: {  	[spmem:s2] =	stream.indirect.scatter.add.f32 [tilespmem:s24], [sflag:$0x2], $0x80, s30, s20, $0xb8;
	[tilespmem:$0x1E400] =	vst v63  }
0xf5: {  	s30 =	smov.u32 s29  }
0xf6: {  	p0 =	sne.s32 s29, $0xFFFFFC00;
	s29 =	sadd.s32 $0x400, s29;
	_ =	swait.ge [sflag:s26], $0x3E80  }
0xf7: {  	s30 =	sshra.s32 s30, $0x2;
	[sflag:s26] =	ssyncset.done $0x0  }
0xf8: {  	s31 =	sadd.s32 $0x15000, s30;
	[sflag:s26] =	ssyncadd.s32 $0xFFFFC180  }
0xf9: {  	[tilespmem:s21], [sflag:$0x1] =	stream.indirect.gather [hbm4b:s4+s20], $0x80, s31, s20, $0xb8;
	[tilespmem:$0x1E400] =	vst v63  }
0xfa: {  	_ =	swait.ge [sflag:s22], $0x3E80  }
0xfb: {  	[sflag:s22] =	ssyncset.done $0x0  }
0xfc: {  	s31 =	sadd.s32 $0x16400, s30;
	[sflag:s22] =	ssyncadd.s32 $0xFFFFC180  }
0xfd: {  	[spmem:s2] =	stream.indirect.scatter.add.f32 [tilespmem:s21], [sflag:$0x2], $0x80, s31, s20, $0xb8;
	[tilespmem:$0x1E400] =	vst v63  }
0xfe: {  	_ =	swait.ge [sflag:s26], $0x3E80  }
0xff: {  	[sflag:s26] =	ssyncset.done $0x0  }
.Ltmp3:
0x100: {  	s31 =	sadd.s32 $0x15080, s30;
	[sflag:s26] =	ssyncadd.s32 $0xFFFFC180;
	(pc) =	sbr.rel @p0 .LBB2_8-.Ltmp3, $4  }
0x101: {  	[tilespmem:s24], [sflag:$0x1] =	stream.indirect.gather [hbm4b:s4+s20], $0x80, s31, s20, $0xb8;
	[tilespmem:$0x1E400] =	vst v63  }
0x102: {  	_ =	swait.ge [sflag:s22], $0x3E80  }
0x103: {  	[sflag:s22] =	ssyncset.done $0x0  }
0x104: {  	s30 =	sadd.s32 $0x16480, s30;
	[sflag:s22] =	ssyncadd.s32 $0xFFFFC180  }
0x105: {  	[spmem:s2] =	stream.indirect.scatter.add.f32 [tilespmem:s24], [sflag:$0x2], $0x80, s30, s20, $0xb8;
	[tilespmem:$0x1E400] =	vst v63  }
0x106: {  	_ =	swait.ge [sflag:s26], $0x3E80  }
0x107: {  	[sflag:s26] =	ssyncset.done $0x0  }
0x108: {  	[sflag:s26] =	ssyncadd.s32 $0xFFFFC180  }
0x109: {  	_ =	swait.ge [sflag:s26], $0x3E80  }
0x10a: {  	s28 =	sadd.s32 $0x1, s28;
	[sflag:s26] =	ssyncset.done $0x0  }
0x10b: {  	p0 =	sne.s32 s28, s15;
	[sflag:s26] =	ssyncadd.s32 $0xFFFFC180  }
.Ltmp4:
0x10c: {  	[bflag:$0x0] =	sbarrier.arrive $0xFFFF;
	(pc) =	sbr.rel @p0 .LBB2_1-.Ltmp4, $4  }
0x10d: {  	[hbm:s14], [sflag:s6] =	dma.local [spmem:s16], $0x2780  }
0x10e: {  	_ =	swait.ge [sflag:s17], $0x2780  }
0x10f: {  	[sflag:s17] =	ssyncset.done $0x0  }
0x110: {  	[sflag:s17] =	ssyncadd.s32 $0xFFFFD880  }
0x111: {  	_ =	sfence.sel $0x180000  }
0x112: {  	[bflag:$0x0] =	sbarrier.arrive $0xFFFF  }
0x113: {  	p0 =	sne.s32 s0, $0x0;
	_ =	strace $0x90000047  }
0x114: {  	s0 =	sadd.s32 @!p0 $0x100000, s1;
	[bflag:$0x2] =	sbarrier.arrive $0xFFFF  }
0x115: {  	[sflag:s0] =	ssyncadd.tile.s32 @!p0 $0x1;
	_ =	shalt  }
.Lfunc_end2:
_tile_overlayer_lowered:
.L_overlay_start_2:
0x116: {  	(tag) =	ssettag $0x2  }
0x117: {  	s0 =	rddreg [dreg:$0x0];
	s2 =	stileid.u32  }
0x118: {  	s1 =	rddreg [dreg:$0x1];
	p0 =	sne.s32 s2, $0x0  }
0x119: {  	s3 =	rddreg [dreg:$0x2];
	[bflag:$0x3] =	sbarrier.arrive $0xFFFF;
	s2 =	simm.s32 @!p0 $0x1C03  }
0x11a: {  	[timem:s3], [sflag:s2] =	dma.local @!p0 [hbm:s0], s1  }
0x11b: {  	s0 =	simm.s32 @!p0 $0x3  }
0x11c: {  	_ =	swait.ge @!p0 [sflag:s0], s1  }
0x11d: {  	s1 =	ssub.s32 @!p0 $0x0, s1;
	[sflag:s0] =	ssyncset.done @!p0 $0x0  }
0x11e: {  	[sflag:s0] =	ssyncadd.s32 @!p0 s1  }
0x11f: {  	[bflag:$0x3] =	sbarrier.arrive $0xFFFF  }
0x120: {  	_ =	shalt  }

</sc_bundles>
